<compile_context>
chip_gen: v7x
topology: tpu7x:2x2x1
jax: 0.10.2.dev20260603
libtpu: 0.0.44.dev20260713+nightly
codegen_flags: <defaults>
</compile_context>

<pallas_src>
import functools

import jax
import jax.numpy as jnp
from jax import lax
from jax.experimental import pallas as pl
from jax.experimental.pallas import tpu as pltpu
from jax.experimental.pallas import tpu_sc as plsc

_N = 10000
_NPAD = 10240
_E = 320000
_EPAD = 327680
_EP = 100000
_EPPAD = 102400
_D = 128
_H2 = 256
_CAT = 8
_EPSV = 1e-07

_NC = 2
_NS = 16
_NW = _NC * _NS

_C = 128

_f32 = jnp.float32



def _deg_body(idxm_hbm, out_hbm, idxv, ones_v, cnt_sh, sem, semw):
    c = lax.axis_index("c")
    s = lax.axis_index("s")

    def fill(i, v):
        for k in range(8):
            ones_v[i, pl.ds(k * 16, 16)] = jnp.full((16,), v, _f32)
        return v

    lax.fori_loop(0, _C, fill, 0.0)

    def zero_chunk(k, _):
        pltpu.sync_copy(ones_v, cnt_sh.at[pl.ds(s * 640 + k * _C, _C)])
        return _

    lax.fori_loop(0, 5, zero_chunk, 0)
    lax.fori_loop(0, _C, fill, 1.0)

    pltpu.sync_copy(idxm_hbm.at[pl.ds(c * 2560 + s * 160, 160)], idxv)
    plsc.subcore_barrier()

    def grp(g, _):
        for k in range(8):
            pltpu.async_copy(ones_v, cnt_sh.at[idxv.at[g * 8 + k]], sem,
                             add=True)
        for k in range(8):
            pltpu.make_async_copy(ones_v, cnt_sh.at[idxv.at[0]], sem).wait()
        return _

    lax.fori_loop(0, 20, grp, 0)
    plsc.subcore_barrier()

    for k in range(5):
        off = s * 640 + k * _C
        pltpu.async_copy(cnt_sh.at[pl.ds(off, _C)],
                         out_hbm.at[pl.ds(c * _NPAD + off, _C)], semw)
    for k in range(5):
        pltpu.make_async_copy(cnt_sh.at[pl.ds(0, _C)],
                              out_hbm.at[pl.ds(0, _C)], semw).wait()


def _deg_call(idx_all):
    mesh = plsc.VectorSubcoreMesh(core_axis_name="c", subcore_axis_name="s")
    return pl.kernel(
        _deg_body,
        out_type=jax.ShapeDtypeStruct((2 * _NPAD, _D), _f32),
        mesh=mesh,
        scratch_types=[
            pltpu.VMEM((160, _C), jnp.int32),
            pltpu.VMEM((_C, _D), _f32),
            pltpu.VMEM_SHARED((_NPAD, _D), _f32),
            pltpu.SemaphoreType.DMA,
            pltpu.SemaphoreType.DMA,
        ],
    )(idx_all.reshape(5120, _C))



def _conv_body(xn_hbm, srcm_hbm, dstm_hbm, out_hbm,
               iaA, iaB, didx, rowsA, rowsB, agg_sh,
               semIA, semIB, semGA, semGB, semSA, semSB, semw):
    c = lax.axis_index("c")
    s = lax.axis_index("s")
    wid = s * _NC + c

    def zrow(i, _):
        for k in range(8):
            rowsA[i, pl.ds(k * 16, 16)] = jnp.zeros((16,), _f32)
        return _

    lax.fori_loop(0, _C, zrow, 0)

    def zero_chunk(k, _):
        pltpu.sync_copy(rowsA, agg_sh.at[pl.ds(s * 640 + k * _C, _C)])
        return _

    lax.fori_loop(0, 5, zero_chunk, 0)

    pltpu.sync_copy(dstm_hbm.at[pl.ds(wid * 80, 80)], didx)
    plsc.subcore_barrier()

    pltpu.async_copy(srcm_hbm.at[wid * 80], iaA, semIA)
    pltpu.async_copy(srcm_hbm.at[wid * 80 + 1], iaB, semIB)

    def grp(g, carry):
        pltpu.make_async_copy(srcm_hbm.at[0], iaA, semIA).wait()
        pltpu.async_copy(xn_hbm.at[iaA], rowsA, semGA)
        pltpu.make_async_copy(srcm_hbm.at[0], iaB, semIB).wait()
        pltpu.async_copy(xn_hbm.at[iaB], rowsB, semGB)

        pltpu.make_async_copy(xn_hbm.at[iaA], rowsA, semGA).wait()
        pltpu.async_copy(rowsA, agg_sh.at[didx.at[2 * g]], semSA, add=True)

        @pl.when(g < 39)
        def _pfA():
            pltpu.async_copy(srcm_hbm.at[wid * 80 + 2 * g + 2], iaA, semIA)

        pltpu.make_async_copy(xn_hbm.at[iaB], rowsB, semGB).wait()
        pltpu.async_copy(rowsB, agg_sh.at[didx.at[2 * g + 1]], semSB, add=True)

        @pl.when(g < 39)
        def _pfB():
            pltpu.async_copy(srcm_hbm.at[wid * 80 + 2 * g + 3], iaB, semIB)

        pltpu.make_async_copy(rowsA, agg_sh.at[didx.at[0]], semSA).wait()
        pltpu.make_async_copy(rowsB, agg_sh.at[didx.at[0]], semSB).wait()
        return carry

    lax.fori_loop(0, 40, grp, 0)
    plsc.subcore_barrier()

    for k in range(5):
        off = s * 640 + k * _C
        pltpu.async_copy(agg_sh.at[pl.ds(off, _C)],
                         out_hbm.at[pl.ds(c * _NPAD + off, _C)], semw)
    for k in range(5):
        pltpu.make_async_copy(agg_sh.at[pl.ds(0, _C)],
                              out_hbm.at[pl.ds(0, _C)], semw).wait()


def _conv_call(xn_pad, srcm, dstm):
    mesh = plsc.VectorSubcoreMesh(core_axis_name="c", subcore_axis_name="s")
    return pl.kernel(
        _conv_body,
        out_type=jax.ShapeDtypeStruct((2 * _NPAD, _D), _f32),
        mesh=mesh,
        scratch_types=[
            pltpu.VMEM((_C,), jnp.int32),
            pltpu.VMEM((_C,), jnp.int32),
            pltpu.VMEM((80, _C), jnp.int32),
            pltpu.VMEM((_C, _D), _f32),
            pltpu.VMEM((_C, _D), _f32),
            pltpu.VMEM_SHARED((_NPAD, _D), _f32),
            pltpu.SemaphoreType.DMA,
            pltpu.SemaphoreType.DMA,
            pltpu.SemaphoreType.DMA,
            pltpu.SemaphoreType.DMA,
            pltpu.SemaphoreType.DMA,
            pltpu.SemaphoreType.DMA,
            pltpu.SemaphoreType.DMA,
        ],
    )(xn_pad, srcm, dstm)



def _pair_body(h_hbm, p0_hbm, p1_hbm, n0_hbm, n1_hbm, oPu, oPv, oNu, oNv,
               iaA, ibA, iaB, ibB, uA, vA, uB, vB,
               semIA, semIB, semGA, semGB, semWA, semWB):
    c = lax.axis_index("c")
    s = lax.axis_index("s")
    wid = s * _NC + c

    def run(a_hbm, b_hbm, ou_hbm, ov_hbm, t):
        pltpu.async_copy(a_hbm.at[pl.ds(t * 6400, _C)], iaA, semIA)
        pltpu.async_copy(b_hbm.at[pl.ds(t * 6400, _C)], ibA, semIA)
        pltpu.async_copy(a_hbm.at[pl.ds(t * 6400 + _C, _C)], iaB, semIB)
        pltpu.async_copy(b_hbm.at[pl.ds(t * 6400 + _C, _C)], ibB, semIB)

        def grp(g, carry):
            pltpu.make_async_copy(a_hbm.at[pl.ds(0, _C)], iaA, semIA).wait()
            pltpu.make_async_copy(a_hbm.at[pl.ds(0, _C)], ibA, semIA).wait()
            pltpu.async_copy(h_hbm.at[iaA], uA, semGA)
            pltpu.async_copy(h_hbm.at[ibA], vA, semGA)
            pltpu.make_async_copy(a_hbm.at[pl.ds(0, _C)], iaB, semIB).wait()
            pltpu.make_async_copy(a_hbm.at[pl.ds(0, _C)], ibB, semIB).wait()
            pltpu.async_copy(h_hbm.at[iaB], uB, semGB)
            pltpu.async_copy(h_hbm.at[ibB], vB, semGB)

            base0 = t * 6400 + 2 * g * _C
            pltpu.make_async_copy(h_hbm.at[iaA], uA, semGA).wait()
            pltpu.make_async_copy(h_hbm.at[iaA], vA, semGA).wait()
            pltpu.async_copy(uA, ou_hbm.at[pl.ds(base0, _C)], semWA)
            pltpu.async_copy(vA, ov_hbm.at[pl.ds(base0, _C)], semWA)

            @pl.when(g < 24)
            def _pfA():
                base = t * 6400 + (2 * g + 2) * _C
                pltpu.async_copy(a_hbm.at[pl.ds(base, _C)], iaA, semIA)
                pltpu.async_copy(b_hbm.at[pl.ds(base, _C)], ibA, semIA)

            base1 = t * 6400 + (2 * g + 1) * _C
            pltpu.make_async_copy(h_hbm.at[iaB], uB, semGB).wait()
            pltpu.make_async_copy(h_hbm.at[iaB], vB, semGB).wait()
            pltpu.async_copy(uB, ou_hbm.at[pl.ds(base1, _C)], semWB)
            pltpu.async_copy(vB, ov_hbm.at[pl.ds(base1, _C)], semWB)

            @pl.when(g < 24)
            def _pfB():
                base = t * 6400 + (2 * g + 3) * _C
                pltpu.async_copy(a_hbm.at[pl.ds(base, _C)], iaB, semIB)
                pltpu.async_copy(b_hbm.at[pl.ds(base, _C)], ibB, semIB)

            pltpu.make_async_copy(uA, ou_hbm.at[pl.ds(0, _C)], semWA).wait()
            pltpu.make_async_copy(uA, ou_hbm.at[pl.ds(0, _C)], semWA).wait()
            pltpu.make_async_copy(uB, ou_hbm.at[pl.ds(0, _C)], semWB).wait()
            pltpu.make_async_copy(uB, ou_hbm.at[pl.ds(0, _C)], semWB).wait()
            return carry

        lax.fori_loop(0, 25, grp, 0)

    @pl.when(wid < 16)
    def _():
        run(p0_hbm, p1_hbm, oPu, oPv, wid)

    @pl.when(wid >= 16)
    def _():
        run(n0_hbm, n1_hbm, oNu, oNv, wid - 16)


def _pair_call(h2_pad, p0, p1, n0, n1):
    mesh = plsc.VectorSubcoreMesh(core_axis_name="c", subcore_axis_name="s")
    st = jax.ShapeDtypeStruct((_EPPAD, _D), _f32)
    return pl.kernel(
        _pair_body,
        out_type=(st, st, st, st),
        mesh=mesh,
        scratch_types=[
            pltpu.VMEM((_C,), jnp.int32),
            pltpu.VMEM((_C,), jnp.int32),
            pltpu.VMEM((_C,), jnp.int32),
            pltpu.VMEM((_C,), jnp.int32),
            pltpu.VMEM((_C, _D), _f32),
            pltpu.VMEM((_C, _D), _f32),
            pltpu.VMEM((_C, _D), _f32),
            pltpu.VMEM((_C, _D), _f32),
            pltpu.SemaphoreType.DMA,
            pltpu.SemaphoreType.DMA,
            pltpu.SemaphoreType.DMA,
            pltpu.SemaphoreType.DMA,
            pltpu.SemaphoreType.DMA,
            pltpu.SemaphoreType.DMA,
        ],
    )(h2_pad, p0, p1, n0, n1)



def _mm_body(x_ref, w_ref, b_ref, o_ref, *, relu):
    y = jnp.dot(x_ref[...], w_ref[...], preferred_element_type=_f32)
    y = y + b_ref[...]
    o_ref[...] = jnp.maximum(y, 0.0) if relu else y


def _mm(xmat, W, b, relu):
    rows = xmat.shape[0]
    blk = 512
    return pl.pallas_call(
        functools.partial(_mm_body, relu=relu),
        grid=(rows // blk,),
        in_specs=[
            pl.BlockSpec((blk, _D), lambda r: (r, 0)),
            pl.BlockSpec((_D, _D), lambda r: (0, 0)),
            pl.BlockSpec((1, _D), lambda r: (0, 0)),
        ],
        out_specs=pl.BlockSpec((blk, _D), lambda r: (r, 0)),
        out_shape=jax.ShapeDtypeStruct((rows, _D), _f32),
    )(xmat, W, b.reshape(1, _D))



def _branch_body(tinv_ref, npu_ref, npv_ref, noise_ref, u_ref, Wm_ref, bm_ref,
                 Wl_ref, bl_ref, Wq_ref, bq_ref, Rep_ref, F_ref,
                 Wd1_ref, bd1_ref, WdX_ref, bdX_ref, Wa_ref, ba_ref,
                 P8_ref, mean_o, logstd_o, aq_o, X_o):
    npb = npu_ref[...] + npv_ref[...]
    mean = jnp.dot(npb, Wm_ref[...], preferred_element_type=_f32) + bm_ref[...]
    mean_o[...] = mean
    logstd = jnp.dot(npb, Wl_ref[...], preferred_element_type=_f32) + bl_ref[...]
    logstd_o[...] = logstd
    q = jnp.dot(npb, Wq_ref[...], preferred_element_type=_f32) + bq_ref[...]

    u = u_ref[...]
    g = -jnp.log(-jnp.log(u + _EPSV) + _EPSV)
    col = lax.broadcasted_iota(jnp.int32, q.shape, 1)
    logits = (q + jnp.pad(g, ((0, 0), (0, _D - _CAT)))) * tinv_ref[0, 0]
    logits = jnp.where(col < _CAT, logits, -1e30)
    logits = logits - jnp.max(logits, axis=-1, keepdims=True)
    ez = jnp.exp(logits)
    z = ez / jnp.sum(ez, axis=-1, keepdims=True)

    nz = noise_ref[...] * jnp.exp(logstd) + mean
    zbig = jnp.dot(z, Rep_ref[...], preferred_element_type=_f32)
    m = jnp.dot(zbig * nz, F_ref[...], preferred_element_type=_f32)

    x1 = jnp.dot(m, Wd1_ref[...], preferred_element_type=_f32) + bd1_ref[...]
    x1 = jnp.maximum(x1, 0.0)
    x2 = jnp.dot(x1, WdX_ref[...], preferred_element_type=_f32) + bdX_ref[...]
    X_o[...] = jnp.maximum(x2, 0.0)

    al = jnp.dot(m, Wa_ref[...], preferred_element_type=_f32) + ba_ref[...]
    al = al - jnp.max(al, axis=-1, keepdims=True)
    ea = jnp.exp(al)
    a = ea / jnp.sum(ea, axis=-1, keepdims=True)
    aq_o[...] = a + jnp.dot(q, P8_ref[...], preferred_element_type=_f32)


def _branch_call(tinv, npu, npv, noise, u, weights):
    blk = 800
    grid = (_EP // blk,)
    full = lambda shp: pl.BlockSpec(shp, lambda r: (0, 0))
    return pl.pallas_call(
        _branch_body,
        grid=grid,
        in_specs=[
            pl.BlockSpec(memory_space=pltpu.SMEM),
            pl.BlockSpec((blk, _D), lambda r: (r, 0)),
            pl.BlockSpec((blk, _D), lambda r: (r, 0)),
            pl.BlockSpec((blk, _H2), lambda r: (r, 0)),
            pl.BlockSpec((blk, _CAT), lambda r: (r, 0)),
            full((_D, _H2)), full((1, _H2)),
            full((_D, _H2)), full((1, _H2)),
            full((_D, _D)), full((1, _D)),
            full((_D, _H2)),
            full((_H2, _D)),
            full((_D, _D)), full((1, _D)),
            full((_D, _D)), full((1, _D)),
            full((_D, _D)), full((1, _D)),
            full((_D, _D)),
        ],
        out_specs=[
            pl.BlockSpec((blk, _H2), lambda r: (r, 0)),
            pl.BlockSpec((blk, _H2), lambda r: (r, 0)),
            pl.BlockSpec((blk, _D), lambda r: (r, 0)),
            pl.BlockSpec((blk, _D), lambda r: (r, 0)),
        ],
        out_shape=[
            jax.ShapeDtypeStruct((_EP, _H2), _f32),
            jax.ShapeDtypeStruct((_EP, _H2), _f32),
            jax.ShapeDtypeStruct((_EP, _D), _f32),
            jax.ShapeDtypeStruct((_EP, _D), _f32),
        ],
    )(tinv, npu, npv, noise, u, *weights)



def kernel(x, edge_index, pos_edge_index, neg_edge_index, temp,
           W0, b0, W1, b1, Wm, bm, Wl, bl, Wq, bq,
           Wd1, bd1, WdX, bdX, Wa, ba):
    ei_pad = jnp.pad(edge_index, ((0, 0), (0, _EPAD - _E)),
                     constant_values=_N)
    src_pad = ei_pad[0]
    dst_pad = ei_pad[1]

    idx_all = jnp.concatenate([src_pad, dst_pad])
    cnt = _deg_call(idx_all)
    deg_out = cnt[:_N, 0]
    deg_in = cnt[_NPAD:_NPAD + _N, 0]
    norm_out = jnp.where(deg_out > 0, deg_out ** -0.5, 0.0)
    norm_in = jnp.where(deg_in > 0, deg_in ** -0.5, 0.0)
    norm_out_pad = jnp.pad(norm_out, (0, _NPAD - _N))[:, None]
    norm_in_pad = jnp.pad(norm_in, (0, _NPAD - _N))[:, None]

    xn = jnp.pad(x * norm_out[:, None], ((0, _NPAD - _N), (0, 0)))
    srcm = src_pad.reshape(2560, _C)
    dstm = dst_pad.reshape(2560, _C)
    aggp = _conv_call(xn, srcm, dstm)
    agg = (aggp[:_NPAD] + aggp[_NPAD:]) * norm_in_pad
    h = _mm(agg, W0, b0, relu=True)
    hn = h * norm_out_pad

    aggp2 = _conv_call(hn, srcm, dstm)
    agg2 = (aggp2[:_NPAD] + aggp2[_NPAD:]) * norm_in_pad
    h2 = _mm(agg2, W1, b1, relu=False)

    posi = jnp.pad(pos_edge_index, ((0, 0), (0, _EPPAD - _EP)))
    negi = jnp.pad(neg_edge_index, ((0, 0), (0, _EPPAD - _EP)))
    pu, pv, nu, nv = _pair_call(h2, posi[0], posi[1], negi[0], negi[1])

    noiseP = jax.random.normal(jax.random.key(42), (_EP, _H2), _f32)
    uP = jax.random.uniform(jax.random.key(43), (_EP, _CAT), _f32)
    noiseN = jax.random.normal(jax.random.key(44), (_EP, _H2), _f32)
    uN = jax.random.uniform(jax.random.key(45), (_EP, _CAT), _f32)
    Wqp = jnp.zeros((_D, _D), _f32).at[:, :_CAT].set(Wq)
    bqp = jnp.zeros((1, _D), _f32).at[0, :_CAT].set(bq)
    r_ = jnp.arange(_D)[:, None]
    c_ = jnp.arange(_H2)[None, :]
    Rep = (c_ // 32 == r_).astype(_f32)
    i_ = jnp.arange(_H2)[:, None]
    j_ = jnp.arange(_D)[None, :]
    Fm = (i_ % 32 == j_).astype(_f32)
    Wd1p = jnp.zeros((_D, _D), _f32).at[:32, :64].set(Wd1)
    bd1p = jnp.zeros((1, _D), _f32).at[0, :64].set(bd1)
    WdXp = jnp.zeros((_D, _D), _f32).at[:64, :].set(WdX)
    bdXp = bdX.reshape(1, _D)
    Wap = jnp.zeros((_D, _D), _f32).at[:32, :_CAT].set(Wa)
    bap = jnp.full((1, _D), -1e30, _f32).at[0, :_CAT].set(ba)
    P8 = (jnp.arange(_D)[:, None] + 8 == jnp.arange(_D)[None, :]).astype(_f32)
    P8 = P8.at[_CAT:, :].set(0.0)

    weights = (Wm, bm.reshape(1, _H2), Wl, bl.reshape(1, _H2),
               Wqp, bqp, Rep, Fm, Wd1p, bd1p, WdXp, bdXp, Wap, bap, P8)
    tinv = (1.0 / jnp.asarray(temp, _f32)).reshape(1, 1)

    pos_mean, pos_logstd, posAQ, posX = _branch_call(
        tinv, pu, pv, noiseP, uP, weights)
    neg_mean, neg_logstd, negAQ, negX = _branch_call(
        tinv, nu, nv, noiseN, uN, weights)

    return (posAQ[:, :_CAT], negAQ[:, :_CAT], posX, negX,
            pos_mean, neg_mean, pos_logstd, neg_logstd,
            posAQ[:, _CAT:2 * _CAT], negAQ[:, _CAT:2 * _CAT])

# --- scband reference (transcript-rebuilt; emitter-appended) ---
"""Pipeline reference for scband-sgd-mrvgae-15625091022923 (READ-ONLY COPY).

The authoritative reference and input builder live on the scoring server;
editing this copy changes nothing except your own understanding.
"""

import jax, jax.numpy as jnp
import numpy as np

N = 10000
E = 320000
EP = 100000
EN = 100000
D_IN = 128
H0 = 128
H1 = 128
H2 = 256
CAT = 8
H3 = 32
H4 = 64
D_OUT = 128
EPS = 1e-07


def _graph_conv(h, src, dst, W, b):
    deg_out = jnp.bincount(src, length=N).astype(h.dtype)
    deg_in = jnp.bincount(dst, length=N).astype(h.dtype)
    norm_out = jnp.where(deg_out > 0, deg_out ** -0.5, 0.0)
    norm_in = jnp.where(deg_in > 0, deg_in ** -0.5, 0.0)
    msg = (h * norm_out[:, None])[src]
    agg = jax.ops.segment_sum(msg, dst, num_segments=N)
    return (agg * norm_in[:, None]) @ W + b


def _branch(npemb, Wm, bm, Wl, bl, Wq, bq, Wd1, bd1, WdX, bdX, Wa, ba, temp, nkey, ukey):
    mean = npemb @ Wm + bm
    logstd = npemb @ Wl + bl
    noise = jax.random.normal(nkey, mean.shape, mean.dtype)
    Nz = noise * jnp.exp(logstd) + mean
    Nz = Nz.reshape(npemb.shape[0], CAT, -1)
    q = npemb @ Wq + bq
    uniform = jax.random.uniform(ukey, q.shape, q.dtype)
    gumbel = -jnp.log(-jnp.log(uniform + EPS) + EPS)
    Z = jax.nn.softmax((q + gumbel) / temp, axis=-1)
    Z = Z.reshape(-1, 1, CAT)
    M = jnp.matmul(Z, Nz).squeeze()
    X = jax.nn.relu(M @ Wd1 + bd1)
    X = jax.nn.relu(X @ WdX + bdX)
    A = jax.nn.softmax(M @ Wa + ba, axis=-1)
    return A, X, mean, logstd, q


def setup_inputs(seed: int = 0):
    key = jax.random.key(seed)
    ks = jax.random.split(key, 16)
    inp = {}
    inp["x"] = jax.random.normal(ks[0], (N, D_IN), jnp.float32)
    inp["edge_index"] = jax.random.randint(ks[1], (2, E), 0, N, jnp.int32)
    inp["pos_edge_index"] = jax.random.randint(ks[2], (2, EP), 0, N, jnp.int32)
    inp["neg_edge_index"] = jax.random.randint(ks[3], (2, EN), 0, N, jnp.int32)
    inp["temp"] = 1

    def lin(k, fin, fout, scale=1.0):
        return jax.random.normal(k, (fin, fout), jnp.float32) * (scale / np.sqrt(fin))

    inp["W0"] = lin(ks[4], D_IN, H0); inp["b0"] = jnp.zeros((H0,), jnp.float32)
    inp["W1"] = lin(ks[5], H0, H1); inp["b1"] = jnp.zeros((H1,), jnp.float32)
    inp["Wm"] = lin(ks[6], H1, H2, 0.1); inp["bm"] = jnp.zeros((H2,), jnp.float32)
    inp["Wl"] = lin(ks[7], H1, H2, 0.1); inp["bl"] = jnp.zeros((H2,), jnp.float32)
    inp["Wq"] = lin(ks[8], H1, CAT); inp["bq"] = jnp.zeros((CAT,), jnp.float32)
    inp["Wd1"] = lin(ks[9], H3, H4); inp["bd1"] = jnp.zeros((H4,), jnp.float32)
    inp["WdX"] = lin(ks[10], H4, D_OUT); inp["bdX"] = jnp.zeros((D_OUT,), jnp.float32)
    inp["Wa"] = lin(ks[11], H3, CAT); inp["ba"] = jnp.zeros((CAT,), jnp.float32)
    return inp


def reference(x, edge_index, pos_edge_index, neg_edge_index, temp, W0, b0, W1, b1, Wm, bm, Wl, bl, Wq, bq, Wd1, bd1, WdX, bdX, Wa, ba):
    # encoder: two GraphConv layers (dropout omitted at eval), ReLU after layer 0 only
    h = _graph_conv(x, edge_index[0], edge_index[1], W0, b0)
    h = jax.nn.relu(h)
    h = _graph_conv(h, edge_index[0], edge_index[1], W1, b1)
    # u_add_v edge embeddings for pos / neg node-pair graphs
    pos_npemb = h[pos_edge_index[0]] + h[pos_edge_index[1]]
    neg_npemb = h[neg_edge_index[0]] + h[neg_edge_index[1]]
    posA, posX, pos_mean, pos_logstd, posq = _branch(pos_npemb, Wm, bm, Wl, bl, Wq, bq, Wd1, bd1, WdX, bdX, Wa, ba, temp, jax.random.key(42), jax.random.key(43))
    negA, negX, neg_mean, neg_logstd, negq = _branch(neg_npemb, Wm, bm, Wl, bl, Wq, bq, Wd1, bd1, WdX, bdX, Wa, ba, temp, jax.random.key(44), jax.random.key(45))
    return (posA, negA, posX, negX, pos_mean, neg_mean, pos_logstd, neg_logstd, posq, negq)

if __name__ == "__main__":
    import jax
    _d = setup_inputs()
    print(jax.jit(kernel)(*tuple(_d.values())))

</pallas_src>

<mosaic_0001>
#map = affine_map<(d0, d1) -> (0, 0)>
module attributes {stable_mosaic.version = 14 : i64} {
  func.func @_deg_body(%arg0: i32, %arg1: i32, %arg2: memref<5120x128xi32, #tpu.memory_space<hbm>>, %arg3: memref<20480x128xf32, #tpu.memory_space<hbm>>, %arg4: memref<160x128xi32, #tpu.memory_space<vmem>>, %arg5: memref<128x128xf32, #tpu.memory_space<vmem>>, %arg6: memref<10240x128xf32, #tpu.memory_space<vmem_shared>>, %arg7: memref<!tpu.dma_semaphore, #tpu.memory_space<semaphore_mem>>, %arg8: memref<!tpu.dma_semaphore, #tpu.memory_space<semaphore_mem>>) attributes {dimension_semantics = [#tpu.dimension_semantics<core_parallel>, #tpu.dimension_semantics<subcore_parallel>], iteration_bounds = array<i64: 2, 16>, scalar_prefetch = 0 : i64, scratch_operands = 5 : i64, tpu.core_type = #tpu.core_type<sc_vector_subcore>, window_params = [{transform_indices = #map}, {transform_indices = #map}]} {
    %scan3A = arith.constant 0.000000e+00 : f32
    %scan3A_0 = arith.constant 0 : i32
    %scan3A_1 = arith.constant 128 : i32
    %scan3A_2 = arith.addi %scan3A_0, %scan3A_1 : i32
    %scan3A_3 = arith.constant 1 : i32
    scf.for %scan3A_110 = %scan3A_0 to %scan3A_2 step %scan3A_3  : i32 {
      %broadcast_in_dim3A = vector.broadcast %scan3A : f32 to vector<16xf32>
      %swap3A = arith.index_cast %scan3A_110 : i32 to index
      %swap3A_111 = arith.constant 0 : index
      %swap3A_112 = tpu.vector_load %arg5[%swap3A, %swap3A_111] {strides = array<i32>} : memref<128x128xf32, #tpu.memory_space<vmem>>, vector<1x16xf32>,
      %swap3A_113 = vector.shape_cast %swap3A_112 : vector<1x16xf32> to vector<16xf32>
      %swap3A_114 = vector.shape_cast %broadcast_in_dim3A : vector<16xf32> to vector<1x16xf32>
      tpu.vector_store %arg5[%swap3A, %swap3A_111], %swap3A_114 {strides = array<i32>} : memref<128x128xf32, #tpu.memory_space<vmem>>, vector<1x16xf32>,
      %broadcast_in_dim3A_115 = vector.broadcast %scan3A : f32 to vector<16xf32>
      %swap3A_116 = arith.index_cast %scan3A_110 : i32 to index
      %swap3A_117 = arith.constant 16 : index
      %swap3A_118 = tpu.vector_load %arg5[%swap3A_116, %swap3A_117] {strides = array<i32>} : memref<128x128xf32, #tpu.memory_space<vmem>>, vector<1x16xf32>,
      %swap3A_119 = vector.shape_cast %swap3A_118 : vector<1x16xf32> to vector<16xf32>
      %swap3A_120 = vector.shape_cast %broadcast_in_dim3A_115 : vector<16xf32> to vector<1x16xf32>
      tpu.vector_store %arg5[%swap3A_116, %swap3A_117], %swap3A_120 {strides = array<i32>} : memref<128x128xf32, #tpu.memory_space<vmem>>, vector<1x16xf32>,
      %broadcast_in_dim3A_121 = vector.broadcast %scan3A : f32 to vector<16xf32>
      %swap3A_122 = arith.index_cast %scan3A_110 : i32 to index
      %swap3A_123 = arith.constant 32 : index
      %swap3A_124 = tpu.vector_load %arg5[%swap3A_122, %swap3A_123] {strides = array<i32>} : memref<128x128xf32, #tpu.memory_space<vmem>>, vector<1x16xf32>,
      %swap3A_125 = vector.shape_cast %swap3A_124 : vector<1x16xf32> to vector<16xf32>
      %swap3A_126 = vector.shape_cast %broadcast_in_dim3A_121 : vector<16xf32> to vector<1x16xf32>
      tpu.vector_store %arg5[%swap3A_122, %swap3A_123], %swap3A_126 {strides = array<i32>} : memref<128x128xf32, #tpu.memory_space<vmem>>, vector<1x16xf32>,
      %broadcast_in_dim3A_127 = vector.broadcast %scan3A : f32 to vector<16xf32>
      %swap3A_128 = arith.index_cast %scan3A_110 : i32 to index
      %swap3A_129 = arith.constant 48 : index
      %swap3A_130 = tpu.vector_load %arg5[%swap3A_128, %swap3A_129] {strides = array<i32>} : memref<128x128xf32, #tpu.memory_space<vmem>>, vector<1x16xf32>,
      %swap3A_131 = vector.shape_cast %swap3A_130 : vector<1x16xf32> to vector<16xf32>
      %swap3A_132 = vector.shape_cast %broadcast_in_dim3A_127 : vector<16xf32> to vector<1x16xf32>
      tpu.vector_store %arg5[%swap3A_128, %swap3A_129], %swap3A_132 {strides = array<i32>} : memref<128x128xf32, #tpu.memory_space<vmem>>, vector<1x16xf32>,
      %broadcast_in_dim3A_133 = vector.broadcast %scan3A : f32 to vector<16xf32>
      %swap3A_134 = arith.index_cast %scan3A_110 : i32 to index
      %swap3A_135 = arith.constant 64 : index
      %swap3A_136 = tpu.vector_load %arg5[%swap3A_134, %swap3A_135] {strides = array<i32>} : memref<128x128xf32, #tpu.memory_space<vmem>>, vector<1x16xf32>,
      %swap3A_137 = vector.shape_cast %swap3A_136 : vector<1x16xf32> to vector<16xf32>
      %swap3A_138 = vector.shape_cast %broadcast_in_dim3A_133 : vector<16xf32> to vector<1x16xf32>
      tpu.vector_store %arg5[%swap3A_134, %swap3A_135], %swap3A_138 {strides = array<i32>} : memref<128x128xf32, #tpu.memory_space<vmem>>, vector<1x16xf32>,
      %broadcast_in_dim3A_139 = vector.broadcast %scan3A : f32 to vector<16xf32>
      %swap3A_140 = arith.index_cast %scan3A_110 : i32 to index
      %swap3A_141 = arith.constant 80 : index
      %swap3A_142 = tpu.vector_load %arg5[%swap3A_140, %swap3A_141] {strides = array<i32>} : memref<128x128xf32, #tpu.memory_space<vmem>>, vector<1x16xf32>,
      %swap3A_143 = vector.shape_cast %swap3A_142 : vector<1x16xf32> to vector<16xf32>
      %swap3A_144 = vector.shape_cast %broadcast_in_dim3A_139 : vector<16xf32> to vector<1x16xf32>
      tpu.vector_store %arg5[%swap3A_140, %swap3A_141], %swap3A_144 {strides = array<i32>} : memref<128x128xf32, #tpu.memory_space<vmem>>, vector<1x16xf32>,
      %broadcast_in_dim3A_145 = vector.broadcast %scan3A : f32 to vector<16xf32>
      %swap3A_146 = arith.index_cast %scan3A_110 : i32 to index
      %swap3A_147 = arith.constant 96 : index
      %swap3A_148 = tpu.vector_load %arg5[%swap3A_146, %swap3A_147] {strides = array<i32>} : memref<128x128xf32, #tpu.memory_space<vmem>>, vector<1x16xf32>,
      %swap3A_149 = vector.shape_cast %swap3A_148 : vector<1x16xf32> to vector<16xf32>
      %swap3A_150 = vector.shape_cast %broadcast_in_dim3A_145 : vector<16xf32> to vector<1x16xf32>
      tpu.vector_store %arg5[%swap3A_146, %swap3A_147], %swap3A_150 {strides = array<i32>} : memref<128x128xf32, #tpu.memory_space<vmem>>, vector<1x16xf32>,
      %broadcast_in_dim3A_151 = vector.broadcast %scan3A : f32 to vector<16xf32>
      %swap3A_152 = arith.index_cast %scan3A_110 : i32 to index
      %swap3A_153 = arith.constant 112 : index
      %swap3A_154 = tpu.vector_load %arg5[%swap3A_152, %swap3A_153] {strides = array<i32>} : memref<128x128xf32, #tpu.memory_space<vmem>>, vector<1x16xf32>,
      %swap3A_155 = vector.shape_cast %swap3A_154 : vector<1x16xf32> to vector<16xf32>
      %swap3A_156 = vector.shape_cast %broadcast_in_dim3A_151 : vector<16xf32> to vector<1x16xf32>
      tpu.vector_store %arg5[%swap3A_152, %swap3A_153], %swap3A_156 {strides = array<i32>} : memref<128x128xf32, #tpu.memory_space<vmem>>, vector<1x16xf32>,
    }
    %scan3A_4 = arith.constant 128 : i32
    %scan3A_5 = arith.constant 0 : i32
    %scan3A_6 = arith.constant 0 : i32
    %scan3A_7 = arith.constant 5 : i32
    %scan3A_8 = arith.addi %scan3A_6, %scan3A_7 : i32
    %scan3A_9 = arith.constant 1 : i32
    scf.for %scan3A_110 = %scan3A_6 to %scan3A_8 step %scan3A_9  : i32 {
      %mul3A_111 = arith.constant 640 : i32
      %mul3A_112 = arith.muli %arg1, %mul3A_111 : i32
      %mul3A_113 = arith.constant 128 : i32
      %mul3A_114 = arith.muli %scan3A_110, %mul3A_113 : i32
      %add3A_115 = arith.addi %mul3A_112, %mul3A_114 : i32
      "tpu.region"() ({
        %run_scoped3A = tpu.sem_alloc : memref<!tpu.dma_semaphore, #tpu.memory_space<semaphore_mem>>
        %dma_start3A_116 = arith.constant 0 : i32
        %dma_start3A_117 = tpu.memref_slice %arg6[%add3A_115, %dma_start3A_116] : memref<10240x128xf32, #tpu.memory_space<vmem_shared>> -> memref<128x128xf32, #tpu.memory_space<vmem_shared>>
        %dma_start3A_118 = arith.constant 0 : i32
        %dma_start3A_119 = tpu.memref_slice %arg6[%add3A_115, %dma_start3A_118] : memref<10240x128xf32, #tpu.memory_space<vmem_shared>> -> memref<128x128xf32, #tpu.memory_space<vmem_shared>>
        tpu.enqueue_dma source(%arg5 : memref<128x128xf32, #tpu.memory_space<vmem>>) target(%dma_start3A_119 : memref<128x128xf32, #tpu.memory_space<vmem_shared>>) target_semaphore(%run_scoped3A : memref<!tpu.dma_semaphore, #tpu.memory_space<semaphore_mem>>)
        %dma_wait3A_120 = arith.constant 0 : i32
        %dma_wait3A_121 = tpu.memref_slice %arg6[%add3A_115, %dma_wait3A_120] : memref<10240x128xf32, #tpu.memory_space<vmem_shared>> -> memref<128x128xf32, #tpu.memory_space<vmem_shared>>
        %dma_wait3A_122 = arith.constant 0 : i32
        %dma_wait3A_123 = tpu.memref_slice %arg6[%add3A_115, %dma_wait3A_122] : memref<10240x128xf32, #tpu.memory_space<vmem_shared>> -> memref<128x128xf32, #tpu.memory_space<vmem_shared>>
        tpu.wait_dma2 semaphore(%run_scoped3A : memref<!tpu.dma_semaphore, #tpu.memory_space<semaphore_mem>>) src(%arg5 : memref<128x128xf32, #tpu.memory_space<vmem>>) dst(%dma_wait3A_123 : memref<128x128xf32, #tpu.memory_space<vmem_shared>>)
        tpu.yield
      }) : () -> ()
    }
    %scan3A_10 = arith.constant 5 : i32
    %scan3A_11 = arith.constant 1.000000e+00 : f32
    %scan3A_12 = arith.constant 0 : i32
    %scan3A_13 = arith.constant 128 : i32
    %scan3A_14 = arith.addi %scan3A_12, %scan3A_13 : i32
    %scan3A_15 = arith.constant 1 : i32
    scf.for %scan3A_110 = %scan3A_12 to %scan3A_14 step %scan3A_15  : i32 {
      %broadcast_in_dim3A = vector.broadcast %scan3A_11 : f32 to vector<16xf32>
      %swap3A = arith.index_cast %scan3A_110 : i32 to index
      %swap3A_111 = arith.constant 0 : index
      %swap3A_112 = tpu.vector_load %arg5[%swap3A, %swap3A_111] {strides = array<i32>} : memref<128x128xf32, #tpu.memory_space<vmem>>, vector<1x16xf32>,
      %swap3A_113 = vector.shape_cast %swap3A_112 : vector<1x16xf32> to vector<16xf32>
      %swap3A_114 = vector.shape_cast %broadcast_in_dim3A : vector<16xf32> to vector<1x16xf32>
      tpu.vector_store %arg5[%swap3A, %swap3A_111], %swap3A_114 {strides = array<i32>} : memref<128x128xf32, #tpu.memory_space<vmem>>, vector<1x16xf32>,
      %broadcast_in_dim3A_115 = vector.broadcast %scan3A_11 : f32 to vector<16xf32>
      %swap3A_116 = arith.index_cast %scan3A_110 : i32 to index
      %swap3A_117 = arith.constant 16 : index
      %swap3A_118 = tpu.vector_load %arg5[%swap3A_116, %swap3A_117] {strides = array<i32>} : memref<128x128xf32, #tpu.memory_space<vmem>>, vector<1x16xf32>,
      %swap3A_119 = vector.shape_cast %swap3A_118 : vector<1x16xf32> to vector<16xf32>
      %swap3A_120 = vector.shape_cast %broadcast_in_dim3A_115 : vector<16xf32> to vector<1x16xf32>
      tpu.vector_store %arg5[%swap3A_116, %swap3A_117], %swap3A_120 {strides = array<i32>} : memref<128x128xf32, #tpu.memory_space<vmem>>, vector<1x16xf32>,
      %broadcast_in_dim3A_121 = vector.broadcast %scan3A_11 : f32 to vector<16xf32>
      %swap3A_122 = arith.index_cast %scan3A_110 : i32 to index
      %swap3A_123 = arith.constant 32 : index
      %swap3A_124 = tpu.vector_load %arg5[%swap3A_122, %swap3A_123] {strides = array<i32>} : memref<128x128xf32, #tpu.memory_space<vmem>>, vector<1x16xf32>,
      %swap3A_125 = vector.shape_cast %swap3A_124 : vector<1x16xf32> to vector<16xf32>
      %swap3A_126 = vector.shape_cast %broadcast_in_dim3A_121 : vector<16xf32> to vector<1x16xf32>
      tpu.vector_store %arg5[%swap3A_122, %swap3A_123], %swap3A_126 {strides = array<i32>} : memref<128x128xf32, #tpu.memory_space<vmem>>, vector<1x16xf32>,
      %broadcast_in_dim3A_127 = vector.broadcast %scan3A_11 : f32 to vector<16xf32>
      %swap3A_128 = arith.index_cast %scan3A_110 : i32 to index
      %swap3A_129 = arith.constant 48 : index
      %swap3A_130 = tpu.vector_load %arg5[%swap3A_128, %swap3A_129] {strides = array<i32>} : memref<128x128xf32, #tpu.memory_space<vmem>>, vector<1x16xf32>,
      %swap3A_131 = vector.shape_cast %swap3A_130 : vector<1x16xf32> to vector<16xf32>
      %swap3A_132 = vector.shape_cast %broadcast_in_dim3A_127 : vector<16xf32> to vector<1x16xf32>
      tpu.vector_store %arg5[%swap3A_128, %swap3A_129], %swap3A_132 {strides = array<i32>} : memref<128x128xf32, #tpu.memory_space<vmem>>, vector<1x16xf32>,
      %broadcast_in_dim3A_133 = vector.broadcast %scan3A_11 : f32 to vector<16xf32>
      %swap3A_134 = arith.index_cast %scan3A_110 : i32 to index
      %swap3A_135 = arith.constant 64 : index
      %swap3A_136 = tpu.vector_load %arg5[%swap3A_134, %swap3A_135] {strides = array<i32>} : memref<128x128xf32, #tpu.memory_space<vmem>>, vector<1x16xf32>,
      %swap3A_137 = vector.shape_cast %swap3A_136 : vector<1x16xf32> to vector<16xf32>
      %swap3A_138 = vector.shape_cast %broadcast_in_dim3A_133 : vector<16xf32> to vector<1x16xf32>
      tpu.vector_store %arg5[%swap3A_134, %swap3A_135], %swap3A_138 {strides = array<i32>} : memref<128x128xf32, #tpu.memory_space<vmem>>, vector<1x16xf32>,
      %broadcast_in_dim3A_139 = vector.broadcast %scan3A_11 : f32 to vector<16xf32>
      %swap3A_140 = arith.index_cast %scan3A_110 : i32 to index
      %swap3A_141 = arith.constant 80 : index
      %swap3A_142 = tpu.vector_load %arg5[%swap3A_140, %swap3A_141] {strides = array<i32>} : memref<128x128xf32, #tpu.memory_space<vmem>>, vector<1x16xf32>,
      %swap3A_143 = vector.shape_cast %swap3A_142 : vector<1x16xf32> to vector<16xf32>
      %swap3A_144 = vector.shape_cast %broadcast_in_dim3A_139 : vector<16xf32> to vector<1x16xf32>
      tpu.vector_store %arg5[%swap3A_140, %swap3A_141], %swap3A_144 {strides = array<i32>} : memref<128x128xf32, #tpu.memory_space<vmem>>, vector<1x16xf32>,
      %broadcast_in_dim3A_145 = vector.broadcast %scan3A_11 : f32 to vector<16xf32>
      %swap3A_146 = arith.index_cast %scan3A_110 : i32 to index
      %swap3A_147 = arith.constant 96 : index
      %swap3A_148 = tpu.vector_load %arg5[%swap3A_146, %swap3A_147] {strides = array<i32>} : memref<128x128xf32, #tpu.memory_space<vmem>>, vector<1x16xf32>,
      %swap3A_149 = vector.shape_cast %swap3A_148 : vector<1x16xf32> to vector<16xf32>
      %swap3A_150 = vector.shape_cast %broadcast_in_dim3A_145 : vector<16xf32> to vector<1x16xf32>
      tpu.vector_store %arg5[%swap3A_146, %swap3A_147], %swap3A_150 {strides = array<i32>} : memref<128x128xf32, #tpu.memory_space<vmem>>, vector<1x16xf32>,
      %broadcast_in_dim3A_151 = vector.broadcast %scan3A_11 : f32 to vector<16xf32>
      %swap3A_152 = arith.index_cast %scan3A_110 : i32 to index
      %swap3A_153 = arith.constant 112 : index
      %swap3A_154 = tpu.vector_load %arg5[%swap3A_152, %swap3A_153] {strides = array<i32>} : memref<128x128xf32, #tpu.memory_space<vmem>>, vector<1x16xf32>,
      %swap3A_155 = vector.shape_cast %swap3A_154 : vector<1x16xf32> to vector<16xf32>
      %swap3A_156 = vector.shape_cast %broadcast_in_dim3A_151 : vector<16xf32> to vector<1x16xf32>
      tpu.vector_store %arg5[%swap3A_152, %swap3A_153], %swap3A_156 {strides = array<i32>} : memref<128x128xf32, #tpu.memory_space<vmem>>, vector<1x16xf32>,
    }
    %scan3A_16 = arith.constant 128 : i32
    %mul3A = arith.constant 2560 : i32
    %mul3A_17 = arith.muli %arg0, %mul3A : i32
    %mul3A_18 = arith.constant 160 : i32
    %mul3A_19 = arith.muli %arg1, %mul3A_18 : i32
    %add3A = arith.addi %mul3A_17, %mul3A_19 : i32
    "tpu.region"() ({
      %run_scoped3A = tpu.sem_alloc : memref<!tpu.dma_semaphore, #tpu.memory_space<semaphore_mem>>
      %dma_start3A_110 = arith.constant 0 : i32
      %dma_start3A_111 = tpu.memref_slice %arg2[%add3A, %dma_start3A_110] : memref<5120x128xi32, #tpu.memory_space<hbm>> -> memref<160x128xi32, #tpu.memory_space<hbm>>
      %dma_start3A_112 = arith.constant 0 : i32
      %dma_start3A_113 = tpu.memref_slice %arg2[%add3A, %dma_start3A_112] : memref<5120x128xi32, #tpu.memory_space<hbm>> -> memref<160x128xi32, #tpu.memory_space<hbm>>
      tpu.enqueue_dma source(%dma_start3A_113 : memref<160x128xi32, #tpu.memory_space<hbm>>) target(%arg4 : memref<160x128xi32, #tpu.memory_space<vmem>>) target_semaphore(%run_scoped3A : memref<!tpu.dma_semaphore, #tpu.memory_space<semaphore_mem>>)
      %dma_wait3A_114 = arith.constant 0 : i32
      %dma_wait3A_115 = tpu.memref_slice %arg2[%add3A, %dma_wait3A_114] : memref<5120x128xi32, #tpu.memory_space<hbm>> -> memref<160x128xi32, #tpu.memory_space<hbm>>
      %dma_wait3A_116 = arith.constant 0 : i32
      %dma_wait3A_117 = tpu.memref_slice %arg2[%add3A, %dma_wait3A_116] : memref<5120x128xi32, #tpu.memory_space<hbm>> -> memref<160x128xi32, #tpu.memory_space<hbm>>
      tpu.wait_dma2 semaphore(%run_scoped3A : memref<!tpu.dma_semaphore, #tpu.memory_space<semaphore_mem>>) src(%dma_wait3A_117 : memref<160x128xi32, #tpu.memory_space<hbm>>) dst(%arg4 : memref<160x128xi32, #tpu.memory_space<vmem>>)
      tpu.yield
    }) : () -> ()
    %barrier3A = arith.constant 0 : index
    tpu.barrier barrier_id(%barrier3A)
    %scan3A_20 = arith.constant 0 : i32
    %scan3A_21 = arith.constant 0 : i32
    %scan3A_22 = arith.constant 20 : i32
    %scan3A_23 = arith.addi %scan3A_21, %scan3A_22 : i32
    %scan3A_24 = arith.constant 1 : i32
    scf.for %scan3A_110 = %scan3A_21 to %scan3A_23 step %scan3A_24  : i32 {
      %mul3A_111 = arith.constant 8 : i32
      %mul3A_112 = arith.muli %scan3A_110, %mul3A_111 : i32
      %add3A_113 = arith.constant 0 : i32
      %add3A_114 = arith.addi %mul3A_112, %add3A_113 : i32
      %dma_start3A_115 = arith.constant 0 : i32
      %dma_start3A_116 = tpu.memref_slice %arg4[%add3A_114, %dma_start3A_115] : memref<160x128xi32, #tpu.memory_space<vmem>> -> memref<1x128xi32, #tpu.memory_space<vmem>>
      %dma_start3A_117 = tpu.memref_squeeze %dma_start3A_116 : memref<1x128xi32, #tpu.memory_space<vmem>> -> memref<128xi32, #tpu.memory_space<vmem>>
      %dma_start3A_118 = arith.constant 0 : i32
      %dma_start3A_119 = arith.constant 0 : i32
      %dma_start3A_120 = tpu.memref_slice %arg6[%dma_start3A_118, %dma_start3A_119] : memref<10240x128xf32, #tpu.memory_space<vmem_shared>> -> memref<10240x128xf32, #tpu.memory_space<vmem_shared>>
      tpu.enqueue_indirect_dma source(%arg5 : memref<128x128xf32, #tpu.memory_space<vmem>>) target(%dma_start3A_120 : memref<10240x128xf32, #tpu.memory_space<vmem_shared>>) offsets(%dma_start3A_117 : memref<128xi32, #tpu.memory_space<vmem>>) semaphore(%arg7 : memref<!tpu.dma_semaphore, #tpu.memory_space<semaphore_mem>>) {add = true}
      %mul3A_121 = arith.constant 8 : i32
      %mul3A_122 = arith.muli %scan3A_110, %mul3A_121 : i32
      %add3A_123 = arith.constant 1 : i32
      %add3A_124 = arith.addi %mul3A_122, %add3A_123 : i32
      %dma_start3A_125 = arith.constant 0 : i32
      %dma_start3A_126 = tpu.memref_slice %arg4[%add3A_124, %dma_start3A_125] : memref<160x128xi32, #tpu.memory_space<vmem>> -> memref<1x128xi32, #tpu.memory_space<vmem>>
      %dma_start3A_127 = tpu.memref_squeeze %dma_start3A_126 : memref<1x128xi32, #tpu.memory_space<vmem>> -> memref<128xi32, #tpu.memory_space<vmem>>
      %dma_start3A_128 = arith.constant 0 : i32
      %dma_start3A_129 = arith.constant 0 : i32
      %dma_start3A_130 = tpu.memref_slice %arg6[%dma_start3A_128, %dma_start3A_129] : memref<10240x128xf32, #tpu.memory_space<vmem_shared>> -> memref<10240x128xf32, #tpu.memory_space<vmem_shared>>
      tpu.enqueue_indirect_dma source(%arg5 : memref<128x128xf32, #tpu.memory_space<vmem>>) target(%dma_start3A_130 : memref<10240x128xf32, #tpu.memory_space<vmem_shared>>) offsets(%dma_start3A_127 : memref<128xi32, #tpu.memory_space<vmem>>) semaphore(%arg7 : memref<!tpu.dma_semaphore, #tpu.memory_space<semaphore_mem>>) {add = true}
      %mul3A_131 = arith.constant 8 : i32
      %mul3A_132 = arith.muli %scan3A_110, %mul3A_131 : i32
      %add3A_133 = arith.constant 2 : i32
      %add3A_134 = arith.addi %mul3A_132, %add3A_133 : i32
      %dma_start3A_135 = arith.constant 0 : i32
      %dma_start3A_136 = tpu.memref_slice %arg4[%add3A_134, %dma_start3A_135] : memref<160x128xi32, #tpu.memory_space<vmem>> -> memref<1x128xi32, #tpu.memory_space<vmem>>
      %dma_start3A_137 = tpu.memref_squeeze %dma_start3A_136 : memref<1x128xi32, #tpu.memory_space<vmem>> -> memref<128xi32, #tpu.memory_space<vmem>>
      %dma_start3A_138 = arith.constant 0 : i32
      %dma_start3A_139 = arith.constant 0 : i32
      %dma_start3A_140 = tpu.memref_slice %arg6[%dma_start3A_138, %dma_start3A_139] : memref<10240x128xf32, #tpu.memory_space<vmem_shared>> -> memref<10240x128xf32, #tpu.memory_space<vmem_shared>>
      tpu.enqueue_indirect_dma source(%arg5 : memref<128x128xf32, #tpu.memory_space<vmem>>) target(%dma_start3A_140 : memref<10240x128xf32, #tpu.memory_space<vmem_shared>>) offsets(%dma_start3A_137 : memref<128xi32, #tpu.memory_space<vmem>>) semaphore(%arg7 : memref<!tpu.dma_semaphore, #tpu.memory_space<semaphore_mem>>) {add = true}
      %mul3A_141 = arith.constant 8 : i32
      %mul3A_142 = arith.muli %scan3A_110, %mul3A_141 : i32
      %add3A_143 = arith.constant 3 : i32
      %add3A_144 = arith.addi %mul3A_142, %add3A_143 : i32
      %dma_start3A_145 = arith.constant 0 : i32
      %dma_start3A_146 = tpu.memref_slice %arg4[%add3A_144, %dma_start3A_145] : memref<160x128xi32, #tpu.memory_space<vmem>> -> memref<1x128xi32, #tpu.memory_space<vmem>>
      %dma_start3A_147 = tpu.memref_squeeze %dma_start3A_146 : memref<1x128xi32, #tpu.memory_space<vmem>> -> memref<128xi32, #tpu.memory_space<vmem>>
      %dma_start3A_148 = arith.constant 0 : i32
      %dma_start3A_149 = arith.constant 0 : i32
      %dma_start3A_150 = tpu.memref_slice %arg6[%dma_start3A_148, %dma_start3A_149] : memref<10240x128xf32, #tpu.memory_space<vmem_shared>> -> memref<10240x128xf32, #tpu.memory_space<vmem_shared>>
      tpu.enqueue_indirect_dma source(%arg5 : memref<128x128xf32, #tpu.memory_space<vmem>>) target(%dma_start3A_150 : memref<10240x128xf32, #tpu.memory_space<vmem_shared>>) offsets(%dma_start3A_147 : memref<128xi32, #tpu.memory_space<vmem>>) semaphore(%arg7 : memref<!tpu.dma_semaphore, #tpu.memory_space<semaphore_mem>>) {add = true}
      %mul3A_151 = arith.constant 8 : i32
      %mul3A_152 = arith.muli %scan3A_110, %mul3A_151 : i32
      %add3A_153 = arith.constant 4 : i32
      %add3A_154 = arith.addi %mul3A_152, %add3A_153 : i32
      %dma_start3A_155 = arith.constant 0 : i32
      %dma_start3A_156 = tpu.memref_slice %arg4[%add3A_154, %dma_start3A_155] : memref<160x128xi32, #tpu.memory_space<vmem>> -> memref<1x128xi32, #tpu.memory_space<vmem>>
      %dma_start3A_157 = tpu.memref_squeeze %dma_start3A_156 : memref<1x128xi32, #tpu.memory_space<vmem>> -> memref<128xi32, #tpu.memory_space<vmem>>
      %dma_start3A_158 = arith.constant 0 : i32
      %dma_start3A_159 = arith.constant 0 : i32
      %dma_start3A_160 = tpu.memref_slice %arg6[%dma_start3A_158, %dma_start3A_159] : memref<10240x128xf32, #tpu.memory_space<vmem_shared>> -> memref<10240x128xf32, #tpu.memory_space<vmem_shared>>
      tpu.enqueue_indirect_dma source(%arg5 : memref<128x128xf32, #tpu.memory_space<vmem>>) target(%dma_start3A_160 : memref<10240x128xf32, #tpu.memory_space<vmem_shared>>) offsets(%dma_start3A_157 : memref<128xi32, #tpu.memory_space<vmem>>) semaphore(%arg7 : memref<!tpu.dma_semaphore, #tpu.memory_space<semaphore_mem>>) {add = true}
      %mul3A_161 = arith.constant 8 : i32
      %mul3A_162 = arith.muli %scan3A_110, %mul3A_161 : i32
      %add3A_163 = arith.constant 5 : i32
      %add3A_164 = arith.addi %mul3A_162, %add3A_163 : i32
      %dma_start3A_165 = arith.constant 0 : i32
      %dma_start3A_166 = tpu.memref_slice %arg4[%add3A_164, %dma_start3A_165] : memref<160x128xi32, #tpu.memory_space<vmem>> -> memref<1x128xi32, #tpu.memory_space<vmem>>
      %dma_start3A_167 = tpu.memref_squeeze %dma_start3A_166 : memref<1x128xi32, #tpu.memory_space<vmem>> -> memref<128xi32, #tpu.memory_space<vmem>>
      %dma_start3A_168 = arith.constant 0 : i32
      %dma_start3A_169 = arith.constant 0 : i32
      %dma_start3A_170 = tpu.memref_slice %arg6[%dma_start3A_168, %dma_start3A_169] : memref<10240x128xf32, #tpu.memory_space<vmem_shared>> -> memref<10240x128xf32, #tpu.memory_space<vmem_shared>>
      tpu.enqueue_indirect_dma source(%arg5 : memref<128x128xf32, #tpu.memory_space<vmem>>) target(%dma_start3A_170 : memref<10240x128xf32, #tpu.memory_space<vmem_shared>>) offsets(%dma_start3A_167 : memref<128xi32, #tpu.memory_space<vmem>>) semaphore(%arg7 : memref<!tpu.dma_semaphore, #tpu.memory_space<semaphore_mem>>) {add = true}
      %mul3A_171 = arith.constant 8 : i32
      %mul3A_172 = arith.muli %scan3A_110, %mul3A_171 : i32
      %add3A_173 = arith.constant 6 : i32
      %add3A_174 = arith.addi %mul3A_172, %add3A_173 : i32
      %dma_start3A_175 = arith.constant 0 : i32
      %dma_start3A_176 = tpu.memref_slice %arg4[%add3A_174, %dma_start3A_175] : memref<160x128xi32, #tpu.memory_space<vmem>> -> memref<1x128xi32, #tpu.memory_space<vmem>>
      %dma_start3A_177 = tpu.memref_squeeze %dma_start3A_176 : memref<1x128xi32, #tpu.memory_space<vmem>> -> memref<128xi32, #tpu.memory_space<vmem>>
      %dma_start3A_178 = arith.constant 0 : i32
      %dma_start3A_179 = arith.constant 0 : i32
      %dma_start3A_180 = tpu.memref_slice %arg6[%dma_start3A_178, %dma_start3A_179] : memref<10240x128xf32, #tpu.memory_space<vmem_shared>> -> memref<10240x128xf32, #tpu.memory_space<vmem_shared>>
      tpu.enqueue_indirect_dma source(%arg5 : memref<128x128xf32, #tpu.memory_space<vmem>>) target(%dma_start3A_180 : memref<10240x128xf32, #tpu.memory_space<vmem_shared>>) offsets(%dma_start3A_177 : memref<128xi32, #tpu.memory_space<vmem>>) semaphore(%arg7 : memref<!tpu.dma_semaphore, #tpu.memory_space<semaphore_mem>>) {add = true}
      %mul3A_181 = arith.constant 8 : i32
      %mul3A_182 = arith.muli %scan3A_110, %mul3A_181 : i32
      %add3A_183 = arith.constant 7 : i32
      %add3A_184 = arith.addi %mul3A_182, %add3A_183 : i32
      %dma_start3A_185 = arith.constant 0 : i32
      %dma_start3A_186 = tpu.memref_slice %arg4[%add3A_184, %dma_start3A_185] : memref<160x128xi32, #tpu.memory_space<vmem>> -> memref<1x128xi32, #tpu.memory_space<vmem>>
      %dma_start3A_187 = tpu.memref_squeeze %dma_start3A_186 : memref<1x128xi32, #tpu.memory_space<vmem>> -> memref<128xi32, #tpu.memory_space<vmem>>
      %dma_start3A_188 = arith.constant 0 : i32
      %dma_start3A_189 = arith.constant 0 : i32
      %dma_start3A_190 = tpu.memref_slice %arg6[%dma_start3A_188, %dma_start3A_189] : memref<10240x128xf32, #tpu.memory_space<vmem_shared>> -> memref<10240x128xf32, #tpu.memory_space<vmem_shared>>
      tpu.enqueue_indirect_dma source(%arg5 : memref<128x128xf32, #tpu.memory_space<vmem>>) target(%dma_start3A_190 : memref<10240x128xf32, #tpu.memory_space<vmem_shared>>) offsets(%dma_start3A_187 : memref<128xi32, #tpu.memory_space<vmem>>) semaphore(%arg7 : memref<!tpu.dma_semaphore, #tpu.memory_space<semaphore_mem>>) {add = true}
      %dma_wait3A_191 = arith.constant 0 : i32
      %dma_wait3A_192 = arith.constant 0 : i32
      %dma_wait3A_193 = tpu.memref_slice %arg4[%dma_wait3A_191, %dma_wait3A_192] : memref<160x128xi32, #tpu.memory_space<vmem>> -> memref<1x128xi32, #tpu.memory_space<vmem>>
      %dma_wait3A_194 = tpu.memref_squeeze %dma_wait3A_193 : memref<1x128xi32, #tpu.memory_space<vmem>> -> memref<128xi32, #tpu.memory_space<vmem>>
      %dma_wait3A_195 = arith.constant 0 : i32
      %dma_wait3A_196 = arith.constant 0 : i32
      %dma_wait3A_197 = tpu.memref_slice %arg6[%dma_wait3A_195, %dma_wait3A_196] : memref<10240x128xf32, #tpu.memory_space<vmem_shared>> -> memref<10240x128xf32, #tpu.memory_space<vmem_shared>>
      tpu.wait_indirect_dma semaphore(%arg7 : memref<!tpu.dma_semaphore, #tpu.memory_space<semaphore_mem>>) src(%arg5 : memref<128x128xf32, #tpu.memory_space<vmem>>) dst(%dma_wait3A_197 : memref<10240x128xf32, #tpu.memory_space<vmem_shared>>)
      %dma_wait3A_198 = arith.constant 0 : i32
      %dma_wait3A_199 = arith.constant 0 : i32
      %dma_wait3A_200 = tpu.memref_slice %arg4[%dma_wait3A_198, %dma_wait3A_199] : memref<160x128xi32, #tpu.memory_space<vmem>> -> memref<1x128xi32, #tpu.memory_space<vmem>>
      %dma_wait3A_201 = tpu.memref_squeeze %dma_wait3A_200 : memref<1x128xi32, #tpu.memory_space<vmem>> -> memref<128xi32, #tpu.memory_space<vmem>>
      %dma_wait3A_202 = arith.constant 0 : i32
      %dma_wait3A_203 = arith.constant 0 : i32
      %dma_wait3A_204 = tpu.memref_slice %arg6[%dma_wait3A_202, %dma_wait3A_203] : memref<10240x128xf32, #tpu.memory_space<vmem_shared>> -> memref<10240x128xf32, #tpu.memory_space<vmem_shared>>
      tpu.wait_indirect_dma semaphore(%arg7 : memref<!tpu.dma_semaphore, #tpu.memory_space<semaphore_mem>>) src(%arg5 : memref<128x128xf32, #tpu.memory_space<vmem>>) dst(%dma_wait3A_204 : memref<10240x128xf32, #tpu.memory_space<vmem_shared>>)
      %dma_wait3A_205 = arith.constant 0 : i32
      %dma_wait3A_206 = arith.constant 0 : i32
      %dma_wait3A_207 = tpu.memref_slice %arg4[%dma_wait3A_205, %dma_wait3A_206] : memref<160x128xi32, #tpu.memory_space<vmem>> -> memref<1x128xi32, #tpu.memory_space<vmem>>
      %dma_wait3A_208 = tpu.memref_squeeze %dma_wait3A_207 : memref<1x128xi32, #tpu.memory_space<vmem>> -> memref<128xi32, #tpu.memory_space<vmem>>
      %dma_wait3A_209 = arith.constant 0 : i32
      %dma_wait3A_210 = arith.constant 0 : i32
      %dma_wait3A_211 = tpu.memref_slice %arg6[%dma_wait3A_209, %dma_wait3A_210] : memref<10240x128xf32, #tpu.memory_space<vmem_shared>> -> memref<10240x128xf32, #tpu.memory_space<vmem_shared>>
      tpu.wait_indirect_dma semaphore(%arg7 : memref<!tpu.dma_semaphore, #tpu.memory_space<semaphore_mem>>) src(%arg5 : memref<128x128xf32, #tpu.memory_space<vmem>>) dst(%dma_wait3A_211 : memref<10240x128xf32, #tpu.memory_space<vmem_shared>>)
      %dma_wait3A_212 = arith.constant 0 : i32
      %dma_wait3A_213 = arith.constant 0 : i32
      %dma_wait3A_214 = tpu.memref_slice %arg4[%dma_wait3A_212, %dma_wait3A_213] : memref<160x128xi32, #tpu.memory_space<vmem>> -> memref<1x128xi32, #tpu.memory_space<vmem>>
      %dma_wait3A_215 = tpu.memref_squeeze %dma_wait3A_214 : memref<1x128xi32, #tpu.memory_space<vmem>> -> memref<128xi32, #tpu.memory_space<vmem>>
      %dma_wait3A_216 = arith.constant 0 : i32
      %dma_wait3A_217 = arith.constant 0 : i32
      %dma_wait3A_218 = tpu.memref_slice %arg6[%dma_wait3A_216, %dma_wait3A_217] : memref<10240x128xf32, #tpu.memory_space<vmem_shared>> -> memref<10240x128xf32, #tpu.memory_space<vmem_shared>>
      tpu.wait_indirect_dma semaphore(%arg7 : memref<!tpu.dma_semaphore, #tpu.memory_space<semaphore_mem>>) src(%arg5 : memref<128x128xf32, #tpu.memory_space<vmem>>) dst(%dma_wait3A_218 : memref<10240x128xf32, #tpu.memory_space<vmem_shared>>)
      %dma_wait3A_219 = arith.constant 0 : i32
      %dma_wait3A_220 = arith.constant 0 : i32
      %dma_wait3A_221 = tpu.memref_slice %arg4[%dma_wait3A_219, %dma_wait3A_220] : memref<160x128xi32, #tpu.memory_space<vmem>> -> memref<1x128xi32, #tpu.memory_space<vmem>>
      %dma_wait3A_222 = tpu.memref_squeeze %dma_wait3A_221 : memref<1x128xi32, #tpu.memory_space<vmem>> -> memref<128xi32, #tpu.memory_space<vmem>>
      %dma_wait3A_223 = arith.constant 0 : i32
      %dma_wait3A_224 = arith.constant 0 : i32
      %dma_wait3A_225 = tpu.memref_slice %arg6[%dma_wait3A_223, %dma_wait3A_224] : memref<10240x128xf32, #tpu.memory_space<vmem_shared>> -> memref<10240x128xf32, #tpu.memory_space<vmem_shared>>
      tpu.wait_indirect_dma semaphore(%arg7 : memref<!tpu.dma_semaphore, #tpu.memory_space<semaphore_mem>>) src(%arg5 : memref<128x128xf32, #tpu.memory_space<vmem>>) dst(%dma_wait3A_225 : memref<10240x128xf32, #tpu.memory_space<vmem_shared>>)
      %dma_wait3A_226 = arith.constant 0 : i32
      %dma_wait3A_227 = arith.constant 0 : i32
      %dma_wait3A_228 = tpu.memref_slice %arg4[%dma_wait3A_226, %dma_wait3A_227] : memref<160x128xi32, #tpu.memory_space<vmem>> -> memref<1x128xi32, #tpu.memory_space<vmem>>
      %dma_wait3A_229 = tpu.memref_squeeze %dma_wait3A_228 : memref<1x128xi32, #tpu.memory_space<vmem>> -> memref<128xi32, #tpu.memory_space<vmem>>
      %dma_wait3A_230 = arith.constant 0 : i32
      %dma_wait3A_231 = arith.constant 0 : i32
      %dma_wait3A_232 = tpu.memref_slice %arg6[%dma_wait3A_230, %dma_wait3A_231] : memref<10240x128xf32, #tpu.memory_space<vmem_shared>> -> memref<10240x128xf32, #tpu.memory_space<vmem_shared>>
      tpu.wait_indirect_dma semaphore(%arg7 : memref<!tpu.dma_semaphore, #tpu.memory_space<semaphore_mem>>) src(%arg5 : memref<128x128xf32, #tpu.memory_space<vmem>>) dst(%dma_wait3A_232 : memref<10240x128xf32, #tpu.memory_space<vmem_shared>>)
      %dma_wait3A_233 = arith.constant 0 : i32
      %dma_wait3A_234 = arith.constant 0 : i32
      %dma_wait3A_235 = tpu.memref_slice %arg4[%dma_wait3A_233, %dma_wait3A_234] : memref<160x128xi32, #tpu.memory_space<vmem>> -> memref<1x128xi32, #tpu.memory_space<vmem>>
      %dma_wait3A_236 = tpu.memref_squeeze %dma_wait3A_235 : memref<1x128xi32, #tpu.memory_space<vmem>> -> memref<128xi32, #tpu.memory_space<vmem>>
      %dma_wait3A_237 = arith.constant 0 : i32
      %dma_wait3A_238 = arith.constant 0 : i32
      %dma_wait3A_239 = tpu.memref_slice %arg6[%dma_wait3A_237, %dma_wait3A_238] : memref<10240x128xf32, #tpu.memory_space<vmem_shared>> -> memref<10240x128xf32, #tpu.memory_space<vmem_shared>>
      tpu.wait_indirect_dma semaphore(%arg7 : memref<!tpu.dma_semaphore, #tpu.memory_space<semaphore_mem>>) src(%arg5 : memref<128x128xf32, #tpu.memory_space<vmem>>) dst(%dma_wait3A_239 : memref<10240x128xf32, #tpu.memory_space<vmem_shared>>)
      %dma_wait3A_240 = arith.constant 0 : i32
      %dma_wait3A_241 = arith.constant 0 : i32
      %dma_wait3A_242 = tpu.memref_slice %arg4[%dma_wait3A_240, %dma_wait3A_241] : memref<160x128xi32, #tpu.memory_space<vmem>> -> memref<1x128xi32, #tpu.memory_space<vmem>>
      %dma_wait3A_243 = tpu.memref_squeeze %dma_wait3A_242 : memref<1x128xi32, #tpu.memory_space<vmem>> -> memref<128xi32, #tpu.memory_space<vmem>>
      %dma_wait3A_244 = arith.constant 0 : i32
      %dma_wait3A_245 = arith.constant 0 : i32
      %dma_wait3A_246 = tpu.memref_slice %arg6[%dma_wait3A_244, %dma_wait3A_245] : memref<10240x128xf32, #tpu.memory_space<vmem_shared>> -> memref<10240x128xf32, #tpu.memory_space<vmem_shared>>
      tpu.wait_indirect_dma semaphore(%arg7 : memref<!tpu.dma_semaphore, #tpu.memory_space<semaphore_mem>>) src(%arg5 : memref<128x128xf32, #tpu.memory_space<vmem>>) dst(%dma_wait3A_246 : memref<10240x128xf32, #tpu.memory_space<vmem_shared>>)
    }
    %scan3A_25 = arith.constant 20 : i32
    %barrier3A_26 = arith.constant 0 : index
    tpu.barrier barrier_id(%barrier3A_26)
    %mul3A_27 = arith.constant 640 : i32
    %mul3A_28 = arith.muli %arg1, %mul3A_27 : i32
    %add3A_29 = arith.constant 0 : i32
    %add3A_30 = arith.addi %mul3A_28, %add3A_29 : i32
    %mul3A_31 = arith.constant 10240 : i32
    %mul3A_32 = arith.muli %arg0, %mul3A_31 : i32
    %add3A_33 = arith.addi %mul3A_32, %add3A_30 : i32
    %dma_start3A = arith.constant 0 : i32
    %dma_start3A_34 = tpu.memref_slice %arg3[%add3A_33, %dma_start3A] : memref<20480x128xf32, #tpu.memory_space<hbm>> -> memref<128x128xf32, #tpu.memory_space<hbm>>
    %dma_start3A_35 = arith.constant 0 : i32
    %dma_start3A_36 = tpu.memref_slice %arg6[%add3A_30, %dma_start3A_35] : memref<10240x128xf32, #tpu.memory_space<vmem_shared>> -> memref<128x128xf32, #tpu.memory_space<vmem_shared>>
    tpu.enqueue_dma source(%dma_start3A_36 : memref<128x128xf32, #tpu.memory_space<vmem_shared>>) target(%dma_start3A_34 : memref<128x128xf32, #tpu.memory_space<hbm>>) target_semaphore(%arg8 : memref<!tpu.dma_semaphore, #tpu.memory_space<semaphore_mem>>)
    %mul3A_37 = arith.constant 640 : i32
    %mul3A_38 = arith.muli %arg1, %mul3A_37 : i32
    %add3A_39 = arith.constant 128 : i32
    %add3A_40 = arith.addi %mul3A_38, %add3A_39 : i32
    %mul3A_41 = arith.constant 10240 : i32
    %mul3A_42 = arith.muli %arg0, %mul3A_41 : i32
    %add3A_43 = arith.addi %mul3A_42, %add3A_40 : i32
    %dma_start3A_44 = arith.constant 0 : i32
    %dma_start3A_45 = tpu.memref_slice %arg3[%add3A_43, %dma_start3A_44] : memref<20480x128xf32, #tpu.memory_space<hbm>> -> memref<128x128xf32, #tpu.memory_space<hbm>>
    %dma_start3A_46 = arith.constant 0 : i32
    %dma_start3A_47 = tpu.memref_slice %arg6[%add3A_40, %dma_start3A_46] : memref<10240x128xf32, #tpu.memory_space<vmem_shared>> -> memref<128x128xf32, #tpu.memory_space<vmem_shared>>
    tpu.enqueue_dma source(%dma_start3A_47 : memref<128x128xf32, #tpu.memory_space<vmem_shared>>) target(%dma_start3A_45 : memref<128x128xf32, #tpu.memory_space<hbm>>) target_semaphore(%arg8 : memref<!tpu.dma_semaphore, #tpu.memory_space<semaphore_mem>>)
    %mul3A_48 = arith.constant 640 : i32
    %mul3A_49 = arith.muli %arg1, %mul3A_48 : i32
    %add3A_50 = arith.constant 256 : i32
    %add3A_51 = arith.addi %mul3A_49, %add3A_50 : i32
    %mul3A_52 = arith.constant 10240 : i32
    %mul3A_53 = arith.muli %arg0, %mul3A_52 : i32
    %add3A_54 = arith.addi %mul3A_53, %add3A_51 : i32
    %dma_start3A_55 = arith.constant 0 : i32
    %dma_start3A_56 = tpu.memref_slice %arg3[%add3A_54, %dma_start3A_55] : memref<20480x128xf32, #tpu.memory_space<hbm>> -> memref<128x128xf32, #tpu.memory_space<hbm>>
    %dma_start3A_57 = arith.constant 0 : i32
    %dma_start3A_58 = tpu.memref_slice %arg6[%add3A_51, %dma_start3A_57] : memref<10240x128xf32, #tpu.memory_space<vmem_shared>> -> memref<128x128xf32, #tpu.memory_space<vmem_shared>>
    tpu.enqueue_dma source(%dma_start3A_58 : memref<128x128xf32, #tpu.memory_space<vmem_shared>>) target(%dma_start3A_56 : memref<128x128xf32, #tpu.memory_space<hbm>>) target_semaphore(%arg8 : memref<!tpu.dma_semaphore, #tpu.memory_space<semaphore_mem>>)
    %mul3A_59 = arith.constant 640 : i32
    %mul3A_60 = arith.muli %arg1, %mul3A_59 : i32
    %add3A_61 = arith.constant 384 : i32
    %add3A_62 = arith.addi %mul3A_60, %add3A_61 : i32
    %mul3A_63 = arith.constant 10240 : i32
    %mul3A_64 = arith.muli %arg0, %mul3A_63 : i32
    %add3A_65 = arith.addi %mul3A_64, %add3A_62 : i32
    %dma_start3A_66 = arith.constant 0 : i32
    %dma_start3A_67 = tpu.memref_slice %arg3[%add3A_65, %dma_start3A_66] : memref<20480x128xf32, #tpu.memory_space<hbm>> -> memref<128x128xf32, #tpu.memory_space<hbm>>
    %dma_start3A_68 = arith.constant 0 : i32
    %dma_start3A_69 = tpu.memref_slice %arg6[%add3A_62, %dma_start3A_68] : memref<10240x128xf32, #tpu.memory_space<vmem_shared>> -> memref<128x128xf32, #tpu.memory_space<vmem_shared>>
    tpu.enqueue_dma source(%dma_start3A_69 : memref<128x128xf32, #tpu.memory_space<vmem_shared>>) target(%dma_start3A_67 : memref<128x128xf32, #tpu.memory_space<hbm>>) target_semaphore(%arg8 : memref<!tpu.dma_semaphore, #tpu.memory_space<semaphore_mem>>)
    %mul3A_70 = arith.constant 640 : i32
    %mul3A_71 = arith.muli %arg1, %mul3A_70 : i32
    %add3A_72 = arith.constant 512 : i32
    %add3A_73 = arith.addi %mul3A_71, %add3A_72 : i32
    %mul3A_74 = arith.constant 10240 : i32
    %mul3A_75 = arith.muli %arg0, %mul3A_74 : i32
    %add3A_76 = arith.addi %mul3A_75, %add3A_73 : i32
    %dma_start3A_77 = arith.constant 0 : i32
    %dma_start3A_78 = tpu.memref_slice %arg3[%add3A_76, %dma_start3A_77] : memref<20480x128xf32, #tpu.memory_space<hbm>> -> memref<128x128xf32, #tpu.memory_space<hbm>>
    %dma_start3A_79 = arith.constant 0 : i32
    %dma_start3A_80 = tpu.memref_slice %arg6[%add3A_73, %dma_start3A_79] : memref<10240x128xf32, #tpu.memory_space<vmem_shared>> -> memref<128x128xf32, #tpu.memory_space<vmem_shared>>
    tpu.enqueue_dma source(%dma_start3A_80 : memref<128x128xf32, #tpu.memory_space<vmem_shared>>) target(%dma_start3A_78 : memref<128x128xf32, #tpu.memory_space<hbm>>) target_semaphore(%arg8 : memref<!tpu.dma_semaphore, #tpu.memory_space<semaphore_mem>>)
    %dma_wait3A = arith.constant 0 : i32
    %dma_wait3A_81 = arith.constant 0 : i32
    %dma_wait3A_82 = tpu.memref_slice %arg3[%dma_wait3A, %dma_wait3A_81] : memref<20480x128xf32, #tpu.memory_space<hbm>> -> memref<128x128xf32, #tpu.memory_space<hbm>>
    %dma_wait3A_83 = arith.constant 0 : i32
    %dma_wait3A_84 = arith.constant 0 : i32
    %dma_wait3A_85 = tpu.memref_slice %arg6[%dma_wait3A_83, %dma_wait3A_84] : memref<10240x128xf32, #tpu.memory_space<vmem_shared>> -> memref<128x128xf32, #tpu.memory_space<vmem_shared>>
    tpu.wait_dma2 semaphore(%arg8 : memref<!tpu.dma_semaphore, #tpu.memory_space<semaphore_mem>>) src(%dma_wait3A_85 : memref<128x128xf32, #tpu.memory_space<vmem_shared>>) dst(%dma_wait3A_82 : memref<128x128xf32, #tpu.memory_space<hbm>>)
    %dma_wait3A_86 = arith.constant 0 : i32
    %dma_wait3A_87 = arith.constant 0 : i32
    %dma_wait3A_88 = tpu.memref_slice %arg3[%dma_wait3A_86, %dma_wait3A_87] : memref<20480x128xf32, #tpu.memory_space<hbm>> -> memref<128x128xf32, #tpu.memory_space<hbm>>
    %dma_wait3A_89 = arith.constant 0 : i32
    %dma_wait3A_90 = arith.constant 0 : i32
    %dma_wait3A_91 = tpu.memref_slice %arg6[%dma_wait3A_89, %dma_wait3A_90] : memref<10240x128xf32, #tpu.memory_space<vmem_shared>> -> memref<128x128xf32, #tpu.memory_space<vmem_shared>>
    tpu.wait_dma2 semaphore(%arg8 : memref<!tpu.dma_semaphore, #tpu.memory_space<semaphore_mem>>) src(%dma_wait3A_91 : memref<128x128xf32, #tpu.memory_space<vmem_shared>>) dst(%dma_wait3A_88 : memref<128x128xf32, #tpu.memory_space<hbm>>)
    %dma_wait3A_92 = arith.constant 0 : i32
    %dma_wait3A_93 = arith.constant 0 : i32
    %dma_wait3A_94 = tpu.memref_slice %arg3[%dma_wait3A_92, %dma_wait3A_93] : memref<20480x128xf32, #tpu.memory_space<hbm>> -> memref<128x128xf32, #tpu.memory_space<hbm>>
    %dma_wait3A_95 = arith.constant 0 : i32
    %dma_wait3A_96 = arith.constant 0 : i32
    %dma_wait3A_97 = tpu.memref_slice %arg6[%dma_wait3A_95, %dma_wait3A_96] : memref<10240x128xf32, #tpu.memory_space<vmem_shared>> -> memref<128x128xf32, #tpu.memory_space<vmem_shared>>
    tpu.wait_dma2 semaphore(%arg8 : memref<!tpu.dma_semaphore, #tpu.memory_space<semaphore_mem>>) src(%dma_wait3A_97 : memref<128x128xf32, #tpu.memory_space<vmem_shared>>) dst(%dma_wait3A_94 : memref<128x128xf32, #tpu.memory_space<hbm>>)
    %dma_wait3A_98 = arith.constant 0 : i32
    %dma_wait3A_99 = arith.constant 0 : i32
    %dma_wait3A_100 = tpu.memref_slice %arg3[%dma_wait3A_98, %dma_wait3A_99] : memref<20480x128xf32, #tpu.memory_space<hbm>> -> memref<128x128xf32, #tpu.memory_space<hbm>>
    %dma_wait3A_101 = arith.constant 0 : i32
    %dma_wait3A_102 = arith.constant 0 : i32
    %dma_wait3A_103 = tpu.memref_slice %arg6[%dma_wait3A_101, %dma_wait3A_102] : memref<10240x128xf32, #tpu.memory_space<vmem_shared>> -> memref<128x128xf32, #tpu.memory_space<vmem_shared>>
    tpu.wait_dma2 semaphore(%arg8 : memref<!tpu.dma_semaphore, #tpu.memory_space<semaphore_mem>>) src(%dma_wait3A_103 : memref<128x128xf32, #tpu.memory_space<vmem_shared>>) dst(%dma_wait3A_100 : memref<128x128xf32, #tpu.memory_space<hbm>>)
    %dma_wait3A_104 = arith.constant 0 : i32
    %dma_wait3A_105 = arith.constant 0 : i32
    %dma_wait3A_106 = tpu.memref_slice %arg3[%dma_wait3A_104, %dma_wait3A_105] : memref<20480x128xf32, #tpu.memory_space<hbm>> -> memref<128x128xf32, #tpu.memory_space<hbm>>
    %dma_wait3A_107 = arith.constant 0 : i32
    %dma_wait3A_108 = arith.constant 0 : i32
    %dma_wait3A_109 = tpu.memref_slice %arg6[%dma_wait3A_107, %dma_wait3A_108] : memref<10240x128xf32, #tpu.memory_space<vmem_shared>> -> memref<128x128xf32, #tpu.memory_space<vmem_shared>>
    tpu.wait_dma2 semaphore(%arg8 : memref<!tpu.dma_semaphore, #tpu.memory_space<semaphore_mem>>) src(%dma_wait3A_109 : memref<128x128xf32, #tpu.memory_space<vmem_shared>>) dst(%dma_wait3A_106 : memref<128x128xf32, #tpu.memory_space<hbm>>)
    return
  }
}

#map = affine_map<(d0, d1) -> (0, 0)>
module attributes {stable_mosaic.version = 14 : i64} {
  func.func @_conv_body(%arg0: i32, %arg1: i32, %arg2: memref<10240x128xf32, #tpu.memory_space<hbm>>, %arg3: memref<2560x128xi32, #tpu.memory_space<hbm>>, %arg4: memref<2560x128xi32, #tpu.memory_space<hbm>>, %arg5: memref<20480x128xf32, #tpu.memory_space<hbm>>, %arg6: memref<128xi32, #tpu.memory_space<vmem>>, %arg7: memref<128xi32, #tpu.memory_space<vmem>>, %arg8: memref<80x128xi32, #tpu.memory_space<vmem>>, %arg9: memref<128x128xf32, #tpu.memory_space<vmem>>, %arg10: memref<128x128xf32, #tpu.memory_space<vmem>>, %arg11: memref<10240x128xf32, #tpu.memory_space<vmem_shared>>, %arg12: memref<!tpu.dma_semaphore, #tpu.memory_space<semaphore_mem>>, %arg13: memref<!tpu.dma_semaphore, #tpu.memory_space<semaphore_mem>>, %arg14: memref<!tpu.dma_semaphore, #tpu.memory_space<semaphore_mem>>, %arg15: memref<!tpu.dma_semaphore, #tpu.memory_space<semaphore_mem>>, %arg16: memref<!tpu.dma_semaphore, #tpu.memory_space<semaphore_mem>>, %arg17: memref<!tpu.dma_semaphore, #tpu.memory_space<semaphore_mem>>, %arg18: memref<!tpu.dma_semaphore, #tpu.memory_space<semaphore_mem>>) attributes {dimension_semantics = [#tpu.dimension_semantics<core_parallel>, #tpu.dimension_semantics<subcore_parallel>], iteration_bounds = array<i64: 2, 16>, scalar_prefetch = 0 : i64, scratch_operands = 13 : i64, tpu.core_type = #tpu.core_type<sc_vector_subcore>, window_params = [{transform_indices = #map}, {transform_indices = #map}, {transform_indices = #map}, {transform_indices = #map}]} {
    %mul3A = arith.constant 2 : i32
    %mul3A_0 = arith.muli %arg1, %mul3A : i32
    %add3A = arith.addi %mul3A_0, %arg0 : i32
    %scan3A = arith.constant 0 : i32
    %scan3A_1 = arith.constant 0 : i32
    %scan3A_2 = arith.constant 128 : i32
    %scan3A_3 = arith.addi %scan3A_1, %scan3A_2 : i32
    %scan3A_4 = arith.constant 1 : i32
    scf.for %scan3A_122 = %scan3A_1 to %scan3A_3 step %scan3A_4  : i32 {
      %broadcast_in_dim3A = arith.constant 0.000000e+00 : f32
      %broadcast_in_dim3A_123 = vector.broadcast %broadcast_in_dim3A : f32 to vector<16xf32>
      %swap3A = arith.index_cast %scan3A_122 : i32 to index
      %swap3A_124 = arith.constant 0 : index
      %swap3A_125 = tpu.vector_load %arg9[%swap3A, %swap3A_124] {strides = array<i32>} : memref<128x128xf32, #tpu.memory_space<vmem>>, vector<1x16xf32>,
      %swap3A_126 = vector.shape_cast %swap3A_125 : vector<1x16xf32> to vector<16xf32>
      %swap3A_127 = vector.shape_cast %broadcast_in_dim3A_123 : vector<16xf32> to vector<1x16xf32>
      tpu.vector_store %arg9[%swap3A, %swap3A_124], %swap3A_127 {strides = array<i32>} : memref<128x128xf32, #tpu.memory_space<vmem>>, vector<1x16xf32>,
      %broadcast_in_dim3A_128 = arith.constant 0.000000e+00 : f32
      %broadcast_in_dim3A_129 = vector.broadcast %broadcast_in_dim3A_128 : f32 to vector<16xf32>
      %swap3A_130 = arith.index_cast %scan3A_122 : i32 to index
      %swap3A_131 = arith.constant 16 : index
      %swap3A_132 = tpu.vector_load %arg9[%swap3A_130, %swap3A_131] {strides = array<i32>} : memref<128x128xf32, #tpu.memory_space<vmem>>, vector<1x16xf32>,
      %swap3A_133 = vector.shape_cast %swap3A_132 : vector<1x16xf32> to vector<16xf32>
      %swap3A_134 = vector.shape_cast %broadcast_in_dim3A_129 : vector<16xf32> to vector<1x16xf32>
      tpu.vector_store %arg9[%swap3A_130, %swap3A_131], %swap3A_134 {strides = array<i32>} : memref<128x128xf32, #tpu.memory_space<vmem>>, vector<1x16xf32>,
      %broadcast_in_dim3A_135 = arith.constant 0.000000e+00 : f32
      %broadcast_in_dim3A_136 = vector.broadcast %broadcast_in_dim3A_135 : f32 to vector<16xf32>
      %swap3A_137 = arith.index_cast %scan3A_122 : i32 to index
      %swap3A_138 = arith.constant 32 : index
      %swap3A_139 = tpu.vector_load %arg9[%swap3A_137, %swap3A_138] {strides = array<i32>} : memref<128x128xf32, #tpu.memory_space<vmem>>, vector<1x16xf32>,
      %swap3A_140 = vector.shape_cast %swap3A_139 : vector<1x16xf32> to vector<16xf32>
      %swap3A_141 = vector.shape_cast %broadcast_in_dim3A_136 : vector<16xf32> to vector<1x16xf32>
      tpu.vector_store %arg9[%swap3A_137, %swap3A_138], %swap3A_141 {strides = array<i32>} : memref<128x128xf32, #tpu.memory_space<vmem>>, vector<1x16xf32>,
      %broadcast_in_dim3A_142 = arith.constant 0.000000e+00 : f32
      %broadcast_in_dim3A_143 = vector.broadcast %broadcast_in_dim3A_142 : f32 to vector<16xf32>
      %swap3A_144 = arith.index_cast %scan3A_122 : i32 to index
      %swap3A_145 = arith.constant 48 : index
      %swap3A_146 = tpu.vector_load %arg9[%swap3A_144, %swap3A_145] {strides = array<i32>} : memref<128x128xf32, #tpu.memory_space<vmem>>, vector<1x16xf32>,
      %swap3A_147 = vector.shape_cast %swap3A_146 : vector<1x16xf32> to vector<16xf32>
      %swap3A_148 = vector.shape_cast %broadcast_in_dim3A_143 : vector<16xf32> to vector<1x16xf32>
      tpu.vector_store %arg9[%swap3A_144, %swap3A_145], %swap3A_148 {strides = array<i32>} : memref<128x128xf32, #tpu.memory_space<vmem>>, vector<1x16xf32>,
      %broadcast_in_dim3A_149 = arith.constant 0.000000e+00 : f32
      %broadcast_in_dim3A_150 = vector.broadcast %broadcast_in_dim3A_149 : f32 to vector<16xf32>
      %swap3A_151 = arith.index_cast %scan3A_122 : i32 to index
      %swap3A_152 = arith.constant 64 : index
      %swap3A_153 = tpu.vector_load %arg9[%swap3A_151, %swap3A_152] {strides = array<i32>} : memref<128x128xf32, #tpu.memory_space<vmem>>, vector<1x16xf32>,
      %swap3A_154 = vector.shape_cast %swap3A_153 : vector<1x16xf32> to vector<16xf32>
      %swap3A_155 = vector.shape_cast %broadcast_in_dim3A_150 : vector<16xf32> to vector<1x16xf32>
      tpu.vector_store %arg9[%swap3A_151, %swap3A_152], %swap3A_155 {strides = array<i32>} : memref<128x128xf32, #tpu.memory_space<vmem>>, vector<1x16xf32>,
      %broadcast_in_dim3A_156 = arith.constant 0.000000e+00 : f32
      %broadcast_in_dim3A_157 = vector.broadcast %broadcast_in_dim3A_156 : f32 to vector<16xf32>
      %swap3A_158 = arith.index_cast %scan3A_122 : i32 to index
      %swap3A_159 = arith.constant 80 : index
      %swap3A_160 = tpu.vector_load %arg9[%swap3A_158, %swap3A_159] {strides = array<i32>} : memref<128x128xf32, #tpu.memory_space<vmem>>, vector<1x16xf32>,
      %swap3A_161 = vector.shape_cast %swap3A_160 : vector<1x16xf32> to vector<16xf32>
      %swap3A_162 = vector.shape_cast %broadcast_in_dim3A_157 : vector<16xf32> to vector<1x16xf32>
      tpu.vector_store %arg9[%swap3A_158, %swap3A_159], %swap3A_162 {strides = array<i32>} : memref<128x128xf32, #tpu.memory_space<vmem>>, vector<1x16xf32>,
      %broadcast_in_dim3A_163 = arith.constant 0.000000e+00 : f32
      %broadcast_in_dim3A_164 = vector.broadcast %broadcast_in_dim3A_163 : f32 to vector<16xf32>
      %swap3A_165 = arith.index_cast %scan3A_122 : i32 to index
      %swap3A_166 = arith.constant 96 : index
      %swap3A_167 = tpu.vector_load %arg9[%swap3A_165, %swap3A_166] {strides = array<i32>} : memref<128x128xf32, #tpu.memory_space<vmem>>, vector<1x16xf32>,
      %swap3A_168 = vector.shape_cast %swap3A_167 : vector<1x16xf32> to vector<16xf32>
      %swap3A_169 = vector.shape_cast %broadcast_in_dim3A_164 : vector<16xf32> to vector<1x16xf32>
      tpu.vector_store %arg9[%swap3A_165, %swap3A_166], %swap3A_169 {strides = array<i32>} : memref<128x128xf32, #tpu.memory_space<vmem>>, vector<1x16xf32>,
      %broadcast_in_dim3A_170 = arith.constant 0.000000e+00 : f32
      %broadcast_in_dim3A_171 = vector.broadcast %broadcast_in_dim3A_170 : f32 to vector<16xf32>
      %swap3A_172 = arith.index_cast %scan3A_122 : i32 to index
      %swap3A_173 = arith.constant 112 : index
      %swap3A_174 = tpu.vector_load %arg9[%swap3A_172, %swap3A_173] {strides = array<i32>} : memref<128x128xf32, #tpu.memory_space<vmem>>, vector<1x16xf32>,
      %swap3A_175 = vector.shape_cast %swap3A_174 : vector<1x16xf32> to vector<16xf32>
      %swap3A_176 = vector.shape_cast %broadcast_in_dim3A_171 : vector<16xf32> to vector<1x16xf32>
      tpu.vector_store %arg9[%swap3A_172, %swap3A_173], %swap3A_176 {strides = array<i32>} : memref<128x128xf32, #tpu.memory_space<vmem>>, vector<1x16xf32>,
    }
    %scan3A_5 = arith.constant 128 : i32
    %scan3A_6 = arith.constant 0 : i32
    %scan3A_7 = arith.constant 0 : i32
    %scan3A_8 = arith.constant 5 : i32
    %scan3A_9 = arith.addi %scan3A_7, %scan3A_8 : i32
    %scan3A_10 = arith.constant 1 : i32
    scf.for %scan3A_122 = %scan3A_7 to %scan3A_9 step %scan3A_10  : i32 {
      %mul3A_123 = arith.constant 640 : i32
      %mul3A_124 = arith.muli %arg1, %mul3A_123 : i32
      %mul3A_125 = arith.constant 128 : i32
      %mul3A_126 = arith.muli %scan3A_122, %mul3A_125 : i32
      %add3A_127 = arith.addi %mul3A_124, %mul3A_126 : i32
      "tpu.region"() ({
        %run_scoped3A = tpu.sem_alloc : memref<!tpu.dma_semaphore, #tpu.memory_space<semaphore_mem>>
        %dma_start3A_128 = arith.constant 0 : i32
        %dma_start3A_129 = tpu.memref_slice %arg11[%add3A_127, %dma_start3A_128] : memref<10240x128xf32, #tpu.memory_space<vmem_shared>> -> memref<128x128xf32, #tpu.memory_space<vmem_shared>>
        %dma_start3A_130 = arith.constant 0 : i32
        %dma_start3A_131 = tpu.memref_slice %arg11[%add3A_127, %dma_start3A_130] : memref<10240x128xf32, #tpu.memory_space<vmem_shared>> -> memref<128x128xf32, #tpu.memory_space<vmem_shared>>
        tpu.enqueue_dma source(%arg9 : memref<128x128xf32, #tpu.memory_space<vmem>>) target(%dma_start3A_131 : memref<128x128xf32, #tpu.memory_space<vmem_shared>>) target_semaphore(%run_scoped3A : memref<!tpu.dma_semaphore, #tpu.memory_space<semaphore_mem>>)
        %dma_wait3A_132 = arith.constant 0 : i32
        %dma_wait3A_133 = tpu.memref_slice %arg11[%add3A_127, %dma_wait3A_132] : memref<10240x128xf32, #tpu.memory_space<vmem_shared>> -> memref<128x128xf32, #tpu.memory_space<vmem_shared>>
        %dma_wait3A_134 = arith.constant 0 : i32
        %dma_wait3A_135 = tpu.memref_slice %arg11[%add3A_127, %dma_wait3A_134] : memref<10240x128xf32, #tpu.memory_space<vmem_shared>> -> memref<128x128xf32, #tpu.memory_space<vmem_shared>>
        tpu.wait_dma2 semaphore(%run_scoped3A : memref<!tpu.dma_semaphore, #tpu.memory_space<semaphore_mem>>) src(%arg9 : memref<128x128xf32, #tpu.memory_space<vmem>>) dst(%dma_wait3A_135 : memref<128x128xf32, #tpu.memory_space<vmem_shared>>)
        tpu.yield
      }) : () -> ()
    }
    %scan3A_11 = arith.constant 5 : i32
    %mul3A_12 = arith.constant 80 : i32
    %mul3A_13 = arith.muli %add3A, %mul3A_12 : i32
    "tpu.region"() ({
      %run_scoped3A = tpu.sem_alloc : memref<!tpu.dma_semaphore, #tpu.memory_space<semaphore_mem>>
      %dma_start3A_122 = arith.constant 0 : i32
      %dma_start3A_123 = tpu.memref_slice %arg4[%mul3A_13, %dma_start3A_122] : memref<2560x128xi32, #tpu.memory_space<hbm>> -> memref<80x128xi32, #tpu.memory_space<hbm>>
      %dma_start3A_124 = arith.constant 0 : i32
      %dma_start3A_125 = tpu.memref_slice %arg4[%mul3A_13, %dma_start3A_124] : memref<2560x128xi32, #tpu.memory_space<hbm>> -> memref<80x128xi32, #tpu.memory_space<hbm>>
      tpu.enqueue_dma source(%dma_start3A_125 : memref<80x128xi32, #tpu.memory_space<hbm>>) target(%arg8 : memref<80x128xi32, #tpu.memory_space<vmem>>) target_semaphore(%run_scoped3A : memref<!tpu.dma_semaphore, #tpu.memory_space<semaphore_mem>>)
      %dma_wait3A_126 = arith.constant 0 : i32
      %dma_wait3A_127 = tpu.memref_slice %arg4[%mul3A_13, %dma_wait3A_126] : memref<2560x128xi32, #tpu.memory_space<hbm>> -> memref<80x128xi32, #tpu.memory_space<hbm>>
      %dma_wait3A_128 = arith.constant 0 : i32
      %dma_wait3A_129 = tpu.memref_slice %arg4[%mul3A_13, %dma_wait3A_128] : memref<2560x128xi32, #tpu.memory_space<hbm>> -> memref<80x128xi32, #tpu.memory_space<hbm>>
      tpu.wait_dma2 semaphore(%run_scoped3A : memref<!tpu.dma_semaphore, #tpu.memory_space<semaphore_mem>>) src(%dma_wait3A_129 : memref<80x128xi32, #tpu.memory_space<hbm>>) dst(%arg8 : memref<80x128xi32, #tpu.memory_space<vmem>>)
      tpu.yield
    }) : () -> ()
    %barrier3A = arith.constant 0 : index
    tpu.barrier barrier_id(%barrier3A)
    %mul3A_14 = arith.constant 80 : i32
    %mul3A_15 = arith.muli %add3A, %mul3A_14 : i32
    %dma_start3A = arith.constant 0 : i32
    %dma_start3A_16 = tpu.memref_slice %arg3[%mul3A_15, %dma_start3A] : memref<2560x128xi32, #tpu.memory_space<hbm>> -> memref<1x128xi32, #tpu.memory_space<hbm>>
    %dma_start3A_17 = tpu.memref_squeeze %dma_start3A_16 : memref<1x128xi32, #tpu.memory_space<hbm>> -> memref<128xi32, #tpu.memory_space<hbm>>
    %dma_start3A_18 = arith.constant 0 : i32
    %dma_start3A_19 = tpu.memref_slice %arg3[%mul3A_15, %dma_start3A_18] : memref<2560x128xi32, #tpu.memory_space<hbm>> -> memref<1x128xi32, #tpu.memory_space<hbm>>
    %dma_start3A_20 = tpu.memref_squeeze %dma_start3A_19 : memref<1x128xi32, #tpu.memory_space<hbm>> -> memref<128xi32, #tpu.memory_space<hbm>>
    tpu.enqueue_dma source(%dma_start3A_20 : memref<128xi32, #tpu.memory_space<hbm>>) target(%arg6 : memref<128xi32, #tpu.memory_space<vmem>>) target_semaphore(%arg12 : memref<!tpu.dma_semaphore, #tpu.memory_space<semaphore_mem>>)
    %mul3A_21 = arith.constant 80 : i32
    %mul3A_22 = arith.muli %add3A, %mul3A_21 : i32
    %add3A_23 = arith.constant 1 : i32
    %add3A_24 = arith.addi %mul3A_22, %add3A_23 : i32
    %dma_start3A_25 = arith.constant 0 : i32
    %dma_start3A_26 = tpu.memref_slice %arg3[%add3A_24, %dma_start3A_25] : memref<2560x128xi32, #tpu.memory_space<hbm>> -> memref<1x128xi32, #tpu.memory_space<hbm>>
    %dma_start3A_27 = tpu.memref_squeeze %dma_start3A_26 : memref<1x128xi32, #tpu.memory_space<hbm>> -> memref<128xi32, #tpu.memory_space<hbm>>
    %dma_start3A_28 = arith.constant 0 : i32
    %dma_start3A_29 = tpu.memref_slice %arg3[%add3A_24, %dma_start3A_28] : memref<2560x128xi32, #tpu.memory_space<hbm>> -> memref<1x128xi32, #tpu.memory_space<hbm>>
    %dma_start3A_30 = tpu.memref_squeeze %dma_start3A_29 : memref<1x128xi32, #tpu.memory_space<hbm>> -> memref<128xi32, #tpu.memory_space<hbm>>
    tpu.enqueue_dma source(%dma_start3A_30 : memref<128xi32, #tpu.memory_space<hbm>>) target(%arg7 : memref<128xi32, #tpu.memory_space<vmem>>) target_semaphore(%arg13 : memref<!tpu.dma_semaphore, #tpu.memory_space<semaphore_mem>>)
    %scan3A_31 = arith.constant 0 : i32
    %scan3A_32 = arith.constant 0 : i32
    %scan3A_33 = arith.constant 40 : i32
    %scan3A_34 = arith.addi %scan3A_32, %scan3A_33 : i32
    %scan3A_35 = arith.constant 1 : i32
    scf.for %scan3A_122 = %scan3A_32 to %scan3A_34 step %scan3A_35  : i32 {
      %dma_wait3A_123 = arith.constant 0 : i32
      %dma_wait3A_124 = arith.constant 0 : i32
      %dma_wait3A_125 = tpu.memref_slice %arg3[%dma_wait3A_123, %dma_wait3A_124] : memref<2560x128xi32, #tpu.memory_space<hbm>> -> memref<1x128xi32, #tpu.memory_space<hbm>>
      %dma_wait3A_126 = tpu.memref_squeeze %dma_wait3A_125 : memref<1x128xi32, #tpu.memory_space<hbm>> -> memref<128xi32, #tpu.memory_space<hbm>>
      %dma_wait3A_127 = arith.constant 0 : i32
      %dma_wait3A_128 = tpu.memref_slice %arg3[%dma_wait3A_123, %dma_wait3A_127] : memref<2560x128xi32, #tpu.memory_space<hbm>> -> memref<1x128xi32, #tpu.memory_space<hbm>>
      %dma_wait3A_129 = tpu.memref_squeeze %dma_wait3A_128 : memref<1x128xi32, #tpu.memory_space<hbm>> -> memref<128xi32, #tpu.memory_space<hbm>>
      tpu.wait_dma2 semaphore(%arg12 : memref<!tpu.dma_semaphore, #tpu.memory_space<semaphore_mem>>) src(%dma_wait3A_129 : memref<128xi32, #tpu.memory_space<hbm>>) dst(%arg6 : memref<128xi32, #tpu.memory_space<vmem>>)
      %dma_start3A_130 = arith.constant 0 : i32
      %dma_start3A_131 = arith.constant 0 : i32
      %dma_start3A_132 = tpu.memref_slice %arg2[%dma_start3A_130, %dma_start3A_131] : memref<10240x128xf32, #tpu.memory_space<hbm>> -> memref<10240x128xf32, #tpu.memory_space<hbm>>
      tpu.enqueue_indirect_dma source(%dma_start3A_132 : memref<10240x128xf32, #tpu.memory_space<hbm>>) target(%arg9 : memref<128x128xf32, #tpu.memory_space<vmem>>) offsets(%arg6 : memref<128xi32, #tpu.memory_space<vmem>>) semaphore(%arg14 : memref<!tpu.dma_semaphore, #tpu.memory_space<semaphore_mem>>)
      %dma_wait3A_133 = arith.constant 0 : i32
      %dma_wait3A_134 = arith.constant 0 : i32
      %dma_wait3A_135 = tpu.memref_slice %arg3[%dma_wait3A_133, %dma_wait3A_134] : memref<2560x128xi32, #tpu.memory_space<hbm>> -> memref<1x128xi32, #tpu.memory_space<hbm>>
      %dma_wait3A_136 = tpu.memref_squeeze %dma_wait3A_135 : memref<1x128xi32, #tpu.memory_space<hbm>> -> memref<128xi32, #tpu.memory_space<hbm>>
      %dma_wait3A_137 = arith.constant 0 : i32
      %dma_wait3A_138 = tpu.memref_slice %arg3[%dma_wait3A_133, %dma_wait3A_137] : memref<2560x128xi32, #tpu.memory_space<hbm>> -> memref<1x128xi32, #tpu.memory_space<hbm>>
      %dma_wait3A_139 = tpu.memref_squeeze %dma_wait3A_138 : memref<1x128xi32, #tpu.memory_space<hbm>> -> memref<128xi32, #tpu.memory_space<hbm>>
      tpu.wait_dma2 semaphore(%arg13 : memref<!tpu.dma_semaphore, #tpu.memory_space<semaphore_mem>>) src(%dma_wait3A_139 : memref<128xi32, #tpu.memory_space<hbm>>) dst(%arg7 : memref<128xi32, #tpu.memory_space<vmem>>)
      %dma_start3A_140 = arith.constant 0 : i32
      %dma_start3A_141 = arith.constant 0 : i32
      %dma_start3A_142 = tpu.memref_slice %arg2[%dma_start3A_140, %dma_start3A_141] : memref<10240x128xf32, #tpu.memory_space<hbm>> -> memref<10240x128xf32, #tpu.memory_space<hbm>>
      tpu.enqueue_indirect_dma source(%dma_start3A_142 : memref<10240x128xf32, #tpu.memory_space<hbm>>) target(%arg10 : memref<128x128xf32, #tpu.memory_space<vmem>>) offsets(%arg7 : memref<128xi32, #tpu.memory_space<vmem>>) semaphore(%arg15 : memref<!tpu.dma_semaphore, #tpu.memory_space<semaphore_mem>>)
      %dma_wait3A_143 = arith.constant 0 : i32
      %dma_wait3A_144 = arith.constant 0 : i32
      %dma_wait3A_145 = tpu.memref_slice %arg2[%dma_wait3A_143, %dma_wait3A_144] : memref<10240x128xf32, #tpu.memory_space<hbm>> -> memref<10240x128xf32, #tpu.memory_space<hbm>>
      tpu.wait_indirect_dma semaphore(%arg14 : memref<!tpu.dma_semaphore, #tpu.memory_space<semaphore_mem>>) src(%dma_wait3A_145 : memref<10240x128xf32, #tpu.memory_space<hbm>>) dst(%arg9 : memref<128x128xf32, #tpu.memory_space<vmem>>)
      %mul3A_146 = arith.constant 2 : i32
      %mul3A_147 = arith.muli %mul3A_146, %scan3A_122 : i32
      %dma_start3A_148 = arith.constant 0 : i32
      %dma_start3A_149 = tpu.memref_slice %arg8[%mul3A_147, %dma_start3A_148] : memref<80x128xi32, #tpu.memory_space<vmem>> -> memref<1x128xi32, #tpu.memory_space<vmem>>
      %dma_start3A_150 = tpu.memref_squeeze %dma_start3A_149 : memref<1x128xi32, #tpu.memory_space<vmem>> -> memref<128xi32, #tpu.memory_space<vmem>>
      %dma_start3A_151 = arith.constant 0 : i32
      %dma_start3A_152 = arith.constant 0 : i32
      %dma_start3A_153 = tpu.memref_slice %arg11[%dma_start3A_151, %dma_start3A_152] : memref<10240x128xf32, #tpu.memory_space<vmem_shared>> -> memref<10240x128xf32, #tpu.memory_space<vmem_shared>>
      tpu.enqueue_indirect_dma source(%arg9 : memref<128x128xf32, #tpu.memory_space<vmem>>) target(%dma_start3A_153 : memref<10240x128xf32, #tpu.memory_space<vmem_shared>>) offsets(%dma_start3A_150 : memref<128xi32, #tpu.memory_space<vmem>>) semaphore(%arg16 : memref<!tpu.dma_semaphore, #tpu.memory_space<semaphore_mem>>) {add = true}
      %lt3A = arith.constant 39 : i32
      %lt3A_154 = arith.cmpi slt, %scan3A_122, %lt3A : i32
      %convert_element_type3A = arith.extui %lt3A_154 : i1 to i32
      %cond3A = arith.constant 0 : i32
      %cond3A_155 = arith.cmpi ne, %convert_element_type3A, %cond3A : i32
      scf.if %cond3A_155 {
        %mul3A_188 = arith.constant 80 : i32
        %mul3A_189 = arith.muli %add3A, %mul3A_188 : i32
        %mul3A_190 = arith.constant 2 : i32
        %mul3A_191 = arith.muli %mul3A_190, %scan3A_122 : i32
        %add3A_192 = arith.addi %mul3A_189, %mul3A_191 : i32
        %add3A_193 = arith.constant 2 : i32
        %add3A_194 = arith.addi %add3A_192, %add3A_193 : i32
        %dma_start3A_195 = arith.constant 0 : i32
        %dma_start3A_196 = tpu.memref_slice %arg3[%add3A_194, %dma_start3A_195] : memref<2560x128xi32, #tpu.memory_space<hbm>> -> memref<1x128xi32, #tpu.memory_space<hbm>>
        %dma_start3A_197 = tpu.memref_squeeze %dma_start3A_196 : memref<1x128xi32, #tpu.memory_space<hbm>> -> memref<128xi32, #tpu.memory_space<hbm>>
        %dma_start3A_198 = arith.constant 0 : i32
        %dma_start3A_199 = tpu.memref_slice %arg3[%add3A_194, %dma_start3A_198] : memref<2560x128xi32, #tpu.memory_space<hbm>> -> memref<1x128xi32, #tpu.memory_space<hbm>>
        %dma_start3A_200 = tpu.memref_squeeze %dma_start3A_199 : memref<1x128xi32, #tpu.memory_space<hbm>> -> memref<128xi32, #tpu.memory_space<hbm>>
        tpu.enqueue_dma source(%dma_start3A_200 : memref<128xi32, #tpu.memory_space<hbm>>) target(%arg6 : memref<128xi32, #tpu.memory_space<vmem>>) target_semaphore(%arg12 : memref<!tpu.dma_semaphore, #tpu.memory_space<semaphore_mem>>)
      } else {
      }
      %dma_wait3A_156 = arith.constant 0 : i32
      %dma_wait3A_157 = arith.constant 0 : i32
      %dma_wait3A_158 = tpu.memref_slice %arg2[%dma_wait3A_156, %dma_wait3A_157] : memref<10240x128xf32, #tpu.memory_space<hbm>> -> memref<10240x128xf32, #tpu.memory_space<hbm>>
      tpu.wait_indirect_dma semaphore(%arg15 : memref<!tpu.dma_semaphore, #tpu.memory_space<semaphore_mem>>) src(%dma_wait3A_158 : memref<10240x128xf32, #tpu.memory_space<hbm>>) dst(%arg10 : memref<128x128xf32, #tpu.memory_space<vmem>>)
      %mul3A_159 = arith.constant 2 : i32
      %mul3A_160 = arith.muli %mul3A_159, %scan3A_122 : i32
      %add3A_161 = arith.constant 1 : i32
      %add3A_162 = arith.addi %mul3A_160, %add3A_161 : i32
      %dma_start3A_163 = arith.constant 0 : i32
      %dma_start3A_164 = tpu.memref_slice %arg8[%add3A_162, %dma_start3A_163] : memref<80x128xi32, #tpu.memory_space<vmem>> -> memref<1x128xi32, #tpu.memory_space<vmem>>
      %dma_start3A_165 = tpu.memref_squeeze %dma_start3A_164 : memref<1x128xi32, #tpu.memory_space<vmem>> -> memref<128xi32, #tpu.memory_space<vmem>>
      %dma_start3A_166 = arith.constant 0 : i32
      %dma_start3A_167 = arith.constant 0 : i32
      %dma_start3A_168 = tpu.memref_slice %arg11[%dma_start3A_166, %dma_start3A_167] : memref<10240x128xf32, #tpu.memory_space<vmem_shared>> -> memref<10240x128xf32, #tpu.memory_space<vmem_shared>>
      tpu.enqueue_indirect_dma source(%arg10 : memref<128x128xf32, #tpu.memory_space<vmem>>) target(%dma_start3A_168 : memref<10240x128xf32, #tpu.memory_space<vmem_shared>>) offsets(%dma_start3A_165 : memref<128xi32, #tpu.memory_space<vmem>>) semaphore(%arg17 : memref<!tpu.dma_semaphore, #tpu.memory_space<semaphore_mem>>) {add = true}
      %lt3A_169 = arith.constant 39 : i32
      %lt3A_170 = arith.cmpi slt, %scan3A_122, %lt3A_169 : i32
      %convert_element_type3A_171 = arith.extui %lt3A_170 : i1 to i32
      %cond3A_172 = arith.constant 0 : i32
      %cond3A_173 = arith.cmpi ne, %convert_element_type3A_171, %cond3A_172 : i32
      scf.if %cond3A_173 {
        %mul3A_188 = arith.constant 80 : i32
        %mul3A_189 = arith.muli %add3A, %mul3A_188 : i32
        %mul3A_190 = arith.constant 2 : i32
        %mul3A_191 = arith.muli %mul3A_190, %scan3A_122 : i32
        %add3A_192 = arith.addi %mul3A_189, %mul3A_191 : i32
        %add3A_193 = arith.constant 3 : i32
        %add3A_194 = arith.addi %add3A_192, %add3A_193 : i32
        %dma_start3A_195 = arith.constant 0 : i32
        %dma_start3A_196 = tpu.memref_slice %arg3[%add3A_194, %dma_start3A_195] : memref<2560x128xi32, #tpu.memory_space<hbm>> -> memref<1x128xi32, #tpu.memory_space<hbm>>
        %dma_start3A_197 = tpu.memref_squeeze %dma_start3A_196 : memref<1x128xi32, #tpu.memory_space<hbm>> -> memref<128xi32, #tpu.memory_space<hbm>>
        %dma_start3A_198 = arith.constant 0 : i32
        %dma_start3A_199 = tpu.memref_slice %arg3[%add3A_194, %dma_start3A_198] : memref<2560x128xi32, #tpu.memory_space<hbm>> -> memref<1x128xi32, #tpu.memory_space<hbm>>
        %dma_start3A_200 = tpu.memref_squeeze %dma_start3A_199 : memref<1x128xi32, #tpu.memory_space<hbm>> -> memref<128xi32, #tpu.memory_space<hbm>>
        tpu.enqueue_dma source(%dma_start3A_200 : memref<128xi32, #tpu.memory_space<hbm>>) target(%arg7 : memref<128xi32, #tpu.memory_space<vmem>>) target_semaphore(%arg13 : memref<!tpu.dma_semaphore, #tpu.memory_space<semaphore_mem>>)
      } else {
      }
      %dma_wait3A_174 = arith.constant 0 : i32
      %dma_wait3A_175 = arith.constant 0 : i32
      %dma_wait3A_176 = tpu.memref_slice %arg8[%dma_wait3A_174, %dma_wait3A_175] : memref<80x128xi32, #tpu.memory_space<vmem>> -> memref<1x128xi32, #tpu.memory_space<vmem>>
      %dma_wait3A_177 = tpu.memref_squeeze %dma_wait3A_176 : memref<1x128xi32, #tpu.memory_space<vmem>> -> memref<128xi32, #tpu.memory_space<vmem>>
      %dma_wait3A_178 = arith.constant 0 : i32
      %dma_wait3A_179 = arith.constant 0 : i32
      %dma_wait3A_180 = tpu.memref_slice %arg11[%dma_wait3A_178, %dma_wait3A_179] : memref<10240x128xf32, #tpu.memory_space<vmem_shared>> -> memref<10240x128xf32, #tpu.memory_space<vmem_shared>>
      tpu.wait_indirect_dma semaphore(%arg16 : memref<!tpu.dma_semaphore, #tpu.memory_space<semaphore_mem>>) src(%arg9 : memref<128x128xf32, #tpu.memory_space<vmem>>) dst(%dma_wait3A_180 : memref<10240x128xf32, #tpu.memory_space<vmem_shared>>)
      %dma_wait3A_181 = arith.constant 0 : i32
      %dma_wait3A_182 = arith.constant 0 : i32
      %dma_wait3A_183 = tpu.memref_slice %arg8[%dma_wait3A_181, %dma_wait3A_182] : memref<80x128xi32, #tpu.memory_space<vmem>> -> memref<1x128xi32, #tpu.memory_space<vmem>>
      %dma_wait3A_184 = tpu.memref_squeeze %dma_wait3A_183 : memref<1x128xi32, #tpu.memory_space<vmem>> -> memref<128xi32, #tpu.memory_space<vmem>>
      %dma_wait3A_185 = arith.constant 0 : i32
      %dma_wait3A_186 = arith.constant 0 : i32
      %dma_wait3A_187 = tpu.memref_slice %arg11[%dma_wait3A_185, %dma_wait3A_186] : memref<10240x128xf32, #tpu.memory_space<vmem_shared>> -> memref<10240x128xf32, #tpu.memory_space<vmem_shared>>
      tpu.wait_indirect_dma semaphore(%arg17 : memref<!tpu.dma_semaphore, #tpu.memory_space<semaphore_mem>>) src(%arg10 : memref<128x128xf32, #tpu.memory_space<vmem>>) dst(%dma_wait3A_187 : memref<10240x128xf32, #tpu.memory_space<vmem_shared>>)
    }
    %scan3A_36 = arith.constant 40 : i32
    %barrier3A_37 = arith.constant 0 : index
    tpu.barrier barrier_id(%barrier3A_37)
    %mul3A_38 = arith.constant 640 : i32
    %mul3A_39 = arith.muli %arg1, %mul3A_38 : i32
    %add3A_40 = arith.constant 0 : i32
    %add3A_41 = arith.addi %mul3A_39, %add3A_40 : i32
    %mul3A_42 = arith.constant 10240 : i32
    %mul3A_43 = arith.muli %arg0, %mul3A_42 : i32
    %add3A_44 = arith.addi %mul3A_43, %add3A_41 : i32
    %dma_start3A_45 = arith.constant 0 : i32
    %dma_start3A_46 = tpu.memref_slice %arg5[%add3A_44, %dma_start3A_45] : memref<20480x128xf32, #tpu.memory_space<hbm>> -> memref<128x128xf32, #tpu.memory_space<hbm>>
    %dma_start3A_47 = arith.constant 0 : i32
    %dma_start3A_48 = tpu.memref_slice %arg11[%add3A_41, %dma_start3A_47] : memref<10240x128xf32, #tpu.memory_space<vmem_shared>> -> memref<128x128xf32, #tpu.memory_space<vmem_shared>>
    tpu.enqueue_dma source(%dma_start3A_48 : memref<128x128xf32, #tpu.memory_space<vmem_shared>>) target(%dma_start3A_46 : memref<128x128xf32, #tpu.memory_space<hbm>>) target_semaphore(%arg18 : memref<!tpu.dma_semaphore, #tpu.memory_space<semaphore_mem>>)
    %mul3A_49 = arith.constant 640 : i32
    %mul3A_50 = arith.muli %arg1, %mul3A_49 : i32
    %add3A_51 = arith.constant 128 : i32
    %add3A_52 = arith.addi %mul3A_50, %add3A_51 : i32
    %mul3A_53 = arith.constant 10240 : i32
    %mul3A_54 = arith.muli %arg0, %mul3A_53 : i32
    %add3A_55 = arith.addi %mul3A_54, %add3A_52 : i32
    %dma_start3A_56 = arith.constant 0 : i32
    %dma_start3A_57 = tpu.memref_slice %arg5[%add3A_55, %dma_start3A_56] : memref<20480x128xf32, #tpu.memory_space<hbm>> -> memref<128x128xf32, #tpu.memory_space<hbm>>
    %dma_start3A_58 = arith.constant 0 : i32
    %dma_start3A_59 = tpu.memref_slice %arg11[%add3A_52, %dma_start3A_58] : memref<10240x128xf32, #tpu.memory_space<vmem_shared>> -> memref<128x128xf32, #tpu.memory_space<vmem_shared>>
    tpu.enqueue_dma source(%dma_start3A_59 : memref<128x128xf32, #tpu.memory_space<vmem_shared>>) target(%dma_start3A_57 : memref<128x128xf32, #tpu.memory_space<hbm>>) target_semaphore(%arg18 : memref<!tpu.dma_semaphore, #tpu.memory_space<semaphore_mem>>)
    %mul3A_60 = arith.constant 640 : i32
    %mul3A_61 = arith.muli %arg1, %mul3A_60 : i32
    %add3A_62 = arith.constant 256 : i32
    %add3A_63 = arith.addi %mul3A_61, %add3A_62 : i32
    %mul3A_64 = arith.constant 10240 : i32
    %mul3A_65 = arith.muli %arg0, %mul3A_64 : i32
    %add3A_66 = arith.addi %mul3A_65, %add3A_63 : i32
    %dma_start3A_67 = arith.constant 0 : i32
    %dma_start3A_68 = tpu.memref_slice %arg5[%add3A_66, %dma_start3A_67] : memref<20480x128xf32, #tpu.memory_space<hbm>> -> memref<128x128xf32, #tpu.memory_space<hbm>>
    %dma_start3A_69 = arith.constant 0 : i32
    %dma_start3A_70 = tpu.memref_slice %arg11[%add3A_63, %dma_start3A_69] : memref<10240x128xf32, #tpu.memory_space<vmem_shared>> -> memref<128x128xf32, #tpu.memory_space<vmem_shared>>
    tpu.enqueue_dma source(%dma_start3A_70 : memref<128x128xf32, #tpu.memory_space<vmem_shared>>) target(%dma_start3A_68 : memref<128x128xf32, #tpu.memory_space<hbm>>) target_semaphore(%arg18 : memref<!tpu.dma_semaphore, #tpu.memory_space<semaphore_mem>>)
    %mul3A_71 = arith.constant 640 : i32
    %mul3A_72 = arith.muli %arg1, %mul3A_71 : i32
    %add3A_73 = arith.constant 384 : i32
    %add3A_74 = arith.addi %mul3A_72, %add3A_73 : i32
    %mul3A_75 = arith.constant 10240 : i32
    %mul3A_76 = arith.muli %arg0, %mul3A_75 : i32
    %add3A_77 = arith.addi %mul3A_76, %add3A_74 : i32
    %dma_start3A_78 = arith.constant 0 : i32
    %dma_start3A_79 = tpu.memref_slice %arg5[%add3A_77, %dma_start3A_78] : memref<20480x128xf32, #tpu.memory_space<hbm>> -> memref<128x128xf32, #tpu.memory_space<hbm>>
    %dma_start3A_80 = arith.constant 0 : i32
    %dma_start3A_81 = tpu.memref_slice %arg11[%add3A_74, %dma_start3A_80] : memref<10240x128xf32, #tpu.memory_space<vmem_shared>> -> memref<128x128xf32, #tpu.memory_space<vmem_shared>>
    tpu.enqueue_dma source(%dma_start3A_81 : memref<128x128xf32, #tpu.memory_space<vmem_shared>>) target(%dma_start3A_79 : memref<128x128xf32, #tpu.memory_space<hbm>>) target_semaphore(%arg18 : memref<!tpu.dma_semaphore, #tpu.memory_space<semaphore_mem>>)
    %mul3A_82 = arith.constant 640 : i32
    %mul3A_83 = arith.muli %arg1, %mul3A_82 : i32
    %add3A_84 = arith.constant 512 : i32
    %add3A_85 = arith.addi %mul3A_83, %add3A_84 : i32
    %mul3A_86 = arith.constant 10240 : i32
    %mul3A_87 = arith.muli %arg0, %mul3A_86 : i32
    %add3A_88 = arith.addi %mul3A_87, %add3A_85 : i32
    %dma_start3A_89 = arith.constant 0 : i32
    %dma_start3A_90 = tpu.memref_slice %arg5[%add3A_88, %dma_start3A_89] : memref<20480x128xf32, #tpu.memory_space<hbm>> -> memref<128x128xf32, #tpu.memory_space<hbm>>
    %dma_start3A_91 = arith.constant 0 : i32
    %dma_start3A_92 = tpu.memref_slice %arg11[%add3A_85, %dma_start3A_91] : memref<10240x128xf32, #tpu.memory_space<vmem_shared>> -> memref<128x128xf32, #tpu.memory_space<vmem_shared>>
    tpu.enqueue_dma source(%dma_start3A_92 : memref<128x128xf32, #tpu.memory_space<vmem_shared>>) target(%dma_start3A_90 : memref<128x128xf32, #tpu.memory_space<hbm>>) target_semaphore(%arg18 : memref<!tpu.dma_semaphore, #tpu.memory_space<semaphore_mem>>)
    %dma_wait3A = arith.constant 0 : i32
    %dma_wait3A_93 = arith.constant 0 : i32
    %dma_wait3A_94 = tpu.memref_slice %arg5[%dma_wait3A, %dma_wait3A_93] : memref<20480x128xf32, #tpu.memory_space<hbm>> -> memref<128x128xf32, #tpu.memory_space<hbm>>
    %dma_wait3A_95 = arith.constant 0 : i32
    %dma_wait3A_96 = arith.constant 0 : i32
    %dma_wait3A_97 = tpu.memref_slice %arg11[%dma_wait3A_95, %dma_wait3A_96] : memref<10240x128xf32, #tpu.memory_space<vmem_shared>> -> memref<128x128xf32, #tpu.memory_space<vmem_shared>>
    tpu.wait_dma2 semaphore(%arg18 : memref<!tpu.dma_semaphore, #tpu.memory_space<semaphore_mem>>) src(%dma_wait3A_97 : memref<128x128xf32, #tpu.memory_space<vmem_shared>>) dst(%dma_wait3A_94 : memref<128x128xf32, #tpu.memory_space<hbm>>)
    %dma_wait3A_98 = arith.constant 0 : i32
    %dma_wait3A_99 = arith.constant 0 : i32
    %dma_wait3A_100 = tpu.memref_slice %arg5[%dma_wait3A_98, %dma_wait3A_99] : memref<20480x128xf32, #tpu.memory_space<hbm>> -> memref<128x128xf32, #tpu.memory_space<hbm>>
    %dma_wait3A_101 = arith.constant 0 : i32
    %dma_wait3A_102 = arith.constant 0 : i32
    %dma_wait3A_103 = tpu.memref_slice %arg11[%dma_wait3A_101, %dma_wait3A_102] : memref<10240x128xf32, #tpu.memory_space<vmem_shared>> -> memref<128x128xf32, #tpu.memory_space<vmem_shared>>
    tpu.wait_dma2 semaphore(%arg18 : memref<!tpu.dma_semaphore, #tpu.memory_space<semaphore_mem>>) src(%dma_wait3A_103 : memref<128x128xf32, #tpu.memory_space<vmem_shared>>) dst(%dma_wait3A_100 : memref<128x128xf32, #tpu.memory_space<hbm>>)
    %dma_wait3A_104 = arith.constant 0 : i32
    %dma_wait3A_105 = arith.constant 0 : i32
    %dma_wait3A_106 = tpu.memref_slice %arg5[%dma_wait3A_104, %dma_wait3A_105] : memref<20480x128xf32, #tpu.memory_space<hbm>> -> memref<128x128xf32, #tpu.memory_space<hbm>>
    %dma_wait3A_107 = arith.constant 0 : i32
    %dma_wait3A_108 = arith.constant 0 : i32
    %dma_wait3A_109 = tpu.memref_slice %arg11[%dma_wait3A_107, %dma_wait3A_108] : memref<10240x128xf32, #tpu.memory_space<vmem_shared>> -> memref<128x128xf32, #tpu.memory_space<vmem_shared>>
    tpu.wait_dma2 semaphore(%arg18 : memref<!tpu.dma_semaphore, #tpu.memory_space<semaphore_mem>>) src(%dma_wait3A_109 : memref<128x128xf32, #tpu.memory_space<vmem_shared>>) dst(%dma_wait3A_106 : memref<128x128xf32, #tpu.memory_space<hbm>>)
    %dma_wait3A_110 = arith.constant 0 : i32
    %dma_wait3A_111 = arith.constant 0 : i32
    %dma_wait3A_112 = tpu.memref_slice %arg5[%dma_wait3A_110, %dma_wait3A_111] : memref<20480x128xf32, #tpu.memory_space<hbm>> -> memref<128x128xf32, #tpu.memory_space<hbm>>
    %dma_wait3A_113 = arith.constant 0 : i32
    %dma_wait3A_114 = arith.constant 0 : i32
    %dma_wait3A_115 = tpu.memref_slice %arg11[%dma_wait3A_113, %dma_wait3A_114] : memref<10240x128xf32, #tpu.memory_space<vmem_shared>> -> memref<128x128xf32, #tpu.memory_space<vmem_shared>>
    tpu.wait_dma2 semaphore(%arg18 : memref<!tpu.dma_semaphore, #tpu.memory_space<semaphore_mem>>) src(%dma_wait3A_115 : memref<128x128xf32, #tpu.memory_space<vmem_shared>>) dst(%dma_wait3A_112 : memref<128x128xf32, #tpu.memory_space<hbm>>)
    %dma_wait3A_116 = arith.constant 0 : i32
    %dma_wait3A_117 = arith.constant 0 : i32
    %dma_wait3A_118 = tpu.memref_slice %arg5[%dma_wait3A_116, %dma_wait3A_117] : memref<20480x128xf32, #tpu.memory_space<hbm>> -> memref<128x128xf32, #tpu.memory_space<hbm>>
    %dma_wait3A_119 = arith.constant 0 : i32
    %dma_wait3A_120 = arith.constant 0 : i32
    %dma_wait3A_121 = tpu.memref_slice %arg11[%dma_wait3A_119, %dma_wait3A_120] : memref<10240x128xf32, #tpu.memory_space<vmem_shared>> -> memref<128x128xf32, #tpu.memory_space<vmem_shared>>
    tpu.wait_dma2 semaphore(%arg18 : memref<!tpu.dma_semaphore, #tpu.memory_space<semaphore_mem>>) src(%dma_wait3A_121 : memref<128x128xf32, #tpu.memory_space<vmem_shared>>) dst(%dma_wait3A_118 : memref<128x128xf32, #tpu.memory_space<hbm>>)
    return
  }
}

#map = affine_map<(d0, d1) -> (0, 0)>
module attributes {stable_mosaic.version = 14 : i64} {
  func.func @_conv_body(%arg0: i32, %arg1: i32, %arg2: memref<10240x128xf32, #tpu.memory_space<hbm>>, %arg3: memref<2560x128xi32, #tpu.memory_space<hbm>>, %arg4: memref<2560x128xi32, #tpu.memory_space<hbm>>, %arg5: memref<20480x128xf32, #tpu.memory_space<hbm>>, %arg6: memref<128xi32, #tpu.memory_space<vmem>>, %arg7: memref<128xi32, #tpu.memory_space<vmem>>, %arg8: memref<80x128xi32, #tpu.memory_space<vmem>>, %arg9: memref<128x128xf32, #tpu.memory_space<vmem>>, %arg10: memref<128x128xf32, #tpu.memory_space<vmem>>, %arg11: memref<10240x128xf32, #tpu.memory_space<vmem_shared>>, %arg12: memref<!tpu.dma_semaphore, #tpu.memory_space<semaphore_mem>>, %arg13: memref<!tpu.dma_semaphore, #tpu.memory_space<semaphore_mem>>, %arg14: memref<!tpu.dma_semaphore, #tpu.memory_space<semaphore_mem>>, %arg15: memref<!tpu.dma_semaphore, #tpu.memory_space<semaphore_mem>>, %arg16: memref<!tpu.dma_semaphore, #tpu.memory_space<semaphore_mem>>, %arg17: memref<!tpu.dma_semaphore, #tpu.memory_space<semaphore_mem>>, %arg18: memref<!tpu.dma_semaphore, #tpu.memory_space<semaphore_mem>>) attributes {dimension_semantics = [#tpu.dimension_semantics<core_parallel>, #tpu.dimension_semantics<subcore_parallel>], iteration_bounds = array<i64: 2, 16>, scalar_prefetch = 0 : i64, scratch_operands = 13 : i64, tpu.core_type = #tpu.core_type<sc_vector_subcore>, window_params = [{transform_indices = #map}, {transform_indices = #map}, {transform_indices = #map}, {transform_indices = #map}]} {
    %mul3A = arith.constant 2 : i32
    %mul3A_0 = arith.muli %arg1, %mul3A : i32
    %add3A = arith.addi %mul3A_0, %arg0 : i32
    %scan3A = arith.constant 0 : i32
    %scan3A_1 = arith.constant 0 : i32
    %scan3A_2 = arith.constant 128 : i32
    %scan3A_3 = arith.addi %scan3A_1, %scan3A_2 : i32
    %scan3A_4 = arith.constant 1 : i32
    scf.for %scan3A_122 = %scan3A_1 to %scan3A_3 step %scan3A_4  : i32 {
      %broadcast_in_dim3A = arith.constant 0.000000e+00 : f32
      %broadcast_in_dim3A_123 = vector.broadcast %broadcast_in_dim3A : f32 to vector<16xf32>
      %swap3A = arith.index_cast %scan3A_122 : i32 to index
      %swap3A_124 = arith.constant 0 : index
      %swap3A_125 = tpu.vector_load %arg9[%swap3A, %swap3A_124] {strides = array<i32>} : memref<128x128xf32, #tpu.memory_space<vmem>>, vector<1x16xf32>,
      %swap3A_126 = vector.shape_cast %swap3A_125 : vector<1x16xf32> to vector<16xf32>
      %swap3A_127 = vector.shape_cast %broadcast_in_dim3A_123 : vector<16xf32> to vector<1x16xf32>
      tpu.vector_store %arg9[%swap3A, %swap3A_124], %swap3A_127 {strides = array<i32>} : memref<128x128xf32, #tpu.memory_space<vmem>>, vector<1x16xf32>,
      %broadcast_in_dim3A_128 = arith.constant 0.000000e+00 : f32
      %broadcast_in_dim3A_129 = vector.broadcast %broadcast_in_dim3A_128 : f32 to vector<16xf32>
      %swap3A_130 = arith.index_cast %scan3A_122 : i32 to index
      %swap3A_131 = arith.constant 16 : index
      %swap3A_132 = tpu.vector_load %arg9[%swap3A_130, %swap3A_131] {strides = array<i32>} : memref<128x128xf32, #tpu.memory_space<vmem>>, vector<1x16xf32>,
      %swap3A_133 = vector.shape_cast %swap3A_132 : vector<1x16xf32> to vector<16xf32>
      %swap3A_134 = vector.shape_cast %broadcast_in_dim3A_129 : vector<16xf32> to vector<1x16xf32>
      tpu.vector_store %arg9[%swap3A_130, %swap3A_131], %swap3A_134 {strides = array<i32>} : memref<128x128xf32, #tpu.memory_space<vmem>>, vector<1x16xf32>,
      %broadcast_in_dim3A_135 = arith.constant 0.000000e+00 : f32
      %broadcast_in_dim3A_136 = vector.broadcast %broadcast_in_dim3A_135 : f32 to vector<16xf32>
      %swap3A_137 = arith.index_cast %scan3A_122 : i32 to index
      %swap3A_138 = arith.constant 32 : index
      %swap3A_139 = tpu.vector_load %arg9[%swap3A_137, %swap3A_138] {strides = array<i32>} : memref<128x128xf32, #tpu.memory_space<vmem>>, vector<1x16xf32>,
      %swap3A_140 = vector.shape_cast %swap3A_139 : vector<1x16xf32> to vector<16xf32>
      %swap3A_141 = vector.shape_cast %broadcast_in_dim3A_136 : vector<16xf32> to vector<1x16xf32>
      tpu.vector_store %arg9[%swap3A_137, %swap3A_138], %swap3A_141 {strides = array<i32>} : memref<128x128xf32, #tpu.memory_space<vmem>>, vector<1x16xf32>,
      %broadcast_in_dim3A_142 = arith.constant 0.000000e+00 : f32
      %broadcast_in_dim3A_143 = vector.broadcast %broadcast_in_dim3A_142 : f32 to vector<16xf32>
      %swap3A_144 = arith.index_cast %scan3A_122 : i32 to index
      %swap3A_145 = arith.constant 48 : index
      %swap3A_146 = tpu.vector_load %arg9[%swap3A_144, %swap3A_145] {strides = array<i32>} : memref<128x128xf32, #tpu.memory_space<vmem>>, vector<1x16xf32>,
      %swap3A_147 = vector.shape_cast %swap3A_146 : vector<1x16xf32> to vector<16xf32>
      %swap3A_148 = vector.shape_cast %broadcast_in_dim3A_143 : vector<16xf32> to vector<1x16xf32>
      tpu.vector_store %arg9[%swap3A_144, %swap3A_145], %swap3A_148 {strides = array<i32>} : memref<128x128xf32, #tpu.memory_space<vmem>>, vector<1x16xf32>,
      %broadcast_in_dim3A_149 = arith.constant 0.000000e+00 : f32
      %broadcast_in_dim3A_150 = vector.broadcast %broadcast_in_dim3A_149 : f32 to vector<16xf32>
      %swap3A_151 = arith.index_cast %scan3A_122 : i32 to index
      %swap3A_152 = arith.constant 64 : index
      %swap3A_153 = tpu.vector_load %arg9[%swap3A_151, %swap3A_152] {strides = array<i32>} : memref<128x128xf32, #tpu.memory_space<vmem>>, vector<1x16xf32>,
      %swap3A_154 = vector.shape_cast %swap3A_153 : vector<1x16xf32> to vector<16xf32>
      %swap3A_155 = vector.shape_cast %broadcast_in_dim3A_150 : vector<16xf32> to vector<1x16xf32>
      tpu.vector_store %arg9[%swap3A_151, %swap3A_152], %swap3A_155 {strides = array<i32>} : memref<128x128xf32, #tpu.memory_space<vmem>>, vector<1x16xf32>,
      %broadcast_in_dim3A_156 = arith.constant 0.000000e+00 : f32
      %broadcast_in_dim3A_157 = vector.broadcast %broadcast_in_dim3A_156 : f32 to vector<16xf32>
      %swap3A_158 = arith.index_cast %scan3A_122 : i32 to index
      %swap3A_159 = arith.constant 80 : index
      %swap3A_160 = tpu.vector_load %arg9[%swap3A_158, %swap3A_159] {strides = array<i32>} : memref<128x128xf32, #tpu.memory_space<vmem>>, vector<1x16xf32>,
      %swap3A_161 = vector.shape_cast %swap3A_160 : vector<1x16xf32> to vector<16xf32>
      %swap3A_162 = vector.shape_cast %broadcast_in_dim3A_157 : vector<16xf32> to vector<1x16xf32>
      tpu.vector_store %arg9[%swap3A_158, %swap3A_159], %swap3A_162 {strides = array<i32>} : memref<128x128xf32, #tpu.memory_space<vmem>>, vector<1x16xf32>,
      %broadcast_in_dim3A_163 = arith.constant 0.000000e+00 : f32
      %broadcast_in_dim3A_164 = vector.broadcast %broadcast_in_dim3A_163 : f32 to vector<16xf32>
      %swap3A_165 = arith.index_cast %scan3A_122 : i32 to index
      %swap3A_166 = arith.constant 96 : index
      %swap3A_167 = tpu.vector_load %arg9[%swap3A_165, %swap3A_166] {strides = array<i32>} : memref<128x128xf32, #tpu.memory_space<vmem>>, vector<1x16xf32>,
      %swap3A_168 = vector.shape_cast %swap3A_167 : vector<1x16xf32> to vector<16xf32>
      %swap3A_169 = vector.shape_cast %broadcast_in_dim3A_164 : vector<16xf32> to vector<1x16xf32>
      tpu.vector_store %arg9[%swap3A_165, %swap3A_166], %swap3A_169 {strides = array<i32>} : memref<128x128xf32, #tpu.memory_space<vmem>>, vector<1x16xf32>,
      %broadcast_in_dim3A_170 = arith.constant 0.000000e+00 : f32
      %broadcast_in_dim3A_171 = vector.broadcast %broadcast_in_dim3A_170 : f32 to vector<16xf32>
      %swap3A_172 = arith.index_cast %scan3A_122 : i32 to index
      %swap3A_173 = arith.constant 112 : index
      %swap3A_174 = tpu.vector_load %arg9[%swap3A_172, %swap3A_173] {strides = array<i32>} : memref<128x128xf32, #tpu.memory_space<vmem>>, vector<1x16xf32>,
      %swap3A_175 = vector.shape_cast %swap3A_174 : vector<1x16xf32> to vector<16xf32>
      %swap3A_176 = vector.shape_cast %broadcast_in_dim3A_171 : vector<16xf32> to vector<1x16xf32>
      tpu.vector_store %arg9[%swap3A_172, %swap3A_173], %swap3A_176 {strides = array<i32>} : memref<128x128xf32, #tpu.memory_space<vmem>>, vector<1x16xf32>,
    }
    %scan3A_5 = arith.constant 128 : i32
    %scan3A_6 = arith.constant 0 : i32
    %scan3A_7 = arith.constant 0 : i32
    %scan3A_8 = arith.constant 5 : i32
    %scan3A_9 = arith.addi %scan3A_7, %scan3A_8 : i32
    %scan3A_10 = arith.constant 1 : i32
    scf.for %scan3A_122 = %scan3A_7 to %scan3A_9 step %scan3A_10  : i32 {
      %mul3A_123 = arith.constant 640 : i32
      %mul3A_124 = arith.muli %arg1, %mul3A_123 : i32
      %mul3A_125 = arith.constant 128 : i32
      %mul3A_126 = arith.muli %scan3A_122, %mul3A_125 : i32
      %add3A_127 = arith.addi %mul3A_124, %mul3A_126 : i32
      "tpu.region"() ({
        %run_scoped3A = tpu.sem_alloc : memref<!tpu.dma_semaphore, #tpu.memory_space<semaphore_mem>>
        %dma_start3A_128 = arith.constant 0 : i32
        %dma_start3A_129 = tpu.memref_slice %arg11[%add3A_127, %dma_start3A_128] : memref<10240x128xf32, #tpu.memory_space<vmem_shared>> -> memref<128x128xf32, #tpu.memory_space<vmem_shared>>
        %dma_start3A_130 = arith.constant 0 : i32
        %dma_start3A_131 = tpu.memref_slice %arg11[%add3A_127, %dma_start3A_130] : memref<10240x128xf32, #tpu.memory_space<vmem_shared>> -> memref<128x128xf32, #tpu.memory_space<vmem_shared>>
        tpu.enqueue_dma source(%arg9 : memref<128x128xf32, #tpu.memory_space<vmem>>) target(%dma_start3A_131 : memref<128x128xf32, #tpu.memory_space<vmem_shared>>) target_semaphore(%run_scoped3A : memref<!tpu.dma_semaphore, #tpu.memory_space<semaphore_mem>>)
        %dma_wait3A_132 = arith.constant 0 : i32
        %dma_wait3A_133 = tpu.memref_slice %arg11[%add3A_127, %dma_wait3A_132] : memref<10240x128xf32, #tpu.memory_space<vmem_shared>> -> memref<128x128xf32, #tpu.memory_space<vmem_shared>>
        %dma_wait3A_134 = arith.constant 0 : i32
        %dma_wait3A_135 = tpu.memref_slice %arg11[%add3A_127, %dma_wait3A_134] : memref<10240x128xf32, #tpu.memory_space<vmem_shared>> -> memref<128x128xf32, #tpu.memory_space<vmem_shared>>
        tpu.wait_dma2 semaphore(%run_scoped3A : memref<!tpu.dma_semaphore, #tpu.memory_space<semaphore_mem>>) src(%arg9 : memref<128x128xf32, #tpu.memory_space<vmem>>) dst(%dma_wait3A_135 : memref<128x128xf32, #tpu.memory_space<vmem_shared>>)
        tpu.yield
      }) : () -> ()
    }
    %scan3A_11 = arith.constant 5 : i32
    %mul3A_12 = arith.constant 80 : i32
    %mul3A_13 = arith.muli %add3A, %mul3A_12 : i32
    "tpu.region"() ({
      %run_scoped3A = tpu.sem_alloc : memref<!tpu.dma_semaphore, #tpu.memory_space<semaphore_mem>>
      %dma_start3A_122 = arith.constant 0 : i32
      %dma_start3A_123 = tpu.memref_slice %arg4[%mul3A_13, %dma_start3A_122] : memref<2560x128xi32, #tpu.memory_space<hbm>> -> memref<80x128xi32, #tpu.memory_space<hbm>>
      %dma_start3A_124 = arith.constant 0 : i32
      %dma_start3A_125 = tpu.memref_slice %arg4[%mul3A_13, %dma_start3A_124] : memref<2560x128xi32, #tpu.memory_space<hbm>> -> memref<80x128xi32, #tpu.memory_space<hbm>>
      tpu.enqueue_dma source(%dma_start3A_125 : memref<80x128xi32, #tpu.memory_space<hbm>>) target(%arg8 : memref<80x128xi32, #tpu.memory_space<vmem>>) target_semaphore(%run_scoped3A : memref<!tpu.dma_semaphore, #tpu.memory_space<semaphore_mem>>)
      %dma_wait3A_126 = arith.constant 0 : i32
      %dma_wait3A_127 = tpu.memref_slice %arg4[%mul3A_13, %dma_wait3A_126] : memref<2560x128xi32, #tpu.memory_space<hbm>> -> memref<80x128xi32, #tpu.memory_space<hbm>>
      %dma_wait3A_128 = arith.constant 0 : i32
      %dma_wait3A_129 = tpu.memref_slice %arg4[%mul3A_13, %dma_wait3A_128] : memref<2560x128xi32, #tpu.memory_space<hbm>> -> memref<80x128xi32, #tpu.memory_space<hbm>>
      tpu.wait_dma2 semaphore(%run_scoped3A : memref<!tpu.dma_semaphore, #tpu.memory_space<semaphore_mem>>) src(%dma_wait3A_129 : memref<80x128xi32, #tpu.memory_space<hbm>>) dst(%arg8 : memref<80x128xi32, #tpu.memory_space<vmem>>)
      tpu.yield
    }) : () -> ()
    %barrier3A = arith.constant 0 : index
    tpu.barrier barrier_id(%barrier3A)
    %mul3A_14 = arith.constant 80 : i32
    %mul3A_15 = arith.muli %add3A, %mul3A_14 : i32
    %dma_start3A = arith.constant 0 : i32
    %dma_start3A_16 = tpu.memref_slice %arg3[%mul3A_15, %dma_start3A] : memref<2560x128xi32, #tpu.memory_space<hbm>> -> memref<1x128xi32, #tpu.memory_space<hbm>>
    %dma_start3A_17 = tpu.memref_squeeze %dma_start3A_16 : memref<1x128xi32, #tpu.memory_space<hbm>> -> memref<128xi32, #tpu.memory_space<hbm>>
    %dma_start3A_18 = arith.constant 0 : i32
    %dma_start3A_19 = tpu.memref_slice %arg3[%mul3A_15, %dma_start3A_18] : memref<2560x128xi32, #tpu.memory_space<hbm>> -> memref<1x128xi32, #tpu.memory_space<hbm>>
    %dma_start3A_20 = tpu.memref_squeeze %dma_start3A_19 : memref<1x128xi32, #tpu.memory_space<hbm>> -> memref<128xi32, #tpu.memory_space<hbm>>
    tpu.enqueue_dma source(%dma_start3A_20 : memref<128xi32, #tpu.memory_space<hbm>>) target(%arg6 : memref<128xi32, #tpu.memory_space<vmem>>) target_semaphore(%arg12 : memref<!tpu.dma_semaphore, #tpu.memory_space<semaphore_mem>>)
    %mul3A_21 = arith.constant 80 : i32
    %mul3A_22 = arith.muli %add3A, %mul3A_21 : i32
    %add3A_23 = arith.constant 1 : i32
    %add3A_24 = arith.addi %mul3A_22, %add3A_23 : i32
    %dma_start3A_25 = arith.constant 0 : i32
    %dma_start3A_26 = tpu.memref_slice %arg3[%add3A_24, %dma_start3A_25] : memref<2560x128xi32, #tpu.memory_space<hbm>> -> memref<1x128xi32, #tpu.memory_space<hbm>>
    %dma_start3A_27 = tpu.memref_squeeze %dma_start3A_26 : memref<1x128xi32, #tpu.memory_space<hbm>> -> memref<128xi32, #tpu.memory_space<hbm>>
    %dma_start3A_28 = arith.constant 0 : i32
    %dma_start3A_29 = tpu.memref_slice %arg3[%add3A_24, %dma_start3A_28] : memref<2560x128xi32, #tpu.memory_space<hbm>> -> memref<1x128xi32, #tpu.memory_space<hbm>>
    %dma_start3A_30 = tpu.memref_squeeze %dma_start3A_29 : memref<1x128xi32, #tpu.memory_space<hbm>> -> memref<128xi32, #tpu.memory_space<hbm>>
    tpu.enqueue_dma source(%dma_start3A_30 : memref<128xi32, #tpu.memory_space<hbm>>) target(%arg7 : memref<128xi32, #tpu.memory_space<vmem>>) target_semaphore(%arg13 : memref<!tpu.dma_semaphore, #tpu.memory_space<semaphore_mem>>)
    %scan3A_31 = arith.constant 0 : i32
    %scan3A_32 = arith.constant 0 : i32
    %scan3A_33 = arith.constant 40 : i32
    %scan3A_34 = arith.addi %scan3A_32, %scan3A_33 : i32
    %scan3A_35 = arith.constant 1 : i32
    scf.for %scan3A_122 = %scan3A_32 to %scan3A_34 step %scan3A_35  : i32 {
      %dma_wait3A_123 = arith.constant 0 : i32
      %dma_wait3A_124 = arith.constant 0 : i32
      %dma_wait3A_125 = tpu.memref_slice %arg3[%dma_wait3A_123, %dma_wait3A_124] : memref<2560x128xi32, #tpu.memory_space<hbm>> -> memref<1x128xi32, #tpu.memory_space<hbm>>
      %dma_wait3A_126 = tpu.memref_squeeze %dma_wait3A_125 : memref<1x128xi32, #tpu.memory_space<hbm>> -> memref<128xi32, #tpu.memory_space<hbm>>
      %dma_wait3A_127 = arith.constant 0 : i32
      %dma_wait3A_128 = tpu.memref_slice %arg3[%dma_wait3A_123, %dma_wait3A_127] : memref<2560x128xi32, #tpu.memory_space<hbm>> -> memref<1x128xi32, #tpu.memory_space<hbm>>
      %dma_wait3A_129 = tpu.memref_squeeze %dma_wait3A_128 : memref<1x128xi32, #tpu.memory_space<hbm>> -> memref<128xi32, #tpu.memory_space<hbm>>
      tpu.wait_dma2 semaphore(%arg12 : memref<!tpu.dma_semaphore, #tpu.memory_space<semaphore_mem>>) src(%dma_wait3A_129 : memref<128xi32, #tpu.memory_space<hbm>>) dst(%arg6 : memref<128xi32, #tpu.memory_space<vmem>>)
      %dma_start3A_130 = arith.constant 0 : i32
      %dma_start3A_131 = arith.constant 0 : i32
      %dma_start3A_132 = tpu.memref_slice %arg2[%dma_start3A_130, %dma_start3A_131] : memref<10240x128xf32, #tpu.memory_space<hbm>> -> memref<10240x128xf32, #tpu.memory_space<hbm>>
      tpu.enqueue_indirect_dma source(%dma_start3A_132 : memref<10240x128xf32, #tpu.memory_space<hbm>>) target(%arg9 : memref<128x128xf32, #tpu.memory_space<vmem>>) offsets(%arg6 : memref<128xi32, #tpu.memory_space<vmem>>) semaphore(%arg14 : memref<!tpu.dma_semaphore, #tpu.memory_space<semaphore_mem>>)
      %dma_wait3A_133 = arith.constant 0 : i32
      %dma_wait3A_134 = arith.constant 0 : i32
      %dma_wait3A_135 = tpu.memref_slice %arg3[%dma_wait3A_133, %dma_wait3A_134] : memref<2560x128xi32, #tpu.memory_space<hbm>> -> memref<1x128xi32, #tpu.memory_space<hbm>>
      %dma_wait3A_136 = tpu.memref_squeeze %dma_wait3A_135 : memref<1x128xi32, #tpu.memory_space<hbm>> -> memref<128xi32, #tpu.memory_space<hbm>>
      %dma_wait3A_137 = arith.constant 0 : i32
      %dma_wait3A_138 = tpu.memref_slice %arg3[%dma_wait3A_133, %dma_wait3A_137] : memref<2560x128xi32, #tpu.memory_space<hbm>> -> memref<1x128xi32, #tpu.memory_space<hbm>>
      %dma_wait3A_139 = tpu.memref_squeeze %dma_wait3A_138 : memref<1x128xi32, #tpu.memory_space<hbm>> -> memref<128xi32, #tpu.memory_space<hbm>>
      tpu.wait_dma2 semaphore(%arg13 : memref<!tpu.dma_semaphore, #tpu.memory_space<semaphore_mem>>) src(%dma_wait3A_139 : memref<128xi32, #tpu.memory_space<hbm>>) dst(%arg7 : memref<128xi32, #tpu.memory_space<vmem>>)
      %dma_start3A_140 = arith.constant 0 : i32
      %dma_start3A_141 = arith.constant 0 : i32
      %dma_start3A_142 = tpu.memref_slice %arg2[%dma_start3A_140, %dma_start3A_141] : memref<10240x128xf32, #tpu.memory_space<hbm>> -> memref<10240x128xf32, #tpu.memory_space<hbm>>
      tpu.enqueue_indirect_dma source(%dma_start3A_142 : memref<10240x128xf32, #tpu.memory_space<hbm>>) target(%arg10 : memref<128x128xf32, #tpu.memory_space<vmem>>) offsets(%arg7 : memref<128xi32, #tpu.memory_space<vmem>>) semaphore(%arg15 : memref<!tpu.dma_semaphore, #tpu.memory_space<semaphore_mem>>)
      %dma_wait3A_143 = arith.constant 0 : i32
      %dma_wait3A_144 = arith.constant 0 : i32
      %dma_wait3A_145 = tpu.memref_slice %arg2[%dma_wait3A_143, %dma_wait3A_144] : memref<10240x128xf32, #tpu.memory_space<hbm>> -> memref<10240x128xf32, #tpu.memory_space<hbm>>
      tpu.wait_indirect_dma semaphore(%arg14 : memref<!tpu.dma_semaphore, #tpu.memory_space<semaphore_mem>>) src(%dma_wait3A_145 : memref<10240x128xf32, #tpu.memory_space<hbm>>) dst(%arg9 : memref<128x128xf32, #tpu.memory_space<vmem>>)
      %mul3A_146 = arith.constant 2 : i32
      %mul3A_147 = arith.muli %mul3A_146, %scan3A_122 : i32
      %dma_start3A_148 = arith.constant 0 : i32
      %dma_start3A_149 = tpu.memref_slice %arg8[%mul3A_147, %dma_start3A_148] : memref<80x128xi32, #tpu.memory_space<vmem>> -> memref<1x128xi32, #tpu.memory_space<vmem>>
      %dma_start3A_150 = tpu.memref_squeeze %dma_start3A_149 : memref<1x128xi32, #tpu.memory_space<vmem>> -> memref<128xi32, #tpu.memory_space<vmem>>
      %dma_start3A_151 = arith.constant 0 : i32
      %dma_start3A_152 = arith.constant 0 : i32
      %dma_start3A_153 = tpu.memref_slice %arg11[%dma_start3A_151, %dma_start3A_152] : memref<10240x128xf32, #tpu.memory_space<vmem_shared>> -> memref<10240x128xf32, #tpu.memory_space<vmem_shared>>
      tpu.enqueue_indirect_dma source(%arg9 : memref<128x128xf32, #tpu.memory_space<vmem>>) target(%dma_start3A_153 : memref<10240x128xf32, #tpu.memory_space<vmem_shared>>) offsets(%dma_start3A_150 : memref<128xi32, #tpu.memory_space<vmem>>) semaphore(%arg16 : memref<!tpu.dma_semaphore, #tpu.memory_space<semaphore_mem>>) {add = true}
      %lt3A = arith.constant 39 : i32
      %lt3A_154 = arith.cmpi slt, %scan3A_122, %lt3A : i32
      %convert_element_type3A = arith.extui %lt3A_154 : i1 to i32
      %cond3A = arith.constant 0 : i32
      %cond3A_155 = arith.cmpi ne, %convert_element_type3A, %cond3A : i32
      scf.if %cond3A_155 {
        %mul3A_188 = arith.constant 80 : i32
        %mul3A_189 = arith.muli %add3A, %mul3A_188 : i32
        %mul3A_190 = arith.constant 2 : i32
        %mul3A_191 = arith.muli %mul3A_190, %scan3A_122 : i32
        %add3A_192 = arith.addi %mul3A_189, %mul3A_191 : i32
        %add3A_193 = arith.constant 2 : i32
        %add3A_194 = arith.addi %add3A_192, %add3A_193 : i32
        %dma_start3A_195 = arith.constant 0 : i32
        %dma_start3A_196 = tpu.memref_slice %arg3[%add3A_194, %dma_start3A_195] : memref<2560x128xi32, #tpu.memory_space<hbm>> -> memref<1x128xi32, #tpu.memory_space<hbm>>
        %dma_start3A_197 = tpu.memref_squeeze %dma_start3A_196 : memref<1x128xi32, #tpu.memory_space<hbm>> -> memref<128xi32, #tpu.memory_space<hbm>>
        %dma_start3A_198 = arith.constant 0 : i32
        %dma_start3A_199 = tpu.memref_slice %arg3[%add3A_194, %dma_start3A_198] : memref<2560x128xi32, #tpu.memory_space<hbm>> -> memref<1x128xi32, #tpu.memory_space<hbm>>
        %dma_start3A_200 = tpu.memref_squeeze %dma_start3A_199 : memref<1x128xi32, #tpu.memory_space<hbm>> -> memref<128xi32, #tpu.memory_space<hbm>>
        tpu.enqueue_dma source(%dma_start3A_200 : memref<128xi32, #tpu.memory_space<hbm>>) target(%arg6 : memref<128xi32, #tpu.memory_space<vmem>>) target_semaphore(%arg12 : memref<!tpu.dma_semaphore, #tpu.memory_space<semaphore_mem>>)
      } else {
      }
      %dma_wait3A_156 = arith.constant 0 : i32
      %dma_wait3A_157 = arith.constant 0 : i32
      %dma_wait3A_158 = tpu.memref_slice %arg2[%dma_wait3A_156, %dma_wait3A_157] : memref<10240x128xf32, #tpu.memory_space<hbm>> -> memref<10240x128xf32, #tpu.memory_space<hbm>>
      tpu.wait_indirect_dma semaphore(%arg15 : memref<!tpu.dma_semaphore, #tpu.memory_space<semaphore_mem>>) src(%dma_wait3A_158 : memref<10240x128xf32, #tpu.memory_space<hbm>>) dst(%arg10 : memref<128x128xf32, #tpu.memory_space<vmem>>)
      %mul3A_159 = arith.constant 2 : i32
      %mul3A_160 = arith.muli %mul3A_159, %scan3A_122 : i32
      %add3A_161 = arith.constant 1 : i32
      %add3A_162 = arith.addi %mul3A_160, %add3A_161 : i32
      %dma_start3A_163 = arith.constant 0 : i32
      %dma_start3A_164 = tpu.memref_slice %arg8[%add3A_162, %dma_start3A_163] : memref<80x128xi32, #tpu.memory_space<vmem>> -> memref<1x128xi32, #tpu.memory_space<vmem>>
      %dma_start3A_165 = tpu.memref_squeeze %dma_start3A_164 : memref<1x128xi32, #tpu.memory_space<vmem>> -> memref<128xi32, #tpu.memory_space<vmem>>
      %dma_start3A_166 = arith.constant 0 : i32
      %dma_start3A_167 = arith.constant 0 : i32
      %dma_start3A_168 = tpu.memref_slice %arg11[%dma_start3A_166, %dma_start3A_167] : memref<10240x128xf32, #tpu.memory_space<vmem_shared>> -> memref<10240x128xf32, #tpu.memory_space<vmem_shared>>
      tpu.enqueue_indirect_dma source(%arg10 : memref<128x128xf32, #tpu.memory_space<vmem>>) target(%dma_start3A_168 : memref<10240x128xf32, #tpu.memory_space<vmem_shared>>) offsets(%dma_start3A_165 : memref<128xi32, #tpu.memory_space<vmem>>) semaphore(%arg17 : memref<!tpu.dma_semaphore, #tpu.memory_space<semaphore_mem>>) {add = true}
      %lt3A_169 = arith.constant 39 : i32
      %lt3A_170 = arith.cmpi slt, %scan3A_122, %lt3A_169 : i32
      %convert_element_type3A_171 = arith.extui %lt3A_170 : i1 to i32
      %cond3A_172 = arith.constant 0 : i32
      %cond3A_173 = arith.cmpi ne, %convert_element_type3A_171, %cond3A_172 : i32
      scf.if %cond3A_173 {
        %mul3A_188 = arith.constant 80 : i32
        %mul3A_189 = arith.muli %add3A, %mul3A_188 : i32
        %mul3A_190 = arith.constant 2 : i32
        %mul3A_191 = arith.muli %mul3A_190, %scan3A_122 : i32
        %add3A_192 = arith.addi %mul3A_189, %mul3A_191 : i32
        %add3A_193 = arith.constant 3 : i32
        %add3A_194 = arith.addi %add3A_192, %add3A_193 : i32
        %dma_start3A_195 = arith.constant 0 : i32
        %dma_start3A_196 = tpu.memref_slice %arg3[%add3A_194, %dma_start3A_195] : memref<2560x128xi32, #tpu.memory_space<hbm>> -> memref<1x128xi32, #tpu.memory_space<hbm>>
        %dma_start3A_197 = tpu.memref_squeeze %dma_start3A_196 : memref<1x128xi32, #tpu.memory_space<hbm>> -> memref<128xi32, #tpu.memory_space<hbm>>
        %dma_start3A_198 = arith.constant 0 : i32
        %dma_start3A_199 = tpu.memref_slice %arg3[%add3A_194, %dma_start3A_198] : memref<2560x128xi32, #tpu.memory_space<hbm>> -> memref<1x128xi32, #tpu.memory_space<hbm>>
        %dma_start3A_200 = tpu.memref_squeeze %dma_start3A_199 : memref<1x128xi32, #tpu.memory_space<hbm>> -> memref<128xi32, #tpu.memory_space<hbm>>
        tpu.enqueue_dma source(%dma_start3A_200 : memref<128xi32, #tpu.memory_space<hbm>>) target(%arg7 : memref<128xi32, #tpu.memory_space<vmem>>) target_semaphore(%arg13 : memref<!tpu.dma_semaphore, #tpu.memory_space<semaphore_mem>>)
      } else {
      }
      %dma_wait3A_174 = arith.constant 0 : i32
      %dma_wait3A_175 = arith.constant 0 : i32
      %dma_wait3A_176 = tpu.memref_slice %arg8[%dma_wait3A_174, %dma_wait3A_175] : memref<80x128xi32, #tpu.memory_space<vmem>> -> memref<1x128xi32, #tpu.memory_space<vmem>>
      %dma_wait3A_177 = tpu.memref_squeeze %dma_wait3A_176 : memref<1x128xi32, #tpu.memory_space<vmem>> -> memref<128xi32, #tpu.memory_space<vmem>>
      %dma_wait3A_178 = arith.constant 0 : i32
      %dma_wait3A_179 = arith.constant 0 : i32
      %dma_wait3A_180 = tpu.memref_slice %arg11[%dma_wait3A_178, %dma_wait3A_179] : memref<10240x128xf32, #tpu.memory_space<vmem_shared>> -> memref<10240x128xf32, #tpu.memory_space<vmem_shared>>
      tpu.wait_indirect_dma semaphore(%arg16 : memref<!tpu.dma_semaphore, #tpu.memory_space<semaphore_mem>>) src(%arg9 : memref<128x128xf32, #tpu.memory_space<vmem>>) dst(%dma_wait3A_180 : memref<10240x128xf32, #tpu.memory_space<vmem_shared>>)
      %dma_wait3A_181 = arith.constant 0 : i32
      %dma_wait3A_182 = arith.constant 0 : i32
      %dma_wait3A_183 = tpu.memref_slice %arg8[%dma_wait3A_181, %dma_wait3A_182] : memref<80x128xi32, #tpu.memory_space<vmem>> -> memref<1x128xi32, #tpu.memory_space<vmem>>
      %dma_wait3A_184 = tpu.memref_squeeze %dma_wait3A_183 : memref<1x128xi32, #tpu.memory_space<vmem>> -> memref<128xi32, #tpu.memory_space<vmem>>
      %dma_wait3A_185 = arith.constant 0 : i32
      %dma_wait3A_186 = arith.constant 0 : i32
      %dma_wait3A_187 = tpu.memref_slice %arg11[%dma_wait3A_185, %dma_wait3A_186] : memref<10240x128xf32, #tpu.memory_space<vmem_shared>> -> memref<10240x128xf32, #tpu.memory_space<vmem_shared>>
      tpu.wait_indirect_dma semaphore(%arg17 : memref<!tpu.dma_semaphore, #tpu.memory_space<semaphore_mem>>) src(%arg10 : memref<128x128xf32, #tpu.memory_space<vmem>>) dst(%dma_wait3A_187 : memref<10240x128xf32, #tpu.memory_space<vmem_shared>>)
    }
    %scan3A_36 = arith.constant 40 : i32
    %barrier3A_37 = arith.constant 0 : index
    tpu.barrier barrier_id(%barrier3A_37)
    %mul3A_38 = arith.constant 640 : i32
    %mul3A_39 = arith.muli %arg1, %mul3A_38 : i32
    %add3A_40 = arith.constant 0 : i32
    %add3A_41 = arith.addi %mul3A_39, %add3A_40 : i32
    %mul3A_42 = arith.constant 10240 : i32
    %mul3A_43 = arith.muli %arg0, %mul3A_42 : i32
    %add3A_44 = arith.addi %mul3A_43, %add3A_41 : i32
    %dma_start3A_45 = arith.constant 0 : i32
    %dma_start3A_46 = tpu.memref_slice %arg5[%add3A_44, %dma_start3A_45] : memref<20480x128xf32, #tpu.memory_space<hbm>> -> memref<128x128xf32, #tpu.memory_space<hbm>>
    %dma_start3A_47 = arith.constant 0 : i32
    %dma_start3A_48 = tpu.memref_slice %arg11[%add3A_41, %dma_start3A_47] : memref<10240x128xf32, #tpu.memory_space<vmem_shared>> -> memref<128x128xf32, #tpu.memory_space<vmem_shared>>
    tpu.enqueue_dma source(%dma_start3A_48 : memref<128x128xf32, #tpu.memory_space<vmem_shared>>) target(%dma_start3A_46 : memref<128x128xf32, #tpu.memory_space<hbm>>) target_semaphore(%arg18 : memref<!tpu.dma_semaphore, #tpu.memory_space<semaphore_mem>>)
    %mul3A_49 = arith.constant 640 : i32
    %mul3A_50 = arith.muli %arg1, %mul3A_49 : i32
    %add3A_51 = arith.constant 128 : i32
    %add3A_52 = arith.addi %mul3A_50, %add3A_51 : i32
    %mul3A_53 = arith.constant 10240 : i32
    %mul3A_54 = arith.muli %arg0, %mul3A_53 : i32
    %add3A_55 = arith.addi %mul3A_54, %add3A_52 : i32
    %dma_start3A_56 = arith.constant 0 : i32
    %dma_start3A_57 = tpu.memref_slice %arg5[%add3A_55, %dma_start3A_56] : memref<20480x128xf32, #tpu.memory_space<hbm>> -> memref<128x128xf32, #tpu.memory_space<hbm>>
    %dma_start3A_58 = arith.constant 0 : i32
    %dma_start3A_59 = tpu.memref_slice %arg11[%add3A_52, %dma_start3A_58] : memref<10240x128xf32, #tpu.memory_space<vmem_shared>> -> memref<128x128xf32, #tpu.memory_space<vmem_shared>>
    tpu.enqueue_dma source(%dma_start3A_59 : memref<128x128xf32, #tpu.memory_space<vmem_shared>>) target(%dma_start3A_57 : memref<128x128xf32, #tpu.memory_space<hbm>>) target_semaphore(%arg18 : memref<!tpu.dma_semaphore, #tpu.memory_space<semaphore_mem>>)
    %mul3A_60 = arith.constant 640 : i32
    %mul3A_61 = arith.muli %arg1, %mul3A_60 : i32
    %add3A_62 = arith.constant 256 : i32
    %add3A_63 = arith.addi %mul3A_61, %add3A_62 : i32
    %mul3A_64 = arith.constant 10240 : i32
    %mul3A_65 = arith.muli %arg0, %mul3A_64 : i32
    %add3A_66 = arith.addi %mul3A_65, %add3A_63 : i32
    %dma_start3A_67 = arith.constant 0 : i32
    %dma_start3A_68 = tpu.memref_slice %arg5[%add3A_66, %dma_start3A_67] : memref<20480x128xf32, #tpu.memory_space<hbm>> -> memref<128x128xf32, #tpu.memory_space<hbm>>
    %dma_start3A_69 = arith.constant 0 : i32
    %dma_start3A_70 = tpu.memref_slice %arg11[%add3A_63, %dma_start3A_69] : memref<10240x128xf32, #tpu.memory_space<vmem_shared>> -> memref<128x128xf32, #tpu.memory_space<vmem_shared>>
    tpu.enqueue_dma source(%dma_start3A_70 : memref<128x128xf32, #tpu.memory_space<vmem_shared>>) target(%dma_start3A_68 : memref<128x128xf32, #tpu.memory_space<hbm>>) target_semaphore(%arg18 : memref<!tpu.dma_semaphore, #tpu.memory_space<semaphore_mem>>)
    %mul3A_71 = arith.constant 640 : i32
    %mul3A_72 = arith.muli %arg1, %mul3A_71 : i32
    %add3A_73 = arith.constant 384 : i32
    %add3A_74 = arith.addi %mul3A_72, %add3A_73 : i32
    %mul3A_75 = arith.constant 10240 : i32
    %mul3A_76 = arith.muli %arg0, %mul3A_75 : i32
    %add3A_77 = arith.addi %mul3A_76, %add3A_74 : i32
    %dma_start3A_78 = arith.constant 0 : i32
    %dma_start3A_79 = tpu.memref_slice %arg5[%add3A_77, %dma_start3A_78] : memref<20480x128xf32, #tpu.memory_space<hbm>> -> memref<128x128xf32, #tpu.memory_space<hbm>>
    %dma_start3A_80 = arith.constant 0 : i32
    %dma_start3A_81 = tpu.memref_slice %arg11[%add3A_74, %dma_start3A_80] : memref<10240x128xf32, #tpu.memory_space<vmem_shared>> -> memref<128x128xf32, #tpu.memory_space<vmem_shared>>
    tpu.enqueue_dma source(%dma_start3A_81 : memref<128x128xf32, #tpu.memory_space<vmem_shared>>) target(%dma_start3A_79 : memref<128x128xf32, #tpu.memory_space<hbm>>) target_semaphore(%arg18 : memref<!tpu.dma_semaphore, #tpu.memory_space<semaphore_mem>>)
    %mul3A_82 = arith.constant 640 : i32
    %mul3A_83 = arith.muli %arg1, %mul3A_82 : i32
    %add3A_84 = arith.constant 512 : i32
    %add3A_85 = arith.addi %mul3A_83, %add3A_84 : i32
    %mul3A_86 = arith.constant 10240 : i32
    %mul3A_87 = arith.muli %arg0, %mul3A_86 : i32
    %add3A_88 = arith.addi %mul3A_87, %add3A_85 : i32
    %dma_start3A_89 = arith.constant 0 : i32
    %dma_start3A_90 = tpu.memref_slice %arg5[%add3A_88, %dma_start3A_89] : memref<20480x128xf32, #tpu.memory_space<hbm>> -> memref<128x128xf32, #tpu.memory_space<hbm>>
    %dma_start3A_91 = arith.constant 0 : i32
    %dma_start3A_92 = tpu.memref_slice %arg11[%add3A_85, %dma_start3A_91] : memref<10240x128xf32, #tpu.memory_space<vmem_shared>> -> memref<128x128xf32, #tpu.memory_space<vmem_shared>>
    tpu.enqueue_dma source(%dma_start3A_92 : memref<128x128xf32, #tpu.memory_space<vmem_shared>>) target(%dma_start3A_90 : memref<128x128xf32, #tpu.memory_space<hbm>>) target_semaphore(%arg18 : memref<!tpu.dma_semaphore, #tpu.memory_space<semaphore_mem>>)
    %dma_wait3A = arith.constant 0 : i32
    %dma_wait3A_93 = arith.constant 0 : i32
    %dma_wait3A_94 = tpu.memref_slice %arg5[%dma_wait3A, %dma_wait3A_93] : memref<20480x128xf32, #tpu.memory_space<hbm>> -> memref<128x128xf32, #tpu.memory_space<hbm>>
    %dma_wait3A_95 = arith.constant 0 : i32
    %dma_wait3A_96 = arith.constant 0 : i32
    %dma_wait3A_97 = tpu.memref_slice %arg11[%dma_wait3A_95, %dma_wait3A_96] : memref<10240x128xf32, #tpu.memory_space<vmem_shared>> -> memref<128x128xf32, #tpu.memory_space<vmem_shared>>
    tpu.wait_dma2 semaphore(%arg18 : memref<!tpu.dma_semaphore, #tpu.memory_space<semaphore_mem>>) src(%dma_wait3A_97 : memref<128x128xf32, #tpu.memory_space<vmem_shared>>) dst(%dma_wait3A_94 : memref<128x128xf32, #tpu.memory_space<hbm>>)
    %dma_wait3A_98 = arith.constant 0 : i32
    %dma_wait3A_99 = arith.constant 0 : i32
    %dma_wait3A_100 = tpu.memref_slice %arg5[%dma_wait3A_98, %dma_wait3A_99] : memref<20480x128xf32, #tpu.memory_space<hbm>> -> memref<128x128xf32, #tpu.memory_space<hbm>>
    %dma_wait3A_101 = arith.constant 0 : i32
    %dma_wait3A_102 = arith.constant 0 : i32
    %dma_wait3A_103 = tpu.memref_slice %arg11[%dma_wait3A_101, %dma_wait3A_102] : memref<10240x128xf32, #tpu.memory_space<vmem_shared>> -> memref<128x128xf32, #tpu.memory_space<vmem_shared>>
    tpu.wait_dma2 semaphore(%arg18 : memref<!tpu.dma_semaphore, #tpu.memory_space<semaphore_mem>>) src(%dma_wait3A_103 : memref<128x128xf32, #tpu.memory_space<vmem_shared>>) dst(%dma_wait3A_100 : memref<128x128xf32, #tpu.memory_space<hbm>>)
    %dma_wait3A_104 = arith.constant 0 : i32
    %dma_wait3A_105 = arith.constant 0 : i32
    %dma_wait3A_106 = tpu.memref_slice %arg5[%dma_wait3A_104, %dma_wait3A_105] : memref<20480x128xf32, #tpu.memory_space<hbm>> -> memref<128x128xf32, #tpu.memory_space<hbm>>
    %dma_wait3A_107 = arith.constant 0 : i32
    %dma_wait3A_108 = arith.constant 0 : i32
    %dma_wait3A_109 = tpu.memref_slice %arg11[%dma_wait3A_107, %dma_wait3A_108] : memref<10240x128xf32, #tpu.memory_space<vmem_shared>> -> memref<128x128xf32, #tpu.memory_space<vmem_shared>>
    tpu.wait_dma2 semaphore(%arg18 : memref<!tpu.dma_semaphore, #tpu.memory_space<semaphore_mem>>) src(%dma_wait3A_109 : memref<128x128xf32, #tpu.memory_space<vmem_shared>>) dst(%dma_wait3A_106 : memref<128x128xf32, #tpu.memory_space<hbm>>)
    %dma_wait3A_110 = arith.constant 0 : i32
    %dma_wait3A_111 = arith.constant 0 : i32
    %dma_wait3A_112 = tpu.memref_slice %arg5[%dma_wait3A_110, %dma_wait3A_111] : memref<20480x128xf32, #tpu.memory_space<hbm>> -> memref<128x128xf32, #tpu.memory_space<hbm>>
    %dma_wait3A_113 = arith.constant 0 : i32
    %dma_wait3A_114 = arith.constant 0 : i32
    %dma_wait3A_115 = tpu.memref_slice %arg11[%dma_wait3A_113, %dma_wait3A_114] : memref<10240x128xf32, #tpu.memory_space<vmem_shared>> -> memref<128x128xf32, #tpu.memory_space<vmem_shared>>
    tpu.wait_dma2 semaphore(%arg18 : memref<!tpu.dma_semaphore, #tpu.memory_space<semaphore_mem>>) src(%dma_wait3A_115 : memref<128x128xf32, #tpu.memory_space<vmem_shared>>) dst(%dma_wait3A_112 : memref<128x128xf32, #tpu.memory_space<hbm>>)
    %dma_wait3A_116 = arith.constant 0 : i32
    %dma_wait3A_117 = arith.constant 0 : i32
    %dma_wait3A_118 = tpu.memref_slice %arg5[%dma_wait3A_116, %dma_wait3A_117] : memref<20480x128xf32, #tpu.memory_space<hbm>> -> memref<128x128xf32, #tpu.memory_space<hbm>>
    %dma_wait3A_119 = arith.constant 0 : i32
    %dma_wait3A_120 = arith.constant 0 : i32
    %dma_wait3A_121 = tpu.memref_slice %arg11[%dma_wait3A_119, %dma_wait3A_120] : memref<10240x128xf32, #tpu.memory_space<vmem_shared>> -> memref<128x128xf32, #tpu.memory_space<vmem_shared>>
    tpu.wait_dma2 semaphore(%arg18 : memref<!tpu.dma_semaphore, #tpu.memory_space<semaphore_mem>>) src(%dma_wait3A_121 : memref<128x128xf32, #tpu.memory_space<vmem_shared>>) dst(%dma_wait3A_118 : memref<128x128xf32, #tpu.memory_space<hbm>>)
    return
  }
}

#map = affine_map<(d0, d1) -> (0, 0)>
#map1 = affine_map<(d0, d1) -> (0)>
module attributes {stable_mosaic.version = 14 : i64} {
  func.func @_pair_body(%arg0: i32, %arg1: i32, %arg2: memref<10240x128xf32, #tpu.memory_space<hbm>>, %arg3: memref<102400xi32, #tpu.memory_space<hbm>>, %arg4: memref<102400xi32, #tpu.memory_space<hbm>>, %arg5: memref<102400xi32, #tpu.memory_space<hbm>>, %arg6: memref<102400xi32, #tpu.memory_space<hbm>>, %arg7: memref<102400x128xf32, #tpu.memory_space<hbm>>, %arg8: memref<102400x128xf32, #tpu.memory_space<hbm>>, %arg9: memref<102400x128xf32, #tpu.memory_space<hbm>>, %arg10: memref<102400x128xf32, #tpu.memory_space<hbm>>, %arg11: memref<128xi32, #tpu.memory_space<vmem>>, %arg12: memref<128xi32, #tpu.memory_space<vmem>>, %arg13: memref<128xi32, #tpu.memory_space<vmem>>, %arg14: memref<128xi32, #tpu.memory_space<vmem>>, %arg15: memref<128x128xf32, #tpu.memory_space<vmem>>, %arg16: memref<128x128xf32, #tpu.memory_space<vmem>>, %arg17: memref<128x128xf32, #tpu.memory_space<vmem>>, %arg18: memref<128x128xf32, #tpu.memory_space<vmem>>, %arg19: memref<!tpu.dma_semaphore, #tpu.memory_space<semaphore_mem>>, %arg20: memref<!tpu.dma_semaphore, #tpu.memory_space<semaphore_mem>>, %arg21: memref<!tpu.dma_semaphore, #tpu.memory_space<semaphore_mem>>, %arg22: memref<!tpu.dma_semaphore, #tpu.memory_space<semaphore_mem>>, %arg23: memref<!tpu.dma_semaphore, #tpu.memory_space<semaphore_mem>>, %arg24: memref<!tpu.dma_semaphore, #tpu.memory_space<semaphore_mem>>) attributes {dimension_semantics = [#tpu.dimension_semantics<core_parallel>, #tpu.dimension_semantics<subcore_parallel>], iteration_bounds = array<i64: 2, 16>, scalar_prefetch = 0 : i64, scratch_operands = 14 : i64, tpu.core_type = #tpu.core_type<sc_vector_subcore>, window_params = [{transform_indices = #map}, {transform_indices = #map1}, {transform_indices = #map1}, {transform_indices = #map1}, {transform_indices = #map1}, {transform_indices = #map}, {transform_indices = #map}, {transform_indices = #map}, {transform_indices = #map}]} {
    %mul3A = arith.constant 2 : i32
    %mul3A_0 = arith.muli %arg1, %mul3A : i32
    %add3A = arith.addi %mul3A_0, %arg0 : i32
    %lt3A = arith.constant 16 : i32
    %lt3A_1 = arith.cmpi slt, %add3A, %lt3A : i32
    %convert_element_type3A = arith.extui %lt3A_1 : i1 to i32
    %cond3A = arith.constant 0 : i32
    %cond3A_2 = arith.cmpi ne, %convert_element_type3A, %cond3A : i32
    scf.if %cond3A_2 {
      %mul3A_7 = arith.constant 6400 : i32
      %mul3A_8 = arith.muli %add3A, %mul3A_7 : i32
      %dma_start3A = tpu.memref_slice %arg3[%mul3A_8] : memref<102400xi32, #tpu.memory_space<hbm>> -> memref<128xi32, #tpu.memory_space<hbm>>
      %dma_start3A_9 = tpu.memref_slice %arg3[%mul3A_8] : memref<102400xi32, #tpu.memory_space<hbm>> -> memref<128xi32, #tpu.memory_space<hbm>>
      tpu.enqueue_dma source(%dma_start3A_9 : memref<128xi32, #tpu.memory_space<hbm>>) target(%arg11 : memref<128xi32, #tpu.memory_space<vmem>>) target_semaphore(%arg19 : memref<!tpu.dma_semaphore, #tpu.memory_space<semaphore_mem>>)
      %mul3A_10 = arith.constant 6400 : i32
      %mul3A_11 = arith.muli %add3A, %mul3A_10 : i32
      %dma_start3A_12 = tpu.memref_slice %arg4[%mul3A_11] : memref<102400xi32, #tpu.memory_space<hbm>> -> memref<128xi32, #tpu.memory_space<hbm>>
      %dma_start3A_13 = tpu.memref_slice %arg4[%mul3A_11] : memref<102400xi32, #tpu.memory_space<hbm>> -> memref<128xi32, #tpu.memory_space<hbm>>
      tpu.enqueue_dma source(%dma_start3A_13 : memref<128xi32, #tpu.memory_space<hbm>>) target(%arg12 : memref<128xi32, #tpu.memory_space<vmem>>) target_semaphore(%arg19 : memref<!tpu.dma_semaphore, #tpu.memory_space<semaphore_mem>>)
      %mul3A_14 = arith.constant 6400 : i32
      %mul3A_15 = arith.muli %add3A, %mul3A_14 : i32
      %add3A_16 = arith.constant 128 : i32
      %add3A_17 = arith.addi %mul3A_15, %add3A_16 : i32
      %dma_start3A_18 = tpu.memref_slice %arg3[%add3A_17] : memref<102400xi32, #tpu.memory_space<hbm>> -> memref<128xi32, #tpu.memory_space<hbm>>
      %dma_start3A_19 = tpu.memref_slice %arg3[%add3A_17] : memref<102400xi32, #tpu.memory_space<hbm>> -> memref<128xi32, #tpu.memory_space<hbm>>
      tpu.enqueue_dma source(%dma_start3A_19 : memref<128xi32, #tpu.memory_space<hbm>>) target(%arg13 : memref<128xi32, #tpu.memory_space<vmem>>) target_semaphore(%arg20 : memref<!tpu.dma_semaphore, #tpu.memory_space<semaphore_mem>>)
      %mul3A_20 = arith.constant 6400 : i32
      %mul3A_21 = arith.muli %add3A, %mul3A_20 : i32
      %add3A_22 = arith.constant 128 : i32
      %add3A_23 = arith.addi %mul3A_21, %add3A_22 : i32
      %dma_start3A_24 = tpu.memref_slice %arg4[%add3A_23] : memref<102400xi32, #tpu.memory_space<hbm>> -> memref<128xi32, #tpu.memory_space<hbm>>
      %dma_start3A_25 = tpu.memref_slice %arg4[%add3A_23] : memref<102400xi32, #tpu.memory_space<hbm>> -> memref<128xi32, #tpu.memory_space<hbm>>
      tpu.enqueue_dma source(%dma_start3A_25 : memref<128xi32, #tpu.memory_space<hbm>>) target(%arg14 : memref<128xi32, #tpu.memory_space<vmem>>) target_semaphore(%arg20 : memref<!tpu.dma_semaphore, #tpu.memory_space<semaphore_mem>>)
      %scan3A = arith.constant 0 : i32
      %scan3A_26 = arith.constant 0 : i32
      %scan3A_27 = arith.constant 25 : i32
      %scan3A_28 = arith.addi %scan3A_26, %scan3A_27 : i32
      %scan3A_29 = arith.constant 1 : i32
      scf.for %scan3A_31 = %scan3A_26 to %scan3A_28 step %scan3A_29  : i32 {
        %dma_wait3A = arith.constant 0 : i32
        %dma_wait3A_32 = tpu.memref_slice %arg3[%dma_wait3A] : memref<102400xi32, #tpu.memory_space<hbm>> -> memref<128xi32, #tpu.memory_space<hbm>>
        %dma_wait3A_33 = arith.constant 0 : i32
        %dma_wait3A_34 = tpu.memref_slice %arg3[%dma_wait3A_33] : memref<102400xi32, #tpu.memory_space<hbm>> -> memref<128xi32, #tpu.memory_space<hbm>>
        tpu.wait_dma2 semaphore(%arg19 : memref<!tpu.dma_semaphore, #tpu.memory_space<semaphore_mem>>) src(%dma_wait3A_34 : memref<128xi32, #tpu.memory_space<hbm>>) dst(%arg11 : memref<128xi32, #tpu.memory_space<vmem>>)
        %dma_wait3A_35 = arith.constant 0 : i32
        %dma_wait3A_36 = tpu.memref_slice %arg3[%dma_wait3A_35] : memref<102400xi32, #tpu.memory_space<hbm>> -> memref<128xi32, #tpu.memory_space<hbm>>
        %dma_wait3A_37 = arith.constant 0 : i32
        %dma_wait3A_38 = tpu.memref_slice %arg3[%dma_wait3A_37] : memref<102400xi32, #tpu.memory_space<hbm>> -> memref<128xi32, #tpu.memory_space<hbm>>
        tpu.wait_dma2 semaphore(%arg19 : memref<!tpu.dma_semaphore, #tpu.memory_space<semaphore_mem>>) src(%dma_wait3A_38 : memref<128xi32, #tpu.memory_space<hbm>>) dst(%arg12 : memref<128xi32, #tpu.memory_space<vmem>>)
        %dma_start3A_39 = arith.constant 0 : i32
        %dma_start3A_40 = arith.constant 0 : i32
        %dma_start3A_41 = tpu.memref_slice %arg2[%dma_start3A_39, %dma_start3A_40] : memref<10240x128xf32, #tpu.memory_space<hbm>> -> memref<10240x128xf32, #tpu.memory_space<hbm>>
        tpu.enqueue_indirect_dma source(%dma_start3A_41 : memref<10240x128xf32, #tpu.memory_space<hbm>>) target(%arg15 : memref<128x128xf32, #tpu.memory_space<vmem>>) offsets(%arg11 : memref<128xi32, #tpu.memory_space<vmem>>) semaphore(%arg21 : memref<!tpu.dma_semaphore, #tpu.memory_space<semaphore_mem>>)
        %dma_start3A_42 = arith.constant 0 : i32
        %dma_start3A_43 = arith.constant 0 : i32
        %dma_start3A_44 = tpu.memref_slice %arg2[%dma_start3A_42, %dma_start3A_43] : memref<10240x128xf32, #tpu.memory_space<hbm>> -> memref<10240x128xf32, #tpu.memory_space<hbm>>
        tpu.enqueue_indirect_dma source(%dma_start3A_44 : memref<10240x128xf32, #tpu.memory_space<hbm>>) target(%arg16 : memref<128x128xf32, #tpu.memory_space<vmem>>) offsets(%arg12 : memref<128xi32, #tpu.memory_space<vmem>>) semaphore(%arg21 : memref<!tpu.dma_semaphore, #tpu.memory_space<semaphore_mem>>)
        %dma_wait3A_45 = arith.constant 0 : i32
        %dma_wait3A_46 = tpu.memref_slice %arg3[%dma_wait3A_45] : memref<102400xi32, #tpu.memory_space<hbm>> -> memref<128xi32, #tpu.memory_space<hbm>>
        %dma_wait3A_47 = arith.constant 0 : i32
        %dma_wait3A_48 = tpu.memref_slice %arg3[%dma_wait3A_47] : memref<102400xi32, #tpu.memory_space<hbm>> -> memref<128xi32, #tpu.memory_space<hbm>>
        tpu.wait_dma2 semaphore(%arg20 : memref<!tpu.dma_semaphore, #tpu.memory_space<semaphore_mem>>) src(%dma_wait3A_48 : memref<128xi32, #tpu.memory_space<hbm>>) dst(%arg13 : memref<128xi32, #tpu.memory_space<vmem>>)
        %dma_wait3A_49 = arith.constant 0 : i32
        %dma_wait3A_50 = tpu.memref_slice %arg3[%dma_wait3A_49] : memref<102400xi32, #tpu.memory_space<hbm>> -> memref<128xi32, #tpu.memory_space<hbm>>
        %dma_wait3A_51 = arith.constant 0 : i32
        %dma_wait3A_52 = tpu.memref_slice %arg3[%dma_wait3A_51] : memref<102400xi32, #tpu.memory_space<hbm>> -> memref<128xi32, #tpu.memory_space<hbm>>
        tpu.wait_dma2 semaphore(%arg20 : memref<!tpu.dma_semaphore, #tpu.memory_space<semaphore_mem>>) src(%dma_wait3A_52 : memref<128xi32, #tpu.memory_space<hbm>>) dst(%arg14 : memref<128xi32, #tpu.memory_space<vmem>>)
        %dma_start3A_53 = arith.constant 0 : i32
        %dma_start3A_54 = arith.constant 0 : i32
        %dma_start3A_55 = tpu.memref_slice %arg2[%dma_start3A_53, %dma_start3A_54] : memref<10240x128xf32, #tpu.memory_space<hbm>> -> memref<10240x128xf32, #tpu.memory_space<hbm>>
        tpu.enqueue_indirect_dma source(%dma_start3A_55 : memref<10240x128xf32, #tpu.memory_space<hbm>>) target(%arg17 : memref<128x128xf32, #tpu.memory_space<vmem>>) offsets(%arg13 : memref<128xi32, #tpu.memory_space<vmem>>) semaphore(%arg22 : memref<!tpu.dma_semaphore, #tpu.memory_space<semaphore_mem>>)
        %dma_start3A_56 = arith.constant 0 : i32
        %dma_start3A_57 = arith.constant 0 : i32
        %dma_start3A_58 = tpu.memref_slice %arg2[%dma_start3A_56, %dma_start3A_57] : memref<10240x128xf32, #tpu.memory_space<hbm>> -> memref<10240x128xf32, #tpu.memory_space<hbm>>
        tpu.enqueue_indirect_dma source(%dma_start3A_58 : memref<10240x128xf32, #tpu.memory_space<hbm>>) target(%arg18 : memref<128x128xf32, #tpu.memory_space<vmem>>) offsets(%arg14 : memref<128xi32, #tpu.memory_space<vmem>>) semaphore(%arg22 : memref<!tpu.dma_semaphore, #tpu.memory_space<semaphore_mem>>)
        %mul3A_59 = arith.constant 6400 : i32
        %mul3A_60 = arith.muli %add3A, %mul3A_59 : i32
        %mul3A_61 = arith.constant 2 : i32
        %mul3A_62 = arith.muli %mul3A_61, %scan3A_31 : i32
        %mul3A_63 = arith.constant 128 : i32
        %mul3A_64 = arith.muli %mul3A_62, %mul3A_63 : i32
        %add3A_65 = arith.addi %mul3A_60, %mul3A_64 : i32
        %dma_wait3A_66 = arith.constant 0 : i32
        %dma_wait3A_67 = arith.constant 0 : i32
        %dma_wait3A_68 = tpu.memref_slice %arg2[%dma_wait3A_66, %dma_wait3A_67] : memref<10240x128xf32, #tpu.memory_space<hbm>> -> memref<10240x128xf32, #tpu.memory_space<hbm>>
        tpu.wait_indirect_dma semaphore(%arg21 : memref<!tpu.dma_semaphore, #tpu.memory_space<semaphore_mem>>) src(%dma_wait3A_68 : memref<10240x128xf32, #tpu.memory_space<hbm>>) dst(%arg15 : memref<128x128xf32, #tpu.memory_space<vmem>>)
        %dma_wait3A_69 = arith.constant 0 : i32
        %dma_wait3A_70 = arith.constant 0 : i32
        %dma_wait3A_71 = tpu.memref_slice %arg2[%dma_wait3A_69, %dma_wait3A_70] : memref<10240x128xf32, #tpu.memory_space<hbm>> -> memref<10240x128xf32, #tpu.memory_space<hbm>>
        tpu.wait_indirect_dma semaphore(%arg21 : memref<!tpu.dma_semaphore, #tpu.memory_space<semaphore_mem>>) src(%dma_wait3A_71 : memref<10240x128xf32, #tpu.memory_space<hbm>>) dst(%arg16 : memref<128x128xf32, #tpu.memory_space<vmem>>)
        %dma_start3A_72 = arith.constant 0 : i32
        %dma_start3A_73 = tpu.memref_slice %arg7[%add3A_65, %dma_start3A_72] : memref<102400x128xf32, #tpu.memory_space<hbm>> -> memref<128x128xf32, #tpu.memory_space<hbm>>
        %dma_start3A_74 = arith.constant 0 : i32
        %dma_start3A_75 = tpu.memref_slice %arg7[%add3A_65, %dma_start3A_74] : memref<102400x128xf32, #tpu.memory_space<hbm>> -> memref<128x128xf32, #tpu.memory_space<hbm>>
        tpu.enqueue_dma source(%arg15 : memref<128x128xf32, #tpu.memory_space<vmem>>) target(%dma_start3A_75 : memref<128x128xf32, #tpu.memory_space<hbm>>) target_semaphore(%arg23 : memref<!tpu.dma_semaphore, #tpu.memory_space<semaphore_mem>>)
        %dma_start3A_76 = arith.constant 0 : i32
        %dma_start3A_77 = tpu.memref_slice %arg8[%add3A_65, %dma_start3A_76] : memref<102400x128xf32, #tpu.memory_space<hbm>> -> memref<128x128xf32, #tpu.memory_space<hbm>>
        %dma_start3A_78 = arith.constant 0 : i32
        %dma_start3A_79 = tpu.memref_slice %arg8[%add3A_65, %dma_start3A_78] : memref<102400x128xf32, #tpu.memory_space<hbm>> -> memref<128x128xf32, #tpu.memory_space<hbm>>
        tpu.enqueue_dma source(%arg16 : memref<128x128xf32, #tpu.memory_space<vmem>>) target(%dma_start3A_79 : memref<128x128xf32, #tpu.memory_space<hbm>>) target_semaphore(%arg23 : memref<!tpu.dma_semaphore, #tpu.memory_space<semaphore_mem>>)
        %lt3A_80 = arith.constant 24 : i32
        %lt3A_81 = arith.cmpi slt, %scan3A_31, %lt3A_80 : i32
        %convert_element_type3A_82 = arith.extui %lt3A_81 : i1 to i32
        %cond3A_83 = arith.constant 0 : i32
        %cond3A_84 = arith.cmpi ne, %convert_element_type3A_82, %cond3A_83 : i32
        scf.if %cond3A_84 {
          %mul3A_137 = arith.constant 6400 : i32
          %mul3A_138 = arith.muli %add3A, %mul3A_137 : i32
          %mul3A_139 = arith.constant 2 : i32
          %mul3A_140 = arith.muli %mul3A_139, %scan3A_31 : i32
          %add3A_141 = arith.constant 2 : i32
          %add3A_142 = arith.addi %mul3A_140, %add3A_141 : i32
          %mul3A_143 = arith.constant 128 : i32
          %mul3A_144 = arith.muli %add3A_142, %mul3A_143 : i32
          %add3A_145 = arith.addi %mul3A_138, %mul3A_144 : i32
          %dma_start3A_146 = tpu.memref_slice %arg3[%add3A_145] : memref<102400xi32, #tpu.memory_space<hbm>> -> memref<128xi32, #tpu.memory_space<hbm>>
          %dma_start3A_147 = tpu.memref_slice %arg3[%add3A_145] : memref<102400xi32, #tpu.memory_space<hbm>> -> memref<128xi32, #tpu.memory_space<hbm>>
          tpu.enqueue_dma source(%dma_start3A_147 : memref<128xi32, #tpu.memory_space<hbm>>) target(%arg11 : memref<128xi32, #tpu.memory_space<vmem>>) target_semaphore(%arg19 : memref<!tpu.dma_semaphore, #tpu.memory_space<semaphore_mem>>)
          %dma_start3A_148 = tpu.memref_slice %arg4[%add3A_145] : memref<102400xi32, #tpu.memory_space<hbm>> -> memref<128xi32, #tpu.memory_space<hbm>>
          %dma_start3A_149 = tpu.memref_slice %arg4[%add3A_145] : memref<102400xi32, #tpu.memory_space<hbm>> -> memref<128xi32, #tpu.memory_space<hbm>>
          tpu.enqueue_dma source(%dma_start3A_149 : memref<128xi32, #tpu.memory_space<hbm>>) target(%arg12 : memref<128xi32, #tpu.memory_space<vmem>>) target_semaphore(%arg19 : memref<!tpu.dma_semaphore, #tpu.memory_space<semaphore_mem>>)
        } else {
        }
        %mul3A_85 = arith.constant 6400 : i32
        %mul3A_86 = arith.muli %add3A, %mul3A_85 : i32
        %mul3A_87 = arith.constant 2 : i32
        %mul3A_88 = arith.muli %mul3A_87, %scan3A_31 : i32
        %add3A_89 = arith.constant 1 : i32
        %add3A_90 = arith.addi %mul3A_88, %add3A_89 : i32
        %mul3A_91 = arith.constant 128 : i32
        %mul3A_92 = arith.muli %add3A_90, %mul3A_91 : i32
        %add3A_93 = arith.addi %mul3A_86, %mul3A_92 : i32
        %dma_wait3A_94 = arith.constant 0 : i32
        %dma_wait3A_95 = arith.constant 0 : i32
        %dma_wait3A_96 = tpu.memref_slice %arg2[%dma_wait3A_94, %dma_wait3A_95] : memref<10240x128xf32, #tpu.memory_space<hbm>> -> memref<10240x128xf32, #tpu.memory_space<hbm>>
        tpu.wait_indirect_dma semaphore(%arg22 : memref<!tpu.dma_semaphore, #tpu.memory_space<semaphore_mem>>) src(%dma_wait3A_96 : memref<10240x128xf32, #tpu.memory_space<hbm>>) dst(%arg17 : memref<128x128xf32, #tpu.memory_space<vmem>>)
        %dma_wait3A_97 = arith.constant 0 : i32
        %dma_wait3A_98 = arith.constant 0 : i32
        %dma_wait3A_99 = tpu.memref_slice %arg2[%dma_wait3A_97, %dma_wait3A_98] : memref<10240x128xf32, #tpu.memory_space<hbm>> -> memref<10240x128xf32, #tpu.memory_space<hbm>>
        tpu.wait_indirect_dma semaphore(%arg22 : memref<!tpu.dma_semaphore, #tpu.memory_space<semaphore_mem>>) src(%dma_wait3A_99 : memref<10240x128xf32, #tpu.memory_space<hbm>>) dst(%arg18 : memref<128x128xf32, #tpu.memory_space<vmem>>)
        %dma_start3A_100 = arith.constant 0 : i32
        %dma_start3A_101 = tpu.memref_slice %arg7[%add3A_93, %dma_start3A_100] : memref<102400x128xf32, #tpu.memory_space<hbm>> -> memref<128x128xf32, #tpu.memory_space<hbm>>
        %dma_start3A_102 = arith.constant 0 : i32
        %dma_start3A_103 = tpu.memref_slice %arg7[%add3A_93, %dma_start3A_102] : memref<102400x128xf32, #tpu.memory_space<hbm>> -> memref<128x128xf32, #tpu.memory_space<hbm>>
        tpu.enqueue_dma source(%arg17 : memref<128x128xf32, #tpu.memory_space<vmem>>) target(%dma_start3A_103 : memref<128x128xf32, #tpu.memory_space<hbm>>) target_semaphore(%arg24 : memref<!tpu.dma_semaphore, #tpu.memory_space<semaphore_mem>>)
        %dma_start3A_104 = arith.constant 0 : i32
        %dma_start3A_105 = tpu.memref_slice %arg8[%add3A_93, %dma_start3A_104] : memref<102400x128xf32, #tpu.memory_space<hbm>> -> memref<128x128xf32, #tpu.memory_space<hbm>>
        %dma_start3A_106 = arith.constant 0 : i32
        %dma_start3A_107 = tpu.memref_slice %arg8[%add3A_93, %dma_start3A_106] : memref<102400x128xf32, #tpu.memory_space<hbm>> -> memref<128x128xf32, #tpu.memory_space<hbm>>
        tpu.enqueue_dma source(%arg18 : memref<128x128xf32, #tpu.memory_space<vmem>>) target(%dma_start3A_107 : memref<128x128xf32, #tpu.memory_space<hbm>>) target_semaphore(%arg24 : memref<!tpu.dma_semaphore, #tpu.memory_space<semaphore_mem>>)
        %lt3A_108 = arith.constant 24 : i32
        %lt3A_109 = arith.cmpi slt, %scan3A_31, %lt3A_108 : i32
        %convert_element_type3A_110 = arith.extui %lt3A_109 : i1 to i32
        %cond3A_111 = arith.constant 0 : i32
        %cond3A_112 = arith.cmpi ne, %convert_element_type3A_110, %cond3A_111 : i32
        scf.if %cond3A_112 {
          %mul3A_137 = arith.constant 6400 : i32
          %mul3A_138 = arith.muli %add3A, %mul3A_137 : i32
          %mul3A_139 = arith.constant 2 : i32
          %mul3A_140 = arith.muli %mul3A_139, %scan3A_31 : i32
          %add3A_141 = arith.constant 3 : i32
          %add3A_142 = arith.addi %mul3A_140, %add3A_141 : i32
          %mul3A_143 = arith.constant 128 : i32
          %mul3A_144 = arith.muli %add3A_142, %mul3A_143 : i32
          %add3A_145 = arith.addi %mul3A_138, %mul3A_144 : i32
          %dma_start3A_146 = tpu.memref_slice %arg3[%add3A_145] : memref<102400xi32, #tpu.memory_space<hbm>> -> memref<128xi32, #tpu.memory_space<hbm>>
          %dma_start3A_147 = tpu.memref_slice %arg3[%add3A_145] : memref<102400xi32, #tpu.memory_space<hbm>> -> memref<128xi32, #tpu.memory_space<hbm>>
          tpu.enqueue_dma source(%dma_start3A_147 : memref<128xi32, #tpu.memory_space<hbm>>) target(%arg13 : memref<128xi32, #tpu.memory_space<vmem>>) target_semaphore(%arg20 : memref<!tpu.dma_semaphore, #tpu.memory_space<semaphore_mem>>)
          %dma_start3A_148 = tpu.memref_slice %arg4[%add3A_145] : memref<102400xi32, #tpu.memory_space<hbm>> -> memref<128xi32, #tpu.memory_space<hbm>>
          %dma_start3A_149 = tpu.memref_slice %arg4[%add3A_145] : memref<102400xi32, #tpu.memory_space<hbm>> -> memref<128xi32, #tpu.memory_space<hbm>>
          tpu.enqueue_dma source(%dma_start3A_149 : memref<128xi32, #tpu.memory_space<hbm>>) target(%arg14 : memref<128xi32, #tpu.memory_space<vmem>>) target_semaphore(%arg20 : memref<!tpu.dma_semaphore, #tpu.memory_space<semaphore_mem>>)
        } else {
        }
        %dma_wait3A_113 = arith.constant 0 : i32
        %dma_wait3A_114 = arith.constant 0 : i32
        %dma_wait3A_115 = tpu.memref_slice %arg7[%dma_wait3A_113, %dma_wait3A_114] : memref<102400x128xf32, #tpu.memory_space<hbm>> -> memref<128x128xf32, #tpu.memory_space<hbm>>
        %dma_wait3A_116 = arith.constant 0 : i32
        %dma_wait3A_117 = arith.constant 0 : i32
        %dma_wait3A_118 = tpu.memref_slice %arg7[%dma_wait3A_116, %dma_wait3A_117] : memref<102400x128xf32, #tpu.memory_space<hbm>> -> memref<128x128xf32, #tpu.memory_space<hbm>>
        tpu.wait_dma2 semaphore(%arg23 : memref<!tpu.dma_semaphore, #tpu.memory_space<semaphore_mem>>) src(%arg15 : memref<128x128xf32, #tpu.memory_space<vmem>>) dst(%dma_wait3A_118 : memref<128x128xf32, #tpu.memory_space<hbm>>)
        %dma_wait3A_119 = arith.constant 0 : i32
        %dma_wait3A_120 = arith.constant 0 : i32
        %dma_wait3A_121 = tpu.memref_slice %arg7[%dma_wait3A_119, %dma_wait3A_120] : memref<102400x128xf32, #tpu.memory_space<hbm>> -> memref<128x128xf32, #tpu.memory_space<hbm>>
        %dma_wait3A_122 = arith.constant 0 : i32
        %dma_wait3A_123 = arith.constant 0 : i32
        %dma_wait3A_124 = tpu.memref_slice %arg7[%dma_wait3A_122, %dma_wait3A_123] : memref<102400x128xf32, #tpu.memory_space<hbm>> -> memref<128x128xf32, #tpu.memory_space<hbm>>
        tpu.wait_dma2 semaphore(%arg23 : memref<!tpu.dma_semaphore, #tpu.memory_space<semaphore_mem>>) src(%arg15 : memref<128x128xf32, #tpu.memory_space<vmem>>) dst(%dma_wait3A_124 : memref<128x128xf32, #tpu.memory_space<hbm>>)
        %dma_wait3A_125 = arith.constant 0 : i32
        %dma_wait3A_126 = arith.constant 0 : i32
        %dma_wait3A_127 = tpu.memref_slice %arg7[%dma_wait3A_125, %dma_wait3A_126] : memref<102400x128xf32, #tpu.memory_space<hbm>> -> memref<128x128xf32, #tpu.memory_space<hbm>>
        %dma_wait3A_128 = arith.constant 0 : i32
        %dma_wait3A_129 = arith.constant 0 : i32
        %dma_wait3A_130 = tpu.memref_slice %arg7[%dma_wait3A_128, %dma_wait3A_129] : memref<102400x128xf32, #tpu.memory_space<hbm>> -> memref<128x128xf32, #tpu.memory_space<hbm>>
        tpu.wait_dma2 semaphore(%arg24 : memref<!tpu.dma_semaphore, #tpu.memory_space<semaphore_mem>>) src(%arg17 : memref<128x128xf32, #tpu.memory_space<vmem>>) dst(%dma_wait3A_130 : memref<128x128xf32, #tpu.memory_space<hbm>>)
        %dma_wait3A_131 = arith.constant 0 : i32
        %dma_wait3A_132 = arith.constant 0 : i32
        %dma_wait3A_133 = tpu.memref_slice %arg7[%dma_wait3A_131, %dma_wait3A_132] : memref<102400x128xf32, #tpu.memory_space<hbm>> -> memref<128x128xf32, #tpu.memory_space<hbm>>
        %dma_wait3A_134 = arith.constant 0 : i32
        %dma_wait3A_135 = arith.constant 0 : i32
        %dma_wait3A_136 = tpu.memref_slice %arg7[%dma_wait3A_134, %dma_wait3A_135] : memref<102400x128xf32, #tpu.memory_space<hbm>> -> memref<128x128xf32, #tpu.memory_space<hbm>>
        tpu.wait_dma2 semaphore(%arg24 : memref<!tpu.dma_semaphore, #tpu.memory_space<semaphore_mem>>) src(%arg17 : memref<128x128xf32, #tpu.memory_space<vmem>>) dst(%dma_wait3A_136 : memref<128x128xf32, #tpu.memory_space<hbm>>)
      }
      %scan3A_30 = arith.constant 25 : i32
    } else {
    }
    %ge3A = arith.constant 16 : i32
    %ge3A_3 = arith.cmpi sge, %add3A, %ge3A : i32
    %convert_element_type3A_4 = arith.extui %ge3A_3 : i1 to i32
    %cond3A_5 = arith.constant 0 : i32
    %cond3A_6 = arith.cmpi ne, %convert_element_type3A_4, %cond3A_5 : i32
    scf.if %cond3A_6 {
      %sub3A = arith.constant 16 : i32
      %sub3A_7 = arith.subi %add3A, %sub3A : i32
      %mul3A_8 = arith.constant 6400 : i32
      %mul3A_9 = arith.muli %sub3A_7, %mul3A_8 : i32
      %dma_start3A = tpu.memref_slice %arg5[%mul3A_9] : memref<102400xi32, #tpu.memory_space<hbm>> -> memref<128xi32, #tpu.memory_space<hbm>>
      %dma_start3A_10 = tpu.memref_slice %arg5[%mul3A_9] : memref<102400xi32, #tpu.memory_space<hbm>> -> memref<128xi32, #tpu.memory_space<hbm>>
      tpu.enqueue_dma source(%dma_start3A_10 : memref<128xi32, #tpu.memory_space<hbm>>) target(%arg11 : memref<128xi32, #tpu.memory_space<vmem>>) target_semaphore(%arg19 : memref<!tpu.dma_semaphore, #tpu.memory_space<semaphore_mem>>)
      %mul3A_11 = arith.constant 6400 : i32
      %mul3A_12 = arith.muli %sub3A_7, %mul3A_11 : i32
      %dma_start3A_13 = tpu.memref_slice %arg6[%mul3A_12] : memref<102400xi32, #tpu.memory_space<hbm>> -> memref<128xi32, #tpu.memory_space<hbm>>
      %dma_start3A_14 = tpu.memref_slice %arg6[%mul3A_12] : memref<102400xi32, #tpu.memory_space<hbm>> -> memref<128xi32, #tpu.memory_space<hbm>>
      tpu.enqueue_dma source(%dma_start3A_14 : memref<128xi32, #tpu.memory_space<hbm>>) target(%arg12 : memref<128xi32, #tpu.memory_space<vmem>>) target_semaphore(%arg19 : memref<!tpu.dma_semaphore, #tpu.memory_space<semaphore_mem>>)
      %mul3A_15 = arith.constant 6400 : i32
      %mul3A_16 = arith.muli %sub3A_7, %mul3A_15 : i32
      %add3A_17 = arith.constant 128 : i32
      %add3A_18 = arith.addi %mul3A_16, %add3A_17 : i32
      %dma_start3A_19 = tpu.memref_slice %arg5[%add3A_18] : memref<102400xi32, #tpu.memory_space<hbm>> -> memref<128xi32, #tpu.memory_space<hbm>>
      %dma_start3A_20 = tpu.memref_slice %arg5[%add3A_18] : memref<102400xi32, #tpu.memory_space<hbm>> -> memref<128xi32, #tpu.memory_space<hbm>>
      tpu.enqueue_dma source(%dma_start3A_20 : memref<128xi32, #tpu.memory_space<hbm>>) target(%arg13 : memref<128xi32, #tpu.memory_space<vmem>>) target_semaphore(%arg20 : memref<!tpu.dma_semaphore, #tpu.memory_space<semaphore_mem>>)
      %mul3A_21 = arith.constant 6400 : i32
      %mul3A_22 = arith.muli %sub3A_7, %mul3A_21 : i32
      %add3A_23 = arith.constant 128 : i32
      %add3A_24 = arith.addi %mul3A_22, %add3A_23 : i32
      %dma_start3A_25 = tpu.memref_slice %arg6[%add3A_24] : memref<102400xi32, #tpu.memory_space<hbm>> -> memref<128xi32, #tpu.memory_space<hbm>>
      %dma_start3A_26 = tpu.memref_slice %arg6[%add3A_24] : memref<102400xi32, #tpu.memory_space<hbm>> -> memref<128xi32, #tpu.memory_space<hbm>>
      tpu.enqueue_dma source(%dma_start3A_26 : memref<128xi32, #tpu.memory_space<hbm>>) target(%arg14 : memref<128xi32, #tpu.memory_space<vmem>>) target_semaphore(%arg20 : memref<!tpu.dma_semaphore, #tpu.memory_space<semaphore_mem>>)
      %scan3A = arith.constant 0 : i32
      %scan3A_27 = arith.constant 0 : i32
      %scan3A_28 = arith.constant 25 : i32
      %scan3A_29 = arith.addi %scan3A_27, %scan3A_28 : i32
      %scan3A_30 = arith.constant 1 : i32
      scf.for %scan3A_32 = %scan3A_27 to %scan3A_29 step %scan3A_30  : i32 {
        %dma_wait3A = arith.constant 0 : i32
        %dma_wait3A_33 = tpu.memref_slice %arg5[%dma_wait3A] : memref<102400xi32, #tpu.memory_space<hbm>> -> memref<128xi32, #tpu.memory_space<hbm>>
        %dma_wait3A_34 = arith.constant 0 : i32
        %dma_wait3A_35 = tpu.memref_slice %arg5[%dma_wait3A_34] : memref<102400xi32, #tpu.memory_space<hbm>> -> memref<128xi32, #tpu.memory_space<hbm>>
        tpu.wait_dma2 semaphore(%arg19 : memref<!tpu.dma_semaphore, #tpu.memory_space<semaphore_mem>>) src(%dma_wait3A_35 : memref<128xi32, #tpu.memory_space<hbm>>) dst(%arg11 : memref<128xi32, #tpu.memory_space<vmem>>)
        %dma_wait3A_36 = arith.constant 0 : i32
        %dma_wait3A_37 = tpu.memref_slice %arg5[%dma_wait3A_36] : memref<102400xi32, #tpu.memory_space<hbm>> -> memref<128xi32, #tpu.memory_space<hbm>>
        %dma_wait3A_38 = arith.constant 0 : i32
        %dma_wait3A_39 = tpu.memref_slice %arg5[%dma_wait3A_38] : memref<102400xi32, #tpu.memory_space<hbm>> -> memref<128xi32, #tpu.memory_space<hbm>>
        tpu.wait_dma2 semaphore(%arg19 : memref<!tpu.dma_semaphore, #tpu.memory_space<semaphore_mem>>) src(%dma_wait3A_39 : memref<128xi32, #tpu.memory_space<hbm>>) dst(%arg12 : memref<128xi32, #tpu.memory_space<vmem>>)
        %dma_start3A_40 = arith.constant 0 : i32
        %dma_start3A_41 = arith.constant 0 : i32
        %dma_start3A_42 = tpu.memref_slice %arg2[%dma_start3A_40, %dma_start3A_41] : memref<10240x128xf32, #tpu.memory_space<hbm>> -> memref<10240x128xf32, #tpu.memory_space<hbm>>
        tpu.enqueue_indirect_dma source(%dma_start3A_42 : memref<10240x128xf32, #tpu.memory_space<hbm>>) target(%arg15 : memref<128x128xf32, #tpu.memory_space<vmem>>) offsets(%arg11 : memref<128xi32, #tpu.memory_space<vmem>>) semaphore(%arg21 : memref<!tpu.dma_semaphore, #tpu.memory_space<semaphore_mem>>)
        %dma_start3A_43 = arith.constant 0 : i32
        %dma_start3A_44 = arith.constant 0 : i32
        %dma_start3A_45 = tpu.memref_slice %arg2[%dma_start3A_43, %dma_start3A_44] : memref<10240x128xf32, #tpu.memory_space<hbm>> -> memref<10240x128xf32, #tpu.memory_space<hbm>>
        tpu.enqueue_indirect_dma source(%dma_start3A_45 : memref<10240x128xf32, #tpu.memory_space<hbm>>) target(%arg16 : memref<128x128xf32, #tpu.memory_space<vmem>>) offsets(%arg12 : memref<128xi32, #tpu.memory_space<vmem>>) semaphore(%arg21 : memref<!tpu.dma_semaphore, #tpu.memory_space<semaphore_mem>>)
        %dma_wait3A_46 = arith.constant 0 : i32
        %dma_wait3A_47 = tpu.memref_slice %arg5[%dma_wait3A_46] : memref<102400xi32, #tpu.memory_space<hbm>> -> memref<128xi32, #tpu.memory_space<hbm>>
        %dma_wait3A_48 = arith.constant 0 : i32
        %dma_wait3A_49 = tpu.memref_slice %arg5[%dma_wait3A_48] : memref<102400xi32, #tpu.memory_space<hbm>> -> memref<128xi32, #tpu.memory_space<hbm>>
        tpu.wait_dma2 semaphore(%arg20 : memref<!tpu.dma_semaphore, #tpu.memory_space<semaphore_mem>>) src(%dma_wait3A_49 : memref<128xi32, #tpu.memory_space<hbm>>) dst(%arg13 : memref<128xi32, #tpu.memory_space<vmem>>)
        %dma_wait3A_50 = arith.constant 0 : i32
        %dma_wait3A_51 = tpu.memref_slice %arg5[%dma_wait3A_50] : memref<102400xi32, #tpu.memory_space<hbm>> -> memref<128xi32, #tpu.memory_space<hbm>>
        %dma_wait3A_52 = arith.constant 0 : i32
        %dma_wait3A_53 = tpu.memref_slice %arg5[%dma_wait3A_52] : memref<102400xi32, #tpu.memory_space<hbm>> -> memref<128xi32, #tpu.memory_space<hbm>>
        tpu.wait_dma2 semaphore(%arg20 : memref<!tpu.dma_semaphore, #tpu.memory_space<semaphore_mem>>) src(%dma_wait3A_53 : memref<128xi32, #tpu.memory_space<hbm>>) dst(%arg14 : memref<128xi32, #tpu.memory_space<vmem>>)
        %dma_start3A_54 = arith.constant 0 : i32
        %dma_start3A_55 = arith.constant 0 : i32
        %dma_start3A_56 = tpu.memref_slice %arg2[%dma_start3A_54, %dma_start3A_55] : memref<10240x128xf32, #tpu.memory_space<hbm>> -> memref<10240x128xf32, #tpu.memory_space<hbm>>
        tpu.enqueue_indirect_dma source(%dma_start3A_56 : memref<10240x128xf32, #tpu.memory_space<hbm>>) target(%arg17 : memref<128x128xf32, #tpu.memory_space<vmem>>) offsets(%arg13 : memref<128xi32, #tpu.memory_space<vmem>>) semaphore(%arg22 : memref<!tpu.dma_semaphore, #tpu.memory_space<semaphore_mem>>)
        %dma_start3A_57 = arith.constant 0 : i32
        %dma_start3A_58 = arith.constant 0 : i32
        %dma_start3A_59 = tpu.memref_slice %arg2[%dma_start3A_57, %dma_start3A_58] : memref<10240x128xf32, #tpu.memory_space<hbm>> -> memref<10240x128xf32, #tpu.memory_space<hbm>>
        tpu.enqueue_indirect_dma source(%dma_start3A_59 : memref<10240x128xf32, #tpu.memory_space<hbm>>) target(%arg18 : memref<128x128xf32, #tpu.memory_space<vmem>>) offsets(%arg14 : memref<128xi32, #tpu.memory_space<vmem>>) semaphore(%arg22 : memref<!tpu.dma_semaphore, #tpu.memory_space<semaphore_mem>>)
        %mul3A_60 = arith.constant 6400 : i32
        %mul3A_61 = arith.muli %sub3A_7, %mul3A_60 : i32
        %mul3A_62 = arith.constant 2 : i32
        %mul3A_63 = arith.muli %mul3A_62, %scan3A_32 : i32
        %mul3A_64 = arith.constant 128 : i32
        %mul3A_65 = arith.muli %mul3A_63, %mul3A_64 : i32
        %add3A_66 = arith.addi %mul3A_61, %mul3A_65 : i32
        %dma_wait3A_67 = arith.constant 0 : i32
        %dma_wait3A_68 = arith.constant 0 : i32
        %dma_wait3A_69 = tpu.memref_slice %arg2[%dma_wait3A_67, %dma_wait3A_68] : memref<10240x128xf32, #tpu.memory_space<hbm>> -> memref<10240x128xf32, #tpu.memory_space<hbm>>
        tpu.wait_indirect_dma semaphore(%arg21 : memref<!tpu.dma_semaphore, #tpu.memory_space<semaphore_mem>>) src(%dma_wait3A_69 : memref<10240x128xf32, #tpu.memory_space<hbm>>) dst(%arg15 : memref<128x128xf32, #tpu.memory_space<vmem>>)
        %dma_wait3A_70 = arith.constant 0 : i32
        %dma_wait3A_71 = arith.constant 0 : i32
        %dma_wait3A_72 = tpu.memref_slice %arg2[%dma_wait3A_70, %dma_wait3A_71] : memref<10240x128xf32, #tpu.memory_space<hbm>> -> memref<10240x128xf32, #tpu.memory_space<hbm>>
        tpu.wait_indirect_dma semaphore(%arg21 : memref<!tpu.dma_semaphore, #tpu.memory_space<semaphore_mem>>) src(%dma_wait3A_72 : memref<10240x128xf32, #tpu.memory_space<hbm>>) dst(%arg16 : memref<128x128xf32, #tpu.memory_space<vmem>>)
        %dma_start3A_73 = arith.constant 0 : i32
        %dma_start3A_74 = tpu.memref_slice %arg9[%add3A_66, %dma_start3A_73] : memref<102400x128xf32, #tpu.memory_space<hbm>> -> memref<128x128xf32, #tpu.memory_space<hbm>>
        %dma_start3A_75 = arith.constant 0 : i32
        %dma_start3A_76 = tpu.memref_slice %arg9[%add3A_66, %dma_start3A_75] : memref<102400x128xf32, #tpu.memory_space<hbm>> -> memref<128x128xf32, #tpu.memory_space<hbm>>
        tpu.enqueue_dma source(%arg15 : memref<128x128xf32, #tpu.memory_space<vmem>>) target(%dma_start3A_76 : memref<128x128xf32, #tpu.memory_space<hbm>>) target_semaphore(%arg23 : memref<!tpu.dma_semaphore, #tpu.memory_space<semaphore_mem>>)
        %dma_start3A_77 = arith.constant 0 : i32
        %dma_start3A_78 = tpu.memref_slice %arg10[%add3A_66, %dma_start3A_77] : memref<102400x128xf32, #tpu.memory_space<hbm>> -> memref<128x128xf32, #tpu.memory_space<hbm>>
        %dma_start3A_79 = arith.constant 0 : i32
        %dma_start3A_80 = tpu.memref_slice %arg10[%add3A_66, %dma_start3A_79] : memref<102400x128xf32, #tpu.memory_space<hbm>> -> memref<128x128xf32, #tpu.memory_space<hbm>>
        tpu.enqueue_dma source(%arg16 : memref<128x128xf32, #tpu.memory_space<vmem>>) target(%dma_start3A_80 : memref<128x128xf32, #tpu.memory_space<hbm>>) target_semaphore(%arg23 : memref<!tpu.dma_semaphore, #tpu.memory_space<semaphore_mem>>)
        %lt3A_81 = arith.constant 24 : i32
        %lt3A_82 = arith.cmpi slt, %scan3A_32, %lt3A_81 : i32
        %convert_element_type3A_83 = arith.extui %lt3A_82 : i1 to i32
        %cond3A_84 = arith.constant 0 : i32
        %cond3A_85 = arith.cmpi ne, %convert_element_type3A_83, %cond3A_84 : i32
        scf.if %cond3A_85 {
          %mul3A_138 = arith.constant 6400 : i32
          %mul3A_139 = arith.muli %sub3A_7, %mul3A_138 : i32
          %mul3A_140 = arith.constant 2 : i32
          %mul3A_141 = arith.muli %mul3A_140, %scan3A_32 : i32
          %add3A_142 = arith.constant 2 : i32
          %add3A_143 = arith.addi %mul3A_141, %add3A_142 : i32
          %mul3A_144 = arith.constant 128 : i32
          %mul3A_145 = arith.muli %add3A_143, %mul3A_144 : i32
          %add3A_146 = arith.addi %mul3A_139, %mul3A_145 : i32
          %dma_start3A_147 = tpu.memref_slice %arg5[%add3A_146] : memref<102400xi32, #tpu.memory_space<hbm>> -> memref<128xi32, #tpu.memory_space<hbm>>
          %dma_start3A_148 = tpu.memref_slice %arg5[%add3A_146] : memref<102400xi32, #tpu.memory_space<hbm>> -> memref<128xi32, #tpu.memory_space<hbm>>
          tpu.enqueue_dma source(%dma_start3A_148 : memref<128xi32, #tpu.memory_space<hbm>>) target(%arg11 : memref<128xi32, #tpu.memory_space<vmem>>) target_semaphore(%arg19 : memref<!tpu.dma_semaphore, #tpu.memory_space<semaphore_mem>>)
          %dma_start3A_149 = tpu.memref_slice %arg6[%add3A_146] : memref<102400xi32, #tpu.memory_space<hbm>> -> memref<128xi32, #tpu.memory_space<hbm>>
          %dma_start3A_150 = tpu.memref_slice %arg6[%add3A_146] : memref<102400xi32, #tpu.memory_space<hbm>> -> memref<128xi32, #tpu.memory_space<hbm>>
          tpu.enqueue_dma source(%dma_start3A_150 : memref<128xi32, #tpu.memory_space<hbm>>) target(%arg12 : memref<128xi32, #tpu.memory_space<vmem>>) target_semaphore(%arg19 : memref<!tpu.dma_semaphore, #tpu.memory_space<semaphore_mem>>)
        } else {
        }
        %mul3A_86 = arith.constant 6400 : i32
        %mul3A_87 = arith.muli %sub3A_7, %mul3A_86 : i32
        %mul3A_88 = arith.constant 2 : i32
        %mul3A_89 = arith.muli %mul3A_88, %scan3A_32 : i32
        %add3A_90 = arith.constant 1 : i32
        %add3A_91 = arith.addi %mul3A_89, %add3A_90 : i32
        %mul3A_92 = arith.constant 128 : i32
        %mul3A_93 = arith.muli %add3A_91, %mul3A_92 : i32
        %add3A_94 = arith.addi %mul3A_87, %mul3A_93 : i32
        %dma_wait3A_95 = arith.constant 0 : i32
        %dma_wait3A_96 = arith.constant 0 : i32
        %dma_wait3A_97 = tpu.memref_slice %arg2[%dma_wait3A_95, %dma_wait3A_96] : memref<10240x128xf32, #tpu.memory_space<hbm>> -> memref<10240x128xf32, #tpu.memory_space<hbm>>
        tpu.wait_indirect_dma semaphore(%arg22 : memref<!tpu.dma_semaphore, #tpu.memory_space<semaphore_mem>>) src(%dma_wait3A_97 : memref<10240x128xf32, #tpu.memory_space<hbm>>) dst(%arg17 : memref<128x128xf32, #tpu.memory_space<vmem>>)
        %dma_wait3A_98 = arith.constant 0 : i32
        %dma_wait3A_99 = arith.constant 0 : i32
        %dma_wait3A_100 = tpu.memref_slice %arg2[%dma_wait3A_98, %dma_wait3A_99] : memref<10240x128xf32, #tpu.memory_space<hbm>> -> memref<10240x128xf32, #tpu.memory_space<hbm>>
        tpu.wait_indirect_dma semaphore(%arg22 : memref<!tpu.dma_semaphore, #tpu.memory_space<semaphore_mem>>) src(%dma_wait3A_100 : memref<10240x128xf32, #tpu.memory_space<hbm>>) dst(%arg18 : memref<128x128xf32, #tpu.memory_space<vmem>>)
        %dma_start3A_101 = arith.constant 0 : i32
        %dma_start3A_102 = tpu.memref_slice %arg9[%add3A_94, %dma_start3A_101] : memref<102400x128xf32, #tpu.memory_space<hbm>> -> memref<128x128xf32, #tpu.memory_space<hbm>>
        %dma_start3A_103 = arith.constant 0 : i32
        %dma_start3A_104 = tpu.memref_slice %arg9[%add3A_94, %dma_start3A_103] : memref<102400x128xf32, #tpu.memory_space<hbm>> -> memref<128x128xf32, #tpu.memory_space<hbm>>
        tpu.enqueue_dma source(%arg17 : memref<128x128xf32, #tpu.memory_space<vmem>>) target(%dma_start3A_104 : memref<128x128xf32, #tpu.memory_space<hbm>>) target_semaphore(%arg24 : memref<!tpu.dma_semaphore, #tpu.memory_space<semaphore_mem>>)
        %dma_start3A_105 = arith.constant 0 : i32
        %dma_start3A_106 = tpu.memref_slice %arg10[%add3A_94, %dma_start3A_105] : memref<102400x128xf32, #tpu.memory_space<hbm>> -> memref<128x128xf32, #tpu.memory_space<hbm>>
        %dma_start3A_107 = arith.constant 0 : i32
        %dma_start3A_108 = tpu.memref_slice %arg10[%add3A_94, %dma_start3A_107] : memref<102400x128xf32, #tpu.memory_space<hbm>> -> memref<128x128xf32, #tpu.memory_space<hbm>>
        tpu.enqueue_dma source(%arg18 : memref<128x128xf32, #tpu.memory_space<vmem>>) target(%dma_start3A_108 : memref<128x128xf32, #tpu.memory_space<hbm>>) target_semaphore(%arg24 : memref<!tpu.dma_semaphore, #tpu.memory_space<semaphore_mem>>)
        %lt3A_109 = arith.constant 24 : i32
        %lt3A_110 = arith.cmpi slt, %scan3A_32, %lt3A_109 : i32
        %convert_element_type3A_111 = arith.extui %lt3A_110 : i1 to i32
        %cond3A_112 = arith.constant 0 : i32
        %cond3A_113 = arith.cmpi ne, %convert_element_type3A_111, %cond3A_112 : i32
        scf.if %cond3A_113 {
          %mul3A_138 = arith.constant 6400 : i32
          %mul3A_139 = arith.muli %sub3A_7, %mul3A_138 : i32
          %mul3A_140 = arith.constant 2 : i32
          %mul3A_141 = arith.muli %mul3A_140, %scan3A_32 : i32
          %add3A_142 = arith.constant 3 : i32
          %add3A_143 = arith.addi %mul3A_141, %add3A_142 : i32
          %mul3A_144 = arith.constant 128 : i32
          %mul3A_145 = arith.muli %add3A_143, %mul3A_144 : i32
          %add3A_146 = arith.addi %mul3A_139, %mul3A_145 : i32
          %dma_start3A_147 = tpu.memref_slice %arg5[%add3A_146] : memref<102400xi32, #tpu.memory_space<hbm>> -> memref<128xi32, #tpu.memory_space<hbm>>
          %dma_start3A_148 = tpu.memref_slice %arg5[%add3A_146] : memref<102400xi32, #tpu.memory_space<hbm>> -> memref<128xi32, #tpu.memory_space<hbm>>
          tpu.enqueue_dma source(%dma_start3A_148 : memref<128xi32, #tpu.memory_space<hbm>>) target(%arg13 : memref<128xi32, #tpu.memory_space<vmem>>) target_semaphore(%arg20 : memref<!tpu.dma_semaphore, #tpu.memory_space<semaphore_mem>>)
          %dma_start3A_149 = tpu.memref_slice %arg6[%add3A_146] : memref<102400xi32, #tpu.memory_space<hbm>> -> memref<128xi32, #tpu.memory_space<hbm>>
          %dma_start3A_150 = tpu.memref_slice %arg6[%add3A_146] : memref<102400xi32, #tpu.memory_space<hbm>> -> memref<128xi32, #tpu.memory_space<hbm>>
          tpu.enqueue_dma source(%dma_start3A_150 : memref<128xi32, #tpu.memory_space<hbm>>) target(%arg14 : memref<128xi32, #tpu.memory_space<vmem>>) target_semaphore(%arg20 : memref<!tpu.dma_semaphore, #tpu.memory_space<semaphore_mem>>)
        } else {
        }
        %dma_wait3A_114 = arith.constant 0 : i32
        %dma_wait3A_115 = arith.constant 0 : i32
        %dma_wait3A_116 = tpu.memref_slice %arg9[%dma_wait3A_114, %dma_wait3A_115] : memref<102400x128xf32, #tpu.memory_space<hbm>> -> memref<128x128xf32, #tpu.memory_space<hbm>>
        %dma_wait3A_117 = arith.constant 0 : i32
        %dma_wait3A_118 = arith.constant 0 : i32
        %dma_wait3A_119 = tpu.memref_slice %arg9[%dma_wait3A_117, %dma_wait3A_118] : memref<102400x128xf32, #tpu.memory_space<hbm>> -> memref<128x128xf32, #tpu.memory_space<hbm>>
        tpu.wait_dma2 semaphore(%arg23 : memref<!tpu.dma_semaphore, #tpu.memory_space<semaphore_mem>>) src(%arg15 : memref<128x128xf32, #tpu.memory_space<vmem>>) dst(%dma_wait3A_119 : memref<128x128xf32, #tpu.memory_space<hbm>>)
        %dma_wait3A_120 = arith.constant 0 : i32
        %dma_wait3A_121 = arith.constant 0 : i32
        %dma_wait3A_122 = tpu.memref_slice %arg9[%dma_wait3A_120, %dma_wait3A_121] : memref<102400x128xf32, #tpu.memory_space<hbm>> -> memref<128x128xf32, #tpu.memory_space<hbm>>
        %dma_wait3A_123 = arith.constant 0 : i32
        %dma_wait3A_124 = arith.constant 0 : i32
        %dma_wait3A_125 = tpu.memref_slice %arg9[%dma_wait3A_123, %dma_wait3A_124] : memref<102400x128xf32, #tpu.memory_space<hbm>> -> memref<128x128xf32, #tpu.memory_space<hbm>>
        tpu.wait_dma2 semaphore(%arg23 : memref<!tpu.dma_semaphore, #tpu.memory_space<semaphore_mem>>) src(%arg15 : memref<128x128xf32, #tpu.memory_space<vmem>>) dst(%dma_wait3A_125 : memref<128x128xf32, #tpu.memory_space<hbm>>)
        %dma_wait3A_126 = arith.constant 0 : i32
        %dma_wait3A_127 = arith.constant 0 : i32
        %dma_wait3A_128 = tpu.memref_slice %arg9[%dma_wait3A_126, %dma_wait3A_127] : memref<102400x128xf32, #tpu.memory_space<hbm>> -> memref<128x128xf32, #tpu.memory_space<hbm>>
        %dma_wait3A_129 = arith.constant 0 : i32
        %dma_wait3A_130 = arith.constant 0 : i32
        %dma_wait3A_131 = tpu.memref_slice %arg9[%dma_wait3A_129, %dma_wait3A_130] : memref<102400x128xf32, #tpu.memory_space<hbm>> -> memref<128x128xf32, #tpu.memory_space<hbm>>
        tpu.wait_dma2 semaphore(%arg24 : memref<!tpu.dma_semaphore, #tpu.memory_space<semaphore_mem>>) src(%arg17 : memref<128x128xf32, #tpu.memory_space<vmem>>) dst(%dma_wait3A_131 : memref<128x128xf32, #tpu.memory_space<hbm>>)
        %dma_wait3A_132 = arith.constant 0 : i32
        %dma_wait3A_133 = arith.constant 0 : i32
        %dma_wait3A_134 = tpu.memref_slice %arg9[%dma_wait3A_132, %dma_wait3A_133] : memref<102400x128xf32, #tpu.memory_space<hbm>> -> memref<128x128xf32, #tpu.memory_space<hbm>>
        %dma_wait3A_135 = arith.constant 0 : i32
        %dma_wait3A_136 = arith.constant 0 : i32
        %dma_wait3A_137 = tpu.memref_slice %arg9[%dma_wait3A_135, %dma_wait3A_136] : memref<102400x128xf32, #tpu.memory_space<hbm>> -> memref<128x128xf32, #tpu.memory_space<hbm>>
        tpu.wait_dma2 semaphore(%arg24 : memref<!tpu.dma_semaphore, #tpu.memory_space<semaphore_mem>>) src(%arg17 : memref<128x128xf32, #tpu.memory_space<vmem>>) dst(%dma_wait3A_137 : memref<128x128xf32, #tpu.memory_space<hbm>>)
      }
      %scan3A_31 = arith.constant 25 : i32
    } else {
    }
    return
  }
}

module attributes {stable_mosaic.version = 14 : i64} {
  func.func @_mm_body(%arg0: i32, %arg1: memref<512x128xf32, #tpu.memory_space<vmem>>, %arg2: memref<128x128xf32, #tpu.memory_space<vmem>>, %arg3: memref<1x128xf32, #tpu.memory_space<vmem>>, %arg4: memref<512x128xf32, #tpu.memory_space<vmem>>) attributes {dimension_semantics = [#tpu.dimension_semantics<arbitrary>], iteration_bounds = array<i64: 20>, scalar_prefetch = 0 : i64, scratch_operands = 0 : i64, tpu.core_type = #tpu.core_type<tc>, window_params = [{transform_indices = @transform_0, window_bounds = array<i64: 512, 128>}, {pipeline_mode = #tpu.pipeline_mode<synchronous>, transform_indices = @transform_1, window_bounds = array<i64: 128, 128>}, {pipeline_mode = #tpu.pipeline_mode<synchronous>, transform_indices = @transform_2, window_bounds = array<i64: 1, 128>}, {transform_indices = @transform_3, window_bounds = array<i64: 512, 128>}]} {
    %get3A = arith.constant 0 : index
    %get3A_0 = arith.constant 0 : index
    %get3A_1 = vector.load %arg1[%get3A, %get3A_0] : memref<512x128xf32, #tpu.memory_space<vmem>>, vector<512x128xf32>
    %get3A_2 = arith.constant 0 : index
    %get3A_3 = arith.constant 0 : index
    %get3A_4 = vector.load %arg2[%get3A_2, %get3A_3] : memref<128x128xf32, #tpu.memory_space<vmem>>, vector<128x128xf32>
    %dot_general3A = arith.constant dense<0.000000e+00> : vector<512x128xf32>
    %dot_general3A_5 = tpu.matmul %get3A_1, %get3A_4, %dot_general3A {dimension_numbers = #tpu.dot_dimension_numbers<[1], [0], [0], [1], [0, 0, 1, 1], [], []>, transpose_lhs_hint = false} : vector<512x128xf32>, vector<128x128xf32>, vector<512x128xf32> -> vector<512x128xf32>
    %get3A_6 = arith.constant 0 : index
    %get3A_7 = arith.constant 0 : index
    %get3A_8 = vector.load %arg3[%get3A_6, %get3A_7] : memref<1x128xf32, #tpu.memory_space<vmem>>, vector<1x128xf32>
    %add3A = vector.broadcast %get3A_8 : vector<1x128xf32> to vector<512x128xf32>
    %add3A_9 = arith.addf %dot_general3A_5, %add3A : vector<512x128xf32>
    %max3A = arith.constant 0.000000e+00 : f32
    %max3A_10 = vector.broadcast %max3A : f32 to vector<512x128xf32>
    %max3A_11 = arith.maximumf %add3A_9, %max3A_10 : vector<512x128xf32>
    %swap3A = arith.constant 0 : index
    %swap3A_12 = arith.constant 0 : index
    %swap3A_13 = vector.load %arg4[%swap3A, %swap3A_12] : memref<512x128xf32, #tpu.memory_space<vmem>>, vector<512x128xf32>
    tpu.vector_store %arg4[%swap3A, %swap3A_12], %max3A_11 {strides = array<i32>} : memref<512x128xf32, #tpu.memory_space<vmem>>, vector<512x128xf32>,
    return
  }
  func.func @transform_0(%arg0: i32) -> (i32, i32) {
    %c0_i32 = arith.constant 0 : i32
    %c0_i32_0 = arith.constant 0 : i32
    return %arg0, %c0_i32 : i32, i32
  }
  func.func @transform_1(%arg0: i32) -> (i32, i32) {
    %c0_i32 = arith.constant 0 : i32
    %c0_i32_0 = arith.constant 0 : i32
    %c0_i32_1 = arith.constant 0 : i32
    return %c0_i32, %c0_i32_0 : i32, i32
  }
  func.func @transform_2(%arg0: i32) -> (i32, i32) {
    %c0_i32 = arith.constant 0 : i32
    %c0_i32_0 = arith.constant 0 : i32
    %c0_i32_1 = arith.constant 0 : i32
    return %c0_i32, %c0_i32_0 : i32, i32
  }
  func.func @transform_3(%arg0: i32) -> (i32, i32) {
    %c0_i32 = arith.constant 0 : i32
    %c0_i32_0 = arith.constant 0 : i32
    return %arg0, %c0_i32 : i32, i32
  }
}

module attributes {stable_mosaic.version = 14 : i64} {
  func.func @_mm_body(%arg0: i32, %arg1: memref<512x128xf32, #tpu.memory_space<vmem>>, %arg2: memref<128x128xf32, #tpu.memory_space<vmem>>, %arg3: memref<1x128xf32, #tpu.memory_space<vmem>>, %arg4: memref<512x128xf32, #tpu.memory_space<vmem>>) attributes {dimension_semantics = [#tpu.dimension_semantics<arbitrary>], iteration_bounds = array<i64: 20>, scalar_prefetch = 0 : i64, scratch_operands = 0 : i64, tpu.core_type = #tpu.core_type<tc>, window_params = [{transform_indices = @transform_0, window_bounds = array<i64: 512, 128>}, {pipeline_mode = #tpu.pipeline_mode<synchronous>, transform_indices = @transform_1, window_bounds = array<i64: 128, 128>}, {pipeline_mode = #tpu.pipeline_mode<synchronous>, transform_indices = @transform_2, window_bounds = array<i64: 1, 128>}, {transform_indices = @transform_3, window_bounds = array<i64: 512, 128>}]} {
    %get3A = arith.constant 0 : index
    %get3A_0 = arith.constant 0 : index
    %get3A_1 = vector.load %arg1[%get3A, %get3A_0] : memref<512x128xf32, #tpu.memory_space<vmem>>, vector<512x128xf32>
    %get3A_2 = arith.constant 0 : index
    %get3A_3 = arith.constant 0 : index
    %get3A_4 = vector.load %arg2[%get3A_2, %get3A_3] : memref<128x128xf32, #tpu.memory_space<vmem>>, vector<128x128xf32>
    %dot_general3A = arith.constant dense<0.000000e+00> : vector<512x128xf32>
    %dot_general3A_5 = tpu.matmul %get3A_1, %get3A_4, %dot_general3A {dimension_numbers = #tpu.dot_dimension_numbers<[1], [0], [0], [1], [0, 0, 1, 1], [], []>, transpose_lhs_hint = false} : vector<512x128xf32>, vector<128x128xf32>, vector<512x128xf32> -> vector<512x128xf32>
    %get3A_6 = arith.constant 0 : index
    %get3A_7 = arith.constant 0 : index
    %get3A_8 = vector.load %arg3[%get3A_6, %get3A_7] : memref<1x128xf32, #tpu.memory_space<vmem>>, vector<1x128xf32>
    %add3A = vector.broadcast %get3A_8 : vector<1x128xf32> to vector<512x128xf32>
    %add3A_9 = arith.addf %dot_general3A_5, %add3A : vector<512x128xf32>
    %swap3A = arith.constant 0 : index
    %swap3A_10 = arith.constant 0 : index
    %swap3A_11 = vector.load %arg4[%swap3A, %swap3A_10] : memref<512x128xf32, #tpu.memory_space<vmem>>, vector<512x128xf32>
    tpu.vector_store %arg4[%swap3A, %swap3A_10], %add3A_9 {strides = array<i32>} : memref<512x128xf32, #tpu.memory_space<vmem>>, vector<512x128xf32>,
    return
  }
  func.func @transform_0(%arg0: i32) -> (i32, i32) {
    %c0_i32 = arith.constant 0 : i32
    %c0_i32_0 = arith.constant 0 : i32
    return %arg0, %c0_i32 : i32, i32
  }
  func.func @transform_1(%arg0: i32) -> (i32, i32) {
    %c0_i32 = arith.constant 0 : i32
    %c0_i32_0 = arith.constant 0 : i32
    %c0_i32_1 = arith.constant 0 : i32
    return %c0_i32, %c0_i32_0 : i32, i32
  }
  func.func @transform_2(%arg0: i32) -> (i32, i32) {
    %c0_i32 = arith.constant 0 : i32
    %c0_i32_0 = arith.constant 0 : i32
    %c0_i32_1 = arith.constant 0 : i32
    return %c0_i32, %c0_i32_0 : i32, i32
  }
  func.func @transform_3(%arg0: i32) -> (i32, i32) {
    %c0_i32 = arith.constant 0 : i32
    %c0_i32_0 = arith.constant 0 : i32
    return %arg0, %c0_i32 : i32, i32
  }
}

module attributes {stable_mosaic.version = 14 : i64} {
  func.func @_branch_body(%arg0: i32, %arg1: memref<1x1xf32, #tpu.memory_space<smem>>, %arg2: memref<800x128xf32, #tpu.memory_space<vmem>>, %arg3: memref<800x128xf32, #tpu.memory_space<vmem>>, %arg4: memref<800x256xf32, #tpu.memory_space<vmem>>, %arg5: memref<800x8xf32, #tpu.memory_space<vmem>>, %arg6: memref<128x256xf32, #tpu.memory_space<vmem>>, %arg7: memref<1x256xf32, #tpu.memory_space<vmem>>, %arg8: memref<128x256xf32, #tpu.memory_space<vmem>>, %arg9: memref<1x256xf32, #tpu.memory_space<vmem>>, %arg10: memref<128x128xf32, #tpu.memory_space<vmem>>, %arg11: memref<1x128xf32, #tpu.memory_space<vmem>>, %arg12: memref<128x256xf32, #tpu.memory_space<vmem>>, %arg13: memref<256x128xf32, #tpu.memory_space<vmem>>, %arg14: memref<128x128xf32, #tpu.memory_space<vmem>>, %arg15: memref<1x128xf32, #tpu.memory_space<vmem>>, %arg16: memref<128x128xf32, #tpu.memory_space<vmem>>, %arg17: memref<1x128xf32, #tpu.memory_space<vmem>>, %arg18: memref<128x128xf32, #tpu.memory_space<vmem>>, %arg19: memref<1x128xf32, #tpu.memory_space<vmem>>, %arg20: memref<128x128xf32, #tpu.memory_space<vmem>>, %arg21: memref<800x256xf32, #tpu.memory_space<vmem>>, %arg22: memref<800x256xf32, #tpu.memory_space<vmem>>, %arg23: memref<800x128xf32, #tpu.memory_space<vmem>>, %arg24: memref<800x128xf32, #tpu.memory_space<vmem>>) attributes {dimension_semantics = [#tpu.dimension_semantics<arbitrary>], iteration_bounds = array<i64: 125>, scalar_prefetch = 0 : i64, scratch_operands = 0 : i64, tpu.core_type = #tpu.core_type<tc>, window_params = [{transform_indices = @transform_0, window_bounds = array<i64: 1, 1>}, {transform_indices = @transform_1, window_bounds = array<i64: 800, 128>}, {transform_indices = @transform_2, window_bounds = array<i64: 800, 128>}, {transform_indices = @transform_3, window_bounds = array<i64: 800, 256>}, {transform_indices = @transform_4, window_bounds = array<i64: 800, 8>}, {pipeline_mode = #tpu.pipeline_mode<synchronous>, transform_indices = @transform_5, window_bounds = array<i64: 128, 256>}, {pipeline_mode = #tpu.pipeline_mode<synchronous>, transform_indices = @transform_6, window_bounds = array<i64: 1, 256>}, {pipeline_mode = #tpu.pipeline_mode<synchronous>, transform_indices = @transform_7, window_bounds = array<i64: 128, 256>}, {pipeline_mode = #tpu.pipeline_mode<synchronous>, transform_indices = @transform_8, window_bounds = array<i64: 1, 256>}, {pipeline_mode = #tpu.pipeline_mode<synchronous>, transform_indices = @transform_9, window_bounds = array<i64: 128, 128>}, {pipeline_mode = #tpu.pipeline_mode<synchronous>, transform_indices = @transform_10, window_bounds = array<i64: 1, 128>}, {pipeline_mode = #tpu.pipeline_mode<synchronous>, transform_indices = @transform_11, window_bounds = array<i64: 128, 256>}, {pipeline_mode = #tpu.pipeline_mode<synchronous>, transform_indices = @transform_12, window_bounds = array<i64: 256, 128>}, {pipeline_mode = #tpu.pipeline_mode<synchronous>, transform_indices = @transform_13, window_bounds = array<i64: 128, 128>}, {pipeline_mode = #tpu.pipeline_mode<synchronous>, transform_indices = @transform_14, window_bounds = array<i64: 1, 128>}, {pipeline_mode = #tpu.pipeline_mode<synchronous>, transform_indices = @transform_15, window_bounds = array<i64: 128, 128>}, {pipeline_mode = #tpu.pipeline_mode<synchronous>, transform_indices = @transform_16, window_bounds = array<i64: 1, 128>}, {pipeline_mode = #tpu.pipeline_mode<synchronous>, transform_indices = @transform_17, window_bounds = array<i64: 128, 128>}, {pipeline_mode = #tpu.pipeline_mode<synchronous>, transform_indices = @transform_18, window_bounds = array<i64: 1, 128>}, {pipeline_mode = #tpu.pipeline_mode<synchronous>, transform_indices = @transform_19, window_bounds = array<i64: 128, 128>}, {transform_indices = @transform_20, window_bounds = array<i64: 800, 256>}, {transform_indices = @transform_21, window_bounds = array<i64: 800, 256>}, {transform_indices = @transform_22, window_bounds = array<i64: 800, 128>}, {transform_indices = @transform_23, window_bounds = array<i64: 800, 128>}]} {
    %get3A = arith.constant 0 : index
    %get3A_0 = arith.constant 0 : index
    %get3A_1 = vector.load %arg2[%get3A, %get3A_0] : memref<800x128xf32, #tpu.memory_space<vmem>>, vector<800x128xf32>
    %get3A_2 = arith.constant 0 : index
    %get3A_3 = arith.constant 0 : index
    %get3A_4 = vector.load %arg3[%get3A_2, %get3A_3] : memref<800x128xf32, #tpu.memory_space<vmem>>, vector<800x128xf32>
    %add3A = arith.addf %get3A_1, %get3A_4 : vector<800x128xf32>
    %get3A_5 = arith.constant 0 : index
    %get3A_6 = arith.constant 0 : index
    %get3A_7 = vector.load %arg6[%get3A_5, %get3A_6] : memref<128x256xf32, #tpu.memory_space<vmem>>, vector<128x256xf32>
    %dot_general3A = arith.constant dense<0.000000e+00> : vector<800x256xf32>
    %dot_general3A_8 = tpu.matmul %add3A, %get3A_7, %dot_general3A {dimension_numbers = #tpu.dot_dimension_numbers<[1], [0], [0], [1], [0, 0, 1, 1], [], []>, transpose_lhs_hint = false} : vector<800x128xf32>, vector<128x256xf32>, vector<800x256xf32> -> vector<800x256xf32>
    %get3A_9 = arith.constant 0 : index
    %get3A_10 = arith.constant 0 : index
    %get3A_11 = vector.load %arg7[%get3A_9, %get3A_10] : memref<1x256xf32, #tpu.memory_space<vmem>>, vector<1x256xf32>
    %add3A_12 = vector.broadcast %get3A_11 : vector<1x256xf32> to vector<800x256xf32>
    %add3A_13 = arith.addf %dot_general3A_8, %add3A_12 : vector<800x256xf32>
    %swap3A = arith.constant 0 : index
    %swap3A_14 = arith.constant 0 : index
    %swap3A_15 = vector.load %arg21[%swap3A, %swap3A_14] : memref<800x256xf32, #tpu.memory_space<vmem>>, vector<800x256xf32>
    tpu.vector_store %arg21[%swap3A, %swap3A_14], %add3A_13 {strides = array<i32>} : memref<800x256xf32, #tpu.memory_space<vmem>>, vector<800x256xf32>,
    %get3A_16 = arith.constant 0 : index
    %get3A_17 = arith.constant 0 : index
    %get3A_18 = vector.load %arg8[%get3A_16, %get3A_17] : memref<128x256xf32, #tpu.memory_space<vmem>>, vector<128x256xf32>
    %dot_general3A_19 = arith.constant dense<0.000000e+00> : vector<800x256xf32>
    %dot_general3A_20 = tpu.matmul %add3A, %get3A_18, %dot_general3A_19 {dimension_numbers = #tpu.dot_dimension_numbers<[1], [0], [0], [1], [0, 0, 1, 1], [], []>, transpose_lhs_hint = false} : vector<800x128xf32>, vector<128x256xf32>, vector<800x256xf32> -> vector<800x256xf32>
    %get3A_21 = arith.constant 0 : index
    %get3A_22 = arith.constant 0 : index
    %get3A_23 = vector.load %arg9[%get3A_21, %get3A_22] : memref<1x256xf32, #tpu.memory_space<vmem>>, vector<1x256xf32>
    %add3A_24 = vector.broadcast %get3A_23 : vector<1x256xf32> to vector<800x256xf32>
    %add3A_25 = arith.addf %dot_general3A_20, %add3A_24 : vector<800x256xf32>
    %swap3A_26 = arith.constant 0 : index
    %swap3A_27 = arith.constant 0 : index
    %swap3A_28 = vector.load %arg22[%swap3A_26, %swap3A_27] : memref<800x256xf32, #tpu.memory_space<vmem>>, vector<800x256xf32>
    tpu.vector_store %arg22[%swap3A_26, %swap3A_27], %add3A_25 {strides = array<i32>} : memref<800x256xf32, #tpu.memory_space<vmem>>, vector<800x256xf32>,
    %get3A_29 = arith.constant 0 : index
    %get3A_30 = arith.constant 0 : index
    %get3A_31 = vector.load %arg10[%get3A_29, %get3A_30] : memref<128x128xf32, #tpu.memory_space<vmem>>, vector<128x128xf32>
    %dot_general3A_32 = arith.constant dense<0.000000e+00> : vector<800x128xf32>
    %dot_general3A_33 = tpu.matmul %add3A, %get3A_31, %dot_general3A_32 {dimension_numbers = #tpu.dot_dimension_numbers<[1], [0], [0], [1], [0, 0, 1, 1], [], []>, transpose_lhs_hint = false} : vector<800x128xf32>, vector<128x128xf32>, vector<800x128xf32> -> vector<800x128xf32>
    %get3A_34 = arith.constant 0 : index
    %get3A_35 = arith.constant 0 : index
    %get3A_36 = vector.load %arg11[%get3A_34, %get3A_35] : memref<1x128xf32, #tpu.memory_space<vmem>>, vector<1x128xf32>
    %add3A_37 = vector.broadcast %get3A_36 : vector<1x128xf32> to vector<800x128xf32>
    %add3A_38 = arith.addf %dot_general3A_33, %add3A_37 : vector<800x128xf32>
    %get3A_39 = arith.constant 0 : index
    %get3A_40 = arith.constant 0 : index
    %get3A_41 = vector.load %arg5[%get3A_39, %get3A_40] : memref<800x8xf32, #tpu.memory_space<vmem>>, vector<800x8xf32>
    %add3A_42 = arith.constant 1.000000e-07 : f32
    %add3A_43 = vector.broadcast %add3A_42 : f32 to vector<800x8xf32>
    %add3A_44 = arith.addf %get3A_41, %add3A_43 : vector<800x8xf32>
    %log3A = math.log %add3A_44 : vector<800x8xf32>
    %neg3A = arith.constant 0.000000e+00 : f32
    %neg3A_45 = vector.broadcast %neg3A : f32 to vector<800x8xf32>
    %neg3A_46 = arith.subf %neg3A_45, %log3A : vector<800x8xf32>
    %add3A_47 = arith.constant 1.000000e-07 : f32
    %add3A_48 = vector.broadcast %add3A_47 : f32 to vector<800x8xf32>
    %add3A_49 = arith.addf %neg3A_46, %add3A_48 : vector<800x8xf32>
    %log3A_50 = math.log %add3A_49 : vector<800x8xf32>
    %neg3A_51 = arith.constant 0.000000e+00 : f32
    %neg3A_52 = vector.broadcast %neg3A_51 : f32 to vector<800x8xf32>
    %neg3A_53 = arith.subf %neg3A_52, %log3A_50 : vector<800x8xf32>
    %iota3A = tpu.iota {dimensions = array<i32: 1>} : vector<800x128xi32>
    %jit3A = arith.constant 0 : i32
    %convert_element_type3A = arith.sitofp %jit3A : i32 to f32
    %pad3A = vector.broadcast %convert_element_type3A : f32 to vector<800x120xf32>
    %pad3A_54 = tpu.concatenate %neg3A_53, %pad3A in 1 : vector<800x8xf32>, vector<800x120xf32> -> vector<800x128xf32>
    %add3A_55 = arith.addf %add3A_38, %pad3A_54 : vector<800x128xf32>
    %get3A_56 = arith.constant 0 : index
    %get3A_57 = arith.constant 0 : index
    %get3A_58 = memref.load %arg1[%get3A_56, %get3A_57] : memref<1x1xf32, #tpu.memory_space<smem>>
    %mul3A = vector.broadcast %get3A_58 : f32 to vector<800x128xf32>
    %mul3A_59 = arith.mulf %add3A_55, %mul3A : vector<800x128xf32>
    %lt3A = arith.constant 8 : i32
    %lt3A_60 = vector.broadcast %lt3A : i32 to vector<800x128xi32>
    %lt3A_61 = arith.cmpi slt, %iota3A, %lt3A_60 : vector<800x128xi32>
    %jit3A_62 = arith.constant -1.000000e+30 : f32
    %broadcast_in_dim3A = vector.broadcast %jit3A_62 : f32 to vector<800x128xf32>
    %select_n3A = arith.select %lt3A_61, %mul3A_59, %broadcast_in_dim3A : vector<800x128xi1>, vector<800x128xf32>
    %reduce_max3A = arith.constant dense<0xFF800000> : vector<800xf32>
    %reduce_max3A_63 = vector.multi_reduction <maximumf>, %select_n3A, %reduce_max3A [1] : vector<800x128xf32> to vector<800xf32>
    %broadcast_in_dim3A_64 = vector.shape_cast %reduce_max3A_63 : vector<800xf32> to vector<800x1xf32>
    %sub3A = vector.broadcast %broadcast_in_dim3A_64 : vector<800x1xf32> to vector<800x128xf32>
    %sub3A_65 = arith.subf %select_n3A, %sub3A : vector<800x128xf32>
    %exp3A = math.exp %sub3A_65 : vector<800x128xf32>
    %reduce_sum3A = arith.constant dense<0.000000e+00> : vector<800xf32>
    %reduce_sum3A_66 = vector.multi_reduction <add>, %exp3A, %reduce_sum3A [1] : vector<800x128xf32> to vector<800xf32>
    %broadcast_in_dim3A_67 = vector.shape_cast %reduce_sum3A_66 : vector<800xf32> to vector<800x1xf32>
    %div3A = vector.broadcast %broadcast_in_dim3A_67 : vector<800x1xf32> to vector<800x128xf32>
    %div3A_68 = arith.divf %exp3A, %div3A : vector<800x128xf32>
    %get3A_69 = arith.constant 0 : index
    %get3A_70 = arith.constant 0 : index
    %get3A_71 = vector.load %arg4[%get3A_69, %get3A_70] : memref<800x256xf32, #tpu.memory_space<vmem>>, vector<800x256xf32>
    %exp3A_72 = math.exp %add3A_25 : vector<800x256xf32>
    %mul3A_73 = arith.mulf %get3A_71, %exp3A_72 : vector<800x256xf32>
    %add3A_74 = arith.addf %mul3A_73, %add3A_13 : vector<800x256xf32>
    %get3A_75 = arith.constant 0 : index
    %get3A_76 = arith.constant 0 : index
    %get3A_77 = vector.load %arg12[%get3A_75, %get3A_76] : memref<128x256xf32, #tpu.memory_space<vmem>>, vector<128x256xf32>
    %dot_general3A_78 = arith.constant dense<0.000000e+00> : vector<800x256xf32>
    %dot_general3A_79 = tpu.matmul %div3A_68, %get3A_77, %dot_general3A_78 {dimension_numbers = #tpu.dot_dimension_numbers<[1], [0], [0], [1], [0, 0, 1, 1], [], []>, transpose_lhs_hint = false} : vector<800x128xf32>, vector<128x256xf32>, vector<800x256xf32> -> vector<800x256xf32>
    %mul3A_80 = arith.mulf %dot_general3A_79, %add3A_74 : vector<800x256xf32>
    %get3A_81 = arith.constant 0 : index
    %get3A_82 = arith.constant 0 : index
    %get3A_83 = vector.load %arg13[%get3A_81, %get3A_82] : memref<256x128xf32, #tpu.memory_space<vmem>>, vector<256x128xf32>
    %dot_general3A_84 = arith.constant dense<0.000000e+00> : vector<800x128xf32>
    %dot_general3A_85 = tpu.matmul %mul3A_80, %get3A_83, %dot_general3A_84 {dimension_numbers = #tpu.dot_dimension_numbers<[1], [0], [0], [1], [0, 0, 1, 1], [], []>, transpose_lhs_hint = false} : vector<800x256xf32>, vector<256x128xf32>, vector<800x128xf32> -> vector<800x128xf32>
    %get3A_86 = arith.constant 0 : index
    %get3A_87 = arith.constant 0 : index
    %get3A_88 = vector.load %arg14[%get3A_86, %get3A_87] : memref<128x128xf32, #tpu.memory_space<vmem>>, vector<128x128xf32>
    %dot_general3A_89 = arith.constant dense<0.000000e+00> : vector<800x128xf32>
    %dot_general3A_90 = tpu.matmul %dot_general3A_85, %get3A_88, %dot_general3A_89 {dimension_numbers = #tpu.dot_dimension_numbers<[1], [0], [0], [1], [0, 0, 1, 1], [], []>, transpose_lhs_hint = false} : vector<800x128xf32>, vector<128x128xf32>, vector<800x128xf32> -> vector<800x128xf32>
    %get3A_91 = arith.constant 0 : index
    %get3A_92 = arith.constant 0 : index
    %get3A_93 = vector.load %arg15[%get3A_91, %get3A_92] : memref<1x128xf32, #tpu.memory_space<vmem>>, vector<1x128xf32>
    %add3A_94 = vector.broadcast %get3A_93 : vector<1x128xf32> to vector<800x128xf32>
    %add3A_95 = arith.addf %dot_general3A_90, %add3A_94 : vector<800x128xf32>
    %max3A = arith.constant 0.000000e+00 : f32
    %max3A_96 = vector.broadcast %max3A : f32 to vector<800x128xf32>
    %max3A_97 = arith.maximumf %add3A_95, %max3A_96 : vector<800x128xf32>
    %get3A_98 = arith.constant 0 : index
    %get3A_99 = arith.constant 0 : index
    %get3A_100 = vector.load %arg16[%get3A_98, %get3A_99] : memref<128x128xf32, #tpu.memory_space<vmem>>, vector<128x128xf32>
    %dot_general3A_101 = arith.constant dense<0.000000e+00> : vector<800x128xf32>
    %dot_general3A_102 = tpu.matmul %max3A_97, %get3A_100, %dot_general3A_101 {dimension_numbers = #tpu.dot_dimension_numbers<[1], [0], [0], [1], [0, 0, 1, 1], [], []>, transpose_lhs_hint = false} : vector<800x128xf32>, vector<128x128xf32>, vector<800x128xf32> -> vector<800x128xf32>
    %get3A_103 = arith.constant 0 : index
    %get3A_104 = arith.constant 0 : index
    %get3A_105 = vector.load %arg17[%get3A_103, %get3A_104] : memref<1x128xf32, #tpu.memory_space<vmem>>, vector<1x128xf32>
    %add3A_106 = vector.broadcast %get3A_105 : vector<1x128xf32> to vector<800x128xf32>
    %add3A_107 = arith.addf %dot_general3A_102, %add3A_106 : vector<800x128xf32>
    %max3A_108 = arith.constant 0.000000e+00 : f32
    %max3A_109 = vector.broadcast %max3A_108 : f32 to vector<800x128xf32>
    %max3A_110 = arith.maximumf %add3A_107, %max3A_109 : vector<800x128xf32>
    %swap3A_111 = arith.constant 0 : index
    %swap3A_112 = arith.constant 0 : index
    %swap3A_113 = vector.load %arg24[%swap3A_111, %swap3A_112] : memref<800x128xf32, #tpu.memory_space<vmem>>, vector<800x128xf32>
    tpu.vector_store %arg24[%swap3A_111, %swap3A_112], %max3A_110 {strides = array<i32>} : memref<800x128xf32, #tpu.memory_space<vmem>>, vector<800x128xf32>,
    %get3A_114 = arith.constant 0 : index
    %get3A_115 = arith.constant 0 : index
    %get3A_116 = vector.load %arg18[%get3A_114, %get3A_115] : memref<128x128xf32, #tpu.memory_space<vmem>>, vector<128x128xf32>
    %dot_general3A_117 = arith.constant dense<0.000000e+00> : vector<800x128xf32>
    %dot_general3A_118 = tpu.matmul %dot_general3A_85, %get3A_116, %dot_general3A_117 {dimension_numbers = #tpu.dot_dimension_numbers<[1], [0], [0], [1], [0, 0, 1, 1], [], []>, transpose_lhs_hint = false} : vector<800x128xf32>, vector<128x128xf32>, vector<800x128xf32> -> vector<800x128xf32>
    %get3A_119 = arith.constant 0 : index
    %get3A_120 = arith.constant 0 : index
    %get3A_121 = vector.load %arg19[%get3A_119, %get3A_120] : memref<1x128xf32, #tpu.memory_space<vmem>>, vector<1x128xf32>
    %add3A_122 = vector.broadcast %get3A_121 : vector<1x128xf32> to vector<800x128xf32>
    %add3A_123 = arith.addf %dot_general3A_118, %add3A_122 : vector<800x128xf32>
    %reduce_max3A_124 = arith.constant dense<0xFF800000> : vector<800xf32>
    %reduce_max3A_125 = vector.multi_reduction <maximumf>, %add3A_123, %reduce_max3A_124 [1] : vector<800x128xf32> to vector<800xf32>
    %broadcast_in_dim3A_126 = vector.shape_cast %reduce_max3A_125 : vector<800xf32> to vector<800x1xf32>
    %sub3A_127 = vector.broadcast %broadcast_in_dim3A_126 : vector<800x1xf32> to vector<800x128xf32>
    %sub3A_128 = arith.subf %add3A_123, %sub3A_127 : vector<800x128xf32>
    %exp3A_129 = math.exp %sub3A_128 : vector<800x128xf32>
    %reduce_sum3A_130 = arith.constant dense<0.000000e+00> : vector<800xf32>
    %reduce_sum3A_131 = vector.multi_reduction <add>, %exp3A_129, %reduce_sum3A_130 [1] : vector<800x128xf32> to vector<800xf32>
    %broadcast_in_dim3A_132 = vector.shape_cast %reduce_sum3A_131 : vector<800xf32> to vector<800x1xf32>
    %div3A_133 = vector.broadcast %broadcast_in_dim3A_132 : vector<800x1xf32> to vector<800x128xf32>
    %div3A_134 = arith.divf %exp3A_129, %div3A_133 : vector<800x128xf32>
    %get3A_135 = arith.constant 0 : index
    %get3A_136 = arith.constant 0 : index
    %get3A_137 = vector.load %arg20[%get3A_135, %get3A_136] : memref<128x128xf32, #tpu.memory_space<vmem>>, vector<128x128xf32>
    %dot_general3A_138 = arith.constant dense<0.000000e+00> : vector<800x128xf32>
    %dot_general3A_139 = tpu.matmul %add3A_38, %get3A_137, %dot_general3A_138 {dimension_numbers = #tpu.dot_dimension_numbers<[1], [0], [0], [1], [0, 0, 1, 1], [], []>, transpose_lhs_hint = false} : vector<800x128xf32>, vector<128x128xf32>, vector<800x128xf32> -> vector<800x128xf32>
    %add3A_140 = arith.addf %div3A_134, %dot_general3A_139 : vector<800x128xf32>
    %swap3A_141 = arith.constant 0 : index
    %swap3A_142 = arith.constant 0 : index
    %swap3A_143 = vector.load %arg23[%swap3A_141, %swap3A_142] : memref<800x128xf32, #tpu.memory_space<vmem>>, vector<800x128xf32>
    tpu.vector_store %arg23[%swap3A_141, %swap3A_142], %add3A_140 {strides = array<i32>} : memref<800x128xf32, #tpu.memory_space<vmem>>, vector<800x128xf32>,
    return
  }
  func.func @transform_0(%arg0: i32) -> (i32, i32) {
    %c0_i32 = arith.constant 0 : i32
    %c0_i32_0 = arith.constant 0 : i32
    %c0_i32_1 = arith.constant 0 : i32
    return %c0_i32, %c0_i32_0 : i32, i32
  }
  func.func @transform_1(%arg0: i32) -> (i32, i32) {
    %c0_i32 = arith.constant 0 : i32
    %c0_i32_0 = arith.constant 0 : i32
    return %arg0, %c0_i32 : i32, i32
  }
  func.func @transform_2(%arg0: i32) -> (i32, i32) {
    %c0_i32 = arith.constant 0 : i32
    %c0_i32_0 = arith.constant 0 : i32
    return %arg0, %c0_i32 : i32, i32
  }
  func.func @transform_3(%arg0: i32) -> (i32, i32) {
    %c0_i32 = arith.constant 0 : i32
    %c0_i32_0 = arith.constant 0 : i32
    return %arg0, %c0_i32 : i32, i32
  }
  func.func @transform_4(%arg0: i32) -> (i32, i32) {
    %c0_i32 = arith.constant 0 : i32
    %c0_i32_0 = arith.constant 0 : i32
    return %arg0, %c0_i32 : i32, i32
  }
  func.func @transform_5(%arg0: i32) -> (i32, i32) {
    %c0_i32 = arith.constant 0 : i32
    %c0_i32_0 = arith.constant 0 : i32
    %c0_i32_1 = arith.constant 0 : i32
    return %c0_i32, %c0_i32_0 : i32, i32
  }
  func.func @transform_6(%arg0: i32) -> (i32, i32) {
    %c0_i32 = arith.constant 0 : i32
    %c0_i32_0 = arith.constant 0 : i32
    %c0_i32_1 = arith.constant 0 : i32
    return %c0_i32, %c0_i32_0 : i32, i32
  }
  func.func @transform_7(%arg0: i32) -> (i32, i32) {
    %c0_i32 = arith.constant 0 : i32
    %c0_i32_0 = arith.constant 0 : i32
    %c0_i32_1 = arith.constant 0 : i32
    return %c0_i32, %c0_i32_0 : i32, i32
  }
  func.func @transform_8(%arg0: i32) -> (i32, i32) {
    %c0_i32 = arith.constant 0 : i32
    %c0_i32_0 = arith.constant 0 : i32
    %c0_i32_1 = arith.constant 0 : i32
    return %c0_i32, %c0_i32_0 : i32, i32
  }
  func.func @transform_9(%arg0: i32) -> (i32, i32) {
    %c0_i32 = arith.constant 0 : i32
    %c0_i32_0 = arith.constant 0 : i32
    %c0_i32_1 = arith.constant 0 : i32
    return %c0_i32, %c0_i32_0 : i32, i32
  }
  func.func @transform_10(%arg0: i32) -> (i32, i32) {
    %c0_i32 = arith.constant 0 : i32
    %c0_i32_0 = arith.constant 0 : i32
    %c0_i32_1 = arith.constant 0 : i32
    return %c0_i32, %c0_i32_0 : i32, i32
  }
  func.func @transform_11(%arg0: i32) -> (i32, i32) {
    %c0_i32 = arith.constant 0 : i32
    %c0_i32_0 = arith.constant 0 : i32
    %c0_i32_1 = arith.constant 0 : i32
    return %c0_i32, %c0_i32_0 : i32, i32
  }
  func.func @transform_12(%arg0: i32) -> (i32, i32) {
    %c0_i32 = arith.constant 0 : i32
    %c0_i32_0 = arith.constant 0 : i32
    %c0_i32_1 = arith.constant 0 : i32
    return %c0_i32, %c0_i32_0 : i32, i32
  }
  func.func @transform_13(%arg0: i32) -> (i32, i32) {
    %c0_i32 = arith.constant 0 : i32
    %c0_i32_0 = arith.constant 0 : i32
    %c0_i32_1 = arith.constant 0 : i32
    return %c0_i32, %c0_i32_0 : i32, i32
  }
  func.func @transform_14(%arg0: i32) -> (i32, i32) {
    %c0_i32 = arith.constant 0 : i32
    %c0_i32_0 = arith.constant 0 : i32
    %c0_i32_1 = arith.constant 0 : i32
    return %c0_i32, %c0_i32_0 : i32, i32
  }
  func.func @transform_15(%arg0: i32) -> (i32, i32) {
    %c0_i32 = arith.constant 0 : i32
    %c0_i32_0 = arith.constant 0 : i32
    %c0_i32_1 = arith.constant 0 : i32
    return %c0_i32, %c0_i32_0 : i32, i32
  }
  func.func @transform_16(%arg0: i32) -> (i32, i32) {
    %c0_i32 = arith.constant 0 : i32
    %c0_i32_0 = arith.constant 0 : i32
    %c0_i32_1 = arith.constant 0 : i32
    return %c0_i32, %c0_i32_0 : i32, i32
  }
  func.func @transform_17(%arg0: i32) -> (i32, i32) {
    %c0_i32 = arith.constant 0 : i32
    %c0_i32_0 = arith.constant 0 : i32
    %c0_i32_1 = arith.constant 0 : i32
    return %c0_i32, %c0_i32_0 : i32, i32
  }
  func.func @transform_18(%arg0: i32) -> (i32, i32) {
    %c0_i32 = arith.constant 0 : i32
    %c0_i32_0 = arith.constant 0 : i32
    %c0_i32_1 = arith.constant 0 : i32
    return %c0_i32, %c0_i32_0 : i32, i32
  }
  func.func @transform_19(%arg0: i32) -> (i32, i32) {
    %c0_i32 = arith.constant 0 : i32
    %c0_i32_0 = arith.constant 0 : i32
    %c0_i32_1 = arith.constant 0 : i32
    return %c0_i32, %c0_i32_0 : i32, i32
  }
  func.func @transform_20(%arg0: i32) -> (i32, i32) {
    %c0_i32 = arith.constant 0 : i32
    %c0_i32_0 = arith.constant 0 : i32
    return %arg0, %c0_i32 : i32, i32
  }
  func.func @transform_21(%arg0: i32) -> (i32, i32) {
    %c0_i32 = arith.constant 0 : i32
    %c0_i32_0 = arith.constant 0 : i32
    return %arg0, %c0_i32 : i32, i32
  }
  func.func @transform_22(%arg0: i32) -> (i32, i32) {
    %c0_i32 = arith.constant 0 : i32
    %c0_i32_0 = arith.constant 0 : i32
    return %arg0, %c0_i32 : i32, i32
  }
  func.func @transform_23(%arg0: i32) -> (i32, i32) {
    %c0_i32 = arith.constant 0 : i32
    %c0_i32_0 = arith.constant 0 : i32
    return %arg0, %c0_i32 : i32, i32
  }
}

</mosaic_0001>

<sc_bundles>
// kernel: kernel.10.cloned.1.call-start
scs
__scs_entry_jumppad:
0x0: {  	(pc) =	sbr.rel $0x88, $3  }
0x1: {  	(tag) =	ssettag $0x0;
	lr =	simm.s32 $0x1  }
0x2: {  	[smem:$0x3F8C] =	sst lr;
	_ =	strace $0xD0000000  }
0x3: {  	_ = 	snop  }
0x4: {  	_ = 	snop  }
0x5: {  	_ = 	snop  }
0x6: {  	_ = 	snop  }
0x7: {  	_ = 	snop  }
__scs_overlays_trampoline_lowered:
0x8: {  	[smem:$0x3F9B] =	sst s0  }
0x9: {  	[smem:$0x3F9C] =	sst s1  }
0xa: {  	[smem:$0x3F9D] =	sst s2  }
0xb: {  	[smem:$0x3F9E] =	sst s3  }
0xc: {  	[smem:$0x3F9F] =	sst s4  }
0xd: {  	[smem:$0x3FA0] =	sst s5  }
0xe: {  	[smem:$0x3FA1] =	sst s6  }
0xf: {  	[smem:$0x3FA2] =	sst s7  }
0x10: {  	[smem:$0x3FA3] =	sst s8  }
0x11: {  	[smem:$0x3FA4] =	sst s9;
	s0 =	simm.s32 @!p0 $0x0  }
0x12: {  	s1 =	sld [smem:$0x3F8A];
	s0 =	simm.s32 @p0 $0x1  }
0x13: {  	[smem:$0x3FA5] =	sst s0;
	s0 =	simm.s32 @!p1 $0x0  }
0x14: {  	s2 =	sld [smem:$0x3F89];
	s0 =	simm.s32 @p1 $0x1  }
0x15: {  	[smem:$0x3FA6] =	sst s0;
	s0 =	simm.s32 @!p2 $0x0  }
0x16: {  	s3 =	sld [smem:$0x3FDB];
	s0 =	simm.s32 @p2 $0x1  }
0x17: {  	s4 =	simm.s32 $0x1BF5;
	[smem:$0x3FA8] =	sst s0  }
0x18: {  	s0 =	sld [smem:$0x3F8B];
	_ =	swait.ge [sflag:s4], $0x0  }
0x19: {  	s7 =	sld [smem:$0x3F8C]  }
0x1a: {  	s8 =	sadd.s32 $0xFFFFE003, lr  }
0x1b: {  	s9 =	sadd.s32 $0xFFFFFEF7, lr;
	s5 =	simm.s32 $0xFFFFFFFF;
	p2 =	slt.u32 s8, $0xFFFFF086  }
0x1c: {  	p1 =	slt.u32 s9, $0xF7A;
	s5 =	simm.s32 @!p2 $0x0  }
0x1d: {  	s5 =	simm.s32 @p1 $0x1;
	p0 =	seq.s32 s7, s2  }
0x1e: {  	s7 =	smul.u32 @!p0 $0xF7A, s2;
	p2 =	seq.s32 @!p0 s5, $0x0  }
0x1f: {  	s9 =	smul.u32 $0xF7A, s1;
	s8 =	simm.s32 @!p0 $0x1BF5;
	p2 =	por !p2, p0  }
0x20: {  	[sflag:s8] =	ssyncset.s32 @!p0 $0xFFFFF086;
	s6 =	sadd.s32 @!p0 s3, s7;
	s7 =	simm.s32 @!p0 $0x108  }
0x21: {  	s3 =	sadd.s32 s3, s9;
	s6 =	sadd.s32 @!p0 $0x88, s6;
	s7 =	simm.s32 @p2 $0x1082  }
0x22: {  	[simem:s7], [sflag:s8] =	dma.local @!p0 [hbm:s6], $0xF7A  }
0x23: {  	s9 =	sor.u32 $0xD0000000, s2;
	s6 =	simm.s32 $0x108;
	_ =	swait.ge @!p0 [sflag:s8], $0x0  }
0x24: {  	s3 =	sadd.s32 $0x88, s3;
	s6 =	simm.s32 @!p1 $0x1082;
	[sflag:s4] =	ssyncset.s32 $0xFFFFF086  }
0x25: {  	[simem:s6], [sflag:s4] =	dma.local [hbm:s3], $0xF7A  }
0x26: {  	[smem:$0x3F8C] =	sst s1;
	(tag) =	ssettag s2;
	_ =	strace s9  }
0x27: {  	s1 =	sld [smem:$0x3F9C]  }
0x28: {  	s2 =	sld [smem:$0x3F9D]  }
0x29: {  	s4 =	sld [smem:$0x3F9F]  }
0x2a: {  	p0 =	seq.s32 s5, $0x0;
	s5 =	sld [smem:$0x3FA0]  }
0x2b: {  	s6 =	sld [smem:$0x3FA1]  }
0x2c: {  	s7 =	sld [smem:$0x3FA2]  }
0x2d: {  	s3 =	simm.s32 $0x108;
	s8 =	sld [smem:$0x3FA3]  }
0x2e: {  	s3 =	simm.s32 @!p0 $0x1082;
	s9 =	sld [smem:$0x3FA4]  }
0x2f: {  	lr =	sadd.s32 s0, s3;
	s0 =	sld [smem:$0x3F9B]  }
0x30: {  	s3 =	sld [smem:$0x3F9E]  }
0x31: {  	[smem:$0x3FA7] =	sst s10  }
0x32: {  	s10 =	sld [smem:$0x3FA5];
	_ =	sdelay $0x3  }
0x33: {  	p0 =	seq.s32 s10, $0x1;
	s10 =	sld [smem:$0x3FA7];
	_ =	sdelay $0x3  }
0x34: {  	[smem:$0x3FA7] =	sst s10  }
0x35: {  	s10 =	sld [smem:$0x3FA6];
	_ =	sdelay $0x3  }
0x36: {  	p1 =	seq.s32 s10, $0x1;
	s10 =	sld [smem:$0x3FA7];
	_ =	sdelay $0x3  }
0x37: {  	[smem:$0x3FA7] =	sst s10  }
0x38: {  	s10 =	sld [smem:$0x3FA8]  }
0x39: {  	_ = 	snop;
	(pc) =	sbr.ind lr, $3  }
0x3a: {  	_ = 	snop  }
0x3b: {  	_ = 	snop  }
0x3c: {  	p2 =	seq.s32 s10, $0x1;
	s10 =	sld [smem:$0x3FA7]  }
0x3d: {  	_ =	shalt  }
0x3e: {  	_ =	shalt  }
0x3f: {  	_ =	shalt  }
0x40: {  	_ =	shalt  }
0x41: {  	_ =	shalt  }
0x42: {  	_ =	shalt  }
0x43: {  	_ =	shalt  }
0x44: {  	_ =	shalt  }
0x45: {  	_ =	shalt  }
0x46: {  	_ =	shalt  }
0x47: {  	_ =	shalt  }
0x48: {  	_ =	shalt  }
0x49: {  	_ =	shalt  }
0x4a: {  	_ =	shalt  }
0x4b: {  	_ =	shalt  }
0x4c: {  	_ =	shalt  }
0x4d: {  	_ =	shalt  }
0x4e: {  	_ =	shalt  }
0x4f: {  	_ =	shalt  }
0x50: {  	_ =	shalt  }
0x51: {  	_ =	shalt  }
0x52: {  	_ =	shalt  }
0x53: {  	_ =	shalt  }
0x54: {  	_ =	shalt  }
0x55: {  	_ =	shalt  }
0x56: {  	_ =	shalt  }
0x57: {  	_ =	shalt  }
0x58: {  	_ =	shalt  }
0x59: {  	_ =	shalt  }
0x5a: {  	_ =	shalt  }
0x5b: {  	_ =	shalt  }
0x5c: {  	_ =	shalt  }
0x5d: {  	_ =	shalt  }
0x5e: {  	_ =	shalt  }
0x5f: {  	_ =	shalt  }
0x60: {  	_ =	shalt  }
0x61: {  	_ =	shalt  }
0x62: {  	_ =	shalt  }
0x63: {  	_ =	shalt  }
0x64: {  	_ =	shalt  }
0x65: {  	_ =	shalt  }
0x66: {  	_ =	shalt  }
0x67: {  	_ =	shalt  }
0x68: {  	_ =	shalt  }
0x69: {  	_ =	shalt  }
0x6a: {  	_ =	shalt  }
0x6b: {  	_ =	shalt  }
0x6c: {  	_ =	shalt  }
0x6d: {  	_ =	shalt  }
0x6e: {  	_ =	shalt  }
0x6f: {  	_ =	shalt  }
0x70: {  	_ =	shalt  }
0x71: {  	_ =	shalt  }
0x72: {  	_ =	shalt  }
0x73: {  	_ =	shalt  }
0x74: {  	_ =	shalt  }
0x75: {  	_ =	shalt  }
0x76: {  	_ =	shalt  }
0x77: {  	_ =	shalt  }
0x78: {  	_ =	shalt  }
0x79: {  	_ =	shalt  }
0x7a: {  	_ =	shalt  }
0x7b: {  	_ =	shalt  }
0x7c: {  	_ =	shalt  }
0x7d: {  	_ =	shalt  }
0x7e: {  	_ =	shalt  }
0x7f: {  	_ =	shalt  }
0x80: {  	_ =	shalt  }
0x81: {  	_ =	shalt  }
0x82: {  	_ =	shalt  }
0x83: {  	_ =	shalt  }
0x84: {  	_ =	shalt  }
0x85: {  	_ =	shalt  }
0x86: {  	_ =	shalt  }
0x87: {  	_ =	shalt  }
.Lfunc_end0:
.L_simem_size_0:
called_computation_lowered:
.L_overlay_start_0:
0x88: {  	s2 =	sld [smem:$0x3FD9]  }
0x89: {  	s3 =	sld [smem:$0x3FFE];
	_ =	sdelay $0x1  }
0x8a: {  	s1 =	srdreg.scid  }
0x8b: {  	s0 =	sand.u32 $0x1, s1  }
0x8c: {  	s15 =	sshll.u32 s0, $0xA;
	s2 =	sadd.s32 s3, s2  }
0x8d: {  	s2 =	sadd.s32 s2, s15  }
0x8e: {  	[smem:$0x3FB3] =	sst s2  }
0x8f: {  	_ = 	snop  }
0x90: {  	s2 =	sld [smem:$0x3FD0];
	_ =	sdelay $0x2  }
0x91: {  	s16 =	simm.s32 $0xA;
	s4 =	simm.s32 $0x10  }
0x92: {  	[smem:s4], [sflag:s16] =	dma.local [hbm:s2], $0x1  }
0x93: {  	_ =	swait.eq [sflag:s16], $0x1  }
0x94: {  	[sflag:s16] =	ssyncset.done $0x0  }
0x95: {  	[sflag:s16] =	ssyncadd.s32 $0xFFFFFFFF  }
0x96: {  	s2 =	sadd.s32 $0x1, s2;
	s5 =	sld [smem:$0x13]  }
0x97: {  	[smem:s4], [sflag:s16] =	dma.local [hbm:s2], $0x1  }
0x98: {  	_ =	swait.eq [sflag:s16], $0x1  }
0x99: {  	[sflag:s16] =	ssyncset.done $0x0  }
0x9a: {  	[sflag:s16] =	ssyncadd.s32 $0xFFFFFFFF  }
0x9b: {  	s17 =	sld [smem:$0x11];
	(tm) =	ssettm $0x1  }
0x9c: {  	s18 =	sld [smem:$0x3FFB];
	_ =	sdelay $0x3  }
0x9d: {  	_ =	strace s18  }
0x9e: {  	s3 =	sld [smem:$0x3FFC];
	_ =	sdelay $0x3  }
0x9f: {  	_ =	strace s3  }
0xa0: {  	s3 =	sld [smem:$0x3FFD];
	_ =	sdelay $0x3  }
0xa1: {  	_ =	strace s3  }
0xa2: {  	_ =	strace $0x8FFFFFFF  }
0xa3: {  	s19 =	sld [smem:$0x3FDB];
	_ =	sdelay $0x1  }
0xa4: {  	s20 =	simm.s32 $_scs_section_size  }
0xa5: {  	s6 =	simm.s32 $_size__tile_overlayer_lowered;
	s7 =	simm.s32 $_tile_overlayer_lowered  }
0xa6: {  	s23 =	simm.s32 $0x1BFF;
	s22 =	sshll.u32 s7, $0x1;
	s3 =	sadd.s32 s20, s19  }
0xa7: {  	s8 =	simm.s32 $0x0;
	s21 =	sshll.u32 s6, $0x1;
	s6 =	sadd.s32 s22, s3  }
0xa8: {  	[timem:s8], [sflag:s23] =	dma.local [hbm:s6], s21  }
0xa9: {  	_ =	swait.ge [sflag:s23], s21  }
0xaa: {  	s4 =	ssub.s32 $0x0, s21;
	[sflag:s23] =	ssyncset.done $0x0  }
0xab: {  	[sflag:s23] =	ssyncadd.s32 s4;
	_ =	sdelay $0x1  }
0xac: {  	s24 =	simm.s32 $0x1B8B  }
0xad: {  	_ =	swait.ge [sflag:s24], $0x1  }
0xae: {  	[sflag:s24] =	ssyncset.done $0x0  }
0xaf: {  	s25 =	simm.s32 $0x1B8E;
	[sflag:s24] =	ssyncadd.s32 $0xFFFFFFFF  }
0xb0: {  	s26 =	simm.s32 $execute0_lowered;
	[smem:$0x3FD2] =	sst s25  }
0xb1: {  	s4 =	sshll.u32 s26, $0x1;
	_ =	strace $0x80000046;
	[dreg:$0x1] =	wrdreg $0xFFFFFFFF  }
0xb2: {  	s28 =	simm.s32 $_size_execute0_lowered;
	s3 =	sadd.s32 s3, s4;
	[dreg:$0x0] =	wrdreg $0x0  }
0xb3: {  	s4 =	sshll.u32 s28, $0x1;
	[dreg:$0x2] =	wrdreg s3  }
0xb4: {  	[dreg:$0x3] =	wrdreg s4  }
0xb5: {  	[dreg:$0x4] =	wrdreg $0xC0  }
0xb6: {  	_ =	task [dreg:s8], $0x5FFFF  }
0xb7: {  	[dreg:$0x1] =	wrdreg $0xFFFFFFFF  }
0xb8: {  	[dreg:$0x0] =	wrdreg $0x60  }
0xb9: {  	[dreg:$0x2] =	wrdreg s17  }
0xba: {  	[dreg:$0x3] =	wrdreg s5  }
0xbb: {  	[dreg:$0x4] =	wrdreg $0x90000  }
0xbc: {  	[dreg:$0x5] =	wrdreg $0x9  }
0xbd: {  	_ =	task.clear_ibuf [dreg:s8], $0x6FFFF;
	_ =	strace $0x90000046  }
0xbe: {  	s29 =	simm.s32 $0x9;
	_ =	strace $0x80000048  }
0xbf: {  	_ =	swait.ge [sflag:s29], $0x1  }
0xc0: {  	[sflag:s29] =	ssyncadd.s32 $0xFFFFFFFF  }
0xc1: {  	_ =	strace $0x90000048  }
0xc2: {  	_ =	sfence  }
0xc3: {  	s30 =	sld [smem:$0x0];
	_ =	sdelay $0x2  }
0xc4: {  	s31 =	sshll.u32 s1, $0xD;
	s1 =	sshrl.u32 s1, $0x2  }
0xc5: {  	s3 =	sand.u32 $0x4000, s31;
	s1 =	sadd.s32 s1, s30  }
0xc6: {  	s0 =	sor.u32 s3, s0;
	s1 =	sshll.u32 s1, $0x11  }
0xc7: {  	s0 =	sor.u32 s1, s0  }
0xc8: {  	s0 =	sadd.s32 $0x8F2B, s0  }
0xc9: {  	[sflag:s0] =	ssyncadd.remote.s32 $0x1  }
0xca: {  	_ =	sfence.sel $0xFFFF  }
0xcb: {  	[dreg:$0x0] =	wrdreg $0xFFFFFFFF;
	(pc) =	sbr.abs _section_cstart, $3  }
0xcc: {  	[dreg:$0x1] =	wrdreg $0xFFFFFFFF  }
0xcd: {  	_ =	task.clear_ibuf [dreg:s8], $0x2FFFF;
	_ =	strace $0x9FFFFFFF  }
0xce: {  	(tm) =	ssettm $0x7FFFFFFF  }
0xcf: {  	_ =	shalt  }
tec
execute0_lowered:
.L_overlay_start_1:
0x0: {  	(tag) =	ssettag $0x1  }
0x1: {  	s5 =	rddreg [dreg:$0x0]  }
0x2: {  	s10 =	rddreg [dreg:$0x1];
	s1 =	srdreg.scid  }
0x3: {  	s0 =	stileid.u32;
	s2 =	rddreg [dreg:$0x2];
	s3 =	simm.s32 $0x0  }
0x4: {  	s16 =	simm.s32 $0x5000;
	s17 =	simm.s32 $0x3;
	s6 =	smul.u32 $0x50000, s0  }
0x5: {  	s18 =	simm.s32 $0x80;
	s19 =	simm.s32 $0x1;
	s9 =	smul.u32 $0x280, s0  }
0x6: {  	s4 =	sand.u32 $0x1, s1;
	s1 =	rddreg [dreg:$0x3];
	s12 =	smul.u32 $0xA00, s0  }
0x7: {  	[smem:$0x7FF] =	sst s3;
	s7 =	smul.u32 $0xA000, s4;
	s8 =	ssub.s32 $0x2, s4  }
0x8: {  	_ =	strace $0x80000047;
	s11 =	smul.u32 $0x2800, s4;
	s22 =	sshrl.u32 s8, $0x1  }
0x9: {  	s6 =	sshrl.u32 s6, $0x2;
	s24 =	sadd.s32 $0x80, s9;
	s26 =	sadd.s32 $0x100, s9  }
0xa: {  	s14 =	sadd.s32 $0x180, s9;
	s13 =	ssub.s32 s8, s22;
	s4 =	sadd.s32 s6, s2  }
0xb: {  	s23 =	sadd.s32 s9, s11;
	s7 =	sadd.s32 s12, s7;
	s25 =	sadd.s32 s11, s24  }
0xc: {  	s8 =	sshll.u32 s24, $0x7;
	s28 =	sadd.s32 s11, s26;
	s12 =	sshll.u32 s26, $0x7  }
0xd: {  	s29 =	sshll.u32 s14, $0x7;
	s30 =	sadd.s32 s11, s14;
	s9 =	sadd.s32 $0x200, s9  }
0xe: {  	s24 =	simm.s32 $0x2;
	s6 =	sshll.u32 s23, $0x4;
	s5 =	sadd.s32 s5, s7  }
0xf: {  	s7 =	sshll.u32 s25, $0x4;
	s20 =	sadd.s32 s8, s2;
	s8 =	sshll.u32 s28, $0x4  }
0x10: {  	s21 =	sadd.s32 s12, s2;
	s22 =	sadd.s32 s29, s2;
	s12 =	sshll.u32 s30, $0x4  }
0x11: {  	s31 =	sshll.u32 s9, $0x7;
	s11 =	sadd.s32 s11, s9;
	s14 =	sadd.s32 $0xC000, s4  }
0x12: {  	s15 =	sadd.s32 $0x10000, s4;
	s6 =	sadd.s32 s10, s6;
	s7 =	sadd.s32 s10, s7  }
0x13: {  	s8 =	sadd.s32 s10, s8;
	s9 =	sadd.s32 s10, s12;
	s23 =	sadd.s32 s31, s2  }
0x14: {  	s11 =	sshll.u32 s11, $0x4;
	s12 =	sadd.s32 $0x4000, s4;
	s20 =	sshrl.u32 s20, $0x3  }
0x15: {  	s21 =	sshrl.u32 s21, $0x3;
	s22 =	sshrl.u32 s22, $0x3;
	s10 =	sadd.s32 s10, s11  }
0x16: {  	v0 =	vimm.f32 $0.0e+00;
	v1 =	vimm.f32 $1.000000000e+00;
	s11 =	smax.u32 s13, $0x1;
	s13 =	sadd.s32 $0x8000, s4;
	s23 =	sshrl.u32 s23, $0x3  }
.LBB2_1:
0x17: {  	s25 =	simm.s32 $0x0;
	s26 =	simm.s32 $0x200  }
.LBB2_2:
0x18: {  	p0 =	sne.s32 s26, $0xFE00;
	[tilespmem:s25+$0x5070] =	vst v0  }
0x19: {  	[tilespmem:s25+$0x5000] =	vst v0  }
0x1a: {  	[tilespmem:s25+$0x5010] =	vst v0  }
.Ltmp0:
0x1b: {  	[tilespmem:s25+$0x5020] =	vst v0;
	(pc) =	sbr.rel @p0 .LBB2_2-.Ltmp0, $4  }
0x1c: {  	[tilespmem:s25+$0x5030] =	vst v0  }
0x1d: {  	[tilespmem:s25+$0x5040] =	vst v0  }
0x1e: {  	[tilespmem:s25+$0x5050] =	vst v0  }
0x1f: {  	[tilespmem:s25+$0x5060] =	vst v0;
	s25 =	sshra.s32 s26, $0x2;
	s26 =	sadd.s32 $0x200, s26  }
0x20: {  	[tilespmem:s25+$0x5070] =	vst v0  }
0x21: {  	[tilespmem:s25+$0x5000] =	vst v0  }
0x22: {  	[tilespmem:s25+$0x5010] =	vst v0  }
0x23: {  	[tilespmem:s25+$0x5020] =	vst v0  }
0x24: {  	[tilespmem:s25+$0x5030] =	vst v0  }
0x25: {  	[tilespmem:s25+$0x5040] =	vst v0  }
0x26: {  	[tilespmem:s25+$0x5050] =	vst v0  }
0x27: {  	[tilespmem:s25+$0x5060] =	vst v0  }
0x28: {  	[spmem:s4] =	stream.linear.scatter [tilespmem:s16], [sflag:$0x3], $0x4000, $0x38;
	[tilespmem:$0x1D000] =	vst v63  }
0x29: {  	_ =	swait.ge [sflag:s17], $0x4000  }
0x2a: {  	[sflag:s17] =	ssyncset.done $0x0  }
0x2b: {  	[sflag:s17] =	ssyncadd.s32 $0xFFFFC000  }
0x2c: {  	[spmem:s12] =	stream.linear.scatter [tilespmem:s16], [sflag:$0x3], $0x4000, $0x38;
	[tilespmem:$0x1D000] =	vst v63  }
0x2d: {  	_ =	swait.ge [sflag:s17], $0x4000  }
0x2e: {  	[sflag:s17] =	ssyncset.done $0x0  }
0x2f: {  	[sflag:s17] =	ssyncadd.s32 $0xFFFFC000  }
0x30: {  	[spmem:s13] =	stream.linear.scatter [tilespmem:s16], [sflag:$0x3], $0x4000, $0x38;
	[tilespmem:$0x1D000] =	vst v63  }
0x31: {  	_ =	swait.ge [sflag:s17], $0x4000  }
0x32: {  	[sflag:s17] =	ssyncset.done $0x0  }
0x33: {  	[sflag:s17] =	ssyncadd.s32 $0xFFFFC000  }
0x34: {  	[spmem:s14] =	stream.linear.scatter [tilespmem:s16], [sflag:$0x3], $0x4000, $0x38;
	[tilespmem:$0x1D000] =	vst v63  }
0x35: {  	_ =	swait.ge [sflag:s17], $0x4000  }
0x36: {  	[sflag:s17] =	ssyncset.done $0x0  }
0x37: {  	[sflag:s17] =	ssyncadd.s32 $0xFFFFC000  }
0x38: {  	[spmem:s15] =	stream.linear.scatter [tilespmem:s16], [sflag:$0x3], $0x4000, $0x38;
	[tilespmem:$0x1D000] =	vst v63  }
0x39: {  	_ =	swait.ge [sflag:s17], $0x4000  }
0x3a: {  	[sflag:s17] =	ssyncset.done $0x0  }
0x3b: {  	s25 =	simm.s32 $0x0;
	s26 =	simm.s32 $0x200;
	[sflag:s17] =	ssyncadd.s32 $0xFFFFC000  }
.LBB2_4:
0x3c: {  	p0 =	sne.s32 s26, $0xFE00;
	[tilespmem:s25+$0x5070] =	vst v1  }
0x3d: {  	[tilespmem:s25+$0x5000] =	vst v1  }
0x3e: {  	[tilespmem:s25+$0x5010] =	vst v1  }
.Ltmp1:
0x3f: {  	[tilespmem:s25+$0x5020] =	vst v1;
	(pc) =	sbr.rel @p0 .LBB2_4-.Ltmp1, $4  }
0x40: {  	[tilespmem:s25+$0x5030] =	vst v1  }
0x41: {  	[tilespmem:s25+$0x5040] =	vst v1  }
0x42: {  	[tilespmem:s25+$0x5050] =	vst v1  }
0x43: {  	[tilespmem:s25+$0x5060] =	vst v1;
	s25 =	sshra.s32 s26, $0x2;
	s26 =	sadd.s32 $0x200, s26  }
0x44: {  	[tilespmem:s25+$0x5070] =	vst v1  }
0x45: {  	[tilespmem:s25+$0x5000] =	vst v1  }
0x46: {  	[tilespmem:s25+$0x5010] =	vst v1  }
0x47: {  	[tilespmem:s25+$0x5020] =	vst v1  }
0x48: {  	[tilespmem:s25+$0x5030] =	vst v1  }
0x49: {  	[tilespmem:s25+$0x5040] =	vst v1  }
0x4a: {  	[tilespmem:s25+$0x5050] =	vst v1  }
0x4b: {  	[tilespmem:s25+$0x5060] =	vst v1;
	s31 =	simm.s32 $0x0  }
0x4c: {  	[tilespmem:s31], [sflag:$0x3] =	stream.linear.gather [hbm4b:s5+s31], $0x5000, $0x38;
	[tilespmem:$0x1D000] =	vst v63  }
0x4d: {  	_ =	swait.ge [sflag:s17], $0x5000  }
0x4e: {  	[sflag:s17] =	ssyncset.done $0x0  }
0x4f: {  	[sflag:s17] =	ssyncadd.s32 $0xFFFFB000  }
0x50: {  	s26 =	simm.s32 $0x0;
	[bflag:$0x0] =	sbarrier.arrive $0xFFFF  }
0x51: {  	[spmem:s2] =	stream.indirect.scatter.add.f32 [tilespmem:s16], [sflag:$0x1], $0x80, s26, s18, $0xb8;
	[tilespmem:$0x1D000] =	vst v63  }
0x52: {  	s29 =	simm.s32 $0x80  }
0x53: {  	[spmem:s2] =	stream.indirect.scatter.add.f32 [tilespmem:s16], [sflag:$0x1], $0x80, s29, s18, $0xb8;
	[tilespmem:$0x1D000] =	vst v63  }
0x54: {  	s30 =	simm.s32 $0x100  }
0x55: {  	[spmem:s2] =	stream.indirect.scatter.add.f32 [tilespmem:s16], [sflag:$0x1], $0x80, s30, s18, $0xb8;
	[tilespmem:$0x1D000] =	vst v63  }
0x56: {  	s31 =	simm.s32 $0x180  }
0x57: {  	[spmem:s2] =	stream.indirect.scatter.add.f32 [tilespmem:s16], [sflag:$0x1], $0x80, s31, s18, $0xb8;
	[tilespmem:$0x1D000] =	vst v63  }
0x58: {  	s26 =	simm.s32 $0x200  }
0x59: {  	[spmem:s2] =	stream.indirect.scatter.add.f32 [tilespmem:s16], [sflag:$0x1], $0x80, s26, s18, $0xb8;
	[tilespmem:$0x1D000] =	vst v63  }
0x5a: {  	s29 =	simm.s32 $0x280  }
0x5b: {  	[spmem:s2] =	stream.indirect.scatter.add.f32 [tilespmem:s16], [sflag:$0x1], $0x80, s29, s18, $0xb8;
	[tilespmem:$0x1D000] =	vst v63  }
0x5c: {  	s30 =	simm.s32 $0x300  }
0x5d: {  	[spmem:s2] =	stream.indirect.scatter.add.f32 [tilespmem:s16], [sflag:$0x1], $0x80, s30, s18, $0xb8;
	[tilespmem:$0x1D000] =	vst v63  }
0x5e: {  	s31 =	simm.s32 $0x380  }
0x5f: {  	[spmem:s2] =	stream.indirect.scatter.add.f32 [tilespmem:s16], [sflag:$0x1], $0x80, s31, s18, $0xb8;
	[tilespmem:$0x1D000] =	vst v63  }
0x60: {  	_ =	swait.ge [sflag:s19], $0x4000  }
0x61: {  	[sflag:s19] =	ssyncset.done $0x0  }
0x62: {  	[sflag:s19] =	ssyncadd.s32 $0xFFFFC000  }
0x63: {  	_ =	swait.ge [sflag:s19], $0x4000  }
0x64: {  	[sflag:s19] =	ssyncset.done $0x0  }
0x65: {  	[sflag:s19] =	ssyncadd.s32 $0xFFFFC000  }
0x66: {  	_ =	swait.ge [sflag:s19], $0x4000  }
0x67: {  	[sflag:s19] =	ssyncset.done $0x0  }
0x68: {  	[sflag:s19] =	ssyncadd.s32 $0xFFFFC000  }
0x69: {  	_ =	swait.ge [sflag:s19], $0x4000  }
0x6a: {  	[sflag:s19] =	ssyncset.done $0x0  }
0x6b: {  	[sflag:s19] =	ssyncadd.s32 $0xFFFFC000  }
0x6c: {  	_ =	swait.ge [sflag:s19], $0x4000  }
0x6d: {  	[sflag:s19] =	ssyncset.done $0x0  }
0x6e: {  	[sflag:s19] =	ssyncadd.s32 $0xFFFFC000  }
0x6f: {  	_ =	swait.ge [sflag:s19], $0x4000  }
0x70: {  	[sflag:s19] =	ssyncset.done $0x0  }
0x71: {  	[sflag:s19] =	ssyncadd.s32 $0xFFFFC000  }
0x72: {  	_ =	swait.ge [sflag:s19], $0x4000  }
0x73: {  	[sflag:s19] =	ssyncset.done $0x0  }
0x74: {  	[sflag:s19] =	ssyncadd.s32 $0xFFFFC000  }
0x75: {  	_ =	swait.ge [sflag:s19], $0x4000  }
0x76: {  	s25 =	simm.s32 $0x1000;
	s28 =	simm.s32 $0x2000;
	[sflag:s19] =	ssyncset.done $0x0  }
.LBB2_6:
0x77: {  	s29 =	sshra.s32 s25, $0x2  }
0x78: {  	[sflag:s19] =	ssyncadd.s32 $0xFFFFC000;
	s25 =	smov.u32 s28;
	s26 =	sadd.s32 $0x1000, s28  }
0x79: {  	[spmem:s2] =	stream.indirect.scatter.add.f32 [tilespmem:s16], [sflag:$0x1], $0x80, s29, s18, $0xb8;
	[tilespmem:$0x1D000] =	vst v63  }
0x7a: {  	p0 =	sne.s32 s28, $0x13000;
	s28 =	sadd.s32 $0x80, s29  }
0x7b: {  	[spmem:s2] =	stream.indirect.scatter.add.f32 [tilespmem:s16], [sflag:$0x1], $0x80, s28, s18, $0xb8;
	[tilespmem:$0x1D000] =	vst v63  }
0x7c: {  	s28 =	sadd.s32 $0x100, s29  }
0x7d: {  	[spmem:s2] =	stream.indirect.scatter.add.f32 [tilespmem:s16], [sflag:$0x1], $0x80, s28, s18, $0xb8;
	[tilespmem:$0x1D000] =	vst v63  }
0x7e: {  	s28 =	sadd.s32 $0x180, s29  }
0x7f: {  	[spmem:s2] =	stream.indirect.scatter.add.f32 [tilespmem:s16], [sflag:$0x1], $0x80, s28, s18, $0xb8;
	[tilespmem:$0x1D000] =	vst v63  }
0x80: {  	s28 =	sadd.s32 $0x200, s29  }
0x81: {  	[spmem:s2] =	stream.indirect.scatter.add.f32 [tilespmem:s16], [sflag:$0x1], $0x80, s28, s18, $0xb8;
	[tilespmem:$0x1D000] =	vst v63  }
0x82: {  	s28 =	sadd.s32 $0x280, s29  }
0x83: {  	[spmem:s2] =	stream.indirect.scatter.add.f32 [tilespmem:s16], [sflag:$0x1], $0x80, s28, s18, $0xb8;
	[tilespmem:$0x1D000] =	vst v63  }
0x84: {  	s28 =	sadd.s32 $0x300, s29  }
0x85: {  	[spmem:s2] =	stream.indirect.scatter.add.f32 [tilespmem:s16], [sflag:$0x1], $0x80, s28, s18, $0xb8;
	[tilespmem:$0x1D000] =	vst v63  }
0x86: {  	s28 =	sadd.s32 $0x380, s29  }
0x87: {  	[spmem:s2] =	stream.indirect.scatter.add.f32 [tilespmem:s16], [sflag:$0x1], $0x80, s28, s18, $0xb8;
	[tilespmem:$0x1D000] =	vst v63  }
0x88: {  	_ =	swait.ge [sflag:s19], $0x4000  }
0x89: {  	[sflag:s19] =	ssyncset.done $0x0  }
0x8a: {  	[sflag:s19] =	ssyncadd.s32 $0xFFFFC000  }
0x8b: {  	_ =	swait.ge [sflag:s19], $0x4000  }
0x8c: {  	[sflag:s19] =	ssyncset.done $0x0  }
0x8d: {  	[sflag:s19] =	ssyncadd.s32 $0xFFFFC000  }
0x8e: {  	_ =	swait.ge [sflag:s19], $0x4000  }
0x8f: {  	[sflag:s19] =	ssyncset.done $0x0  }
0x90: {  	[sflag:s19] =	ssyncadd.s32 $0xFFFFC000  }
0x91: {  	_ =	swait.ge [sflag:s19], $0x4000  }
0x92: {  	[sflag:s19] =	ssyncset.done $0x0  }
0x93: {  	[sflag:s19] =	ssyncadd.s32 $0xFFFFC000  }
0x94: {  	_ =	swait.ge [sflag:s19], $0x4000  }
0x95: {  	[sflag:s19] =	ssyncset.done $0x0  }
0x96: {  	[sflag:s19] =	ssyncadd.s32 $0xFFFFC000  }
0x97: {  	_ =	swait.ge [sflag:s19], $0x4000  }
0x98: {  	[sflag:s19] =	ssyncset.done $0x0  }
0x99: {  	[sflag:s19] =	ssyncadd.s32 $0xFFFFC000  }
.Ltmp2:
0x9a: {  	_ =	swait.ge [sflag:s19], $0x4000;
	(pc) =	sbr.rel @p0 .LBB2_6-.Ltmp2, $4  }
0x9b: {  	[sflag:s19] =	ssyncset.done $0x0  }
0x9c: {  	[sflag:s19] =	ssyncadd.s32 $0xFFFFC000  }
0x9d: {  	_ =	swait.ge [sflag:s19], $0x4000  }
0x9e: {  	s28 =	smov.u32 s26;
	[sflag:s19] =	ssyncset.done $0x0  }
0x9f: {  	s25 =	sshra.s32 s25, $0x2;
	[sflag:s19] =	ssyncadd.s32 $0xFFFFC000  }
0xa0: {  	[spmem:s2] =	stream.indirect.scatter.add.f32 [tilespmem:s16], [sflag:$0x1], $0x80, s25, s18, $0xb8;
	[tilespmem:$0x1D000] =	vst v63  }
0xa1: {  	s26 =	sadd.s32 $0x80, s25  }
0xa2: {  	[spmem:s2] =	stream.indirect.scatter.add.f32 [tilespmem:s16], [sflag:$0x1], $0x80, s26, s18, $0xb8;
	[tilespmem:$0x1D000] =	vst v63  }
0xa3: {  	s29 =	sadd.s32 $0x100, s25  }
0xa4: {  	[spmem:s2] =	stream.indirect.scatter.add.f32 [tilespmem:s16], [sflag:$0x1], $0x80, s29, s18, $0xb8;
	[tilespmem:$0x1D000] =	vst v63  }
0xa5: {  	s30 =	sadd.s32 $0x180, s25  }
0xa6: {  	[spmem:s2] =	stream.indirect.scatter.add.f32 [tilespmem:s16], [sflag:$0x1], $0x80, s30, s18, $0xb8;
	[tilespmem:$0x1D000] =	vst v63  }
0xa7: {  	s31 =	sadd.s32 $0x200, s25  }
0xa8: {  	[spmem:s2] =	stream.indirect.scatter.add.f32 [tilespmem:s16], [sflag:$0x1], $0x80, s31, s18, $0xb8;
	[tilespmem:$0x1D000] =	vst v63  }
0xa9: {  	s28 =	sadd.s32 $0x280, s25  }
0xaa: {  	[spmem:s2] =	stream.indirect.scatter.add.f32 [tilespmem:s16], [sflag:$0x1], $0x80, s28, s18, $0xb8;
	[tilespmem:$0x1D000] =	vst v63  }
0xab: {  	s29 =	sadd.s32 $0x300, s25  }
0xac: {  	[spmem:s2] =	stream.indirect.scatter.add.f32 [tilespmem:s16], [sflag:$0x1], $0x80, s29, s18, $0xb8;
	[tilespmem:$0x1D000] =	vst v63  }
0xad: {  	s25 =	sadd.s32 $0x380, s25  }
0xae: {  	[spmem:s2] =	stream.indirect.scatter.add.f32 [tilespmem:s16], [sflag:$0x1], $0x80, s25, s18, $0xb8;
	[tilespmem:$0x1D000] =	vst v63  }
0xaf: {  	_ =	swait.ge [sflag:s19], $0x4000  }
0xb0: {  	[sflag:s19] =	ssyncset.done $0x0  }
0xb1: {  	[sflag:s19] =	ssyncadd.s32 $0xFFFFC000  }
0xb2: {  	_ =	swait.ge [sflag:s19], $0x4000  }
0xb3: {  	[sflag:s19] =	ssyncset.done $0x0  }
0xb4: {  	[sflag:s19] =	ssyncadd.s32 $0xFFFFC000  }
0xb5: {  	_ =	swait.ge [sflag:s19], $0x4000  }
0xb6: {  	[sflag:s19] =	ssyncset.done $0x0  }
0xb7: {  	[sflag:s19] =	ssyncadd.s32 $0xFFFFC000  }
0xb8: {  	_ =	swait.ge [sflag:s19], $0x4000  }
0xb9: {  	[sflag:s19] =	ssyncset.done $0x0  }
0xba: {  	[sflag:s19] =	ssyncadd.s32 $0xFFFFC000  }
0xbb: {  	_ =	swait.ge [sflag:s19], $0x4000  }
0xbc: {  	[sflag:s19] =	ssyncset.done $0x0  }
0xbd: {  	[sflag:s19] =	ssyncadd.s32 $0xFFFFC000  }
0xbe: {  	_ =	swait.ge [sflag:s19], $0x4000  }
0xbf: {  	[sflag:s19] =	ssyncset.done $0x0  }
0xc0: {  	[sflag:s19] =	ssyncadd.s32 $0xFFFFC000  }
0xc1: {  	_ =	swait.ge [sflag:s19], $0x4000  }
0xc2: {  	[sflag:s19] =	ssyncset.done $0x0  }
0xc3: {  	[sflag:s19] =	ssyncadd.s32 $0xFFFFC000  }
0xc4: {  	_ =	swait.ge [sflag:s19], $0x4000  }
0xc5: {  	[sflag:s19] =	ssyncset.done $0x0  }
0xc6: {  	s30 =	sshll.u32 s0, $0x6;
	[sflag:s19] =	ssyncadd.s32 $0xFFFFC000  }
0xc7: {  	s31 =	sshrl.u32 s4, $0x3;
	s25 =	sor.u32 $0x1C02, s30;
	[bflag:$0x0] =	sbarrier.arrive $0xFFFF  }
0xc8: {  	[hbm:s6], [sflag:s25] =	dma.local [spmem:s31], $0x800  }
0xc9: {  	[hbm:s7], [sflag:s25] =	dma.local [spmem:s20], $0x800  }
0xca: {  	[hbm:s8], [sflag:s25] =	dma.local [spmem:s21], $0x800  }
0xcb: {  	[hbm:s9], [sflag:s25] =	dma.local [spmem:s22], $0x800  }
0xcc: {  	[hbm:s10], [sflag:s25] =	dma.local [spmem:s23], $0x800  }
0xcd: {  	_ =	swait.ge [sflag:s24], $0x800  }
0xce: {  	[sflag:s24] =	ssyncset.done $0x0  }
0xcf: {  	[sflag:s24] =	ssyncadd.s32 $0xFFFFF800  }
0xd0: {  	_ =	swait.ge [sflag:s24], $0x800  }
0xd1: {  	[sflag:s24] =	ssyncset.done $0x0  }
0xd2: {  	[sflag:s24] =	ssyncadd.s32 $0xFFFFF800  }
0xd3: {  	_ =	swait.ge [sflag:s24], $0x800  }
0xd4: {  	[sflag:s24] =	ssyncset.done $0x0  }
0xd5: {  	s3 =	sadd.s32 $0x1, s3;
	[sflag:s24] =	ssyncadd.s32 $0xFFFFF800  }
0xd6: {  	p0 =	sne.s32 s3, s11;
	_ =	swait.ge [sflag:s24], $0x800  }
.Ltmp3:
0xd7: {  	[sflag:s24] =	ssyncset.done $0x0;
	(pc) =	sbr.rel @p0 .LBB2_1-.Ltmp3, $4  }
0xd8: {  	[sflag:s24] =	ssyncadd.s32 $0xFFFFF800  }
0xd9: {  	_ =	swait.ge [sflag:s24], $0x800  }
0xda: {  	[sflag:s24] =	ssyncset.done $0x0  }
0xdb: {  	[sflag:s24] =	ssyncadd.s32 $0xFFFFF800  }
0xdc: {  	_ =	sfence.sel $0x180000  }
0xdd: {  	[bflag:$0x0] =	sbarrier.arrive $0xFFFF  }
0xde: {  	p0 =	sne.s32 s0, $0x0;
	_ =	strace $0x90000047  }
0xdf: {  	s0 =	sadd.s32 @!p0 $0x100000, s1;
	[bflag:$0x2] =	sbarrier.arrive $0xFFFF  }
0xe0: {  	[sflag:s0] =	ssyncadd.tile.s32 @!p0 $0x1;
	_ =	shalt  }
.Lfunc_end2:
_tile_overlayer_lowered:
.L_overlay_start_2:
0xe1: {  	(tag) =	ssettag $0x2  }
0xe2: {  	s0 =	rddreg [dreg:$0x0];
	s2 =	stileid.u32  }
0xe3: {  	s1 =	rddreg [dreg:$0x1];
	p0 =	sne.s32 s2, $0x0  }
0xe4: {  	s3 =	rddreg [dreg:$0x2];
	[bflag:$0x3] =	sbarrier.arrive $0xFFFF;
	s2 =	simm.s32 @!p0 $0x1C03  }
0xe5: {  	[timem:s3], [sflag:s2] =	dma.local @!p0 [hbm:s0], s1  }
0xe6: {  	s0 =	simm.s32 @!p0 $0x3  }
0xe7: {  	_ =	swait.ge @!p0 [sflag:s0], s1  }
0xe8: {  	s1 =	ssub.s32 @!p0 $0x0, s1;
	[sflag:s0] =	ssyncset.done @!p0 $0x0  }
0xe9: {  	[sflag:s0] =	ssyncadd.s32 @!p0 s1  }
0xea: {  	[bflag:$0x3] =	sbarrier.arrive $0xFFFF  }
0xeb: {  	_ =	shalt  }

// kernel: kernel.13.cloned.1.call-start
scs
__scs_entry_jumppad:
0x0: {  	(pc) =	sbr.rel $0x88, $3  }
0x1: {  	(tag) =	ssettag $0x0;
	lr =	simm.s32 $0x1  }
0x2: {  	[smem:$0x3F8C] =	sst lr;
	_ =	strace $0xD0000000  }
0x3: {  	_ = 	snop  }
0x4: {  	_ = 	snop  }
0x5: {  	_ = 	snop  }
0x6: {  	_ = 	snop  }
0x7: {  	_ = 	snop  }
__scs_overlays_trampoline_lowered:
0x8: {  	[smem:$0x3F9B] =	sst s0  }
0x9: {  	[smem:$0x3F9C] =	sst s1  }
0xa: {  	[smem:$0x3F9D] =	sst s2  }
0xb: {  	[smem:$0x3F9E] =	sst s3  }
0xc: {  	[smem:$0x3F9F] =	sst s4  }
0xd: {  	[smem:$0x3FA0] =	sst s5  }
0xe: {  	[smem:$0x3FA1] =	sst s6  }
0xf: {  	[smem:$0x3FA2] =	sst s7  }
0x10: {  	[smem:$0x3FA3] =	sst s8  }
0x11: {  	[smem:$0x3FA4] =	sst s9;
	s0 =	simm.s32 @!p0 $0x0  }
0x12: {  	s1 =	sld [smem:$0x3F8A];
	s0 =	simm.s32 @p0 $0x1  }
0x13: {  	[smem:$0x3FA5] =	sst s0;
	s0 =	simm.s32 @!p1 $0x0  }
0x14: {  	s2 =	sld [smem:$0x3F89];
	s0 =	simm.s32 @p1 $0x1  }
0x15: {  	[smem:$0x3FA6] =	sst s0;
	s0 =	simm.s32 @!p2 $0x0  }
0x16: {  	s3 =	sld [smem:$0x3FDB];
	s0 =	simm.s32 @p2 $0x1  }
0x17: {  	s4 =	simm.s32 $0x1BF5;
	[smem:$0x3FA8] =	sst s0  }
0x18: {  	s0 =	sld [smem:$0x3F8B];
	_ =	swait.ge [sflag:s4], $0x0  }
0x19: {  	s7 =	sld [smem:$0x3F8C]  }
0x1a: {  	s8 =	sadd.s32 $0xFFFFE003, lr  }
0x1b: {  	s9 =	sadd.s32 $0xFFFFFEF7, lr;
	s5 =	simm.s32 $0xFFFFFFFF;
	p2 =	slt.u32 s8, $0xFFFFF086  }
0x1c: {  	p1 =	slt.u32 s9, $0xF7A;
	s5 =	simm.s32 @!p2 $0x0  }
0x1d: {  	s5 =	simm.s32 @p1 $0x1;
	p0 =	seq.s32 s7, s2  }
0x1e: {  	s7 =	smul.u32 @!p0 $0xF7A, s2;
	p2 =	seq.s32 @!p0 s5, $0x0  }
0x1f: {  	s9 =	smul.u32 $0xF7A, s1;
	s8 =	simm.s32 @!p0 $0x1BF5;
	p2 =	por !p2, p0  }
0x20: {  	[sflag:s8] =	ssyncset.s32 @!p0 $0xFFFFF086;
	s6 =	sadd.s32 @!p0 s3, s7;
	s7 =	simm.s32 @!p0 $0x108  }
0x21: {  	s3 =	sadd.s32 s3, s9;
	s6 =	sadd.s32 @!p0 $0x88, s6;
	s7 =	simm.s32 @p2 $0x1082  }
0x22: {  	[simem:s7], [sflag:s8] =	dma.local @!p0 [hbm:s6], $0xF7A  }
0x23: {  	s9 =	sor.u32 $0xD0000000, s2;
	s6 =	simm.s32 $0x108;
	_ =	swait.ge @!p0 [sflag:s8], $0x0  }
0x24: {  	s3 =	sadd.s32 $0x88, s3;
	s6 =	simm.s32 @!p1 $0x1082;
	[sflag:s4] =	ssyncset.s32 $0xFFFFF086  }
0x25: {  	[simem:s6], [sflag:s4] =	dma.local [hbm:s3], $0xF7A  }
0x26: {  	[smem:$0x3F8C] =	sst s1;
	(tag) =	ssettag s2;
	_ =	strace s9  }
0x27: {  	s1 =	sld [smem:$0x3F9C]  }
0x28: {  	s2 =	sld [smem:$0x3F9D]  }
0x29: {  	s4 =	sld [smem:$0x3F9F]  }
0x2a: {  	p0 =	seq.s32 s5, $0x0;
	s5 =	sld [smem:$0x3FA0]  }
0x2b: {  	s6 =	sld [smem:$0x3FA1]  }
0x2c: {  	s7 =	sld [smem:$0x3FA2]  }
0x2d: {  	s3 =	simm.s32 $0x108;
	s8 =	sld [smem:$0x3FA3]  }
0x2e: {  	s3 =	simm.s32 @!p0 $0x1082;
	s9 =	sld [smem:$0x3FA4]  }
0x2f: {  	lr =	sadd.s32 s0, s3;
	s0 =	sld [smem:$0x3F9B]  }
0x30: {  	s3 =	sld [smem:$0x3F9E]  }
0x31: {  	[smem:$0x3FA7] =	sst s10  }
0x32: {  	s10 =	sld [smem:$0x3FA5];
	_ =	sdelay $0x3  }
0x33: {  	p0 =	seq.s32 s10, $0x1;
	s10 =	sld [smem:$0x3FA7];
	_ =	sdelay $0x3  }
0x34: {  	[smem:$0x3FA7] =	sst s10  }
0x35: {  	s10 =	sld [smem:$0x3FA6];
	_ =	sdelay $0x3  }
0x36: {  	p1 =	seq.s32 s10, $0x1;
	s10 =	sld [smem:$0x3FA7];
	_ =	sdelay $0x3  }
0x37: {  	[smem:$0x3FA7] =	sst s10  }
0x38: {  	s10 =	sld [smem:$0x3FA8]  }
0x39: {  	_ = 	snop;
	(pc) =	sbr.ind lr, $3  }
0x3a: {  	_ = 	snop  }
0x3b: {  	_ = 	snop  }
0x3c: {  	p2 =	seq.s32 s10, $0x1;
	s10 =	sld [smem:$0x3FA7]  }
0x3d: {  	_ =	shalt  }
0x3e: {  	_ =	shalt  }
0x3f: {  	_ =	shalt  }
0x40: {  	_ =	shalt  }
0x41: {  	_ =	shalt  }
0x42: {  	_ =	shalt  }
0x43: {  	_ =	shalt  }
0x44: {  	_ =	shalt  }
0x45: {  	_ =	shalt  }
0x46: {  	_ =	shalt  }
0x47: {  	_ =	shalt  }
0x48: {  	_ =	shalt  }
0x49: {  	_ =	shalt  }
0x4a: {  	_ =	shalt  }
0x4b: {  	_ =	shalt  }
0x4c: {  	_ =	shalt  }
0x4d: {  	_ =	shalt  }
0x4e: {  	_ =	shalt  }
0x4f: {  	_ =	shalt  }
0x50: {  	_ =	shalt  }
0x51: {  	_ =	shalt  }
0x52: {  	_ =	shalt  }
0x53: {  	_ =	shalt  }
0x54: {  	_ =	shalt  }
0x55: {  	_ =	shalt  }
0x56: {  	_ =	shalt  }
0x57: {  	_ =	shalt  }
0x58: {  	_ =	shalt  }
0x59: {  	_ =	shalt  }
0x5a: {  	_ =	shalt  }
0x5b: {  	_ =	shalt  }
0x5c: {  	_ =	shalt  }
0x5d: {  	_ =	shalt  }
0x5e: {  	_ =	shalt  }
0x5f: {  	_ =	shalt  }
0x60: {  	_ =	shalt  }
0x61: {  	_ =	shalt  }
0x62: {  	_ =	shalt  }
0x63: {  	_ =	shalt  }
0x64: {  	_ =	shalt  }
0x65: {  	_ =	shalt  }
0x66: {  	_ =	shalt  }
0x67: {  	_ =	shalt  }
0x68: {  	_ =	shalt  }
0x69: {  	_ =	shalt  }
0x6a: {  	_ =	shalt  }
0x6b: {  	_ =	shalt  }
0x6c: {  	_ =	shalt  }
0x6d: {  	_ =	shalt  }
0x6e: {  	_ =	shalt  }
0x6f: {  	_ =	shalt  }
0x70: {  	_ =	shalt  }
0x71: {  	_ =	shalt  }
0x72: {  	_ =	shalt  }
0x73: {  	_ =	shalt  }
0x74: {  	_ =	shalt  }
0x75: {  	_ =	shalt  }
0x76: {  	_ =	shalt  }
0x77: {  	_ =	shalt  }
0x78: {  	_ =	shalt  }
0x79: {  	_ =	shalt  }
0x7a: {  	_ =	shalt  }
0x7b: {  	_ =	shalt  }
0x7c: {  	_ =	shalt  }
0x7d: {  	_ =	shalt  }
0x7e: {  	_ =	shalt  }
0x7f: {  	_ =	shalt  }
0x80: {  	_ =	shalt  }
0x81: {  	_ =	shalt  }
0x82: {  	_ =	shalt  }
0x83: {  	_ =	shalt  }
0x84: {  	_ =	shalt  }
0x85: {  	_ =	shalt  }
0x86: {  	_ =	shalt  }
0x87: {  	_ =	shalt  }
.Lfunc_end0:
.L_simem_size_0:
called_computation.1_lowered:
.L_overlay_start_0:
0x88: {  	s2 =	sld [smem:$0x3FD9]  }
0x89: {  	s3 =	sld [smem:$0x3FFE];
	_ =	sdelay $0x1  }
0x8a: {  	s1 =	srdreg.scid  }
0x8b: {  	s0 =	sand.u32 $0x1, s1  }
0x8c: {  	s15 =	sshll.u32 s0, $0xA;
	s2 =	sadd.s32 s3, s2  }
0x8d: {  	s2 =	sadd.s32 s2, s15  }
0x8e: {  	[smem:$0x3FB3] =	sst s2  }
0x8f: {  	_ = 	snop  }
0x90: {  	s2 =	sld [smem:$0x3FD0];
	_ =	sdelay $0x2  }
0x91: {  	s16 =	simm.s32 $0xA;
	s4 =	simm.s32 $0x10  }
0x92: {  	[smem:s4], [sflag:s16] =	dma.local [hbm:s2], $0x1  }
0x93: {  	_ =	swait.eq [sflag:s16], $0x1  }
0x94: {  	s5 =	sld [smem:$0x11];
	[sflag:s16] =	ssyncset.done $0x0  }
0x95: {  	s6 =	sld [smem:$0x12];
	[sflag:s16] =	ssyncadd.s32 $0xFFFFFFFF  }
0x96: {  	s2 =	sadd.s32 $0x1, s2;
	s7 =	sld [smem:$0x13]  }
0x97: {  	[smem:s4], [sflag:s16] =	dma.local [hbm:s2], $0x1  }
0x98: {  	_ =	swait.eq [sflag:s16], $0x1  }
0x99: {  	[sflag:s16] =	ssyncset.done $0x0  }
0x9a: {  	[sflag:s16] =	ssyncadd.s32 $0xFFFFFFFF  }
0x9b: {  	s17 =	sld [smem:$0x10];
	(tm) =	ssettm $0x1  }
0x9c: {  	s18 =	sld [smem:$0x3FFB];
	_ =	sdelay $0x3  }
0x9d: {  	_ =	strace s18  }
0x9e: {  	s3 =	sld [smem:$0x3FFC];
	_ =	sdelay $0x3  }
0x9f: {  	_ =	strace s3  }
0xa0: {  	s3 =	sld [smem:$0x3FFD];
	_ =	sdelay $0x3  }
0xa1: {  	_ =	strace s3  }
0xa2: {  	_ =	strace $0x8FFFFFFF  }
0xa3: {  	s19 =	sld [smem:$0x3FDB];
	_ =	sdelay $0x1  }
0xa4: {  	s20 =	simm.s32 $_scs_section_size  }
0xa5: {  	s8 =	simm.s32 $_size__tile_overlayer_lowered;
	s9 =	simm.s32 $_tile_overlayer_lowered  }
0xa6: {  	s23 =	simm.s32 $0x1BFF;
	s22 =	sshll.u32 s9, $0x1;
	s3 =	sadd.s32 s20, s19  }
0xa7: {  	s10 =	simm.s32 $0x0;
	s21 =	sshll.u32 s8, $0x1;
	s8 =	sadd.s32 s22, s3  }
0xa8: {  	[timem:s10], [sflag:s23] =	dma.local [hbm:s8], s21  }
0xa9: {  	_ =	swait.ge [sflag:s23], s21  }
0xaa: {  	s4 =	ssub.s32 $0x0, s21;
	[sflag:s23] =	ssyncset.done $0x0  }
0xab: {  	[sflag:s23] =	ssyncadd.s32 s4;
	_ =	sdelay $0x1  }
0xac: {  	s24 =	simm.s32 $0x1B8B  }
0xad: {  	_ =	swait.ge [sflag:s24], $0x1  }
0xae: {  	[sflag:s24] =	ssyncset.done $0x0  }
0xaf: {  	s25 =	simm.s32 $0x1B8E;
	[sflag:s24] =	ssyncadd.s32 $0xFFFFFFFF  }
0xb0: {  	s26 =	simm.s32 $execute0_lowered;
	[smem:$0x3FD2] =	sst s25  }
0xb1: {  	s4 =	sshll.u32 s26, $0x1;
	_ =	strace $0x80000049;
	[dreg:$0x1] =	wrdreg $0xFFFFFFFF  }
0xb2: {  	s28 =	simm.s32 $_size_execute0_lowered;
	s3 =	sadd.s32 s3, s4;
	[dreg:$0x0] =	wrdreg $0x0  }
0xb3: {  	s4 =	sshll.u32 s28, $0x1;
	[dreg:$0x2] =	wrdreg s3  }
0xb4: {  	[dreg:$0x3] =	wrdreg s4  }
0xb5: {  	[dreg:$0x4] =	wrdreg $0xC0  }
0xb6: {  	_ =	task [dreg:s10], $0x5FFFF  }
0xb7: {  	[dreg:$0x1] =	wrdreg $0xFFFFFFFF  }
0xb8: {  	[dreg:$0x0] =	wrdreg $0x60  }
0xb9: {  	[dreg:$0x2] =	wrdreg s6  }
0xba: {  	[dreg:$0x3] =	wrdreg s17  }
0xbb: {  	[dreg:$0x4] =	wrdreg s5  }
0xbc: {  	[dreg:$0x5] =	wrdreg s7  }
0xbd: {  	[dreg:$0x6] =	wrdreg $0xA9000  }
0xbe: {  	[dreg:$0x7] =	wrdreg $0x9  }
0xbf: {  	_ =	task.clear_ibuf [dreg:s10], $0x8FFFF;
	_ =	strace $0x90000049  }
0xc0: {  	s29 =	simm.s32 $0x9;
	_ =	strace $0x8000004B  }
0xc1: {  	_ =	swait.ge [sflag:s29], $0x1  }
0xc2: {  	[sflag:s29] =	ssyncadd.s32 $0xFFFFFFFF  }
0xc3: {  	_ =	strace $0x9000004B  }
0xc4: {  	_ =	sfence  }
0xc5: {  	s30 =	sld [smem:$0x0];
	_ =	sdelay $0x2  }
0xc6: {  	s31 =	sshll.u32 s1, $0xD;
	s1 =	sshrl.u32 s1, $0x2  }
0xc7: {  	s3 =	sand.u32 $0x4000, s31;
	s1 =	sadd.s32 s1, s30  }
0xc8: {  	s0 =	sor.u32 s3, s0;
	s1 =	sshll.u32 s1, $0x11  }
0xc9: {  	s0 =	sor.u32 s1, s0  }
0xca: {  	s0 =	sadd.s32 $0x8F2B, s0  }
0xcb: {  	[sflag:s0] =	ssyncadd.remote.s32 $0x1  }
0xcc: {  	_ =	sfence.sel $0xFFFF  }
0xcd: {  	[dreg:$0x0] =	wrdreg $0xFFFFFFFF;
	(pc) =	sbr.abs _section_cstart, $3  }
0xce: {  	[dreg:$0x1] =	wrdreg $0xFFFFFFFF  }
0xcf: {  	_ =	task.clear_ibuf [dreg:s10], $0x2FFFF;
	_ =	strace $0x9FFFFFFF  }
0xd0: {  	(tm) =	ssettm $0x7FFFFFFF  }
0xd1: {  	_ =	shalt  }
tec
execute0_lowered:
.L_overlay_start_1:
0x0: {  	(tag) =	ssettag $0x1  }
0x1: {  	s1 =	rddreg [dreg:$0x0]  }
0x2: {  	s0 =	rddreg [dreg:$0x1]  }
0x3: {  	s2 =	rddreg [dreg:$0x2]  }
0x4: {  	s3 =	srdreg.scid;
	s14 =	stileid.u32  }
0x5: {  	s6 =	rddreg [dreg:$0x3];
	s5 =	smul.u32 $0x50000, s14  }
0x6: {  	s28 =	simm.s32 $0x80;
	s29 =	simm.s32 $0x1;
	s10 =	smul.u32 $0x280, s14  }
0x7: {  	s30 =	simm.s32 $0x2;
	s7 =	sand.u32 $0x1, s3;
	s16 =	smul.u32 $0xA00, s14  }
0x8: {  	s31 =	simm.s32 $0x6900;
	s4 =	sshll.u32 s14, $0x1;
	s13 =	smul.u32 $0x2800, s7  }
0x9: {  	s3 =	rddreg [dreg:$0x4];
	s4 =	sor.u32 s7, s4;
	s26 =	smul.u32 $0x500, s7  }
0xa: {  	s9 =	ssub.s32 $0x2, s7;
	s8 =	smul.u32 $0x500, s4;
	s4 =	simm.s32 $0x0  }
0xb: {  	s11 =	sshrl.u32 s9, $0x1;
	s5 =	sshrl.u32 s5, $0x2;
	s20 =	sadd.s32 $0x80, s10  }
0xc: {  	s22 =	sadd.s32 $0x100, s10;
	s12 =	sadd.s32 $0x180, s10;
	[smem:$0x7FF] =	sst s4  }
0xd: {  	s9 =	ssub.s32 s9, s11;
	s5 =	sadd.s32 s5, s3;
	s18 =	sadd.s32 s10, s13  }
0xe: {  	s21 =	sadd.s32 s13, s20;
	s23 =	sadd.s32 s13, s22;
	s24 =	sadd.s32 s13, s12  }
0xf: {  	s12 =	sshll.u32 s12, $0x7;
	s10 =	sadd.s32 $0x200, s10;
	_ =	strace $0x8000004A  }
0x10: {  	s2 =	sadd.s32 s2, s8;
	s19 =	sadd.s32 s0, s8;
	s8 =	sshll.u32 s20, $0x7  }
0x11: {  	s25 =	sadd.s32 s13, s10;
	s10 =	sshll.u32 s10, $0x7;
	s14 =	smax.u32 s9, $0x1  }
0x12: {  	s15 =	sadd.s32 $0x4000, s5;
	s0 =	sadd.s32 s16, s0;
	s16 =	sadd.s32 $0x8000, s5  }
0x13: {  	s17 =	sadd.s32 $0xC000, s5;
	s20 =	simm.s32 $0x2900;
	[dreg:$0x6] =	wrdreg s2  }
0x14: {  	s9 =	simm.s32 $0x0;
	s2 =	sshll.u32 s18, $0x4;
	[dreg:$0x7] =	wrdreg s19  }
0x15: {  	s11 =	sadd.s32 $0x10, s19;
	s8 =	sadd.s32 s8, s3;
	s0 =	sadd.s32 s26, s0  }
0x16: {  	s18 =	sadd.s32 $0x10000, s5;
	[dreg:$0x8] =	wrdreg s11;
	s2 =	sadd.s32 s6, s2  }
0x17: {  	s26 =	simm.s32 $0x5;
	[dreg:$0x9] =	wrdreg s2;
	s2 =	sshll.u32 s21, $0x4  }
0x18: {  	s11 =	sshll.u32 s22, $0x7;
	s22 =	sshrl.u32 s8, $0x3;
	s2 =	sadd.s32 s6, s2  }
0x19: {  	s8 =	simm.s32 $0x7;
	[dreg:$0xa] =	wrdreg s2;
	s2 =	sshll.u32 s23, $0x4  }
0x1a: {  	s19 =	sadd.s32 s11, s3;
	s21 =	simm.s32 $0x8;
	s2 =	sadd.s32 s6, s2  }
0x1b: {  	[dreg:$0xb] =	wrdreg s2;
	s2 =	sshll.u32 s24, $0x4;
	s24 =	sadd.s32 s12, s3  }
0x1c: {  	s23 =	sshrl.u32 s19, $0x3;
	s2 =	sadd.s32 s6, s2;
	s24 =	sshrl.u32 s24, $0x3  }
0x1d: {  	[dreg:$0xc] =	wrdreg s2;
	s2 =	sshll.u32 s25, $0x4;
	s25 =	sadd.s32 s10, s3  }
0x1e: {  	s10 =	sadd.s32 $0x30, s0;
	s0 =	simm.s32 $0x4;
	s13 =	sadd.s32 s6, s2  }
0x1f: {  	v0 =	vimm.f32 $0.0e+00;
	s25 =	sshrl.u32 s25, $0x3;
	s2 =	simm.s32 $0x3;
	s6 =	simm.s32 $0x6  }
.LBB2_1:
0x20: {  	s7 =	simm.s32 $0x0;
	s19 =	simm.s32 $0x200  }
.LBB2_2:
0x21: {  	p0 =	sne.s32 s19, $0xFE00;
	[tilespmem:s7+$0x2970] =	vst v0  }
0x22: {  	[tilespmem:s7+$0x2900] =	vst v0  }
0x23: {  	[tilespmem:s7+$0x2910] =	vst v0  }
.Ltmp0:
0x24: {  	[tilespmem:s7+$0x2920] =	vst v0;
	(pc) =	sbr.rel @p0 .LBB2_2-.Ltmp0, $4  }
0x25: {  	[tilespmem:s7+$0x2930] =	vst v0  }
0x26: {  	[tilespmem:s7+$0x2940] =	vst v0  }
0x27: {  	[tilespmem:s7+$0x2950] =	vst v0  }
0x28: {  	[tilespmem:s7+$0x2960] =	vst v0;
	s7 =	sshra.s32 s19, $0x2;
	s19 =	sadd.s32 $0x200, s19  }
0x29: {  	[tilespmem:s7+$0x2970] =	vst v0  }
0x2a: {  	[tilespmem:s7+$0x2900] =	vst v0  }
0x2b: {  	[tilespmem:s7+$0x2910] =	vst v0  }
0x2c: {  	[tilespmem:s7+$0x2920] =	vst v0  }
0x2d: {  	[tilespmem:s7+$0x2930] =	vst v0  }
0x2e: {  	[tilespmem:s7+$0x2940] =	vst v0  }
0x2f: {  	[tilespmem:s7+$0x2950] =	vst v0  }
0x30: {  	[tilespmem:s7+$0x2960] =	vst v0  }
0x31: {  	[spmem:s5] =	stream.linear.scatter [tilespmem:s20], [sflag:$0x8], $0x4000, $0x38;
	[tilespmem:$0x1E900] =	vst v63  }
0x32: {  	_ =	swait.ge [sflag:s21], $0x4000  }
0x33: {  	[sflag:s21] =	ssyncset.done $0x0  }
0x34: {  	[sflag:s21] =	ssyncadd.s32 $0xFFFFC000  }
0x35: {  	[spmem:s15] =	stream.linear.scatter [tilespmem:s20], [sflag:$0x8], $0x4000, $0x38;
	[tilespmem:$0x1E900] =	vst v63  }
0x36: {  	_ =	swait.ge [sflag:s21], $0x4000  }
0x37: {  	[sflag:s21] =	ssyncset.done $0x0  }
0x38: {  	[sflag:s21] =	ssyncadd.s32 $0xFFFFC000  }
0x39: {  	[spmem:s16] =	stream.linear.scatter [tilespmem:s20], [sflag:$0x8], $0x4000, $0x38;
	[tilespmem:$0x1E900] =	vst v63  }
0x3a: {  	_ =	swait.ge [sflag:s21], $0x4000  }
0x3b: {  	[sflag:s21] =	ssyncset.done $0x0  }
0x3c: {  	[sflag:s21] =	ssyncadd.s32 $0xFFFFC000  }
0x3d: {  	[spmem:s17] =	stream.linear.scatter [tilespmem:s20], [sflag:$0x8], $0x4000, $0x38;
	[tilespmem:$0x1E900] =	vst v63  }
0x3e: {  	_ =	swait.ge [sflag:s21], $0x4000  }
0x3f: {  	[sflag:s21] =	ssyncset.done $0x0  }
0x40: {  	[sflag:s21] =	ssyncadd.s32 $0xFFFFC000  }
0x41: {  	[spmem:s18] =	stream.linear.scatter [tilespmem:s20], [sflag:$0x8], $0x4000, $0x38;
	[tilespmem:$0x1E900] =	vst v63  }
0x42: {  	_ =	swait.ge [sflag:s21], $0x4000  }
0x43: {  	s7 =	simm.s32 $0x0;
	[sflag:s21] =	ssyncset.done $0x0  }
0x44: {  	s12 =	simm.s32 $0x100;
	s11 =	rddreg [dreg:$0x6];
	[sflag:s21] =	ssyncadd.s32 $0xFFFFC000  }
0x45: {  	[tilespmem:s12], [sflag:$0x8] =	stream.linear.gather [hbm4b:s11+s7], $0x2800, $0x38;
	[tilespmem:$0x1E900] =	vst v63  }
0x46: {  	_ =	swait.ge [sflag:s21], $0x2800  }
0x47: {  	[sflag:s21] =	ssyncset.done $0x0  }
0x48: {  	[sflag:s21] =	ssyncadd.s32 $0xFFFFD800  }
0x49: {  	[bflag:$0x0] =	sbarrier.arrive $0xFFFF  }
0x4a: {  	s12 =	rddreg [dreg:$0x7]  }
0x4b: {  	[tilespmem:s7], [sflag:$0x1] =	stream.linear.gather [hbm4b:s12+s7], $0x80, $0x38;
	[tilespmem:$0x1E900] =	vst v63  }
0x4c: {  	s19 =	rddreg [dreg:$0x8]  }
0x4d: {  	[tilespmem:s28], [sflag:$0x2] =	stream.linear.gather [hbm4b:s19+s7], $0x80, $0x38;
	[tilespmem:$0x1E900] =	vst v63  }
0x4e: {  	_ =	swait.ge [sflag:s29], $0x80  }
0x4f: {  	[sflag:s29] =	ssyncset.done $0x0  }
0x50: {  	[sflag:s29] =	ssyncadd.s32 $0xFFFFFF80  }
0x51: {  	[tilespmem:s20], [sflag:$0x3] =	stream.indirect.gather [hbm4b:s1+s28], $0x80, s4, s28, $0xb8;
	[tilespmem:$0x1E900] =	vst v63  }
0x52: {  	_ =	swait.ge [sflag:s30], $0x80  }
0x53: {  	[sflag:s30] =	ssyncset.done $0x0  }
0x54: {  	[sflag:s30] =	ssyncadd.s32 $0xFFFFFF80  }
0x55: {  	[tilespmem:s31], [sflag:$0x4] =	stream.indirect.gather [hbm4b:s1+s28], $0x80, s28, s28, $0xb8;
	[tilespmem:$0x1E900] =	vst v63  }
0x56: {  	_ =	swait.ge [sflag:s2], $0x4000  }
0x57: {  	[sflag:s2] =	ssyncset.done $0x0  }
0x58: {  	s11 =	simm.s32 $0x100;
	[sflag:s2] =	ssyncadd.s32 $0xFFFFC000  }
0x59: {  	[spmem:s3] =	stream.indirect.scatter.add.f32 [tilespmem:s20], [sflag:$0x5], $0x80, s11, s28, $0xb8;
	[tilespmem:$0x1E900] =	vst v63  }
0x5a: {  	s12 =	sadd.s32 $0xFFFFFFF0, s10  }
0x5b: {  	[tilespmem:s4], [sflag:$0x1] =	stream.linear.gather [hbm4b:s12+s4], $0x80, $0x38;
	[tilespmem:$0x1E900] =	vst v63  }
0x5c: {  	_ =	swait.ge [sflag:s0], $0x4000  }
0x5d: {  	[sflag:s0] =	ssyncset.done $0x0  }
0x5e: {  	s19 =	simm.s32 $0x180;
	[sflag:s0] =	ssyncadd.s32 $0xFFFFC000  }
0x5f: {  	[spmem:s3] =	stream.indirect.scatter.add.f32 [tilespmem:s31], [sflag:$0x6], $0x80, s19, s28, $0xb8;
	[tilespmem:$0x1E900] =	vst v63  }
0x60: {  	_ = 	snop  }
0x61: {  	[tilespmem:s28], [sflag:$0x2] =	stream.linear.gather [hbm4b:s10+s4], $0x80, $0x38;
	[tilespmem:$0x1E900] =	vst v63  }
0x62: {  	_ =	swait.ge [sflag:s26], $0x4000  }
0x63: {  	[sflag:s26] =	ssyncset.done $0x0  }
0x64: {  	[sflag:s26] =	ssyncadd.s32 $0xFFFFC000  }
0x65: {  	_ =	swait.ge [sflag:s6], $0x4000  }
0x66: {  	s7 =	simm.s32 $0x400;
	s19 =	smov.u32 s10;
	[sflag:s6] =	ssyncset.done $0x0  }
.LBB2_4:
0x67: {  	p0 =	sne.s32 s7, $0x9800;
	[sflag:s6] =	ssyncadd.s32 $0xFFFFC000;
	s19 =	sadd.s32 $0x20, s19  }
0x68: {  	s11 =	smov.u32 s7;
	s7 =	sadd.s32 $0x400, s7;
	_ =	swait.ge [sflag:s29], $0x80  }
0x69: {  	[sflag:s29] =	ssyncset.done $0x0  }
0x6a: {  	[sflag:s29] =	ssyncadd.s32 $0xFFFFFF80  }
0x6b: {  	[tilespmem:s20], [sflag:$0x3] =	stream.indirect.gather [hbm4b:s1+s28], $0x80, s4, s28, $0xb8;
	[tilespmem:$0x1E900] =	vst v63  }
0x6c: {  	_ =	swait.ge [sflag:s30], $0x80  }
0x6d: {  	[sflag:s30] =	ssyncset.done $0x0  }
0x6e: {  	[sflag:s30] =	ssyncadd.s32 $0xFFFFFF80  }
0x6f: {  	[tilespmem:s31], [sflag:$0x4] =	stream.indirect.gather [hbm4b:s1+s28], $0x80, s28, s28, $0xb8;
	[tilespmem:$0x1E900] =	vst v63  }
0x70: {  	_ =	swait.ge [sflag:s2], $0x4000  }
0x71: {  	s11 =	sshra.s32 s11, $0x2;
	[sflag:s2] =	ssyncset.done $0x0  }
0x72: {  	s12 =	sadd.s32 $0x100, s11;
	[sflag:s2] =	ssyncadd.s32 $0xFFFFC000  }
0x73: {  	[spmem:s3] =	stream.indirect.scatter.add.f32 [tilespmem:s20], [sflag:$0x5], $0x80, s12, s28, $0xb8;
	[tilespmem:$0x1E900] =	vst v63  }
0x74: {  	s12 =	sadd.s32 $0xFFFFFFF0, s19  }
0x75: {  	[tilespmem:s4], [sflag:$0x1] =	stream.linear.gather [hbm4b:s12+s4], $0x80, $0x38;
	[tilespmem:$0x1E900] =	vst v63  }
0x76: {  	_ =	swait.ge [sflag:s0], $0x4000  }
0x77: {  	[sflag:s0] =	ssyncset.done $0x0  }
0x78: {  	s11 =	sadd.s32 $0x180, s11;
	[sflag:s0] =	ssyncadd.s32 $0xFFFFC000  }
0x79: {  	[spmem:s3] =	stream.indirect.scatter.add.f32 [tilespmem:s31], [sflag:$0x6], $0x80, s11, s28, $0xb8;
	[tilespmem:$0x1E900] =	vst v63  }
0x7a: {  	_ = 	snop  }
0x7b: {  	[tilespmem:s28], [sflag:$0x2] =	stream.linear.gather [hbm4b:s19+s4], $0x80, $0x38;
	[tilespmem:$0x1E900] =	vst v63  }
.Ltmp1:
0x7c: {  	_ =	swait.ge [sflag:s26], $0x4000;
	(pc) =	sbr.rel @p0 .LBB2_4-.Ltmp1, $4  }
0x7d: {  	[sflag:s26] =	ssyncset.done $0x0  }
0x7e: {  	[sflag:s26] =	ssyncadd.s32 $0xFFFFC000  }
0x7f: {  	_ =	swait.ge [sflag:s6], $0x4000  }
0x80: {  	[sflag:s6] =	ssyncset.done $0x0  }
0x81: {  	[sflag:s6] =	ssyncadd.s32 $0xFFFFC000  }
0x82: {  	_ =	swait.ge [sflag:s29], $0x80  }
0x83: {  	[sflag:s29] =	ssyncset.done $0x0  }
0x84: {  	[sflag:s29] =	ssyncadd.s32 $0xFFFFFF80  }
0x85: {  	[tilespmem:s20], [sflag:$0x3] =	stream.indirect.gather [hbm4b:s1+s28], $0x80, s4, s28, $0xb8;
	[tilespmem:$0x1E900] =	vst v63  }
0x86: {  	_ =	swait.ge [sflag:s30], $0x80  }
0x87: {  	[sflag:s30] =	ssyncset.done $0x0  }
0x88: {  	[sflag:s30] =	ssyncadd.s32 $0xFFFFFF80  }
0x89: {  	[tilespmem:s31], [sflag:$0x4] =	stream.indirect.gather [hbm4b:s1+s28], $0x80, s28, s28, $0xb8;
	[tilespmem:$0x1E900] =	vst v63  }
0x8a: {  	_ =	swait.ge [sflag:s2], $0x4000  }
0x8b: {  	[sflag:s2] =	ssyncset.done $0x0  }
0x8c: {  	s7 =	simm.s32 $0x2800;
	[sflag:s2] =	ssyncadd.s32 $0xFFFFC000  }
0x8d: {  	[spmem:s3] =	stream.indirect.scatter.add.f32 [tilespmem:s20], [sflag:$0x5], $0x80, s7, s28, $0xb8;
	[tilespmem:$0x1E900] =	vst v63  }
0x8e: {  	_ =	swait.ge [sflag:s0], $0x4000  }
0x8f: {  	[sflag:s0] =	ssyncset.done $0x0  }
0x90: {  	s12 =	simm.s32 $0x2880;
	[sflag:s0] =	ssyncadd.s32 $0xFFFFC000  }
0x91: {  	[spmem:s3] =	stream.indirect.scatter.add.f32 [tilespmem:s31], [sflag:$0x6], $0x80, s12, s28, $0xb8;
	[tilespmem:$0x1E900] =	vst v63  }
0x92: {  	_ =	swait.ge [sflag:s26], $0x4000  }
0x93: {  	[sflag:s26] =	ssyncset.done $0x0  }
0x94: {  	[sflag:s26] =	ssyncadd.s32 $0xFFFFC000  }
0x95: {  	_ =	swait.ge [sflag:s6], $0x4000  }
0x96: {  	[sflag:s6] =	ssyncset.done $0x0  }
0x97: {  	s19 =	stileid.u32;
	[sflag:s6] =	ssyncadd.s32 $0xFFFFC000  }
0x98: {  	s7 =	sshll.u32 s19, $0x6;
	[bflag:$0x0] =	sbarrier.arrive $0xFFFF  }
0x99: {  	s11 =	sshrl.u32 s5, $0x3;
	s7 =	sor.u32 $0x1C07, s7;
	s12 =	rddreg [dreg:$0x9]  }
0x9a: {  	[hbm:s12], [sflag:s7] =	dma.local [spmem:s11], $0x800  }
0x9b: {  	s11 =	rddreg [dreg:$0xa]  }
0x9c: {  	[hbm:s11], [sflag:s7] =	dma.local [spmem:s22], $0x800  }
0x9d: {  	s11 =	rddreg [dreg:$0xb]  }
0x9e: {  	[hbm:s11], [sflag:s7] =	dma.local [spmem:s23], $0x800  }
0x9f: {  	s11 =	rddreg [dreg:$0xc]  }
0xa0: {  	[hbm:s11], [sflag:s7] =	dma.local [spmem:s24], $0x800  }
0xa1: {  	[hbm:s13], [sflag:s7] =	dma.local [spmem:s25], $0x800  }
0xa2: {  	_ =	swait.ge [sflag:s8], $0x800  }
0xa3: {  	[sflag:s8] =	ssyncset.done $0x0  }
0xa4: {  	[sflag:s8] =	ssyncadd.s32 $0xFFFFF800  }
0xa5: {  	_ =	swait.ge [sflag:s8], $0x800  }
0xa6: {  	[sflag:s8] =	ssyncset.done $0x0  }
0xa7: {  	[sflag:s8] =	ssyncadd.s32 $0xFFFFF800  }
0xa8: {  	_ =	swait.ge [sflag:s8], $0x800  }
0xa9: {  	[sflag:s8] =	ssyncset.done $0x0  }
0xaa: {  	s9 =	sadd.s32 $0x1, s9;
	[sflag:s8] =	ssyncadd.s32 $0xFFFFF800  }
0xab: {  	p0 =	sne.s32 s9, s14;
	_ =	swait.ge [sflag:s8], $0x800  }
.Ltmp2:
0xac: {  	[sflag:s8] =	ssyncset.done $0x0;
	(pc) =	sbr.rel @p0 .LBB2_1-.Ltmp2, $4  }
0xad: {  	[sflag:s8] =	ssyncadd.s32 $0xFFFFF800  }
0xae: {  	_ =	swait.ge [sflag:s8], $0x800  }
0xaf: {  	[sflag:s8] =	ssyncset.done $0x0  }
0xb0: {  	[sflag:s8] =	ssyncadd.s32 $0xFFFFF800  }
0xb1: {  	_ =	sfence.sel $0x180000  }
0xb2: {  	[bflag:$0x0] =	sbarrier.arrive $0xFFFF  }
0xb3: {  	_ =	strace $0x9000004A  }
0xb4: {  	s0 =	stileid.u32;
	[bflag:$0x2] =	sbarrier.arrive $0xFFFF  }
0xb5: {  	p0 =	sne.s32 s0, $0x0;
	s0 =	rddreg [dreg:$0x5]  }
0xb6: {  	s0 =	sadd.s32 @!p0 $0x100000, s0  }
0xb7: {  	[sflag:s0] =	ssyncadd.tile.s32 @!p0 $0x1;
	_ =	shalt  }
.Lfunc_end2:
_tile_overlayer_lowered:
.L_overlay_start_2:
0xb8: {  	(tag) =	ssettag $0x2  }
0xb9: {  	s0 =	rddreg [dreg:$0x0];
	s2 =	stileid.u32  }
0xba: {  	s1 =	rddreg [dreg:$0x1];
	p0 =	sne.s32 s2, $0x0  }
0xbb: {  	s3 =	rddreg [dreg:$0x2];
	[bflag:$0x3] =	sbarrier.arrive $0xFFFF;
	s2 =	simm.s32 @!p0 $0x1C08  }
0xbc: {  	[timem:s3], [sflag:s2] =	dma.local @!p0 [hbm:s0], s1  }
0xbd: {  	s0 =	simm.s32 @!p0 $0x8  }
0xbe: {  	_ =	swait.ge @!p0 [sflag:s0], s1  }
0xbf: {  	s1 =	ssub.s32 @!p0 $0x0, s1;
	[sflag:s0] =	ssyncset.done @!p0 $0x0  }
0xc0: {  	[sflag:s0] =	ssyncadd.s32 @!p0 s1  }
0xc1: {  	[bflag:$0x3] =	sbarrier.arrive $0xFFFF  }
0xc2: {  	_ =	shalt  }

// kernel: kernel.16.cloned.1.call-start
scs
__scs_entry_jumppad:
0x0: {  	(pc) =	sbr.rel $0x88, $3  }
0x1: {  	(tag) =	ssettag $0x0;
	lr =	simm.s32 $0x1  }
0x2: {  	[smem:$0x3F8C] =	sst lr;
	_ =	strace $0xD0000000  }
0x3: {  	_ = 	snop  }
0x4: {  	_ = 	snop  }
0x5: {  	_ = 	snop  }
0x6: {  	_ = 	snop  }
0x7: {  	_ = 	snop  }
__scs_overlays_trampoline_lowered:
0x8: {  	[smem:$0x3F9B] =	sst s0  }
0x9: {  	[smem:$0x3F9C] =	sst s1  }
0xa: {  	[smem:$0x3F9D] =	sst s2  }
0xb: {  	[smem:$0x3F9E] =	sst s3  }
0xc: {  	[smem:$0x3F9F] =	sst s4  }
0xd: {  	[smem:$0x3FA0] =	sst s5  }
0xe: {  	[smem:$0x3FA1] =	sst s6  }
0xf: {  	[smem:$0x3FA2] =	sst s7  }
0x10: {  	[smem:$0x3FA3] =	sst s8  }
0x11: {  	[smem:$0x3FA4] =	sst s9;
	s0 =	simm.s32 @!p0 $0x0  }
0x12: {  	s1 =	sld [smem:$0x3F8A];
	s0 =	simm.s32 @p0 $0x1  }
0x13: {  	[smem:$0x3FA5] =	sst s0;
	s0 =	simm.s32 @!p1 $0x0  }
0x14: {  	s2 =	sld [smem:$0x3F89];
	s0 =	simm.s32 @p1 $0x1  }
0x15: {  	[smem:$0x3FA6] =	sst s0;
	s0 =	simm.s32 @!p2 $0x0  }
0x16: {  	s3 =	sld [smem:$0x3FDB];
	s0 =	simm.s32 @p2 $0x1  }
0x17: {  	s4 =	simm.s32 $0x1BF5;
	[smem:$0x3FA8] =	sst s0  }
0x18: {  	s0 =	sld [smem:$0x3F8B];
	_ =	swait.ge [sflag:s4], $0x0  }
0x19: {  	s7 =	sld [smem:$0x3F8C]  }
0x1a: {  	s8 =	sadd.s32 $0xFFFFE003, lr  }
0x1b: {  	s9 =	sadd.s32 $0xFFFFFEF7, lr;
	s5 =	simm.s32 $0xFFFFFFFF;
	p2 =	slt.u32 s8, $0xFFFFF086  }
0x1c: {  	p1 =	slt.u32 s9, $0xF7A;
	s5 =	simm.s32 @!p2 $0x0  }
0x1d: {  	s5 =	simm.s32 @p1 $0x1;
	p0 =	seq.s32 s7, s2  }
0x1e: {  	s7 =	smul.u32 @!p0 $0xF7A, s2;
	p2 =	seq.s32 @!p0 s5, $0x0  }
0x1f: {  	s9 =	smul.u32 $0xF7A, s1;
	s8 =	simm.s32 @!p0 $0x1BF5;
	p2 =	por !p2, p0  }
0x20: {  	[sflag:s8] =	ssyncset.s32 @!p0 $0xFFFFF086;
	s6 =	sadd.s32 @!p0 s3, s7;
	s7 =	simm.s32 @!p0 $0x108  }
0x21: {  	s3 =	sadd.s32 s3, s9;
	s6 =	sadd.s32 @!p0 $0x88, s6;
	s7 =	simm.s32 @p2 $0x1082  }
0x22: {  	[simem:s7], [sflag:s8] =	dma.local @!p0 [hbm:s6], $0xF7A  }
0x23: {  	s9 =	sor.u32 $0xD0000000, s2;
	s6 =	simm.s32 $0x108;
	_ =	swait.ge @!p0 [sflag:s8], $0x0  }
0x24: {  	s3 =	sadd.s32 $0x88, s3;
	s6 =	simm.s32 @!p1 $0x1082;
	[sflag:s4] =	ssyncset.s32 $0xFFFFF086  }
0x25: {  	[simem:s6], [sflag:s4] =	dma.local [hbm:s3], $0xF7A  }
0x26: {  	[smem:$0x3F8C] =	sst s1;
	(tag) =	ssettag s2;
	_ =	strace s9  }
0x27: {  	s1 =	sld [smem:$0x3F9C]  }
0x28: {  	s2 =	sld [smem:$0x3F9D]  }
0x29: {  	s4 =	sld [smem:$0x3F9F]  }
0x2a: {  	p0 =	seq.s32 s5, $0x0;
	s5 =	sld [smem:$0x3FA0]  }
0x2b: {  	s6 =	sld [smem:$0x3FA1]  }
0x2c: {  	s7 =	sld [smem:$0x3FA2]  }
0x2d: {  	s3 =	simm.s32 $0x108;
	s8 =	sld [smem:$0x3FA3]  }
0x2e: {  	s3 =	simm.s32 @!p0 $0x1082;
	s9 =	sld [smem:$0x3FA4]  }
0x2f: {  	lr =	sadd.s32 s0, s3;
	s0 =	sld [smem:$0x3F9B]  }
0x30: {  	s3 =	sld [smem:$0x3F9E]  }
0x31: {  	[smem:$0x3FA7] =	sst s10  }
0x32: {  	s10 =	sld [smem:$0x3FA5];
	_ =	sdelay $0x3  }
0x33: {  	p0 =	seq.s32 s10, $0x1;
	s10 =	sld [smem:$0x3FA7];
	_ =	sdelay $0x3  }
0x34: {  	[smem:$0x3FA7] =	sst s10  }
0x35: {  	s10 =	sld [smem:$0x3FA6];
	_ =	sdelay $0x3  }
0x36: {  	p1 =	seq.s32 s10, $0x1;
	s10 =	sld [smem:$0x3FA7];
	_ =	sdelay $0x3  }
0x37: {  	[smem:$0x3FA7] =	sst s10  }
0x38: {  	s10 =	sld [smem:$0x3FA8]  }
0x39: {  	_ = 	snop;
	(pc) =	sbr.ind lr, $3  }
0x3a: {  	_ = 	snop  }
0x3b: {  	_ = 	snop  }
0x3c: {  	p2 =	seq.s32 s10, $0x1;
	s10 =	sld [smem:$0x3FA7]  }
0x3d: {  	_ =	shalt  }
0x3e: {  	_ =	shalt  }
0x3f: {  	_ =	shalt  }
0x40: {  	_ =	shalt  }
0x41: {  	_ =	shalt  }
0x42: {  	_ =	shalt  }
0x43: {  	_ =	shalt  }
0x44: {  	_ =	shalt  }
0x45: {  	_ =	shalt  }
0x46: {  	_ =	shalt  }
0x47: {  	_ =	shalt  }
0x48: {  	_ =	shalt  }
0x49: {  	_ =	shalt  }
0x4a: {  	_ =	shalt  }
0x4b: {  	_ =	shalt  }
0x4c: {  	_ =	shalt  }
0x4d: {  	_ =	shalt  }
0x4e: {  	_ =	shalt  }
0x4f: {  	_ =	shalt  }
0x50: {  	_ =	shalt  }
0x51: {  	_ =	shalt  }
0x52: {  	_ =	shalt  }
0x53: {  	_ =	shalt  }
0x54: {  	_ =	shalt  }
0x55: {  	_ =	shalt  }
0x56: {  	_ =	shalt  }
0x57: {  	_ =	shalt  }
0x58: {  	_ =	shalt  }
0x59: {  	_ =	shalt  }
0x5a: {  	_ =	shalt  }
0x5b: {  	_ =	shalt  }
0x5c: {  	_ =	shalt  }
0x5d: {  	_ =	shalt  }
0x5e: {  	_ =	shalt  }
0x5f: {  	_ =	shalt  }
0x60: {  	_ =	shalt  }
0x61: {  	_ =	shalt  }
0x62: {  	_ =	shalt  }
0x63: {  	_ =	shalt  }
0x64: {  	_ =	shalt  }
0x65: {  	_ =	shalt  }
0x66: {  	_ =	shalt  }
0x67: {  	_ =	shalt  }
0x68: {  	_ =	shalt  }
0x69: {  	_ =	shalt  }
0x6a: {  	_ =	shalt  }
0x6b: {  	_ =	shalt  }
0x6c: {  	_ =	shalt  }
0x6d: {  	_ =	shalt  }
0x6e: {  	_ =	shalt  }
0x6f: {  	_ =	shalt  }
0x70: {  	_ =	shalt  }
0x71: {  	_ =	shalt  }
0x72: {  	_ =	shalt  }
0x73: {  	_ =	shalt  }
0x74: {  	_ =	shalt  }
0x75: {  	_ =	shalt  }
0x76: {  	_ =	shalt  }
0x77: {  	_ =	shalt  }
0x78: {  	_ =	shalt  }
0x79: {  	_ =	shalt  }
0x7a: {  	_ =	shalt  }
0x7b: {  	_ =	shalt  }
0x7c: {  	_ =	shalt  }
0x7d: {  	_ =	shalt  }
0x7e: {  	_ =	shalt  }
0x7f: {  	_ =	shalt  }
0x80: {  	_ =	shalt  }
0x81: {  	_ =	shalt  }
0x82: {  	_ =	shalt  }
0x83: {  	_ =	shalt  }
0x84: {  	_ =	shalt  }
0x85: {  	_ =	shalt  }
0x86: {  	_ =	shalt  }
0x87: {  	_ =	shalt  }
.Lfunc_end0:
.L_simem_size_0:
called_computation.2_lowered:
.L_overlay_start_0:
0x88: {  	s2 =	sld [smem:$0x3FD9]  }
0x89: {  	s3 =	sld [smem:$0x3FFE];
	_ =	sdelay $0x1  }
0x8a: {  	s1 =	srdreg.scid  }
0x8b: {  	s0 =	sand.u32 $0x1, s1  }
0x8c: {  	s15 =	sshll.u32 s0, $0xA;
	s2 =	sadd.s32 s3, s2  }
0x8d: {  	s2 =	sadd.s32 s2, s15  }
0x8e: {  	[smem:$0x3FB3] =	sst s2  }
0x8f: {  	_ = 	snop  }
0x90: {  	s2 =	sld [smem:$0x3FD0];
	_ =	sdelay $0x2  }
0x91: {  	s16 =	simm.s32 $0xA;
	s4 =	simm.s32 $0x10  }
0x92: {  	[smem:s4], [sflag:s16] =	dma.local [hbm:s2], $0x1  }
0x93: {  	_ =	swait.eq [sflag:s16], $0x1  }
0x94: {  	s5 =	sld [smem:$0x11];
	[sflag:s16] =	ssyncset.done $0x0  }
0x95: {  	s6 =	sld [smem:$0x12];
	[sflag:s16] =	ssyncadd.s32 $0xFFFFFFFF  }
0x96: {  	s2 =	sadd.s32 $0x1, s2;
	s7 =	sld [smem:$0x13]  }
0x97: {  	[smem:s4], [sflag:s16] =	dma.local [hbm:s2], $0x1  }
0x98: {  	_ =	swait.eq [sflag:s16], $0x1  }
0x99: {  	[sflag:s16] =	ssyncset.done $0x0  }
0x9a: {  	[sflag:s16] =	ssyncadd.s32 $0xFFFFFFFF  }
0x9b: {  	s17 =	sld [smem:$0x10];
	(tm) =	ssettm $0x1  }
0x9c: {  	s18 =	sld [smem:$0x3FFB];
	_ =	sdelay $0x3  }
0x9d: {  	_ =	strace s18  }
0x9e: {  	s3 =	sld [smem:$0x3FFC];
	_ =	sdelay $0x3  }
0x9f: {  	_ =	strace s3  }
0xa0: {  	s3 =	sld [smem:$0x3FFD];
	_ =	sdelay $0x3  }
0xa1: {  	_ =	strace s3  }
0xa2: {  	_ =	strace $0x8FFFFFFF  }
0xa3: {  	s19 =	sld [smem:$0x3FDB];
	_ =	sdelay $0x1  }
0xa4: {  	s20 =	simm.s32 $_scs_section_size  }
0xa5: {  	s8 =	simm.s32 $_size__tile_overlayer_lowered;
	s9 =	simm.s32 $_tile_overlayer_lowered  }
0xa6: {  	s23 =	simm.s32 $0x1BFF;
	s22 =	sshll.u32 s9, $0x1;
	s3 =	sadd.s32 s20, s19  }
0xa7: {  	s10 =	simm.s32 $0x0;
	s21 =	sshll.u32 s8, $0x1;
	s8 =	sadd.s32 s22, s3  }
0xa8: {  	[timem:s10], [sflag:s23] =	dma.local [hbm:s8], s21  }
0xa9: {  	_ =	swait.ge [sflag:s23], s21  }
0xaa: {  	s4 =	ssub.s32 $0x0, s21;
	[sflag:s23] =	ssyncset.done $0x0  }
0xab: {  	[sflag:s23] =	ssyncadd.s32 s4;
	_ =	sdelay $0x1  }
0xac: {  	s24 =	simm.s32 $0x1B8B  }
0xad: {  	_ =	swait.ge [sflag:s24], $0x1  }
0xae: {  	[sflag:s24] =	ssyncset.done $0x0  }
0xaf: {  	s25 =	simm.s32 $0x1B8E;
	[sflag:s24] =	ssyncadd.s32 $0xFFFFFFFF  }
0xb0: {  	s26 =	simm.s32 $execute0_lowered;
	[smem:$0x3FD2] =	sst s25  }
0xb1: {  	s4 =	sshll.u32 s26, $0x1;
	_ =	strace $0x8000004C;
	[dreg:$0x1] =	wrdreg $0xFFFFFFFF  }
0xb2: {  	s28 =	simm.s32 $_size_execute0_lowered;
	s3 =	sadd.s32 s3, s4;
	[dreg:$0x0] =	wrdreg $0x0  }
0xb3: {  	s4 =	sshll.u32 s28, $0x1;
	[dreg:$0x2] =	wrdreg s3  }
0xb4: {  	[dreg:$0x3] =	wrdreg s4  }
0xb5: {  	[dreg:$0x4] =	wrdreg $0xC0  }
0xb6: {  	_ =	task [dreg:s10], $0x5FFFF  }
0xb7: {  	[dreg:$0x1] =	wrdreg $0xFFFFFFFF  }
0xb8: {  	[dreg:$0x0] =	wrdreg $0x60  }
0xb9: {  	[dreg:$0x2] =	wrdreg s6  }
0xba: {  	[dreg:$0x3] =	wrdreg s17  }
0xbb: {  	[dreg:$0x4] =	wrdreg s5  }
0xbc: {  	[dreg:$0x5] =	wrdreg s7  }
0xbd: {  	[dreg:$0x6] =	wrdreg $0xA9000  }
0xbe: {  	[dreg:$0x7] =	wrdreg $0x9  }
0xbf: {  	_ =	task.clear_ibuf [dreg:s10], $0x8FFFF;
	_ =	strace $0x9000004C  }
0xc0: {  	s29 =	simm.s32 $0x9;
	_ =	strace $0x8000004E  }
0xc1: {  	_ =	swait.ge [sflag:s29], $0x1  }
0xc2: {  	[sflag:s29] =	ssyncadd.s32 $0xFFFFFFFF  }
0xc3: {  	_ =	strace $0x9000004E  }
0xc4: {  	_ =	sfence  }
0xc5: {  	s30 =	sld [smem:$0x0];
	_ =	sdelay $0x2  }
0xc6: {  	s31 =	sshll.u32 s1, $0xD;
	s1 =	sshrl.u32 s1, $0x2  }
0xc7: {  	s3 =	sand.u32 $0x4000, s31;
	s1 =	sadd.s32 s1, s30  }
0xc8: {  	s0 =	sor.u32 s3, s0;
	s1 =	sshll.u32 s1, $0x11  }
0xc9: {  	s0 =	sor.u32 s1, s0  }
0xca: {  	s0 =	sadd.s32 $0x8F2B, s0  }
0xcb: {  	[sflag:s0] =	ssyncadd.remote.s32 $0x1  }
0xcc: {  	_ =	sfence.sel $0xFFFF  }
0xcd: {  	[dreg:$0x0] =	wrdreg $0xFFFFFFFF;
	(pc) =	sbr.abs _section_cstart, $3  }
0xce: {  	[dreg:$0x1] =	wrdreg $0xFFFFFFFF  }
0xcf: {  	_ =	task.clear_ibuf [dreg:s10], $0x2FFFF;
	_ =	strace $0x9FFFFFFF  }
0xd0: {  	(tm) =	ssettm $0x7FFFFFFF  }
0xd1: {  	_ =	shalt  }
tec
execute0_lowered:
.L_overlay_start_1:
0x0: {  	(tag) =	ssettag $0x1  }
0x1: {  	s1 =	rddreg [dreg:$0x0]  }
0x2: {  	s0 =	rddreg [dreg:$0x1]  }
0x3: {  	s2 =	rddreg [dreg:$0x2]  }
0x4: {  	s3 =	srdreg.scid;
	s14 =	stileid.u32  }
0x5: {  	s6 =	rddreg [dreg:$0x3];
	s5 =	smul.u32 $0x50000, s14  }
0x6: {  	s28 =	simm.s32 $0x80;
	s29 =	simm.s32 $0x1;
	s10 =	smul.u32 $0x280, s14  }
0x7: {  	s30 =	simm.s32 $0x2;
	s7 =	sand.u32 $0x1, s3;
	s16 =	smul.u32 $0xA00, s14  }
0x8: {  	s31 =	simm.s32 $0x6900;
	s4 =	sshll.u32 s14, $0x1;
	s13 =	smul.u32 $0x2800, s7  }
0x9: {  	s3 =	rddreg [dreg:$0x4];
	s4 =	sor.u32 s7, s4;
	s26 =	smul.u32 $0x500, s7  }
0xa: {  	s9 =	ssub.s32 $0x2, s7;
	s8 =	smul.u32 $0x500, s4;
	s4 =	simm.s32 $0x0  }
0xb: {  	s11 =	sshrl.u32 s9, $0x1;
	s5 =	sshrl.u32 s5, $0x2;
	s20 =	sadd.s32 $0x80, s10  }
0xc: {  	s22 =	sadd.s32 $0x100, s10;
	s12 =	sadd.s32 $0x180, s10;
	[smem:$0x7FF] =	sst s4  }
0xd: {  	s9 =	ssub.s32 s9, s11;
	s5 =	sadd.s32 s5, s3;
	s18 =	sadd.s32 s10, s13  }
0xe: {  	s21 =	sadd.s32 s13, s20;
	s23 =	sadd.s32 s13, s22;
	s24 =	sadd.s32 s13, s12  }
0xf: {  	s12 =	sshll.u32 s12, $0x7;
	s10 =	sadd.s32 $0x200, s10;
	_ =	strace $0x8000004D  }
0x10: {  	s2 =	sadd.s32 s2, s8;
	s19 =	sadd.s32 s0, s8;
	s8 =	sshll.u32 s20, $0x7  }
0x11: {  	s25 =	sadd.s32 s13, s10;
	s10 =	sshll.u32 s10, $0x7;
	s14 =	smax.u32 s9, $0x1  }
0x12: {  	s15 =	sadd.s32 $0x4000, s5;
	s0 =	sadd.s32 s16, s0;
	s16 =	sadd.s32 $0x8000, s5  }
0x13: {  	s17 =	sadd.s32 $0xC000, s5;
	s20 =	simm.s32 $0x2900;
	[dreg:$0x6] =	wrdreg s2  }
0x14: {  	s9 =	simm.s32 $0x0;
	s2 =	sshll.u32 s18, $0x4;
	[dreg:$0x7] =	wrdreg s19  }
0x15: {  	s11 =	sadd.s32 $0x10, s19;
	s8 =	sadd.s32 s8, s3;
	s0 =	sadd.s32 s26, s0  }
0x16: {  	s18 =	sadd.s32 $0x10000, s5;
	[dreg:$0x8] =	wrdreg s11;
	s2 =	sadd.s32 s6, s2  }
0x17: {  	s26 =	simm.s32 $0x5;
	[dreg:$0x9] =	wrdreg s2;
	s2 =	sshll.u32 s21, $0x4  }
0x18: {  	s11 =	sshll.u32 s22, $0x7;
	s22 =	sshrl.u32 s8, $0x3;
	s2 =	sadd.s32 s6, s2  }
0x19: {  	s8 =	simm.s32 $0x7;
	[dreg:$0xa] =	wrdreg s2;
	s2 =	sshll.u32 s23, $0x4  }
0x1a: {  	s19 =	sadd.s32 s11, s3;
	s21 =	simm.s32 $0x8;
	s2 =	sadd.s32 s6, s2  }
0x1b: {  	[dreg:$0xb] =	wrdreg s2;
	s2 =	sshll.u32 s24, $0x4;
	s24 =	sadd.s32 s12, s3  }
0x1c: {  	s23 =	sshrl.u32 s19, $0x3;
	s2 =	sadd.s32 s6, s2;
	s24 =	sshrl.u32 s24, $0x3  }
0x1d: {  	[dreg:$0xc] =	wrdreg s2;
	s2 =	sshll.u32 s25, $0x4;
	s25 =	sadd.s32 s10, s3  }
0x1e: {  	s10 =	sadd.s32 $0x30, s0;
	s0 =	simm.s32 $0x4;
	s13 =	sadd.s32 s6, s2  }
0x1f: {  	v0 =	vimm.f32 $0.0e+00;
	s25 =	sshrl.u32 s25, $0x3;
	s2 =	simm.s32 $0x3;
	s6 =	simm.s32 $0x6  }
.LBB2_1:
0x20: {  	s7 =	simm.s32 $0x0;
	s19 =	simm.s32 $0x200  }
.LBB2_2:
0x21: {  	p0 =	sne.s32 s19, $0xFE00;
	[tilespmem:s7+$0x2970] =	vst v0  }
0x22: {  	[tilespmem:s7+$0x2900] =	vst v0  }
0x23: {  	[tilespmem:s7+$0x2910] =	vst v0  }
.Ltmp0:
0x24: {  	[tilespmem:s7+$0x2920] =	vst v0;
	(pc) =	sbr.rel @p0 .LBB2_2-.Ltmp0, $4  }
0x25: {  	[tilespmem:s7+$0x2930] =	vst v0  }
0x26: {  	[tilespmem:s7+$0x2940] =	vst v0  }
0x27: {  	[tilespmem:s7+$0x2950] =	vst v0  }
0x28: {  	[tilespmem:s7+$0x2960] =	vst v0;
	s7 =	sshra.s32 s19, $0x2;
	s19 =	sadd.s32 $0x200, s19  }
0x29: {  	[tilespmem:s7+$0x2970] =	vst v0  }
0x2a: {  	[tilespmem:s7+$0x2900] =	vst v0  }
0x2b: {  	[tilespmem:s7+$0x2910] =	vst v0  }
0x2c: {  	[tilespmem:s7+$0x2920] =	vst v0  }
0x2d: {  	[tilespmem:s7+$0x2930] =	vst v0  }
0x2e: {  	[tilespmem:s7+$0x2940] =	vst v0  }
0x2f: {  	[tilespmem:s7+$0x2950] =	vst v0  }
0x30: {  	[tilespmem:s7+$0x2960] =	vst v0  }
0x31: {  	[spmem:s5] =	stream.linear.scatter [tilespmem:s20], [sflag:$0x8], $0x4000, $0x38;
	[tilespmem:$0x1E900] =	vst v63  }
0x32: {  	_ =	swait.ge [sflag:s21], $0x4000  }
0x33: {  	[sflag:s21] =	ssyncset.done $0x0  }
0x34: {  	[sflag:s21] =	ssyncadd.s32 $0xFFFFC000  }
0x35: {  	[spmem:s15] =	stream.linear.scatter [tilespmem:s20], [sflag:$0x8], $0x4000, $0x38;
	[tilespmem:$0x1E900] =	vst v63  }
0x36: {  	_ =	swait.ge [sflag:s21], $0x4000  }
0x37: {  	[sflag:s21] =	ssyncset.done $0x0  }
0x38: {  	[sflag:s21] =	ssyncadd.s32 $0xFFFFC000  }
0x39: {  	[spmem:s16] =	stream.linear.scatter [tilespmem:s20], [sflag:$0x8], $0x4000, $0x38;
	[tilespmem:$0x1E900] =	vst v63  }
0x3a: {  	_ =	swait.ge [sflag:s21], $0x4000  }
0x3b: {  	[sflag:s21] =	ssyncset.done $0x0  }
0x3c: {  	[sflag:s21] =	ssyncadd.s32 $0xFFFFC000  }
0x3d: {  	[spmem:s17] =	stream.linear.scatter [tilespmem:s20], [sflag:$0x8], $0x4000, $0x38;
	[tilespmem:$0x1E900] =	vst v63  }
0x3e: {  	_ =	swait.ge [sflag:s21], $0x4000  }
0x3f: {  	[sflag:s21] =	ssyncset.done $0x0  }
0x40: {  	[sflag:s21] =	ssyncadd.s32 $0xFFFFC000  }
0x41: {  	[spmem:s18] =	stream.linear.scatter [tilespmem:s20], [sflag:$0x8], $0x4000, $0x38;
	[tilespmem:$0x1E900] =	vst v63  }
0x42: {  	_ =	swait.ge [sflag:s21], $0x4000  }
0x43: {  	s7 =	simm.s32 $0x0;
	[sflag:s21] =	ssyncset.done $0x0  }
0x44: {  	s12 =	simm.s32 $0x100;
	s11 =	rddreg [dreg:$0x6];
	[sflag:s21] =	ssyncadd.s32 $0xFFFFC000  }
0x45: {  	[tilespmem:s12], [sflag:$0x8] =	stream.linear.gather [hbm4b:s11+s7], $0x2800, $0x38;
	[tilespmem:$0x1E900] =	vst v63  }
0x46: {  	_ =	swait.ge [sflag:s21], $0x2800  }
0x47: {  	[sflag:s21] =	ssyncset.done $0x0  }
0x48: {  	[sflag:s21] =	ssyncadd.s32 $0xFFFFD800  }
0x49: {  	[bflag:$0x0] =	sbarrier.arrive $0xFFFF  }
0x4a: {  	s12 =	rddreg [dreg:$0x7]  }
0x4b: {  	[tilespmem:s7], [sflag:$0x1] =	stream.linear.gather [hbm4b:s12+s7], $0x80, $0x38;
	[tilespmem:$0x1E900] =	vst v63  }
0x4c: {  	s19 =	rddreg [dreg:$0x8]  }
0x4d: {  	[tilespmem:s28], [sflag:$0x2] =	stream.linear.gather [hbm4b:s19+s7], $0x80, $0x38;
	[tilespmem:$0x1E900] =	vst v63  }
0x4e: {  	_ =	swait.ge [sflag:s29], $0x80  }
0x4f: {  	[sflag:s29] =	ssyncset.done $0x0  }
0x50: {  	[sflag:s29] =	ssyncadd.s32 $0xFFFFFF80  }
0x51: {  	[tilespmem:s20], [sflag:$0x3] =	stream.indirect.gather [hbm4b:s1+s28], $0x80, s4, s28, $0xb8;
	[tilespmem:$0x1E900] =	vst v63  }
0x52: {  	_ =	swait.ge [sflag:s30], $0x80  }
0x53: {  	[sflag:s30] =	ssyncset.done $0x0  }
0x54: {  	[sflag:s30] =	ssyncadd.s32 $0xFFFFFF80  }
0x55: {  	[tilespmem:s31], [sflag:$0x4] =	stream.indirect.gather [hbm4b:s1+s28], $0x80, s28, s28, $0xb8;
	[tilespmem:$0x1E900] =	vst v63  }
0x56: {  	_ =	swait.ge [sflag:s2], $0x4000  }
0x57: {  	[sflag:s2] =	ssyncset.done $0x0  }
0x58: {  	s11 =	simm.s32 $0x100;
	[sflag:s2] =	ssyncadd.s32 $0xFFFFC000  }
0x59: {  	[spmem:s3] =	stream.indirect.scatter.add.f32 [tilespmem:s20], [sflag:$0x5], $0x80, s11, s28, $0xb8;
	[tilespmem:$0x1E900] =	vst v63  }
0x5a: {  	s12 =	sadd.s32 $0xFFFFFFF0, s10  }
0x5b: {  	[tilespmem:s4], [sflag:$0x1] =	stream.linear.gather [hbm4b:s12+s4], $0x80, $0x38;
	[tilespmem:$0x1E900] =	vst v63  }
0x5c: {  	_ =	swait.ge [sflag:s0], $0x4000  }
0x5d: {  	[sflag:s0] =	ssyncset.done $0x0  }
0x5e: {  	s19 =	simm.s32 $0x180;
	[sflag:s0] =	ssyncadd.s32 $0xFFFFC000  }
0x5f: {  	[spmem:s3] =	stream.indirect.scatter.add.f32 [tilespmem:s31], [sflag:$0x6], $0x80, s19, s28, $0xb8;
	[tilespmem:$0x1E900] =	vst v63  }
0x60: {  	_ = 	snop  }
0x61: {  	[tilespmem:s28], [sflag:$0x2] =	stream.linear.gather [hbm4b:s10+s4], $0x80, $0x38;
	[tilespmem:$0x1E900] =	vst v63  }
0x62: {  	_ =	swait.ge [sflag:s26], $0x4000  }
0x63: {  	[sflag:s26] =	ssyncset.done $0x0  }
0x64: {  	[sflag:s26] =	ssyncadd.s32 $0xFFFFC000  }
0x65: {  	_ =	swait.ge [sflag:s6], $0x4000  }
0x66: {  	s7 =	simm.s32 $0x400;
	s19 =	smov.u32 s10;
	[sflag:s6] =	ssyncset.done $0x0  }
.LBB2_4:
0x67: {  	p0 =	sne.s32 s7, $0x9800;
	[sflag:s6] =	ssyncadd.s32 $0xFFFFC000;
	s19 =	sadd.s32 $0x20, s19  }
0x68: {  	s11 =	smov.u32 s7;
	s7 =	sadd.s32 $0x400, s7;
	_ =	swait.ge [sflag:s29], $0x80  }
0x69: {  	[sflag:s29] =	ssyncset.done $0x0  }
0x6a: {  	[sflag:s29] =	ssyncadd.s32 $0xFFFFFF80  }
0x6b: {  	[tilespmem:s20], [sflag:$0x3] =	stream.indirect.gather [hbm4b:s1+s28], $0x80, s4, s28, $0xb8;
	[tilespmem:$0x1E900] =	vst v63  }
0x6c: {  	_ =	swait.ge [sflag:s30], $0x80  }
0x6d: {  	[sflag:s30] =	ssyncset.done $0x0  }
0x6e: {  	[sflag:s30] =	ssyncadd.s32 $0xFFFFFF80  }
0x6f: {  	[tilespmem:s31], [sflag:$0x4] =	stream.indirect.gather [hbm4b:s1+s28], $0x80, s28, s28, $0xb8;
	[tilespmem:$0x1E900] =	vst v63  }
0x70: {  	_ =	swait.ge [sflag:s2], $0x4000  }
0x71: {  	s11 =	sshra.s32 s11, $0x2;
	[sflag:s2] =	ssyncset.done $0x0  }
0x72: {  	s12 =	sadd.s32 $0x100, s11;
	[sflag:s2] =	ssyncadd.s32 $0xFFFFC000  }
0x73: {  	[spmem:s3] =	stream.indirect.scatter.add.f32 [tilespmem:s20], [sflag:$0x5], $0x80, s12, s28, $0xb8;
	[tilespmem:$0x1E900] =	vst v63  }
0x74: {  	s12 =	sadd.s32 $0xFFFFFFF0, s19  }
0x75: {  	[tilespmem:s4], [sflag:$0x1] =	stream.linear.gather [hbm4b:s12+s4], $0x80, $0x38;
	[tilespmem:$0x1E900] =	vst v63  }
0x76: {  	_ =	swait.ge [sflag:s0], $0x4000  }
0x77: {  	[sflag:s0] =	ssyncset.done $0x0  }
0x78: {  	s11 =	sadd.s32 $0x180, s11;
	[sflag:s0] =	ssyncadd.s32 $0xFFFFC000  }
0x79: {  	[spmem:s3] =	stream.indirect.scatter.add.f32 [tilespmem:s31], [sflag:$0x6], $0x80, s11, s28, $0xb8;
	[tilespmem:$0x1E900] =	vst v63  }
0x7a: {  	_ = 	snop  }
0x7b: {  	[tilespmem:s28], [sflag:$0x2] =	stream.linear.gather [hbm4b:s19+s4], $0x80, $0x38;
	[tilespmem:$0x1E900] =	vst v63  }
.Ltmp1:
0x7c: {  	_ =	swait.ge [sflag:s26], $0x4000;
	(pc) =	sbr.rel @p0 .LBB2_4-.Ltmp1, $4  }
0x7d: {  	[sflag:s26] =	ssyncset.done $0x0  }
0x7e: {  	[sflag:s26] =	ssyncadd.s32 $0xFFFFC000  }
0x7f: {  	_ =	swait.ge [sflag:s6], $0x4000  }
0x80: {  	[sflag:s6] =	ssyncset.done $0x0  }
0x81: {  	[sflag:s6] =	ssyncadd.s32 $0xFFFFC000  }
0x82: {  	_ =	swait.ge [sflag:s29], $0x80  }
0x83: {  	[sflag:s29] =	ssyncset.done $0x0  }
0x84: {  	[sflag:s29] =	ssyncadd.s32 $0xFFFFFF80  }
0x85: {  	[tilespmem:s20], [sflag:$0x3] =	stream.indirect.gather [hbm4b:s1+s28], $0x80, s4, s28, $0xb8;
	[tilespmem:$0x1E900] =	vst v63  }
0x86: {  	_ =	swait.ge [sflag:s30], $0x80  }
0x87: {  	[sflag:s30] =	ssyncset.done $0x0  }
0x88: {  	[sflag:s30] =	ssyncadd.s32 $0xFFFFFF80  }
0x89: {  	[tilespmem:s31], [sflag:$0x4] =	stream.indirect.gather [hbm4b:s1+s28], $0x80, s28, s28, $0xb8;
	[tilespmem:$0x1E900] =	vst v63  }
0x8a: {  	_ =	swait.ge [sflag:s2], $0x4000  }
0x8b: {  	[sflag:s2] =	ssyncset.done $0x0  }
0x8c: {  	s7 =	simm.s32 $0x2800;
	[sflag:s2] =	ssyncadd.s32 $0xFFFFC000  }
0x8d: {  	[spmem:s3] =	stream.indirect.scatter.add.f32 [tilespmem:s20], [sflag:$0x5], $0x80, s7, s28, $0xb8;
	[tilespmem:$0x1E900] =	vst v63  }
0x8e: {  	_ =	swait.ge [sflag:s0], $0x4000  }
0x8f: {  	[sflag:s0] =	ssyncset.done $0x0  }
0x90: {  	s12 =	simm.s32 $0x2880;
	[sflag:s0] =	ssyncadd.s32 $0xFFFFC000  }
0x91: {  	[spmem:s3] =	stream.indirect.scatter.add.f32 [tilespmem:s31], [sflag:$0x6], $0x80, s12, s28, $0xb8;
	[tilespmem:$0x1E900] =	vst v63  }
0x92: {  	_ =	swait.ge [sflag:s26], $0x4000  }
0x93: {  	[sflag:s26] =	ssyncset.done $0x0  }
0x94: {  	[sflag:s26] =	ssyncadd.s32 $0xFFFFC000  }
0x95: {  	_ =	swait.ge [sflag:s6], $0x4000  }
0x96: {  	[sflag:s6] =	ssyncset.done $0x0  }
0x97: {  	s19 =	stileid.u32;
	[sflag:s6] =	ssyncadd.s32 $0xFFFFC000  }
0x98: {  	s7 =	sshll.u32 s19, $0x6;
	[bflag:$0x0] =	sbarrier.arrive $0xFFFF  }
0x99: {  	s11 =	sshrl.u32 s5, $0x3;
	s7 =	sor.u32 $0x1C07, s7;
	s12 =	rddreg [dreg:$0x9]  }
0x9a: {  	[hbm:s12], [sflag:s7] =	dma.local [spmem:s11], $0x800  }
0x9b: {  	s11 =	rddreg [dreg:$0xa]  }
0x9c: {  	[hbm:s11], [sflag:s7] =	dma.local [spmem:s22], $0x800  }
0x9d: {  	s11 =	rddreg [dreg:$0xb]  }
0x9e: {  	[hbm:s11], [sflag:s7] =	dma.local [spmem:s23], $0x800  }
0x9f: {  	s11 =	rddreg [dreg:$0xc]  }
0xa0: {  	[hbm:s11], [sflag:s7] =	dma.local [spmem:s24], $0x800  }
0xa1: {  	[hbm:s13], [sflag:s7] =	dma.local [spmem:s25], $0x800  }
0xa2: {  	_ =	swait.ge [sflag:s8], $0x800  }
0xa3: {  	[sflag:s8] =	ssyncset.done $0x0  }
0xa4: {  	[sflag:s8] =	ssyncadd.s32 $0xFFFFF800  }
0xa5: {  	_ =	swait.ge [sflag:s8], $0x800  }
0xa6: {  	[sflag:s8] =	ssyncset.done $0x0  }
0xa7: {  	[sflag:s8] =	ssyncadd.s32 $0xFFFFF800  }
0xa8: {  	_ =	swait.ge [sflag:s8], $0x800  }
0xa9: {  	[sflag:s8] =	ssyncset.done $0x0  }
0xaa: {  	s9 =	sadd.s32 $0x1, s9;
	[sflag:s8] =	ssyncadd.s32 $0xFFFFF800  }
0xab: {  	p0 =	sne.s32 s9, s14;
	_ =	swait.ge [sflag:s8], $0x800  }
.Ltmp2:
0xac: {  	[sflag:s8] =	ssyncset.done $0x0;
	(pc) =	sbr.rel @p0 .LBB2_1-.Ltmp2, $4  }
0xad: {  	[sflag:s8] =	ssyncadd.s32 $0xFFFFF800  }
0xae: {  	_ =	swait.ge [sflag:s8], $0x800  }
0xaf: {  	[sflag:s8] =	ssyncset.done $0x0  }
0xb0: {  	[sflag:s8] =	ssyncadd.s32 $0xFFFFF800  }
0xb1: {  	_ =	sfence.sel $0x180000  }
0xb2: {  	[bflag:$0x0] =	sbarrier.arrive $0xFFFF  }
0xb3: {  	_ =	strace $0x9000004D  }
0xb4: {  	s0 =	stileid.u32;
	[bflag:$0x2] =	sbarrier.arrive $0xFFFF  }
0xb5: {  	p0 =	sne.s32 s0, $0x0;
	s0 =	rddreg [dreg:$0x5]  }
0xb6: {  	s0 =	sadd.s32 @!p0 $0x100000, s0  }
0xb7: {  	[sflag:s0] =	ssyncadd.tile.s32 @!p0 $0x1;
	_ =	shalt  }
.Lfunc_end2:
_tile_overlayer_lowered:
.L_overlay_start_2:
0xb8: {  	(tag) =	ssettag $0x2  }
0xb9: {  	s0 =	rddreg [dreg:$0x0];
	s2 =	stileid.u32  }
0xba: {  	s1 =	rddreg [dreg:$0x1];
	p0 =	sne.s32 s2, $0x0  }
0xbb: {  	s3 =	rddreg [dreg:$0x2];
	[bflag:$0x3] =	sbarrier.arrive $0xFFFF;
	s2 =	simm.s32 @!p0 $0x1C08  }
0xbc: {  	[timem:s3], [sflag:s2] =	dma.local @!p0 [hbm:s0], s1  }
0xbd: {  	s0 =	simm.s32 @!p0 $0x8  }
0xbe: {  	_ =	swait.ge @!p0 [sflag:s0], s1  }
0xbf: {  	s1 =	ssub.s32 @!p0 $0x0, s1;
	[sflag:s0] =	ssyncset.done @!p0 $0x0  }
0xc0: {  	[sflag:s0] =	ssyncadd.s32 @!p0 s1  }
0xc1: {  	[bflag:$0x3] =	sbarrier.arrive $0xFFFF  }
0xc2: {  	_ =	shalt  }

// kernel: kernel.19.cloned.1.call-start
scs
__scs_entry_jumppad:
0x0: {  	(pc) =	sbr.rel $0x88, $3  }
0x1: {  	(tag) =	ssettag $0x0;
	lr =	simm.s32 $0x1  }
0x2: {  	[smem:$0x3F8C] =	sst lr;
	_ =	strace $0xD0000000  }
0x3: {  	_ = 	snop  }
0x4: {  	_ = 	snop  }
0x5: {  	_ = 	snop  }
0x6: {  	_ = 	snop  }
0x7: {  	_ = 	snop  }
__scs_overlays_trampoline_lowered:
0x8: {  	[smem:$0x3F9B] =	sst s0  }
0x9: {  	[smem:$0x3F9C] =	sst s1  }
0xa: {  	[smem:$0x3F9D] =	sst s2  }
0xb: {  	[smem:$0x3F9E] =	sst s3  }
0xc: {  	[smem:$0x3F9F] =	sst s4  }
0xd: {  	[smem:$0x3FA0] =	sst s5  }
0xe: {  	[smem:$0x3FA1] =	sst s6  }
0xf: {  	[smem:$0x3FA2] =	sst s7  }
0x10: {  	[smem:$0x3FA3] =	sst s8  }
0x11: {  	[smem:$0x3FA4] =	sst s9;
	s0 =	simm.s32 @!p0 $0x0  }
0x12: {  	s1 =	sld [smem:$0x3F8A];
	s0 =	simm.s32 @p0 $0x1  }
0x13: {  	[smem:$0x3FA5] =	sst s0;
	s0 =	simm.s32 @!p1 $0x0  }
0x14: {  	s2 =	sld [smem:$0x3F89];
	s0 =	simm.s32 @p1 $0x1  }
0x15: {  	[smem:$0x3FA6] =	sst s0;
	s0 =	simm.s32 @!p2 $0x0  }
0x16: {  	s3 =	sld [smem:$0x3FDB];
	s0 =	simm.s32 @p2 $0x1  }
0x17: {  	s4 =	simm.s32 $0x1BF5;
	[smem:$0x3FA8] =	sst s0  }
0x18: {  	s0 =	sld [smem:$0x3F8B];
	_ =	swait.ge [sflag:s4], $0x0  }
0x19: {  	s7 =	sld [smem:$0x3F8C]  }
0x1a: {  	s8 =	sadd.s32 $0xFFFFE003, lr  }
0x1b: {  	s9 =	sadd.s32 $0xFFFFFEF7, lr;
	s5 =	simm.s32 $0xFFFFFFFF;
	p2 =	slt.u32 s8, $0xFFFFF086  }
0x1c: {  	p1 =	slt.u32 s9, $0xF7A;
	s5 =	simm.s32 @!p2 $0x0  }
0x1d: {  	s5 =	simm.s32 @p1 $0x1;
	p0 =	seq.s32 s7, s2  }
0x1e: {  	s7 =	smul.u32 @!p0 $0xF7A, s2;
	p2 =	seq.s32 @!p0 s5, $0x0  }
0x1f: {  	s9 =	smul.u32 $0xF7A, s1;
	s8 =	simm.s32 @!p0 $0x1BF5;
	p2 =	por !p2, p0  }
0x20: {  	[sflag:s8] =	ssyncset.s32 @!p0 $0xFFFFF086;
	s6 =	sadd.s32 @!p0 s3, s7;
	s7 =	simm.s32 @!p0 $0x108  }
0x21: {  	s3 =	sadd.s32 s3, s9;
	s6 =	sadd.s32 @!p0 $0x88, s6;
	s7 =	simm.s32 @p2 $0x1082  }
0x22: {  	[simem:s7], [sflag:s8] =	dma.local @!p0 [hbm:s6], $0xF7A  }
0x23: {  	s9 =	sor.u32 $0xD0000000, s2;
	s6 =	simm.s32 $0x108;
	_ =	swait.ge @!p0 [sflag:s8], $0x0  }
0x24: {  	s3 =	sadd.s32 $0x88, s3;
	s6 =	simm.s32 @!p1 $0x1082;
	[sflag:s4] =	ssyncset.s32 $0xFFFFF086  }
0x25: {  	[simem:s6], [sflag:s4] =	dma.local [hbm:s3], $0xF7A  }
0x26: {  	[smem:$0x3F8C] =	sst s1;
	(tag) =	ssettag s2;
	_ =	strace s9  }
0x27: {  	s1 =	sld [smem:$0x3F9C]  }
0x28: {  	s2 =	sld [smem:$0x3F9D]  }
0x29: {  	s4 =	sld [smem:$0x3F9F]  }
0x2a: {  	p0 =	seq.s32 s5, $0x0;
	s5 =	sld [smem:$0x3FA0]  }
0x2b: {  	s6 =	sld [smem:$0x3FA1]  }
0x2c: {  	s7 =	sld [smem:$0x3FA2]  }
0x2d: {  	s3 =	simm.s32 $0x108;
	s8 =	sld [smem:$0x3FA3]  }
0x2e: {  	s3 =	simm.s32 @!p0 $0x1082;
	s9 =	sld [smem:$0x3FA4]  }
0x2f: {  	lr =	sadd.s32 s0, s3;
	s0 =	sld [smem:$0x3F9B]  }
0x30: {  	s3 =	sld [smem:$0x3F9E]  }
0x31: {  	[smem:$0x3FA7] =	sst s10  }
0x32: {  	s10 =	sld [smem:$0x3FA5];
	_ =	sdelay $0x3  }
0x33: {  	p0 =	seq.s32 s10, $0x1;
	s10 =	sld [smem:$0x3FA7];
	_ =	sdelay $0x3  }
0x34: {  	[smem:$0x3FA7] =	sst s10  }
0x35: {  	s10 =	sld [smem:$0x3FA6];
	_ =	sdelay $0x3  }
0x36: {  	p1 =	seq.s32 s10, $0x1;
	s10 =	sld [smem:$0x3FA7];
	_ =	sdelay $0x3  }
0x37: {  	[smem:$0x3FA7] =	sst s10  }
0x38: {  	s10 =	sld [smem:$0x3FA8]  }
0x39: {  	_ = 	snop;
	(pc) =	sbr.ind lr, $3  }
0x3a: {  	_ = 	snop  }
0x3b: {  	_ = 	snop  }
0x3c: {  	p2 =	seq.s32 s10, $0x1;
	s10 =	sld [smem:$0x3FA7]  }
0x3d: {  	_ =	shalt  }
0x3e: {  	_ =	shalt  }
0x3f: {  	_ =	shalt  }
0x40: {  	_ =	shalt  }
0x41: {  	_ =	shalt  }
0x42: {  	_ =	shalt  }
0x43: {  	_ =	shalt  }
0x44: {  	_ =	shalt  }
0x45: {  	_ =	shalt  }
0x46: {  	_ =	shalt  }
0x47: {  	_ =	shalt  }
0x48: {  	_ =	shalt  }
0x49: {  	_ =	shalt  }
0x4a: {  	_ =	shalt  }
0x4b: {  	_ =	shalt  }
0x4c: {  	_ =	shalt  }
0x4d: {  	_ =	shalt  }
0x4e: {  	_ =	shalt  }
0x4f: {  	_ =	shalt  }
0x50: {  	_ =	shalt  }
0x51: {  	_ =	shalt  }
0x52: {  	_ =	shalt  }
0x53: {  	_ =	shalt  }
0x54: {  	_ =	shalt  }
0x55: {  	_ =	shalt  }
0x56: {  	_ =	shalt  }
0x57: {  	_ =	shalt  }
0x58: {  	_ =	shalt  }
0x59: {  	_ =	shalt  }
0x5a: {  	_ =	shalt  }
0x5b: {  	_ =	shalt  }
0x5c: {  	_ =	shalt  }
0x5d: {  	_ =	shalt  }
0x5e: {  	_ =	shalt  }
0x5f: {  	_ =	shalt  }
0x60: {  	_ =	shalt  }
0x61: {  	_ =	shalt  }
0x62: {  	_ =	shalt  }
0x63: {  	_ =	shalt  }
0x64: {  	_ =	shalt  }
0x65: {  	_ =	shalt  }
0x66: {  	_ =	shalt  }
0x67: {  	_ =	shalt  }
0x68: {  	_ =	shalt  }
0x69: {  	_ =	shalt  }
0x6a: {  	_ =	shalt  }
0x6b: {  	_ =	shalt  }
0x6c: {  	_ =	shalt  }
0x6d: {  	_ =	shalt  }
0x6e: {  	_ =	shalt  }
0x6f: {  	_ =	shalt  }
0x70: {  	_ =	shalt  }
0x71: {  	_ =	shalt  }
0x72: {  	_ =	shalt  }
0x73: {  	_ =	shalt  }
0x74: {  	_ =	shalt  }
0x75: {  	_ =	shalt  }
0x76: {  	_ =	shalt  }
0x77: {  	_ =	shalt  }
0x78: {  	_ =	shalt  }
0x79: {  	_ =	shalt  }
0x7a: {  	_ =	shalt  }
0x7b: {  	_ =	shalt  }
0x7c: {  	_ =	shalt  }
0x7d: {  	_ =	shalt  }
0x7e: {  	_ =	shalt  }
0x7f: {  	_ =	shalt  }
0x80: {  	_ =	shalt  }
0x81: {  	_ =	shalt  }
0x82: {  	_ =	shalt  }
0x83: {  	_ =	shalt  }
0x84: {  	_ =	shalt  }
0x85: {  	_ =	shalt  }
0x86: {  	_ =	shalt  }
0x87: {  	_ =	shalt  }
.Lfunc_end0:
.L_simem_size_0:
called_computation.3_lowered:
.L_overlay_start_0:
0x88: {  	s2 =	sld [smem:$0x3FD9]  }
0x89: {  	s3 =	sld [smem:$0x3FFE];
	_ =	sdelay $0x1  }
0x8a: {  	s1 =	srdreg.scid  }
0x8b: {  	s0 =	sand.u32 $0x1, s1  }
0x8c: {  	s14 =	sshll.u32 s0, $0xA;
	s2 =	sadd.s32 s3, s2  }
0x8d: {  	s2 =	sadd.s32 s2, s14  }
0x8e: {  	[smem:$0x3FB3] =	sst s2  }
0x8f: {  	_ = 	snop  }
0x90: {  	s2 =	sld [smem:$0x3FD0];
	_ =	sdelay $0x2  }
0x91: {  	s15 =	simm.s32 $0xA;
	s4 =	simm.s32 $0x10  }
0x92: {  	[smem:s4], [sflag:s15] =	dma.local [hbm:s2], $0x1  }
0x93: {  	_ =	swait.eq [sflag:s15], $0x1  }
0x94: {  	s5 =	sld [smem:$0x10]  }
0x95: {  	s6 =	sld [smem:$0x13]  }
0x96: {  	s7 =	sld [smem:$0x14];
	[sflag:s15] =	ssyncset.done $0x0  }
0x97: {  	s8 =	sld [smem:$0x15];
	[sflag:s15] =	ssyncadd.s32 $0xFFFFFFFF  }
0x98: {  	s2 =	sadd.s32 $0x1, s2;
	s9 =	sld [smem:$0x17]  }
0x99: {  	[smem:s4], [sflag:s15] =	dma.local [hbm:s2], $0x1  }
0x9a: {  	_ =	swait.eq [sflag:s15], $0x1  }
0x9b: {  	[sflag:s15] =	ssyncset.done $0x0  }
0x9c: {  	[sflag:s15] =	ssyncadd.s32 $0xFFFFFFFF  }
0x9d: {  	s16 =	sld [smem:$0x11];
	(tm) =	ssettm $0x1  }
0x9e: {  	s17 =	sld [smem:$0x3FFB];
	_ =	sdelay $0x3  }
0x9f: {  	_ =	strace s17  }
0xa0: {  	s3 =	sld [smem:$0x3FFC];
	_ =	sdelay $0x3  }
0xa1: {  	_ =	strace s3  }
0xa2: {  	s3 =	sld [smem:$0x3FFD];
	_ =	sdelay $0x3  }
0xa3: {  	_ =	strace s3  }
0xa4: {  	_ =	strace $0x8FFFFFFF  }
0xa5: {  	s18 =	sld [smem:$0x3FDB];
	_ =	sdelay $0x1  }
0xa6: {  	s19 =	simm.s32 $_scs_section_size  }
0xa7: {  	s10 =	simm.s32 $_size__tile_overlayer_lowered;
	s11 =	simm.s32 $_tile_overlayer_lowered  }
0xa8: {  	s22 =	simm.s32 $0x1BFF;
	s21 =	sshll.u32 s11, $0x1;
	s3 =	sadd.s32 s19, s18  }
0xa9: {  	s12 =	simm.s32 $0x0;
	s20 =	sshll.u32 s10, $0x1;
	s10 =	sadd.s32 s21, s3  }
0xaa: {  	[timem:s12], [sflag:s22] =	dma.local [hbm:s10], s20  }
0xab: {  	_ =	swait.ge [sflag:s22], s20  }
0xac: {  	s4 =	ssub.s32 $0x0, s20;
	[sflag:s22] =	ssyncset.done $0x0  }
0xad: {  	[sflag:s22] =	ssyncadd.s32 s4;
	_ =	sdelay $0x1  }
0xae: {  	s23 =	simm.s32 $0x1B8B  }
0xaf: {  	_ =	swait.ge [sflag:s23], $0x1  }
0xb0: {  	[sflag:s23] =	ssyncset.done $0x0  }
0xb1: {  	s25 =	simm.s32 $0x1B8E;
	s24 =	sld [smem:$0x3FFE];
	[sflag:s23] =	ssyncadd.s32 $0xFFFFFFFF  }
0xb2: {  	s26 =	simm.s32 $execute0_lowered;
	[smem:$0x3FD2] =	sst s25  }
0xb3: {  	s10 =	sshll.u32 s26, $0x1;
	_ =	strace $0x8000004F;
	[dreg:$0x1] =	wrdreg $0xFFFFFFFF  }
0xb4: {  	s28 =	simm.s32 $_size_execute0_lowered;
	s3 =	sadd.s32 s3, s10;
	[dreg:$0x0] =	wrdreg $0x0  }
0xb5: {  	s10 =	sshll.u32 s28, $0x1;
	[dreg:$0x2] =	wrdreg s3  }
0xb6: {  	[dreg:$0x3] =	wrdreg s10  }
0xb7: {  	[dreg:$0x4] =	wrdreg $0xC0  }
0xb8: {  	_ =	task [dreg:s12], $0x5FFFF  }
0xb9: {  	[dreg:$0x1] =	wrdreg $0xFFFFFFFF  }
0xba: {  	[dreg:$0x0] =	wrdreg $0x60  }
0xbb: {  	[dreg:$0x2] =	wrdreg s6  }
0xbc: {  	[dreg:$0x3] =	wrdreg s5  }
0xbd: {  	[dreg:$0x4] =	wrdreg s16  }
0xbe: {  	[dreg:$0x5] =	wrdreg s8  }
0xbf: {  	[dreg:$0x6] =	wrdreg s9  }
0xc0: {  	[dreg:$0x7] =	wrdreg s24  }
0xc1: {  	[dreg:$0x8] =	wrdreg s7  }
0xc2: {  	[dreg:$0x9] =	wrdreg $0x9  }
0xc3: {  	_ =	task.clear_ibuf [dreg:s12], $0xAFFFF;
	_ =	strace $0x9000004F  }
0xc4: {  	s29 =	simm.s32 $0x9;
	_ =	strace $0x80000051  }
0xc5: {  	_ =	swait.ge [sflag:s29], $0x1  }
0xc6: {  	[sflag:s29] =	ssyncadd.s32 $0xFFFFFFFF  }
0xc7: {  	_ =	strace $0x90000051  }
0xc8: {  	_ =	sfence  }
0xc9: {  	s30 =	sld [smem:$0x0];
	_ =	sdelay $0x2  }
0xca: {  	s31 =	sshll.u32 s1, $0xD;
	s1 =	sshrl.u32 s1, $0x2  }
0xcb: {  	s3 =	sand.u32 $0x4000, s31;
	s1 =	sadd.s32 s1, s30  }
0xcc: {  	s0 =	sor.u32 s3, s0;
	s1 =	sshll.u32 s1, $0x11  }
0xcd: {  	s0 =	sor.u32 s1, s0  }
0xce: {  	s0 =	sadd.s32 $0x8F2B, s0  }
0xcf: {  	[sflag:s0] =	ssyncadd.remote.s32 $0x1  }
0xd0: {  	_ =	sfence.sel $0xFFFF  }
0xd1: {  	[dreg:$0x0] =	wrdreg $0xFFFFFFFF;
	(pc) =	sbr.abs _section_cstart, $3  }
0xd2: {  	[dreg:$0x1] =	wrdreg $0xFFFFFFFF  }
0xd3: {  	_ =	task.clear_ibuf [dreg:s12], $0x2FFFF;
	_ =	strace $0x9FFFFFFF  }
0xd4: {  	(tm) =	ssettm $0x7FFFFFFF  }
0xd5: {  	_ =	shalt  }
tec
execute0_lowered:
.L_overlay_start_1:
0x0: {  	(tag) =	ssettag $0x1  }
0x1: {  	s0 =	rddreg [dreg:$0x0]  }
0x2: {  	s2 =	rddreg [dreg:$0x1]  }
0x3: {  	s3 =	rddreg [dreg:$0x2]  }
0x4: {  	s4 =	rddreg [dreg:$0x3]  }
0x5: {  	s5 =	rddreg [dreg:$0x4]  }
0x6: {  	s1 =	rddreg [dreg:$0x5]  }
0x7: {  	s7 =	rddreg [dreg:$0x6]  }
0x8: {  	s6 =	srdreg.scid;
	s18 =	stileid.u32;
	s8 =	simm.s32 $0x0  }
0x9: {  	s28 =	simm.s32 $0x180;
	s29 =	simm.s32 $0x1;
	s30 =	simm.s32 $0x200  }
0xa: {  	s31 =	simm.s32 $0x4200;
	s6 =	sand.u32 $0x1, s6;
	s9 =	sshll.u32 s18, $0x1  }
0xb: {  	[smem:$0x7FF] =	sst s8;
	s10 =	sadd.s32 $0x324A00, s1;
	s16 =	smul.u32 $0x3200, s18  }
0xc: {  	s11 =	sadd.s32 $0x4A00, s1;
	s9 =	sor.u32 s6, s9;
	s19 =	smul.u32 $0x1900, s6  }
0xd: {  	p0 =	sgt.u32 s18, $0x7;
	s21 =	ssub.s32 $0x2, s6;
	s13 =	smul.u32 $0x1900, s9  }
0xe: {  	_ =	strace $0x80000050;
	s6 =	smul.u32 $0xC8000, s6;
	s14 =	sshrl.u32 s21, $0x1  }
0xf: {  	s9 =	sadd.s32 $0x194A00, s1;
	s1 =	ssub.s32 s21, s14;
	s25 =	sadd.s32 $0xFFFE7180, s13  }
0x10: {  	s12 =	sadd.s32 $0xFFFE7000, s13;
	s20 =	sor.u32 $0x80, s13;
	[dreg:$0x8] =	wrdreg s25  }
0x11: {  	s26 =	sshrl.u32 s13, $0x3;
	s1 =	smax.u32 s1, $0x1;
	[dreg:$0xa] =	wrdreg s20  }
0x12: {  	s15 =	sshrl.u32 s12, $0x3;
	s17 =	sadd.s32 s2, s26;
	[dreg:$0x15] =	wrdreg s1  }
0x13: {  	s12 =	sadd.s32 $0xFFFE7080, s13;
	s13 =	sadd.s32 $0x180, s13;
	[dreg:$0x11] =	wrdreg s17  }
0x14: {  	s21 =	smul.u32 $0x190000, s18;
	s22 =	sadd.s32 s4, s15;
	[dreg:$0xb] =	wrdreg s13  }
0x15: {  	s23 =	sshrl.u32 s12, $0x3;
	s15 =	sadd.s32 s5, s15;
	[dreg:$0xd] =	wrdreg s22  }
0x16: {  	s17 =	sadd.s32 s3, s26;
	s13 =	simm.s32 $0xC200;
	[dreg:$0xe] =	wrdreg s15  }
0x17: {  	s24 =	sadd.s32 s4, s23;
	s14 =	sadd.s32 s5, s23;
	[dreg:$0x12] =	wrdreg s17  }
0x18: {  	s15 =	sor.u32 $0x10, s26;
	s17 =	simm.s32 $0x6;
	[dreg:$0xf] =	wrdreg s24  }
0x19: {  	[dreg:$0x10] =	wrdreg s14;
	s14 =	sadd.s32 s19, s16;
	s22 =	sadd.s32 s2, s15  }
0x1a: {  	s15 =	sadd.s32 s3, s15;
	s24 =	sadd.s32 s6, s21;
	[dreg:$0x13] =	wrdreg s22  }
0x1b: {  	s16 =	simm.s32 $0x5;
	s19 =	simm.s32 $0x0;
	[dreg:$0x14] =	wrdreg s15  }
0x1c: {  	s23 =	sadd.s32 $0xFFFE7100, s14;
	s6 =	sadd.s32 $0xFF380000, s24;
	s25 =	sadd.s32 $0x100, s14  }
.Ltmp0:
0x1d: {  	s1 =	sshrl.u32 s24, $0x3;
	[dreg:$0x9] =	wrdreg s23;
	(pc) =	sbr.rel .LBB2_1-.Ltmp0, $4  }
0x1e: {  	s14 =	simm.s32 $0x3;
	s15 =	simm.s32 $0x4;
	[dreg:$0x16] =	wrdreg s6  }
0x1f: {  	[dreg:$0xc] =	wrdreg s25;
	s26 =	sadd.s32 s1, s10;
	s1 =	sadd.s32 s1, s9  }
0x20: {  	s25 =	simm.s32 $0x80;
	s6 =	simm.s32 $0x8200;
	[dreg:$0x17] =	wrdreg s26  }
0x21: {  	[dreg:$0x18] =	wrdreg s1;
	s26 =	simm.s32 $0x100;
	s1 =	simm.s32 $0x2  }
.LBB2_7:
0x22: {  	_ =	swait.ge [sflag:s17], $0x4000  }
0x23: {  	[sflag:s17] =	ssyncset.done $0x0  }
0x24: {  	s2 =	smov.u32 s24;
	s19 =	rddreg [dreg:$0x19];
	[sflag:s17] =	ssyncadd.s32 $0xFFFFC000  }
.LBB2_8:
0x25: {  	s19 =	sadd.s32 $0x1, s19;
	s18 =	rddreg [dreg:$0x15]  }
0x26: {  	p1 =	sne.s32 s19, s18  }
.Ltmp1:
0x27: {  	_ = 	snop;
	(pc) =	sbr.rel @!p1 .LBB2_9-.Ltmp1, $1  }
0x28: {  	_ =	sdelay $0x3  }
.LBB2_1:
.Ltmp2:
0x29: {  	(pc) =	sbr.rel @p0 .LBB2_5-.Ltmp2, $2  }
0x2a: {  	_ =	sdelay $0x2  }
0x2b: {  	[dreg:$0x19] =	wrdreg s19  }
0x2c: {  	s19 =	simm.s32 $0x0;
	s4 =	rddreg [dreg:$0x11]  }
0x2d: {  	[tilespmem:s19], [sflag:$0x1] =	stream.linear.gather [hbm4b:s4+s19], $0x80, $0x38;
	[tilespmem:$0x10200] =	vst v63  }
0x2e: {  	s24 =	rddreg [dreg:$0x12]  }
0x2f: {  	[tilespmem:s25], [sflag:$0x1] =	stream.linear.gather [hbm4b:s24+s19], $0x80, $0x38;
	[tilespmem:$0x10200] =	vst v63  }
0x30: {  	s18 =	rddreg [dreg:$0x13]  }
0x31: {  	[tilespmem:s26], [sflag:$0x2] =	stream.linear.gather [hbm4b:s18+s19], $0x80, $0x38;
	[tilespmem:$0x10200] =	vst v63  }
0x32: {  	s20 =	rddreg [dreg:$0x14]  }
0x33: {  	[tilespmem:s28], [sflag:$0x2] =	stream.linear.gather [hbm4b:s20+s19], $0x80, $0x38;
	[tilespmem:$0x10200] =	vst v63  }
0x34: {  	_ =	swait.ge [sflag:s29], $0x80  }
0x35: {  	[sflag:s29] =	ssyncset.done $0x0  }
0x36: {  	[sflag:s29] =	ssyncadd.s32 $0xFFFFFF80  }
0x37: {  	_ =	swait.ge [sflag:s29], $0x80  }
0x38: {  	[sflag:s29] =	ssyncset.done $0x0  }
0x39: {  	[sflag:s29] =	ssyncadd.s32 $0xFFFFFF80  }
0x3a: {  	[tilespmem:s30], [sflag:$0x3] =	stream.indirect.gather [hbm4b:s0+s25], $0x80, s8, s25, $0xb8;
	[tilespmem:$0x10200] =	vst v63  }
0x3b: {  	_ = 	snop  }
0x3c: {  	[tilespmem:s31], [sflag:$0x3] =	stream.indirect.gather [hbm4b:s0+s25], $0x80, s25, s25, $0xb8;
	[tilespmem:$0x10200] =	vst v63  }
0x3d: {  	_ =	swait.ge [sflag:s1], $0x80  }
0x3e: {  	[sflag:s1] =	ssyncset.done $0x0  }
0x3f: {  	[sflag:s1] =	ssyncadd.s32 $0xFFFFFF80  }
0x40: {  	_ =	swait.ge [sflag:s1], $0x80  }
0x41: {  	[sflag:s1] =	ssyncset.done $0x0  }
0x42: {  	[sflag:s1] =	ssyncadd.s32 $0xFFFFFF80  }
0x43: {  	[tilespmem:s6], [sflag:$0x4] =	stream.indirect.gather [hbm4b:s0+s25], $0x80, s26, s25, $0xb8;
	[tilespmem:$0x10200] =	vst v63  }
0x44: {  	_ = 	snop  }
0x45: {  	[tilespmem:s13], [sflag:$0x4] =	stream.indirect.gather [hbm4b:s0+s25], $0x80, s28, s25, $0xb8;
	[tilespmem:$0x10200] =	vst v63  }
0x46: {  	_ =	swait.ge [sflag:s14], $0x4000  }
0x47: {  	[sflag:s14] =	ssyncset.done $0x0  }
0x48: {  	[sflag:s14] =	ssyncadd.s32 $0xFFFFC000  }
0x49: {  	_ =	swait.ge [sflag:s14], $0x4000  }
0x4a: {  	p1 =	por $0x0, $0x0;
	[sflag:s14] =	ssyncset.done $0x0;
	s20 =	rddreg [dreg:$0xc]  }
0x4b: {  	s18 =	rddreg [dreg:$0x18];
	[sflag:s14] =	ssyncadd.s32 $0xFFFFC000;
	s20 =	sadd.s32 @!p1 $0x0, s20  }
0x4c: {  	[hbm4b:s18+s8] =	stream.linear.scatter [tilespmem:s30], [sflag:$0x5], $0x4000, $0x38;
	[tilespmem:$0x10200] =	vst v63  }
0x4d: {  	s21 =	rddreg [dreg:$0x17];
	s20 =	sshrl.u32 @!p1 s20, $0x3  }
0x4e: {  	[hbm4b:s21+s8] =	stream.linear.scatter [tilespmem:s31], [sflag:$0x5], $0x4000, $0x38;
	[tilespmem:$0x10200] =	vst v63  }
0x4f: {  	s23 =	simm.s32 @!p1 $0x0;
	s22 =	sadd.s32 @!p1 s2, s20  }
0x50: {  	[tilespmem:s23], [sflag:$0x1] =	stream.linear.gather @!p1 [hbm4b:s22+s23], $0x80, $0x38;
	[tilespmem:$0x10200] =	vst v63  }
0x51: {  	s20 =	sadd.s32 @!p1 s3, s20;
	s22 =	simm.s32 @!p1 $0x80  }
0x52: {  	[tilespmem:s22], [sflag:$0x1] =	stream.linear.gather @!p1 [hbm4b:s20+s23], $0x80, $0x38;
	[tilespmem:$0x10200] =	vst v63  }
0x53: {  	_ =	swait.ge [sflag:s15], $0x4000  }
0x54: {  	[sflag:s15] =	ssyncset.done $0x0  }
0x55: {  	[sflag:s15] =	ssyncadd.s32 $0xFFFFC000  }
0x56: {  	_ =	swait.ge [sflag:s15], $0x4000  }
0x57: {  	s19 =	simm.s32 @p1 $0x1800;
	s24 =	rddreg [dreg:$0xa]  }
0x58: {  	s20 =	sadd.s32 s19, s24  }
0x59: {  	[sflag:s15] =	ssyncset.done $0x0;
	s22 =	rddreg [dreg:$0xb];
	s20 =	sshll.u32 s20, $0x4  }
0x5a: {  	[sflag:s15] =	ssyncadd.s32 $0xFFFFC000;
	s19 =	sadd.s32 @!p1 s19, s22;
	s24 =	sadd.s32 s9, s20  }
0x5b: {  	[hbm4b:s24+s8] =	stream.linear.scatter [tilespmem:s6], [sflag:$0x6], $0x4000, $0x38;
	[tilespmem:$0x10200] =	vst v63  }
0x5c: {  	s19 =	sshrl.u32 @!p1 s19, $0x3;
	s20 =	sadd.s32 s10, s20  }
0x5d: {  	[hbm4b:s20+s8] =	stream.linear.scatter [tilespmem:s13], [sflag:$0x6], $0x4000, $0x38;
	[tilespmem:$0x10200] =	vst v63  }
0x5e: {  	s22 =	sadd.s32 @!p1 s2, s19;
	s20 =	simm.s32 @!p1 $0x100  }
0x5f: {  	[tilespmem:s20], [sflag:$0x2] =	stream.linear.gather @!p1 [hbm4b:s22+s23], $0x80, $0x38;
	[tilespmem:$0x10200] =	vst v63  }
0x60: {  	s19 =	sadd.s32 @!p1 s3, s19;
	s20 =	simm.s32 @!p1 $0x180  }
0x61: {  	[tilespmem:s20], [sflag:$0x2] =	stream.linear.gather @!p1 [hbm4b:s19+s23], $0x80, $0x38;
	[tilespmem:$0x10200] =	vst v63  }
0x62: {  	_ =	swait.ge [sflag:s16], $0x4000  }
0x63: {  	[sflag:s16] =	ssyncset.done $0x0  }
0x64: {  	[sflag:s16] =	ssyncadd.s32 $0xFFFFC000  }
0x65: {  	_ =	swait.ge [sflag:s16], $0x4000  }
0x66: {  	[sflag:s16] =	ssyncset.done $0x0  }
0x67: {  	[sflag:s16] =	ssyncadd.s32 $0xFFFFC000  }
0x68: {  	s4 =	smov.u32 s3;
	_ =	swait.ge [sflag:s17], $0x4000  }
0x69: {  	s3 =	smov.u32 s2;
	s19 =	simm.s32 $0x100;
	[sflag:s17] =	ssyncset.done $0x0  }
0x6a: {  	s20 =	sadd.s32 $0x1000, s18;
	s23 =	smov.u32 s21;
	[sflag:s17] =	ssyncadd.s32 $0xFFFFC000  }
.LBB2_3:
0x6b: {  	_ =	swait.ge [sflag:s17], $0x4000  }
0x6c: {  	[sflag:s17] =	ssyncset.done $0x0  }
0x6d: {  	[sflag:s17] =	ssyncadd.s32 $0xFFFFC000  }
0x6e: {  	_ =	swait.ge [sflag:s29], $0x80  }
0x6f: {  	[sflag:s29] =	ssyncset.done $0x0  }
0x70: {  	[sflag:s29] =	ssyncadd.s32 $0xFFFFFF80  }
0x71: {  	_ =	swait.ge [sflag:s29], $0x80  }
0x72: {  	[sflag:s29] =	ssyncset.done $0x0  }
0x73: {  	[sflag:s29] =	ssyncadd.s32 $0xFFFFFF80  }
0x74: {  	[tilespmem:s30], [sflag:$0x3] =	stream.indirect.gather [hbm4b:s0+s25], $0x80, s8, s25, $0xb8;
	[tilespmem:$0x10200] =	vst v63  }
0x75: {  	_ = 	snop  }
0x76: {  	[tilespmem:s31], [sflag:$0x3] =	stream.indirect.gather [hbm4b:s0+s25], $0x80, s25, s25, $0xb8;
	[tilespmem:$0x10200] =	vst v63  }
0x77: {  	_ =	swait.ge [sflag:s1], $0x80  }
0x78: {  	[sflag:s1] =	ssyncset.done $0x0  }
0x79: {  	[sflag:s1] =	ssyncadd.s32 $0xFFFFFF80  }
0x7a: {  	_ =	swait.ge [sflag:s1], $0x80  }
0x7b: {  	[sflag:s1] =	ssyncset.done $0x0  }
0x7c: {  	[sflag:s1] =	ssyncadd.s32 $0xFFFFFF80  }
0x7d: {  	[tilespmem:s6], [sflag:$0x4] =	stream.indirect.gather [hbm4b:s0+s25], $0x80, s26, s25, $0xb8;
	[tilespmem:$0x10200] =	vst v63  }
0x7e: {  	_ = 	snop  }
0x7f: {  	[tilespmem:s13], [sflag:$0x4] =	stream.indirect.gather [hbm4b:s0+s25], $0x80, s28, s25, $0xb8;
	[tilespmem:$0x10200] =	vst v63  }
0x80: {  	_ =	swait.ge [sflag:s14], $0x4000  }
0x81: {  	[sflag:s14] =	ssyncset.done $0x0  }
0x82: {  	[sflag:s14] =	ssyncadd.s32 $0xFFFFC000  }
0x83: {  	s22 =	smov.u32 s19;
	_ =	swait.ge [sflag:s14], $0x4000  }
0x84: {  	p2 =	seq.s32 s22, $0x1800;
	[sflag:s14] =	ssyncset.done $0x0;
	s24 =	rddreg [dreg:$0xc]  }
0x85: {  	[sflag:s14] =	ssyncadd.s32 $0xFFFFC000;
	s24 =	sadd.s32 @!p2 s22, s24  }
0x86: {  	[hbm4b:s20+s8] =	stream.linear.scatter [tilespmem:s30], [sflag:$0x5], $0x4000, $0x38;
	[tilespmem:$0x10200] =	vst v63  }
0x87: {  	s23 =	sadd.s32 $0x1000, s23;
	s24 =	sshrl.u32 @!p2 s24, $0x3  }
0x88: {  	[hbm4b:s23+s8] =	stream.linear.scatter [tilespmem:s31], [sflag:$0x5], $0x4000, $0x38;
	[tilespmem:$0x10200] =	vst v63  }
0x89: {  	s2 =	simm.s32 @!p2 $0x0;
	s18 =	sadd.s32 @!p2 s3, s24  }
0x8a: {  	[tilespmem:s2], [sflag:$0x1] =	stream.linear.gather @!p2 [hbm4b:s18+s2], $0x80, $0x38;
	[tilespmem:$0x10200] =	vst v63  }
0x8b: {  	s21 =	simm.s32 @!p2 $0x80;
	s24 =	sadd.s32 @!p2 s4, s24  }
0x8c: {  	[tilespmem:s21], [sflag:$0x1] =	stream.linear.gather @!p2 [hbm4b:s24+s2], $0x80, $0x38;
	[tilespmem:$0x10200] =	vst v63  }
0x8d: {  	_ =	swait.ge [sflag:s15], $0x4000  }
0x8e: {  	[sflag:s15] =	ssyncset.done $0x0  }
0x8f: {  	[sflag:s15] =	ssyncadd.s32 $0xFFFFC000  }
0x90: {  	_ =	swait.ge [sflag:s15], $0x4000  }
0x91: {  	s22 =	simm.s32 @p2 $0x1800;
	s24 =	rddreg [dreg:$0xa]  }
0x92: {  	s18 =	sadd.s32 s22, s24  }
0x93: {  	[sflag:s15] =	ssyncset.done $0x0;
	s18 =	sshll.u32 s18, $0x4  }
0x94: {  	s21 =	rddreg [dreg:$0xb];
	[sflag:s15] =	ssyncadd.s32 $0xFFFFC000;
	s24 =	sadd.s32 s9, s18  }
0x95: {  	[hbm4b:s24+s8] =	stream.linear.scatter [tilespmem:s6], [sflag:$0x6], $0x4000, $0x38;
	[tilespmem:$0x10200] =	vst v63  }
0x96: {  	s21 =	sadd.s32 @!p2 s22, s21;
	s18 =	sadd.s32 s10, s18  }
0x97: {  	[hbm4b:s18+s8] =	stream.linear.scatter [tilespmem:s13], [sflag:$0x6], $0x4000, $0x38;
	[tilespmem:$0x10200] =	vst v63  }
0x98: {  	s18 =	sshrl.u32 @!p2 s21, $0x3  }
0x99: {  	s21 =	simm.s32 @!p2 $0x100;
	s22 =	sadd.s32 @!p2 s3, s18  }
0x9a: {  	[tilespmem:s21], [sflag:$0x2] =	stream.linear.gather @!p2 [hbm4b:s22+s2], $0x80, $0x38;
	[tilespmem:$0x10200] =	vst v63  }
0x9b: {  	s24 =	simm.s32 @!p2 $0x180;
	s18 =	sadd.s32 @!p2 s4, s18  }
0x9c: {  	[tilespmem:s24], [sflag:$0x2] =	stream.linear.gather @!p2 [hbm4b:s18+s2], $0x80, $0x38;
	[tilespmem:$0x10200] =	vst v63  }
0x9d: {  	_ =	swait.ge [sflag:s16], $0x4000  }
0x9e: {  	[sflag:s16] =	ssyncset.done $0x0  }
0x9f: {  	s19 =	sadd.s32 $0x100, s19;
	[sflag:s16] =	ssyncadd.s32 $0xFFFFC000  }
0xa0: {  	p1 =	seq.s32 s19, $0x1900;
	_ =	swait.ge [sflag:s16], $0x4000  }
.Ltmp3:
0xa1: {  	[sflag:s16] =	ssyncset.done $0x0;
	(pc) =	sbr.rel @!p1 .LBB2_3-.Ltmp3, $4  }
0xa2: {  	[sflag:s16] =	ssyncadd.s32 $0xFFFFC000  }
0xa3: {  	_ =	swait.ge [sflag:s17], $0x4000  }
0xa4: {  	[sflag:s17] =	ssyncset.done $0x0  }
0xa5: {  	s20 =	sadd.s32 $0x1000, s20;
	[sflag:s17] =	ssyncadd.s32 $0xFFFFC000  }
.Ltmp4:
0xa6: {  	(pc) =	sbr.rel .LBB2_8-.Ltmp4, $4  }
0xa7: {  	_ =	swait.ge [sflag:s17], $0x4000  }
0xa8: {  	[sflag:s17] =	ssyncset.done $0x0  }
0xa9: {  	s19 =	rddreg [dreg:$0x19];
	[sflag:s17] =	ssyncadd.s32 $0xFFFFC000  }
0xaa: {  	s2 =	smov.u32 s3;
	s3 =	smov.u32 s4;
	s4 =	rddreg [dreg:$0x3]  }
.LBB2_5:
0xab: {  	s24 =	smov.u32 s2;
	s2 =	simm.s32 $0x0;
	s18 =	rddreg [dreg:$0xd]  }
0xac: {  	[tilespmem:s2], [sflag:$0x1] =	stream.linear.gather [hbm4b:s18+s2], $0x80, $0x38;
	[tilespmem:$0x10200] =	vst v63  }
0xad: {  	s23 =	rddreg [dreg:$0xe]  }
0xae: {  	[tilespmem:s25], [sflag:$0x1] =	stream.linear.gather [hbm4b:s23+s2], $0x80, $0x38;
	[tilespmem:$0x10200] =	vst v63  }
0xaf: {  	s19 =	rddreg [dreg:$0xf]  }
0xb0: {  	[tilespmem:s26], [sflag:$0x2] =	stream.linear.gather [hbm4b:s19+s2], $0x80, $0x38;
	[tilespmem:$0x10200] =	vst v63  }
0xb1: {  	s20 =	rddreg [dreg:$0x10]  }
0xb2: {  	[tilespmem:s28], [sflag:$0x2] =	stream.linear.gather [hbm4b:s20+s2], $0x80, $0x38;
	[tilespmem:$0x10200] =	vst v63  }
0xb3: {  	_ =	swait.ge [sflag:s29], $0x80  }
0xb4: {  	[sflag:s29] =	ssyncset.done $0x0  }
0xb5: {  	[sflag:s29] =	ssyncadd.s32 $0xFFFFFF80  }
0xb6: {  	_ =	swait.ge [sflag:s29], $0x80  }
0xb7: {  	[sflag:s29] =	ssyncset.done $0x0  }
0xb8: {  	[sflag:s29] =	ssyncadd.s32 $0xFFFFFF80  }
0xb9: {  	[tilespmem:s30], [sflag:$0x3] =	stream.indirect.gather [hbm4b:s0+s25], $0x80, s8, s25, $0xb8;
	[tilespmem:$0x10200] =	vst v63  }
0xba: {  	_ = 	snop  }
0xbb: {  	[tilespmem:s31], [sflag:$0x3] =	stream.indirect.gather [hbm4b:s0+s25], $0x80, s25, s25, $0xb8;
	[tilespmem:$0x10200] =	vst v63  }
0xbc: {  	_ =	swait.ge [sflag:s1], $0x80  }
0xbd: {  	[sflag:s1] =	ssyncset.done $0x0  }
0xbe: {  	[sflag:s1] =	ssyncadd.s32 $0xFFFFFF80  }
0xbf: {  	_ =	swait.ge [sflag:s1], $0x80  }
0xc0: {  	[sflag:s1] =	ssyncset.done $0x0  }
0xc1: {  	[sflag:s1] =	ssyncadd.s32 $0xFFFFFF80  }
0xc2: {  	[tilespmem:s6], [sflag:$0x4] =	stream.indirect.gather [hbm4b:s0+s25], $0x80, s26, s25, $0xb8;
	[tilespmem:$0x10200] =	vst v63  }
0xc3: {  	_ = 	snop  }
0xc4: {  	[tilespmem:s13], [sflag:$0x4] =	stream.indirect.gather [hbm4b:s0+s25], $0x80, s28, s25, $0xb8;
	[tilespmem:$0x10200] =	vst v63  }
0xc5: {  	_ =	swait.ge [sflag:s14], $0x4000  }
0xc6: {  	[sflag:s14] =	ssyncset.done $0x0  }
0xc7: {  	[sflag:s14] =	ssyncadd.s32 $0xFFFFC000  }
0xc8: {  	_ =	swait.ge [sflag:s14], $0x4000  }
0xc9: {  	s22 =	rddreg [dreg:$0x16]  }
0xca: {  	p1 =	por $0x0, $0x0;
	[sflag:s14] =	ssyncset.done $0x0;
	s21 =	sshrl.u32 s22, $0x3  }
0xcb: {  	s19 =	rddreg [dreg:$0x9];
	[sflag:s14] =	ssyncadd.s32 $0xFFFFC000;
	s20 =	sadd.s32 s7, s21  }
0xcc: {  	[hbm4b:s20+s8] =	stream.linear.scatter [tilespmem:s30], [sflag:$0x5], $0x4000, $0x38;
	[tilespmem:$0x10200] =	vst v63  }
0xcd: {  	s19 =	sadd.s32 @!p1 $0x0, s19;
	s18 =	sadd.s32 s11, s21  }
0xce: {  	[hbm4b:s18+s8] =	stream.linear.scatter [tilespmem:s31], [sflag:$0x5], $0x4000, $0x38;
	[tilespmem:$0x10200] =	vst v63  }
0xcf: {  	s18 =	sshrl.u32 @!p1 s19, $0x3  }
0xd0: {  	s19 =	simm.s32 @!p1 $0x0;
	s20 =	sadd.s32 @!p1 s4, s18  }
0xd1: {  	[tilespmem:s19], [sflag:$0x1] =	stream.linear.gather @!p1 [hbm4b:s20+s19], $0x80, $0x38;
	[tilespmem:$0x10200] =	vst v63  }
0xd2: {  	s18 =	sadd.s32 @!p1 s5, s18;
	s20 =	simm.s32 @!p1 $0x80  }
0xd3: {  	[tilespmem:s20], [sflag:$0x1] =	stream.linear.gather @!p1 [hbm4b:s18+s19], $0x80, $0x38;
	[tilespmem:$0x10200] =	vst v63  }
0xd4: {  	_ =	swait.ge [sflag:s15], $0x4000  }
0xd5: {  	[sflag:s15] =	ssyncset.done $0x0  }
0xd6: {  	s2 =	simm.s32 @p1 $0x1800;
	[sflag:s15] =	ssyncadd.s32 $0xFFFFC000  }
0xd7: {  	s23 =	sadd.s32 s2, s12;
	_ =	swait.ge [sflag:s15], $0x4000  }
0xd8: {  	s18 =	sshll.u32 s23, $0x4;
	[sflag:s15] =	ssyncset.done $0x0;
	s20 =	rddreg [dreg:$0x8]  }
0xd9: {  	s21 =	sadd.s32 s7, s18;
	[sflag:s15] =	ssyncadd.s32 $0xFFFFC000;
	s2 =	sadd.s32 @!p1 s2, s20  }
0xda: {  	[hbm4b:s21+s8] =	stream.linear.scatter [tilespmem:s6], [sflag:$0x6], $0x4000, $0x38;
	[tilespmem:$0x10200] =	vst v63  }
0xdb: {  	s18 =	sadd.s32 s11, s18;
	s2 =	sshrl.u32 @!p1 s2, $0x3  }
0xdc: {  	[hbm4b:s18+s8] =	stream.linear.scatter [tilespmem:s13], [sflag:$0x6], $0x4000, $0x38;
	[tilespmem:$0x10200] =	vst v63  }
0xdd: {  	s20 =	sadd.s32 @!p1 s4, s2;
	s18 =	simm.s32 @!p1 $0x100  }
0xde: {  	[tilespmem:s18], [sflag:$0x2] =	stream.linear.gather @!p1 [hbm4b:s20+s19], $0x80, $0x38;
	[tilespmem:$0x10200] =	vst v63  }
0xdf: {  	s2 =	sadd.s32 @!p1 s5, s2;
	s18 =	simm.s32 @!p1 $0x180  }
0xe0: {  	[tilespmem:s18], [sflag:$0x2] =	stream.linear.gather @!p1 [hbm4b:s2+s19], $0x80, $0x38;
	[tilespmem:$0x10200] =	vst v63  }
0xe1: {  	_ =	swait.ge [sflag:s16], $0x4000  }
0xe2: {  	[sflag:s16] =	ssyncset.done $0x0  }
0xe3: {  	[sflag:s16] =	ssyncadd.s32 $0xFFFFC000  }
0xe4: {  	_ =	swait.ge [sflag:s16], $0x4000  }
0xe5: {  	[sflag:s16] =	ssyncset.done $0x0  }
0xe6: {  	[sflag:s16] =	ssyncadd.s32 $0xFFFFC000  }
0xe7: {  	_ =	swait.ge [sflag:s17], $0x4000  }
0xe8: {  	[sflag:s17] =	ssyncset.done $0x0  }
0xe9: {  	s20 =	smov.u32 s22;
	s19 =	simm.s32 $0x100;
	[sflag:s17] =	ssyncadd.s32 $0xFFFFC000  }
.LBB2_6:
0xea: {  	_ =	swait.ge [sflag:s17], $0x4000  }
0xeb: {  	[sflag:s17] =	ssyncset.done $0x0  }
0xec: {  	[sflag:s17] =	ssyncadd.s32 $0xFFFFC000  }
0xed: {  	_ =	swait.ge [sflag:s29], $0x80  }
0xee: {  	[sflag:s29] =	ssyncset.done $0x0  }
0xef: {  	[sflag:s29] =	ssyncadd.s32 $0xFFFFFF80  }
0xf0: {  	_ =	swait.ge [sflag:s29], $0x80  }
0xf1: {  	[sflag:s29] =	ssyncset.done $0x0  }
0xf2: {  	[sflag:s29] =	ssyncadd.s32 $0xFFFFFF80  }
0xf3: {  	[tilespmem:s30], [sflag:$0x3] =	stream.indirect.gather [hbm4b:s0+s25], $0x80, s8, s25, $0xb8;
	[tilespmem:$0x10200] =	vst v63  }
0xf4: {  	_ = 	snop  }
0xf5: {  	[tilespmem:s31], [sflag:$0x3] =	stream.indirect.gather [hbm4b:s0+s25], $0x80, s25, s25, $0xb8;
	[tilespmem:$0x10200] =	vst v63  }
0xf6: {  	_ =	swait.ge [sflag:s1], $0x80  }
0xf7: {  	[sflag:s1] =	ssyncset.done $0x0  }
0xf8: {  	[sflag:s1] =	ssyncadd.s32 $0xFFFFFF80  }
0xf9: {  	_ =	swait.ge [sflag:s1], $0x80  }
0xfa: {  	[sflag:s1] =	ssyncset.done $0x0  }
0xfb: {  	[sflag:s1] =	ssyncadd.s32 $0xFFFFFF80  }
0xfc: {  	[tilespmem:s6], [sflag:$0x4] =	stream.indirect.gather [hbm4b:s0+s25], $0x80, s26, s25, $0xb8;
	[tilespmem:$0x10200] =	vst v63  }
0xfd: {  	_ = 	snop  }
0xfe: {  	[tilespmem:s13], [sflag:$0x4] =	stream.indirect.gather [hbm4b:s0+s25], $0x80, s28, s25, $0xb8;
	[tilespmem:$0x10200] =	vst v63  }
0xff: {  	_ =	swait.ge [sflag:s14], $0x4000  }
0x100: {  	[sflag:s14] =	ssyncset.done $0x0  }
0x101: {  	[sflag:s14] =	ssyncadd.s32 $0xFFFFC000  }
0x102: {  	s20 =	sadd.s32 $0x8000, s20;
	s22 =	smov.u32 s19;
	_ =	swait.ge [sflag:s14], $0x4000  }
0x103: {  	s2 =	sshrl.u32 s20, $0x3;
	p2 =	seq.s32 s22, $0x1800;
	[sflag:s14] =	ssyncset.done $0x0  }
0x104: {  	s21 =	sadd.s32 s7, s2;
	s18 =	rddreg [dreg:$0x9];
	[sflag:s14] =	ssyncadd.s32 $0xFFFFC000  }
0x105: {  	[hbm4b:s21+s8] =	stream.linear.scatter [tilespmem:s30], [sflag:$0x5], $0x4000, $0x38;
	[tilespmem:$0x10200] =	vst v63  }
0x106: {  	s2 =	sadd.s32 s11, s2;
	s18 =	sadd.s32 @!p2 s22, s18  }
0x107: {  	[hbm4b:s2+s8] =	stream.linear.scatter [tilespmem:s31], [sflag:$0x5], $0x4000, $0x38;
	[tilespmem:$0x10200] =	vst v63  }
0x108: {  	s2 =	sshrl.u32 @!p2 s18, $0x3  }
0x109: {  	s18 =	simm.s32 @!p2 $0x0;
	s21 =	sadd.s32 @!p2 s4, s2  }
0x10a: {  	[tilespmem:s18], [sflag:$0x1] =	stream.linear.gather @!p2 [hbm4b:s21+s18], $0x80, $0x38;
	[tilespmem:$0x10200] =	vst v63  }
0x10b: {  	s23 =	simm.s32 @!p2 $0x80;
	s2 =	sadd.s32 @!p2 s5, s2  }
0x10c: {  	[tilespmem:s23], [sflag:$0x1] =	stream.linear.gather @!p2 [hbm4b:s2+s18], $0x80, $0x38;
	[tilespmem:$0x10200] =	vst v63  }
0x10d: {  	_ =	swait.ge [sflag:s15], $0x4000  }
0x10e: {  	[sflag:s15] =	ssyncset.done $0x0  }
0x10f: {  	s22 =	simm.s32 @p2 $0x1800;
	[sflag:s15] =	ssyncadd.s32 $0xFFFFC000  }
0x110: {  	s23 =	sadd.s32 s22, s12;
	_ =	swait.ge [sflag:s15], $0x4000  }
0x111: {  	s2 =	sshll.u32 s23, $0x4;
	[sflag:s15] =	ssyncset.done $0x0  }
0x112: {  	s21 =	sadd.s32 s7, s2;
	s23 =	rddreg [dreg:$0x8];
	[sflag:s15] =	ssyncadd.s32 $0xFFFFC000  }
0x113: {  	[hbm4b:s21+s8] =	stream.linear.scatter [tilespmem:s6], [sflag:$0x6], $0x4000, $0x38;
	[tilespmem:$0x10200] =	vst v63  }
0x114: {  	s2 =	sadd.s32 s11, s2;
	s21 =	sadd.s32 @!p2 s22, s23  }
0x115: {  	[hbm4b:s2+s8] =	stream.linear.scatter [tilespmem:s13], [sflag:$0x6], $0x4000, $0x38;
	[tilespmem:$0x10200] =	vst v63  }
0x116: {  	s2 =	sshrl.u32 @!p2 s21, $0x3  }
0x117: {  	s22 =	simm.s32 @!p2 $0x100;
	s21 =	sadd.s32 @!p2 s4, s2  }
0x118: {  	[tilespmem:s22], [sflag:$0x2] =	stream.linear.gather @!p2 [hbm4b:s21+s18], $0x80, $0x38;
	[tilespmem:$0x10200] =	vst v63  }
0x119: {  	s23 =	simm.s32 @!p2 $0x180;
	s2 =	sadd.s32 @!p2 s5, s2  }
0x11a: {  	[tilespmem:s23], [sflag:$0x2] =	stream.linear.gather @!p2 [hbm4b:s2+s18], $0x80, $0x38;
	[tilespmem:$0x10200] =	vst v63  }
0x11b: {  	_ =	swait.ge [sflag:s16], $0x4000  }
0x11c: {  	[sflag:s16] =	ssyncset.done $0x0  }
0x11d: {  	s19 =	sadd.s32 $0x100, s19;
	[sflag:s16] =	ssyncadd.s32 $0xFFFFC000  }
0x11e: {  	p1 =	sne.s32 s19, $0x1900;
	_ =	swait.ge [sflag:s16], $0x4000  }
.Ltmp5:
0x11f: {  	[sflag:s16] =	ssyncset.done $0x0;
	(pc) =	sbr.rel @p1 .LBB2_6-.Ltmp5, $4  }
0x120: {  	[sflag:s16] =	ssyncadd.s32 $0xFFFFC000  }
0x121: {  	_ =	swait.ge [sflag:s17], $0x4000  }
0x122: {  	[sflag:s17] =	ssyncset.done $0x0  }
0x123: {  	[sflag:s17] =	ssyncadd.s32 $0xFFFFC000  }
.Ltmp6:
0x124: {  	_ = 	snop;
	(pc) =	sbr.rel .LBB2_7-.Ltmp6, $1  }
0x125: {  	_ =	sdelay $0x3  }
.LBB2_9:
0x126: {  	_ =	sfence.sel $0x180000  }
0x127: {  	[bflag:$0x0] =	sbarrier.arrive $0xFFFF  }
0x128: {  	_ =	strace $0x90000050  }
0x129: {  	s0 =	stileid.u32;
	[bflag:$0x2] =	sbarrier.arrive $0xFFFF  }
0x12a: {  	p0 =	sne.s32 s0, $0x0;
	s0 =	rddreg [dreg:$0x7]  }
0x12b: {  	s0 =	sadd.s32 @!p0 $0x100000, s0  }
0x12c: {  	[sflag:s0] =	ssyncadd.tile.s32 @!p0 $0x1;
	_ =	shalt  }
.Lfunc_end2:
_tile_overlayer_lowered:
.L_overlay_start_2:
0x12d: {  	(tag) =	ssettag $0x2  }
0x12e: {  	s0 =	rddreg [dreg:$0x0];
	s2 =	stileid.u32  }
0x12f: {  	s1 =	rddreg [dreg:$0x1];
	p0 =	sne.s32 s2, $0x0  }
0x130: {  	s3 =	rddreg [dreg:$0x2];
	[bflag:$0x3] =	sbarrier.arrive $0xFFFF;
	s2 =	simm.s32 @!p0 $0x1C07  }
0x131: {  	[timem:s3], [sflag:s2] =	dma.local @!p0 [hbm:s0], s1  }
0x132: {  	s0 =	simm.s32 @!p0 $0x7  }
0x133: {  	_ =	swait.ge @!p0 [sflag:s0], s1  }
0x134: {  	s1 =	ssub.s32 @!p0 $0x0, s1;
	[sflag:s0] =	ssyncset.done @!p0 $0x0  }
0x135: {  	[sflag:s0] =	ssyncadd.s32 @!p0 s1  }
0x136: {  	[bflag:$0x3] =	sbarrier.arrive $0xFFFF  }
0x137: {  	_ =	shalt  }

</sc_bundles>
